<compile_context>
chip_gen: v7x
topology: tpu7x:2x2x1
jax: 0.10.2.dev20260603
libtpu: 0.0.44.dev20260713+nightly
codegen_flags: <defaults>
</compile_context>

<pallas_src>
import functools

import jax
import jax.numpy as jnp
from jax import lax
from jax.experimental import pallas as pl
from jax.experimental.pallas import tpu as pltpu
from jax.experimental.pallas import tpu_sc as plsc

N_EMB = 3072
EMB_DIM = 8
D = 128
N_ROWS = 204800

NC, NS, L = 2, 16, 16
NW = NC * NS
ROWS_PER_W = N_ROWS // NW
SUB = 128
CHUNK = 128
N_CHUNKS = ROWS_PER_W // CHUNK
N_SUB = CHUNK // SUB

def _project_body(emb_ref, w_ref, b_ref, p_ref):
    w8 = w_ref[:, :EMB_DIM]
    p_ref[...] = lax.dot_general(
        emb_ref[...], w8,
        dimension_numbers=(((1,), (1,)), ((), ())),
        preferred_element_type=jnp.float32,
    ) + b_ref[...]


def _project(emb_table, Wp, bp2d):
    return pl.pallas_call(
        _project_body,
        out_shape=jax.ShapeDtypeStruct((N_EMB, D), jnp.float32),
    )(emb_table, Wp, bp2d)


_BCAST_DN = lax.GatherDimensionNumbers(
    offset_dims=(), collapsed_slice_dims=(0,), start_index_map=(0,))


def _lane_bcast(vec, lane):
    idx = jnp.full((L, 1), lane, dtype=jnp.int32)
    return lax.gather(vec, idx, _BCAST_DN, (1,),
                      mode=lax.GatherScatterMode.PROMISE_IN_BOUNDS)


def _sc_body(p_hbm, atom_hbm, t_hbm, m_hbm, wt_hbm, wm_hbm, out_hbm,
             p_sh, idx_all, t_all, m_all, rows0_v, rows1_v, bf0_v, bf1_v,
             wt_v, wm_v, sem_g0, sem_g1, sem_o0, sem_o1):
    sid = lax.axis_index("s")
    wid = sid * NC + lax.axis_index("c")
    base0 = wid * ROWS_PER_W
    rows = (rows0_v, rows1_v)
    bfs = (bf0_v, bf1_v)
    sem_g = (sem_g0, sem_g1)
    sem_o = (sem_o0, sem_o1)

    @pl.when(sid == 0)
    def _():
        pltpu.sync_copy(p_hbm, p_sh)

    pltpu.sync_copy(wt_hbm, wt_v)
    pltpu.sync_copy(wm_hbm, wm_v)
    wts = [wt_v[pl.ds(j * L, L)] for j in range(D // L)]
    wms = [wm_v[pl.ds(j * L, L)] for j in range(D // L)]

    pltpu.sync_copy(atom_hbm.at[pl.ds(base0, ROWS_PER_W)], idx_all)
    pltpu.sync_copy(t_hbm.at[pl.ds(base0, ROWS_PER_W)], t_all)
    pltpu.sync_copy(m_hbm.at[pl.ds(base0, ROWS_PER_W)], m_all)
    plsc.subcore_barrier()

    def gather(ci, b):
        for s in range(N_SUB):
            pltpu.async_copy(
                p_sh.at[idx_all.at[pl.ds(ci * CHUNK + s * SUB, SUB)]],
                bfs[b].at[pl.ds(s * SUB, SUB)],
                sem_g[b])

    def store_out(ci, b):
        pltpu.async_copy(
            rows[b], out_hbm.at[pl.ds(base0 + ci * CHUNK, CHUNK)], sem_o[b])

    def wait_gather(b):
        for s in range(N_SUB):
            pltpu.make_async_copy(
                p_sh.at[idx_all.at[pl.ds(0, SUB)]],
                bfs[b].at[pl.ds(s * SUB, SUB)], sem_g[b]).wait()

    def wait_store(b):
        pltpu.make_async_copy(
            rows[b], out_hbm.at[pl.ds(0, CHUNK)], sem_o[b]).wait()

    def compute(ci, b):
        def group_body(g, c2):
            off = ci * CHUNK + g * L
            tv = t_all[pl.ds(off, L)]
            mv = m_all[pl.ds(off, L)]
            for r in range(L):
                t16 = _lane_bcast(tv, r)
                m16 = _lane_bcast(mv, r)
                row = g * L + r
                for j in range(D // L):
                    v = bfs[b][row, pl.ds(j * L, L)]
                    rows[b][row, pl.ds(j * L, L)] = (
                        v + t16 * wts[j] + m16 * wms[j])
            return c2

        lax.fori_loop(0, CHUNK // L, group_body, 0)

    gather(0, 0)

    @pl.loop(0, N_CHUNKS, step=2)
    def chunk_pair(i0):
        gather(i0 + 1, 1)
        wait_gather(0)

        @pl.when(i0 >= 2)
        def _():
            wait_store(0)
        compute(i0, 0)
        store_out(i0, 0)

        @pl.when(i0 + 2 < N_CHUNKS)
        def _():
            gather(i0 + 2, 0)
        wait_gather(1)

        @pl.when(i0 >= 1)
        def _():
            wait_store(1)
        compute(i0 + 1, 1)
        store_out(i0 + 1, 1)

    wait_store(0)
    wait_store(1)


_sc_lookup = functools.partial(
    pl.kernel,
    out_type=jax.ShapeDtypeStruct((N_ROWS, D), jnp.float32),
    mesh=plsc.VectorSubcoreMesh(core_axis_name="c", subcore_axis_name="s"),
    scratch_types=[
        pltpu.VMEM_SHARED((N_EMB, D), jnp.float32),
        pltpu.VMEM((ROWS_PER_W,), jnp.int32),
        pltpu.VMEM((ROWS_PER_W,), jnp.float32),
        pltpu.VMEM((ROWS_PER_W,), jnp.float32),
        pltpu.VMEM((CHUNK, D), jnp.float32),
        pltpu.VMEM((CHUNK, D), jnp.float32),
        pltpu.VMEM((CHUNK, D), jnp.float32),
        pltpu.VMEM((CHUNK, D), jnp.float32),
        pltpu.VMEM((D,), jnp.float32),
        pltpu.VMEM((D,), jnp.float32),
        pltpu.SemaphoreType.DMA,
        pltpu.SemaphoreType.DMA,
        pltpu.SemaphoreType.DMA,
        pltpu.SemaphoreType.DMA,
    ],
)(_sc_body)


def kernel(atom, time, mag, emb_table, W, b):
    p = _project(emb_table, W, b.reshape(1, D))
    out = _sc_lookup(p, atom.reshape(-1), time.reshape(-1),
                     mag.reshape(-1), W[:, EMB_DIM], W[:, EMB_DIM + 1])
    return out

# --- scband reference (transcript-rebuilt; emitter-appended) ---
"""Pipeline reference for scband-embedder-62852551410219 (READ-ONLY COPY).

The authoritative reference and input builder live on the scoring server;
editing this copy changes nothing except your own understanding.
"""

import jax, jax.numpy as jnp
import numpy as np

N_EMB = 512 * 6  # 3072
EMB_DIM = 8
CHANNELS = 128

def setup_inputs(seed: int = 0) -> dict:
    key = jax.random.key(seed)
    k1, k2, k3, k4, k5 = jax.random.split(key, 5)
    atom = jax.random.randint(k1, (4096, 50), 0, N_EMB, dtype=jnp.int32)
    time = jax.random.uniform(k2, (4096, 50), dtype=jnp.float32)
    mag = jax.random.uniform(k3, (4096, 50), dtype=jnp.float32)
    # learned parameters
    emb_table = jax.random.normal(k4, (N_EMB, EMB_DIM), dtype=jnp.float32) * 0.02
    W = jax.random.normal(k5, (CHANNELS, EMB_DIM + 2), dtype=jnp.float32) * (1.0 / np.sqrt(EMB_DIM + 2))
    b = jnp.zeros((CHANNELS,), dtype=jnp.float32)
    return {"atom": atom, "time": time, "mag": mag, "emb_table": emb_table, "W": W, "b": b}

def reference(atom, time, mag, emb_table, W, b):
    # raw_embedding: gather atom embeddings, flatten, concat with time/mag scalars
    ae = jnp.take(emb_table, atom.reshape(-1), axis=0)  # [N, 8]
    pe = time.reshape(-1, 1)                            # [N, 1]
    me = mag.reshape(-1, 1)                             # [N, 1]
    x = jnp.concatenate([ae, pe, me], axis=-1)          # [N, 10]
    # reduce: Linear(10 -> 128)
    return x @ W.T + b                                  # [N, 128]

if __name__ == "__main__":
    import jax
    _d = setup_inputs()
    print(jax.jit(kernel)(*tuple(_d.values())))

</pallas_src>

<mosaic_0001>
#map = affine_map<(d0, d1) -> (0, 0)>
#map1 = affine_map<(d0, d1) -> (0)>
module attributes {stable_mosaic.version = 14 : i64} {
  func.func @_sc_body(%arg0: i32, %arg1: i32, %arg2: memref<3072x128xf32, #tpu.memory_space<hbm>>, %arg3: memref<204800xi32, #tpu.memory_space<hbm>>, %arg4: memref<204800xf32, #tpu.memory_space<hbm>>, %arg5: memref<204800xf32, #tpu.memory_space<hbm>>, %arg6: memref<128xf32, #tpu.memory_space<hbm>>, %arg7: memref<128xf32, #tpu.memory_space<hbm>>, %arg8: memref<204800x128xf32, #tpu.memory_space<hbm>>, %arg9: memref<3072x128xf32, #tpu.memory_space<vmem_shared>>, %arg10: memref<6400xi32, #tpu.memory_space<vmem>>, %arg11: memref<6400xf32, #tpu.memory_space<vmem>>, %arg12: memref<6400xf32, #tpu.memory_space<vmem>>, %arg13: memref<128x128xf32, #tpu.memory_space<vmem>>, %arg14: memref<128x128xf32, #tpu.memory_space<vmem>>, %arg15: memref<128x128xf32, #tpu.memory_space<vmem>>, %arg16: memref<128x128xf32, #tpu.memory_space<vmem>>, %arg17: memref<128xf32, #tpu.memory_space<vmem>>, %arg18: memref<128xf32, #tpu.memory_space<vmem>>, %arg19: memref<!tpu.dma_semaphore, #tpu.memory_space<semaphore_mem>>, %arg20: memref<!tpu.dma_semaphore, #tpu.memory_space<semaphore_mem>>, %arg21: memref<!tpu.dma_semaphore, #tpu.memory_space<semaphore_mem>>, %arg22: memref<!tpu.dma_semaphore, #tpu.memory_space<semaphore_mem>>) attributes {dimension_semantics = [#tpu.dimension_semantics<core_parallel>, #tpu.dimension_semantics<subcore_parallel>], iteration_bounds = array<i64: 2, 16>, scalar_prefetch = 0 : i64, scratch_operands = 14 : i64, tpu.core_type = #tpu.core_type<sc_vector_subcore>, window_params = [{transform_indices = #map}, {transform_indices = #map1}, {transform_indices = #map1}, {transform_indices = #map1}, {transform_indices = #map1}, {transform_indices = #map1}, {transform_indices = #map}]} {
    %mul3A = arith.constant 2 : i32
    %mul3A_0 = arith.muli %arg1, %mul3A : i32
    %add3A = arith.addi %mul3A_0, %arg0 : i32
    %mul3A_1 = arith.constant 6400 : i32
    %mul3A_2 = arith.muli %add3A, %mul3A_1 : i32
    %eq3A = arith.constant 0 : i32
    %eq3A_3 = arith.cmpi eq, %arg1, %eq3A : i32
    %convert_element_type3A = arith.extui %eq3A_3 : i1 to i32
    %cond3A = arith.constant 0 : i32
    %cond3A_4 = arith.cmpi ne, %convert_element_type3A, %cond3A : i32
    scf.if %cond3A_4 {
      "tpu.region"() ({
        %run_scoped3A = tpu.sem_alloc : memref<!tpu.dma_semaphore, #tpu.memory_space<semaphore_mem>>
        tpu.enqueue_dma source(%arg2 : memref<3072x128xf32, #tpu.memory_space<hbm>>) target(%arg9 : memref<3072x128xf32, #tpu.memory_space<vmem_shared>>) target_semaphore(%run_scoped3A : memref<!tpu.dma_semaphore, #tpu.memory_space<semaphore_mem>>)
        tpu.wait_dma2 semaphore(%run_scoped3A : memref<!tpu.dma_semaphore, #tpu.memory_space<semaphore_mem>>) src(%arg2 : memref<3072x128xf32, #tpu.memory_space<hbm>>) dst(%arg9 : memref<3072x128xf32, #tpu.memory_space<vmem_shared>>)
        tpu.yield
      }) : () -> ()
    } else {
    }
    "tpu.region"() ({
      %run_scoped3A = tpu.sem_alloc : memref<!tpu.dma_semaphore, #tpu.memory_space<semaphore_mem>>
      tpu.enqueue_dma source(%arg6 : memref<128xf32, #tpu.memory_space<hbm>>) target(%arg17 : memref<128xf32, #tpu.memory_space<vmem>>) target_semaphore(%run_scoped3A : memref<!tpu.dma_semaphore, #tpu.memory_space<semaphore_mem>>)
      tpu.wait_dma2 semaphore(%run_scoped3A : memref<!tpu.dma_semaphore, #tpu.memory_space<semaphore_mem>>) src(%arg6 : memref<128xf32, #tpu.memory_space<hbm>>) dst(%arg17 : memref<128xf32, #tpu.memory_space<vmem>>)
      tpu.yield
    }) : () -> ()
    "tpu.region"() ({
      %run_scoped3A = tpu.sem_alloc : memref<!tpu.dma_semaphore, #tpu.memory_space<semaphore_mem>>
      tpu.enqueue_dma source(%arg7 : memref<128xf32, #tpu.memory_space<hbm>>) target(%arg18 : memref<128xf32, #tpu.memory_space<vmem>>) target_semaphore(%run_scoped3A : memref<!tpu.dma_semaphore, #tpu.memory_space<semaphore_mem>>)
      tpu.wait_dma2 semaphore(%run_scoped3A : memref<!tpu.dma_semaphore, #tpu.memory_space<semaphore_mem>>) src(%arg7 : memref<128xf32, #tpu.memory_space<hbm>>) dst(%arg18 : memref<128xf32, #tpu.memory_space<vmem>>)
      tpu.yield
    }) : () -> ()
    %get3A = arith.constant 0 : index
    %get3A_5 = tpu.vector_load %arg17[%get3A] {strides = array<i32>} : memref<128xf32, #tpu.memory_space<vmem>>, vector<16xf32>,
    %get3A_6 = vector.shape_cast %get3A_5 : vector<16xf32> to vector<16xf32>
    %get3A_7 = arith.constant 16 : index
    %get3A_8 = tpu.vector_load %arg17[%get3A_7] {strides = array<i32>} : memref<128xf32, #tpu.memory_space<vmem>>, vector<16xf32>,
    %get3A_9 = vector.shape_cast %get3A_8 : vector<16xf32> to vector<16xf32>
    %get3A_10 = arith.constant 32 : index
    %get3A_11 = tpu.vector_load %arg17[%get3A_10] {strides = array<i32>} : memref<128xf32, #tpu.memory_space<vmem>>, vector<16xf32>,
    %get3A_12 = vector.shape_cast %get3A_11 : vector<16xf32> to vector<16xf32>
    %get3A_13 = arith.constant 48 : index
    %get3A_14 = tpu.vector_load %arg17[%get3A_13] {strides = array<i32>} : memref<128xf32, #tpu.memory_space<vmem>>, vector<16xf32>,
    %get3A_15 = vector.shape_cast %get3A_14 : vector<16xf32> to vector<16xf32>
    %get3A_16 = arith.constant 64 : index
    %get3A_17 = tpu.vector_load %arg17[%get3A_16] {strides = array<i32>} : memref<128xf32, #tpu.memory_space<vmem>>, vector<16xf32>,
    %get3A_18 = vector.shape_cast %get3A_17 : vector<16xf32> to vector<16xf32>
    %get3A_19 = arith.constant 80 : index
    %get3A_20 = tpu.vector_load %arg17[%get3A_19] {strides = array<i32>} : memref<128xf32, #tpu.memory_space<vmem>>, vector<16xf32>,
    %get3A_21 = vector.shape_cast %get3A_20 : vector<16xf32> to vector<16xf32>
    %get3A_22 = arith.constant 96 : index
    %get3A_23 = tpu.vector_load %arg17[%get3A_22] {strides = array<i32>} : memref<128xf32, #tpu.memory_space<vmem>>, vector<16xf32>,
    %get3A_24 = vector.shape_cast %get3A_23 : vector<16xf32> to vector<16xf32>
    %get3A_25 = arith.constant 112 : index
    %get3A_26 = tpu.vector_load %arg17[%get3A_25] {strides = array<i32>} : memref<128xf32, #tpu.memory_space<vmem>>, vector<16xf32>,
    %get3A_27 = vector.shape_cast %get3A_26 : vector<16xf32> to vector<16xf32>
    %get3A_28 = arith.constant 0 : index
    %get3A_29 = tpu.vector_load %arg18[%get3A_28] {strides = array<i32>} : memref<128xf32, #tpu.memory_space<vmem>>, vector<16xf32>,
    %get3A_30 = vector.shape_cast %get3A_29 : vector<16xf32> to vector<16xf32>
    %get3A_31 = arith.constant 16 : index
    %get3A_32 = tpu.vector_load %arg18[%get3A_31] {strides = array<i32>} : memref<128xf32, #tpu.memory_space<vmem>>, vector<16xf32>,
    %get3A_33 = vector.shape_cast %get3A_32 : vector<16xf32> to vector<16xf32>
    %get3A_34 = arith.constant 32 : index
    %get3A_35 = tpu.vector_load %arg18[%get3A_34] {strides = array<i32>} : memref<128xf32, #tpu.memory_space<vmem>>, vector<16xf32>,
    %get3A_36 = vector.shape_cast %get3A_35 : vector<16xf32> to vector<16xf32>
    %get3A_37 = arith.constant 48 : index
    %get3A_38 = tpu.vector_load %arg18[%get3A_37] {strides = array<i32>} : memref<128xf32, #tpu.memory_space<vmem>>, vector<16xf32>,
    %get3A_39 = vector.shape_cast %get3A_38 : vector<16xf32> to vector<16xf32>
    %get3A_40 = arith.constant 64 : index
    %get3A_41 = tpu.vector_load %arg18[%get3A_40] {strides = array<i32>} : memref<128xf32, #tpu.memory_space<vmem>>, vector<16xf32>,
    %get3A_42 = vector.shape_cast %get3A_41 : vector<16xf32> to vector<16xf32>
    %get3A_43 = arith.constant 80 : index
    %get3A_44 = tpu.vector_load %arg18[%get3A_43] {strides = array<i32>} : memref<128xf32, #tpu.memory_space<vmem>>, vector<16xf32>,
    %get3A_45 = vector.shape_cast %get3A_44 : vector<16xf32> to vector<16xf32>
    %get3A_46 = arith.constant 96 : index
    %get3A_47 = tpu.vector_load %arg18[%get3A_46] {strides = array<i32>} : memref<128xf32, #tpu.memory_space<vmem>>, vector<16xf32>,
    %get3A_48 = vector.shape_cast %get3A_47 : vector<16xf32> to vector<16xf32>
    %get3A_49 = arith.constant 112 : index
    %get3A_50 = tpu.vector_load %arg18[%get3A_49] {strides = array<i32>} : memref<128xf32, #tpu.memory_space<vmem>>, vector<16xf32>,
    %get3A_51 = vector.shape_cast %get3A_50 : vector<16xf32> to vector<16xf32>
    "tpu.region"() ({
      %run_scoped3A = tpu.sem_alloc : memref<!tpu.dma_semaphore, #tpu.memory_space<semaphore_mem>>
      %dma_start3A_74 = tpu.memref_slice %arg3[%mul3A_2] : memref<204800xi32, #tpu.memory_space<hbm>> -> memref<6400xi32, #tpu.memory_space<hbm>>
      %dma_start3A_75 = tpu.memref_slice %arg3[%mul3A_2] : memref<204800xi32, #tpu.memory_space<hbm>> -> memref<6400xi32, #tpu.memory_space<hbm>>
      tpu.enqueue_dma source(%dma_start3A_75 : memref<6400xi32, #tpu.memory_space<hbm>>) target(%arg10 : memref<6400xi32, #tpu.memory_space<vmem>>) target_semaphore(%run_scoped3A : memref<!tpu.dma_semaphore, #tpu.memory_space<semaphore_mem>>)
      %dma_wait3A_76 = tpu.memref_slice %arg3[%mul3A_2] : memref<204800xi32, #tpu.memory_space<hbm>> -> memref<6400xi32, #tpu.memory_space<hbm>>
      %dma_wait3A_77 = tpu.memref_slice %arg3[%mul3A_2] : memref<204800xi32, #tpu.memory_space<hbm>> -> memref<6400xi32, #tpu.memory_space<hbm>>
      tpu.wait_dma2 semaphore(%run_scoped3A : memref<!tpu.dma_semaphore, #tpu.memory_space<semaphore_mem>>) src(%dma_wait3A_77 : memref<6400xi32, #tpu.memory_space<hbm>>) dst(%arg10 : memref<6400xi32, #tpu.memory_space<vmem>>)
      tpu.yield
    }) : () -> ()
    "tpu.region"() ({
      %run_scoped3A = tpu.sem_alloc : memref<!tpu.dma_semaphore, #tpu.memory_space<semaphore_mem>>
      %dma_start3A_74 = tpu.memref_slice %arg4[%mul3A_2] : memref<204800xf32, #tpu.memory_space<hbm>> -> memref<6400xf32, #tpu.memory_space<hbm>>
      %dma_start3A_75 = tpu.memref_slice %arg4[%mul3A_2] : memref<204800xf32, #tpu.memory_space<hbm>> -> memref<6400xf32, #tpu.memory_space<hbm>>
      tpu.enqueue_dma source(%dma_start3A_75 : memref<6400xf32, #tpu.memory_space<hbm>>) target(%arg11 : memref<6400xf32, #tpu.memory_space<vmem>>) target_semaphore(%run_scoped3A : memref<!tpu.dma_semaphore, #tpu.memory_space<semaphore_mem>>)
      %dma_wait3A_76 = tpu.memref_slice %arg4[%mul3A_2] : memref<204800xf32, #tpu.memory_space<hbm>> -> memref<6400xf32, #tpu.memory_space<hbm>>
      %dma_wait3A_77 = tpu.memref_slice %arg4[%mul3A_2] : memref<204800xf32, #tpu.memory_space<hbm>> -> memref<6400xf32, #tpu.memory_space<hbm>>
      tpu.wait_dma2 semaphore(%run_scoped3A : memref<!tpu.dma_semaphore, #tpu.memory_space<semaphore_mem>>) src(%dma_wait3A_77 : memref<6400xf32, #tpu.memory_space<hbm>>) dst(%arg11 : memref<6400xf32, #tpu.memory_space<vmem>>)
      tpu.yield
    }) : () -> ()
    "tpu.region"() ({
      %run_scoped3A = tpu.sem_alloc : memref<!tpu.dma_semaphore, #tpu.memory_space<semaphore_mem>>
      %dma_start3A_74 = tpu.memref_slice %arg5[%mul3A_2] : memref<204800xf32, #tpu.memory_space<hbm>> -> memref<6400xf32, #tpu.memory_space<hbm>>
      %dma_start3A_75 = tpu.memref_slice %arg5[%mul3A_2] : memref<204800xf32, #tpu.memory_space<hbm>> -> memref<6400xf32, #tpu.memory_space<hbm>>
      tpu.enqueue_dma source(%dma_start3A_75 : memref<6400xf32, #tpu.memory_space<hbm>>) target(%arg12 : memref<6400xf32, #tpu.memory_space<vmem>>) target_semaphore(%run_scoped3A : memref<!tpu.dma_semaphore, #tpu.memory_space<semaphore_mem>>)
      %dma_wait3A_76 = tpu.memref_slice %arg5[%mul3A_2] : memref<204800xf32, #tpu.memory_space<hbm>> -> memref<6400xf32, #tpu.memory_space<hbm>>
      %dma_wait3A_77 = tpu.memref_slice %arg5[%mul3A_2] : memref<204800xf32, #tpu.memory_space<hbm>> -> memref<6400xf32, #tpu.memory_space<hbm>>
      tpu.wait_dma2 semaphore(%run_scoped3A : memref<!tpu.dma_semaphore, #tpu.memory_space<semaphore_mem>>) src(%dma_wait3A_77 : memref<6400xf32, #tpu.memory_space<hbm>>) dst(%arg12 : memref<6400xf32, #tpu.memory_space<vmem>>)
      tpu.yield
    }) : () -> ()
    %barrier3A = arith.constant 0 : index
    tpu.barrier barrier_id(%barrier3A)
    %dma_start3A = arith.constant 0 : i32
    %dma_start3A_52 = arith.constant 0 : i32
    %dma_start3A_53 = tpu.memref_slice %arg15[%dma_start3A, %dma_start3A_52] : memref<128x128xf32, #tpu.memory_space<vmem>> -> memref<128x128xf32, #tpu.memory_space<vmem>>
    %dma_start3A_54 = arith.constant 0 : i32
    %dma_start3A_55 = tpu.memref_slice %arg10[%dma_start3A_54] : memref<6400xi32, #tpu.memory_space<vmem>> -> memref<128xi32, #tpu.memory_space<vmem>>
    %dma_start3A_56 = arith.constant 0 : i32
    %dma_start3A_57 = arith.constant 0 : i32
    %dma_start3A_58 = tpu.memref_slice %arg9[%dma_start3A_56, %dma_start3A_57] : memref<3072x128xf32, #tpu.memory_space<vmem_shared>> -> memref<3072x128xf32, #tpu.memory_space<vmem_shared>>
    tpu.enqueue_indirect_dma source(%dma_start3A_58 : memref<3072x128xf32, #tpu.memory_space<vmem_shared>>) target(%dma_start3A_53 : memref<128x128xf32, #tpu.memory_space<vmem>>) offsets(%dma_start3A_55 : memref<128xi32, #tpu.memory_space<vmem>>) semaphore(%arg19 : memref<!tpu.dma_semaphore, #tpu.memory_space<semaphore_mem>>)
    %scan3A = arith.constant 0 : i32
    %scan3A_59 = arith.constant 25 : i32
    %scan3A_60 = arith.addi %scan3A, %scan3A_59 : i32
    %scan3A_61 = arith.constant 1 : i32
    scf.for %scan3A_74 = %scan3A to %scan3A_60 step %scan3A_61  : i32 {
      %mul3A_75 = arith.constant 2 : i32
      %mul3A_76 = arith.muli %scan3A_74, %mul3A_75 : i32
      %add3A_77 = arith.constant 0 : i32
      %add3A_78 = arith.addi %add3A_77, %mul3A_76 : i32
      %add3A_79 = arith.constant 1 : i32
      %add3A_80 = arith.addi %add3A_78, %add3A_79 : i32
      %mul3A_81 = arith.constant 128 : i32
      %mul3A_82 = arith.muli %add3A_80, %mul3A_81 : i32
      %add3A_83 = arith.constant 0 : i32
      %add3A_84 = arith.addi %mul3A_82, %add3A_83 : i32
      %dma_start3A_85 = arith.constant 0 : i32
      %dma_start3A_86 = arith.constant 0 : i32
      %dma_start3A_87 = tpu.memref_slice %arg16[%dma_start3A_85, %dma_start3A_86] : memref<128x128xf32, #tpu.memory_space<vmem>> -> memref<128x128xf32, #tpu.memory_space<vmem>>
      %dma_start3A_88 = tpu.memref_slice %arg10[%add3A_84] : memref<6400xi32, #tpu.memory_space<vmem>> -> memref<128xi32, #tpu.memory_space<vmem>>
      %dma_start3A_89 = arith.constant 0 : i32
      %dma_start3A_90 = arith.constant 0 : i32
      %dma_start3A_91 = tpu.memref_slice %arg9[%dma_start3A_89, %dma_start3A_90] : memref<3072x128xf32, #tpu.memory_space<vmem_shared>> -> memref<3072x128xf32, #tpu.memory_space<vmem_shared>>
      tpu.enqueue_indirect_dma source(%dma_start3A_91 : memref<3072x128xf32, #tpu.memory_space<vmem_shared>>) target(%dma_start3A_87 : memref<128x128xf32, #tpu.memory_space<vmem>>) offsets(%dma_start3A_88 : memref<128xi32, #tpu.memory_space<vmem>>) semaphore(%arg20 : memref<!tpu.dma_semaphore, #tpu.memory_space<semaphore_mem>>)
      %dma_wait3A_92 = arith.constant 0 : i32
      %dma_wait3A_93 = arith.constant 0 : i32
      %dma_wait3A_94 = tpu.memref_slice %arg15[%dma_wait3A_92, %dma_wait3A_93] : memref<128x128xf32, #tpu.memory_space<vmem>> -> memref<128x128xf32, #tpu.memory_space<vmem>>
      %dma_wait3A_95 = arith.constant 0 : i32
      %dma_wait3A_96 = tpu.memref_slice %arg10[%dma_wait3A_95] : memref<6400xi32, #tpu.memory_space<vmem>> -> memref<128xi32, #tpu.memory_space<vmem>>
      %dma_wait3A_97 = arith.constant 0 : i32
      %dma_wait3A_98 = arith.constant 0 : i32
      %dma_wait3A_99 = tpu.memref_slice %arg9[%dma_wait3A_97, %dma_wait3A_98] : memref<3072x128xf32, #tpu.memory_space<vmem_shared>> -> memref<3072x128xf32, #tpu.memory_space<vmem_shared>>
      tpu.wait_indirect_dma semaphore(%arg19 : memref<!tpu.dma_semaphore, #tpu.memory_space<semaphore_mem>>) src(%dma_wait3A_99 : memref<3072x128xf32, #tpu.memory_space<vmem_shared>>) dst(%dma_wait3A_94 : memref<128x128xf32, #tpu.memory_space<vmem>>)
      %ge3A = arith.constant 2 : i32
      %ge3A_100 = arith.cmpi sge, %add3A_78, %ge3A : i32
      %convert_element_type3A_101 = arith.extui %ge3A_100 : i1 to i32
      %cond3A_102 = arith.constant 0 : i32
      %cond3A_103 = arith.cmpi ne, %convert_element_type3A_101, %cond3A_102 : i32
      scf.if %cond3A_103 {
        %dma_wait3A_153 = arith.constant 0 : i32
        %dma_wait3A_154 = arith.constant 0 : i32
        %dma_wait3A_155 = tpu.memref_slice %arg8[%dma_wait3A_153, %dma_wait3A_154] : memref<204800x128xf32, #tpu.memory_space<hbm>> -> memref<128x128xf32, #tpu.memory_space<hbm>>
        %dma_wait3A_156 = arith.constant 0 : i32
        %dma_wait3A_157 = arith.constant 0 : i32
        %dma_wait3A_158 = tpu.memref_slice %arg8[%dma_wait3A_156, %dma_wait3A_157] : memref<204800x128xf32, #tpu.memory_space<hbm>> -> memref<128x128xf32, #tpu.memory_space<hbm>>
        tpu.wait_dma2 semaphore(%arg21 : memref<!tpu.dma_semaphore, #tpu.memory_space<semaphore_mem>>) src(%arg13 : memref<128x128xf32, #tpu.memory_space<vmem>>) dst(%dma_wait3A_158 : memref<128x128xf32, #tpu.memory_space<hbm>>)
      } else {
      }
      %scan3A_104 = arith.constant 0 : i32
      %scan3A_105 = arith.constant 0 : i32
      %scan3A_106 = arith.constant 8 : i32
      %scan3A_107 = arith.addi %scan3A_105, %scan3A_106 : i32
      %scan3A_108 = arith.constant 1 : i32
      scf.for %scan3A_153 = %scan3A_105 to %scan3A_107 step %scan3A_108  : i32 {
        %mul3A_154 = arith.constant 128 : i32
        %mul3A_155 = arith.muli %add3A_78, %mul3A_154 : i32
        %mul3A_156 = arith.constant 16 : i32
        %mul3A_157 = arith.muli %scan3A_153, %mul3A_156 : i32
        %add3A_158 = arith.addi %mul3A_155, %mul3A_157 : i32
        %get3A_159 = arith.index_cast %add3A_158 : i32 to index
        %get3A_160 = tpu.vector_load %arg11[%get3A_159] {strides = array<i32>} : memref<6400xf32, #tpu.memory_space<vmem>>, vector<16xf32>,
        %get3A_161 = vector.shape_cast %get3A_160 : vector<16xf32> to vector<16xf32>
        %get3A_162 = arith.index_cast %add3A_158 : i32 to index
        %get3A_163 = tpu.vector_load %arg12[%get3A_162] {strides = array<i32>} : memref<6400xf32, #tpu.memory_space<vmem>>, vector<16xf32>,
        %get3A_164 = vector.shape_cast %get3A_163 : vector<16xf32> to vector<16xf32>
        %broadcast_in_dim3A = arith.constant 0 : i32
        %broadcast_in_dim3A_165 = vector.broadcast %broadcast_in_dim3A : i32 to vector<16x1xi32>
        %gather3A = vector.shape_cast %broadcast_in_dim3A_165 : vector<16x1xi32> to vector<16xi32>
        %gather3A_166 = tpu.dynamic_gather %get3A_161[%gather3A] in [0] : vector<16xf32>, vector<16xi32> -> vector<16xf32>
        %broadcast_in_dim3A_167 = arith.constant 0 : i32
        %broadcast_in_dim3A_168 = vector.broadcast %broadcast_in_dim3A_167 : i32 to vector<16x1xi32>
        %gather3A_169 = vector.shape_cast %broadcast_in_dim3A_168 : vector<16x1xi32> to vector<16xi32>
        %gather3A_170 = tpu.dynamic_gather %get3A_164[%gather3A_169] in [0] : vector<16xf32>, vector<16xi32> -> vector<16xf32>
        %mul3A_171 = arith.constant 16 : i32
        %mul3A_172 = arith.muli %scan3A_153, %mul3A_171 : i32
        %add3A_173 = arith.constant 0 : i32
        %add3A_174 = arith.addi %mul3A_172, %add3A_173 : i32
        %get3A_175 = arith.index_cast %add3A_174 : i32 to index
        %get3A_176 = arith.constant 0 : index
        %get3A_177 = tpu.vector_load %arg15[%get3A_175, %get3A_176] {strides = array<i32>} : memref<128x128xf32, #tpu.memory_space<vmem>>, vector<1x16xf32>,
        %get3A_178 = vector.shape_cast %get3A_177 : vector<1x16xf32> to vector<16xf32>
        %mul3A_179 = arith.mulf %gather3A_166, %get3A_6 : vector<16xf32>
        %add3A_180 = arith.addf %get3A_178, %mul3A_179 : vector<16xf32>
        %mul3A_181 = arith.mulf %gather3A_170, %get3A_30 : vector<16xf32>
        %add3A_182 = arith.addf %add3A_180, %mul3A_181 : vector<16xf32>
        %swap3A = arith.index_cast %add3A_174 : i32 to index
        %swap3A_183 = arith.constant 0 : index
        %swap3A_184 = tpu.vector_load %arg13[%swap3A, %swap3A_183] {strides = array<i32>} : memref<128x128xf32, #tpu.memory_space<vmem>>, vector<1x16xf32>,
        %swap3A_185 = vector.shape_cast %swap3A_184 : vector<1x16xf32> to vector<16xf32>
        %swap3A_186 = vector.shape_cast %add3A_182 : vector<16xf32> to vector<1x16xf32>
        tpu.vector_store %arg13[%swap3A, %swap3A_183], %swap3A_186 {strides = array<i32>} : memref<128x128xf32, #tpu.memory_space<vmem>>, vector<1x16xf32>,
        %get3A_187 = arith.index_cast %add3A_174 : i32 to index
        %get3A_188 = arith.constant 16 : index
        %get3A_189 = tpu.vector_load %arg15[%get3A_187, %get3A_188] {strides = array<i32>} : memref<128x128xf32, #tpu.memory_space<vmem>>, vector<1x16xf32>,
        %get3A_190 = vector.shape_cast %get3A_189 : vector<1x16xf32> to vector<16xf32>
        %mul3A_191 = arith.mulf %gather3A_166, %get3A_9 : vector<16xf32>
        %add3A_192 = arith.addf %get3A_190, %mul3A_191 : vector<16xf32>
        %mul3A_193 = arith.mulf %gather3A_170, %get3A_33 : vector<16xf32>
        %add3A_194 = arith.addf %add3A_192, %mul3A_193 : vector<16xf32>
        %swap3A_195 = arith.index_cast %add3A_174 : i32 to index
        %swap3A_196 = arith.constant 16 : index
        %swap3A_197 = tpu.vector_load %arg13[%swap3A_195, %swap3A_196] {strides = array<i32>} : memref<128x128xf32, #tpu.memory_space<vmem>>, vector<1x16xf32>,
        %swap3A_198 = vector.shape_cast %swap3A_197 : vector<1x16xf32> to vector<16xf32>
        %swap3A_199 = vector.shape_cast %add3A_194 : vector<16xf32> to vector<1x16xf32>
        tpu.vector_store %arg13[%swap3A_195, %swap3A_196], %swap3A_199 {strides = array<i32>} : memref<128x128xf32, #tpu.memory_space<vmem>>, vector<1x16xf32>,
        %get3A_200 = arith.index_cast %add3A_174 : i32 to index
        %get3A_201 = arith.constant 32 : index
        %get3A_202 = tpu.vector_load %arg15[%get3A_200, %get3A_201] {strides = array<i32>} : memref<128x128xf32, #tpu.memory_space<vmem>>, vector<1x16xf32>,
        %get3A_203 = vector.shape_cast %get3A_202 : vector<1x16xf32> to vector<16xf32>
        %mul3A_204 = arith.mulf %gather3A_166, %get3A_12 : vector<16xf32>
        %add3A_205 = arith.addf %get3A_203, %mul3A_204 : vector<16xf32>
        %mul3A_206 = arith.mulf %gather3A_170, %get3A_36 : vector<16xf32>
        %add3A_207 = arith.addf %add3A_205, %mul3A_206 : vector<16xf32>
        %swap3A_208 = arith.index_cast %add3A_174 : i32 to index
        %swap3A_209 = arith.constant 32 : index
        %swap3A_210 = tpu.vector_load %arg13[%swap3A_208, %swap3A_209] {strides = array<i32>} : memref<128x128xf32, #tpu.memory_space<vmem>>, vector<1x16xf32>,
        %swap3A_211 = vector.shape_cast %swap3A_210 : vector<1x16xf32> to vector<16xf32>
        %swap3A_212 = vector.shape_cast %add3A_207 : vector<16xf32> to vector<1x16xf32>
        tpu.vector_store %arg13[%swap3A_208, %swap3A_209], %swap3A_212 {strides = array<i32>} : memref<128x128xf32, #tpu.memory_space<vmem>>, vector<1x16xf32>,
        %get3A_213 = arith.index_cast %add3A_174 : i32 to index
        %get3A_214 = arith.constant 48 : index
        %get3A_215 = tpu.vector_load %arg15[%get3A_213, %get3A_214] {strides = array<i32>} : memref<128x128xf32, #tpu.memory_space<vmem>>, vector<1x16xf32>,
        %get3A_216 = vector.shape_cast %get3A_215 : vector<1x16xf32> to vector<16xf32>
        %mul3A_217 = arith.mulf %gather3A_166, %get3A_15 : vector<16xf32>
        %add3A_218 = arith.addf %get3A_216, %mul3A_217 : vector<16xf32>
        %mul3A_219 = arith.mulf %gather3A_170, %get3A_39 : vector<16xf32>
        %add3A_220 = arith.addf %add3A_218, %mul3A_219 : vector<16xf32>
        %swap3A_221 = arith.index_cast %add3A_174 : i32 to index
        %swap3A_222 = arith.constant 48 : index
        %swap3A_223 = tpu.vector_load %arg13[%swap3A_221, %swap3A_222] {strides = array<i32>} : memref<128x128xf32, #tpu.memory_space<vmem>>, vector<1x16xf32>,
        %swap3A_224 = vector.shape_cast %swap3A_223 : vector<1x16xf32> to vector<16xf32>
        %swap3A_225 = vector.shape_cast %add3A_220 : vector<16xf32> to vector<1x16xf32>
        tpu.vector_store %arg13[%swap3A_221, %swap3A_222], %swap3A_225 {strides = array<i32>} : memref<128x128xf32, #tpu.memory_space<vmem>>, vector<1x16xf32>,
        %get3A_226 = arith.index_cast %add3A_174 : i32 to index
        %get3A_227 = arith.constant 64 : index
        %get3A_228 = tpu.vector_load %arg15[%get3A_226, %get3A_227] {strides = array<i32>} : memref<128x128xf32, #tpu.memory_space<vmem>>, vector<1x16xf32>,
        %get3A_229 = vector.shape_cast %get3A_228 : vector<1x16xf32> to vector<16xf32>
        %mul3A_230 = arith.mulf %gather3A_166, %get3A_18 : vector<16xf32>
        %add3A_231 = arith.addf %get3A_229, %mul3A_230 : vector<16xf32>
        %mul3A_232 = arith.mulf %gather3A_170, %get3A_42 : vector<16xf32>
        %add3A_233 = arith.addf %add3A_231, %mul3A_232 : vector<16xf32>
        %swap3A_234 = arith.index_cast %add3A_174 : i32 to index
        %swap3A_235 = arith.constant 64 : index
        %swap3A_236 = tpu.vector_load %arg13[%swap3A_234, %swap3A_235] {strides = array<i32>} : memref<128x128xf32, #tpu.memory_space<vmem>>, vector<1x16xf32>,
        %swap3A_237 = vector.shape_cast %swap3A_236 : vector<1x16xf32> to vector<16xf32>
        %swap3A_238 = vector.shape_cast %add3A_233 : vector<16xf32> to vector<1x16xf32>
        tpu.vector_store %arg13[%swap3A_234, %swap3A_235], %swap3A_238 {strides = array<i32>} : memref<128x128xf32, #tpu.memory_space<vmem>>, vector<1x16xf32>,
        %get3A_239 = arith.index_cast %add3A_174 : i32 to index
        %get3A_240 = arith.constant 80 : index
        %get3A_241 = tpu.vector_load %arg15[%get3A_239, %get3A_240] {strides = array<i32>} : memref<128x128xf32, #tpu.memory_space<vmem>>, vector<1x16xf32>,
        %get3A_242 = vector.shape_cast %get3A_241 : vector<1x16xf32> to vector<16xf32>
        %mul3A_243 = arith.mulf %gather3A_166, %get3A_21 : vector<16xf32>
        %add3A_244 = arith.addf %get3A_242, %mul3A_243 : vector<16xf32>
        %mul3A_245 = arith.mulf %gather3A_170, %get3A_45 : vector<16xf32>
        %add3A_246 = arith.addf %add3A_244, %mul3A_245 : vector<16xf32>
        %swap3A_247 = arith.index_cast %add3A_174 : i32 to index
        %swap3A_248 = arith.constant 80 : index
        %swap3A_249 = tpu.vector_load %arg13[%swap3A_247, %swap3A_248] {strides = array<i32>} : memref<128x128xf32, #tpu.memory_space<vmem>>, vector<1x16xf32>,
        %swap3A_250 = vector.shape_cast %swap3A_249 : vector<1x16xf32> to vector<16xf32>
        %swap3A_251 = vector.shape_cast %add3A_246 : vector<16xf32> to vector<1x16xf32>
        tpu.vector_store %arg13[%swap3A_247, %swap3A_248], %swap3A_251 {strides = array<i32>} : memref<128x128xf32, #tpu.memory_space<vmem>>, vector<1x16xf32>,
        %get3A_252 = arith.index_cast %add3A_174 : i32 to index
        %get3A_253 = arith.constant 96 : index
        %get3A_254 = tpu.vector_load %arg15[%get3A_252, %get3A_253] {strides = array<i32>} : memref<128x128xf32, #tpu.memory_space<vmem>>, vector<1x16xf32>,
        %get3A_255 = vector.shape_cast %get3A_254 : vector<1x16xf32> to vector<16xf32>
        %mul3A_256 = arith.mulf %gather3A_166, %get3A_24 : vector<16xf32>
        %add3A_257 = arith.addf %get3A_255, %mul3A_256 : vector<16xf32>
        %mul3A_258 = arith.mulf %gather3A_170, %get3A_48 : vector<16xf32>
        %add3A_259 = arith.addf %add3A_257, %mul3A_258 : vector<16xf32>
        %swap3A_260 = arith.index_cast %add3A_174 : i32 to index
        %swap3A_261 = arith.constant 96 : index
        %swap3A_262 = tpu.vector_load %arg13[%swap3A_260, %swap3A_261] {strides = array<i32>} : memref<128x128xf32, #tpu.memory_space<vmem>>, vector<1x16xf32>,
        %swap3A_263 = vector.shape_cast %swap3A_262 : vector<1x16xf32> to vector<16xf32>
        %swap3A_264 = vector.shape_cast %add3A_259 : vector<16xf32> to vector<1x16xf32>
        tpu.vector_store %arg13[%swap3A_260, %swap3A_261], %swap3A_264 {strides = array<i32>} : memref<128x128xf32, #tpu.memory_space<vmem>>, vector<1x16xf32>,
        %get3A_265 = arith.index_cast %add3A_174 : i32 to index
        %get3A_266 = arith.constant 112 : index
        %get3A_267 = tpu.vector_load %arg15[%get3A_265, %get3A_266] {strides = array<i32>} : memref<128x128xf32, #tpu.memory_space<vmem>>, vector<1x16xf32>,
        %get3A_268 = vector.shape_cast %get3A_267 : vector<1x16xf32> to vector<16xf32>
        %mul3A_269 = arith.mulf %gather3A_166, %get3A_27 : vector<16xf32>
        %add3A_270 = arith.addf %get3A_268, %mul3A_269 : vector<16xf32>
        %mul3A_271 = arith.mulf %gather3A_170, %get3A_51 : vector<16xf32>
        %add3A_272 = arith.addf %add3A_270, %mul3A_271 : vector<16xf32>
        %swap3A_273 = arith.index_cast %add3A_174 : i32 to index
        %swap3A_274 = arith.constant 112 : index
        %swap3A_275 = tpu.vector_load %arg13[%swap3A_273, %swap3A_274] {strides = array<i32>} : memref<128x128xf32, #tpu.memory_space<vmem>>, vector<1x16xf32>,
        %swap3A_276 = vector.shape_cast %swap3A_275 : vector<1x16xf32> to vector<16xf32>
        %swap3A_277 = vector.shape_cast %add3A_272 : vector<16xf32> to vector<1x16xf32>
        tpu.vector_store %arg13[%swap3A_273, %swap3A_274], %swap3A_277 {strides = array<i32>} : memref<128x128xf32, #tpu.memory_space<vmem>>, vector<1x16xf32>,
        %broadcast_in_dim3A_278 = arith.constant 1 : i32
        %broadcast_in_dim3A_279 = vector.broadcast %broadcast_in_dim3A_278 : i32 to vector<16x1xi32>
        %gather3A_280 = vector.shape_cast %broadcast_in_dim3A_279 : vector<16x1xi32> to vector<16xi32>
        %gather3A_281 = tpu.dynamic_gather %get3A_161[%gather3A_280] in [0] : vector<16xf32>, vector<16xi32> -> vector<16xf32>
        %broadcast_in_dim3A_282 = arith.constant 1 : i32
        %broadcast_in_dim3A_283 = vector.broadcast %broadcast_in_dim3A_282 : i32 to vector<16x1xi32>
        %gather3A_284 = vector.shape_cast %broadcast_in_dim3A_283 : vector<16x1xi32> to vector<16xi32>
        %gather3A_285 = tpu.dynamic_gather %get3A_164[%gather3A_284] in [0] : vector<16xf32>, vector<16xi32> -> vector<16xf32>
        %mul3A_286 = arith.constant 16 : i32
        %mul3A_287 = arith.muli %scan3A_153, %mul3A_286 : i32
        %add3A_288 = arith.constant 1 : i32
        %add3A_289 = arith.addi %mul3A_287, %add3A_288 : i32
        %get3A_290 = arith.index_cast %add3A_289 : i32 to index
        %get3A_291 = arith.constant 0 : index
        %get3A_292 = tpu.vector_load %arg15[%get3A_290, %get3A_291] {strides = array<i32>} : memref<128x128xf32, #tpu.memory_space<vmem>>, vector<1x16xf32>,
        %get3A_293 = vector.shape_cast %get3A_292 : vector<1x16xf32> to vector<16xf32>
        %mul3A_294 = arith.mulf %gather3A_281, %get3A_6 : vector<16xf32>
        %add3A_295 = arith.addf %get3A_293, %mul3A_294 : vector<16xf32>
        %mul3A_296 = arith.mulf %gather3A_285, %get3A_30 : vector<16xf32>
        %add3A_297 = arith.addf %add3A_295, %mul3A_296 : vector<16xf32>
        %swap3A_298 = arith.index_cast %add3A_289 : i32 to index
        %swap3A_299 = arith.constant 0 : index
        %swap3A_300 = tpu.vector_load %arg13[%swap3A_298, %swap3A_299] {strides = array<i32>} : memref<128x128xf32, #tpu.memory_space<vmem>>, vector<1x16xf32>,
        %swap3A_301 = vector.shape_cast %swap3A_300 : vector<1x16xf32> to vector<16xf32>
        %swap3A_302 = vector.shape_cast %add3A_297 : vector<16xf32> to vector<1x16xf32>
        tpu.vector_store %arg13[%swap3A_298, %swap3A_299], %swap3A_302 {strides = array<i32>} : memref<128x128xf32, #tpu.memory_space<vmem>>, vector<1x16xf32>,
        %get3A_303 = arith.index_cast %add3A_289 : i32 to index
        %get3A_304 = arith.constant 16 : index
        %get3A_305 = tpu.vector_load %arg15[%get3A_303, %get3A_304] {strides = array<i32>} : memref<128x128xf32, #tpu.memory_space<vmem>>, vector<1x16xf32>,
        %get3A_306 = vector.shape_cast %get3A_305 : vector<1x16xf32> to vector<16xf32>
        %mul3A_307 = arith.mulf %gather3A_281, %get3A_9 : vector<16xf32>
        %add3A_308 = arith.addf %get3A_306, %mul3A_307 : vector<16xf32>
        %mul3A_309 = arith.mulf %gather3A_285, %get3A_33 : vector<16xf32>
        %add3A_310 = arith.addf %add3A_308, %mul3A_309 : vector<16xf32>
        %swap3A_311 = arith.index_cast %add3A_289 : i32 to index
        %swap3A_312 = arith.constant 16 : index
        %swap3A_313 = tpu.vector_load %arg13[%swap3A_311, %swap3A_312] {strides = array<i32>} : memref<128x128xf32, #tpu.memory_space<vmem>>, vector<1x16xf32>,
        %swap3A_314 = vector.shape_cast %swap3A_313 : vector<1x16xf32> to vector<16xf32>
        %swap3A_315 = vector.shape_cast %add3A_310 : vector<16xf32> to vector<1x16xf32>
        tpu.vector_store %arg13[%swap3A_311, %swap3A_312], %swap3A_315 {strides = array<i32>} : memref<128x128xf32, #tpu.memory_space<vmem>>, vector<1x16xf32>,
        %get3A_316 = arith.index_cast %add3A_289 : i32 to index
        %get3A_317 = arith.constant 32 : index
        %get3A_318 = tpu.vector_load %arg15[%get3A_316, %get3A_317] {strides = array<i32>} : memref<128x128xf32, #tpu.memory_space<vmem>>, vector<1x16xf32>,
        %get3A_319 = vector.shape_cast %get3A_318 : vector<1x16xf32> to vector<16xf32>
        %mul3A_320 = arith.mulf %gather3A_281, %get3A_12 : vector<16xf32>
        %add3A_321 = arith.addf %get3A_319, %mul3A_320 : vector<16xf32>
        %mul3A_322 = arith.mulf %gather3A_285, %get3A_36 : vector<16xf32>
        %add3A_323 = arith.addf %add3A_321, %mul3A_322 : vector<16xf32>
        %swap3A_324 = arith.index_cast %add3A_289 : i32 to index
        %swap3A_325 = arith.constant 32 : index
        %swap3A_326 = tpu.vector_load %arg13[%swap3A_324, %swap3A_325] {strides = array<i32>} : memref<128x128xf32, #tpu.memory_space<vmem>>, vector<1x16xf32>,
        %swap3A_327 = vector.shape_cast %swap3A_326 : vector<1x16xf32> to vector<16xf32>
        %swap3A_328 = vector.shape_cast %add3A_323 : vector<16xf32> to vector<1x16xf32>
        tpu.vector_store %arg13[%swap3A_324, %swap3A_325], %swap3A_328 {strides = array<i32>} : memref<128x128xf32, #tpu.memory_space<vmem>>, vector<1x16xf32>,
        %get3A_329 = arith.index_cast %add3A_289 : i32 to index
        %get3A_330 = arith.constant 48 : index
        %get3A_331 = tpu.vector_load %arg15[%get3A_329, %get3A_330] {strides = array<i32>} : memref<128x128xf32, #tpu.memory_space<vmem>>, vector<1x16xf32>,
        %get3A_332 = vector.shape_cast %get3A_331 : vector<1x16xf32> to vector<16xf32>
        %mul3A_333 = arith.mulf %gather3A_281, %get3A_15 : vector<16xf32>
        %add3A_334 = arith.addf %get3A_332, %mul3A_333 : vector<16xf32>
        %mul3A_335 = arith.mulf %gather3A_285, %get3A_39 : vector<16xf32>
        %add3A_336 = arith.addf %add3A_334, %mul3A_335 : vector<16xf32>
        %swap3A_337 = arith.index_cast %add3A_289 : i32 to index
        %swap3A_338 = arith.constant 48 : index
        %swap3A_339 = tpu.vector_load %arg13[%swap3A_337, %swap3A_338] {strides = array<i32>} : memref<128x128xf32, #tpu.memory_space<vmem>>, vector<1x16xf32>,
        %swap3A_340 = vector.shape_cast %swap3A_339 : vector<1x16xf32> to vector<16xf32>
        %swap3A_341 = vector.shape_cast %add3A_336 : vector<16xf32> to vector<1x16xf32>
        tpu.vector_store %arg13[%swap3A_337, %swap3A_338], %swap3A_341 {strides = array<i32>} : memref<128x128xf32, #tpu.memory_space<vmem>>, vector<1x16xf32>,
        %get3A_342 = arith.index_cast %add3A_289 : i32 to index
        %get3A_343 = arith.constant 64 : index
        %get3A_344 = tpu.vector_load %arg15[%get3A_342, %get3A_343] {strides = array<i32>} : memref<128x128xf32, #tpu.memory_space<vmem>>, vector<1x16xf32>,
        %get3A_345 = vector.shape_cast %get3A_344 : vector<1x16xf32> to vector<16xf32>
        %mul3A_346 = arith.mulf %gather3A_281, %get3A_18 : vector<16xf32>
        %add3A_347 = arith.addf %get3A_345, %mul3A_346 : vector<16xf32>
        %mul3A_348 = arith.mulf %gather3A_285, %get3A_42 : vector<16xf32>
        %add3A_349 = arith.addf %add3A_347, %mul3A_348 : vector<16xf32>
        %swap3A_350 = arith.index_cast %add3A_289 : i32 to index
        %swap3A_351 = arith.constant 64 : index
        %swap3A_352 = tpu.vector_load %arg13[%swap3A_350, %swap3A_351] {strides = array<i32>} : memref<128x128xf32, #tpu.memory_space<vmem>>, vector<1x16xf32>,
        %swap3A_353 = vector.shape_cast %swap3A_352 : vector<1x16xf32> to vector<16xf32>
        %swap3A_354 = vector.shape_cast %add3A_349 : vector<16xf32> to vector<1x16xf32>
        tpu.vector_store %arg13[%swap3A_350, %swap3A_351], %swap3A_354 {strides = array<i32>} : memref<128x128xf32, #tpu.memory_space<vmem>>, vector<1x16xf32>,
        %get3A_355 = arith.index_cast %add3A_289 : i32 to index
        %get3A_356 = arith.constant 80 : index
        %get3A_357 = tpu.vector_load %arg15[%get3A_355, %get3A_356] {strides = array<i32>} : memref<128x128xf32, #tpu.memory_space<vmem>>, vector<1x16xf32>,
        %get3A_358 = vector.shape_cast %get3A_357 : vector<1x16xf32> to vector<16xf32>
        %mul3A_359 = arith.mulf %gather3A_281, %get3A_21 : vector<16xf32>
        %add3A_360 = arith.addf %get3A_358, %mul3A_359 : vector<16xf32>
        %mul3A_361 = arith.mulf %gather3A_285, %get3A_45 : vector<16xf32>
        %add3A_362 = arith.addf %add3A_360, %mul3A_361 : vector<16xf32>
        %swap3A_363 = arith.index_cast %add3A_289 : i32 to index
        %swap3A_364 = arith.constant 80 : index
        %swap3A_365 = tpu.vector_load %arg13[%swap3A_363, %swap3A_364] {strides = array<i32>} : memref<128x128xf32, #tpu.memory_space<vmem>>, vector<1x16xf32>,
        %swap3A_366 = vector.shape_cast %swap3A_365 : vector<1x16xf32> to vector<16xf32>
        %swap3A_367 = vector.shape_cast %add3A_362 : vector<16xf32> to vector<1x16xf32>
        tpu.vector_store %arg13[%swap3A_363, %swap3A_364], %swap3A_367 {strides = array<i32>} : memref<128x128xf32, #tpu.memory_space<vmem>>, vector<1x16xf32>,
        %get3A_368 = arith.index_cast %add3A_289 : i32 to index
        %get3A_369 = arith.constant 96 : index
        %get3A_370 = tpu.vector_load %arg15[%get3A_368, %get3A_369] {strides = array<i32>} : memref<128x128xf32, #tpu.memory_space<vmem>>, vector<1x16xf32>,
        %get3A_371 = vector.shape_cast %get3A_370 : vector<1x16xf32> to vector<16xf32>
        %mul3A_372 = arith.mulf %gather3A_281, %get3A_24 : vector<16xf32>
        %add3A_373 = arith.addf %get3A_371, %mul3A_372 : vector<16xf32>
        %mul3A_374 = arith.mulf %gather3A_285, %get3A_48 : vector<16xf32>
        %add3A_375 = arith.addf %add3A_373, %mul3A_374 : vector<16xf32>
        %swap3A_376 = arith.index_cast %add3A_289 : i32 to index
        %swap3A_377 = arith.constant 96 : index
        %swap3A_378 = tpu.vector_load %arg13[%swap3A_376, %swap3A_377] {strides = array<i32>} : memref<128x128xf32, #tpu.memory_space<vmem>>, vector<1x16xf32>,
        %swap3A_379 = vector.shape_cast %swap3A_378 : vector<1x16xf32> to vector<16xf32>
        %swap3A_380 = vector.shape_cast %add3A_375 : vector<16xf32> to vector<1x16xf32>
        tpu.vector_store %arg13[%swap3A_376, %swap3A_377], %swap3A_380 {strides = array<i32>} : memref<128x128xf32, #tpu.memory_space<vmem>>, vector<1x16xf32>,
        %get3A_381 = arith.index_cast %add3A_289 : i32 to index
        %get3A_382 = arith.constant 112 : index
        %get3A_383 = tpu.vector_load %arg15[%get3A_381, %get3A_382] {strides = array<i32>} : memref<128x128xf32, #tpu.memory_space<vmem>>, vector<1x16xf32>,
        %get3A_384 = vector.shape_cast %get3A_383 : vector<1x16xf32> to vector<16xf32>
        %mul3A_385 = arith.mulf %gather3A_281, %get3A_27 : vector<16xf32>
        %add3A_386 = arith.addf %get3A_384, %mul3A_385 : vector<16xf32>
        %mul3A_387 = arith.mulf %gather3A_285, %get3A_51 : vector<16xf32>
        %add3A_388 = arith.addf %add3A_386, %mul3A_387 : vector<16xf32>
        %swap3A_389 = arith.index_cast %add3A_289 : i32 to index
        %swap3A_390 = arith.constant 112 : index
        %swap3A_391 = tpu.vector_load %arg13[%swap3A_389, %swap3A_390] {strides = array<i32>} : memref<128x128xf32, #tpu.memory_space<vmem>>, vector<1x16xf32>,
        %swap3A_392 = vector.shape_cast %swap3A_391 : vector<1x16xf32> to vector<16xf32>
        %swap3A_393 = vector.shape_cast %add3A_388 : vector<16xf32> to vector<1x16xf32>
        tpu.vector_store %arg13[%swap3A_389, %swap3A_390], %swap3A_393 {strides = array<i32>} : memref<128x128xf32, #tpu.memory_space<vmem>>, vector<1x16xf32>,
        %broadcast_in_dim3A_394 = arith.constant 2 : i32
        %broadcast_in_dim3A_395 = vector.broadcast %broadcast_in_dim3A_394 : i32 to vector<16x1xi32>
        %gather3A_396 = vector.shape_cast %broadcast_in_dim3A_395 : vector<16x1xi32> to vector<16xi32>
        %gather3A_397 = tpu.dynamic_gather %get3A_161[%gather3A_396] in [0] : vector<16xf32>, vector<16xi32> -> vector<16xf32>
        %broadcast_in_dim3A_398 = arith.constant 2 : i32
        %broadcast_in_dim3A_399 = vector.broadcast %broadcast_in_dim3A_398 : i32 to vector<16x1xi32>
        %gather3A_400 = vector.shape_cast %broadcast_in_dim3A_399 : vector<16x1xi32> to vector<16xi32>
        %gather3A_401 = tpu.dynamic_gather %get3A_164[%gather3A_400] in [0] : vector<16xf32>, vector<16xi32> -> vector<16xf32>
        %mul3A_402 = arith.constant 16 : i32
        %mul3A_403 = arith.muli %scan3A_153, %mul3A_402 : i32
        %add3A_404 = arith.constant 2 : i32
        %add3A_405 = arith.addi %mul3A_403, %add3A_404 : i32
        %get3A_406 = arith.index_cast %add3A_405 : i32 to index
        %get3A_407 = arith.constant 0 : index
        %get3A_408 = tpu.vector_load %arg15[%get3A_406, %get3A_407] {strides = array<i32>} : memref<128x128xf32, #tpu.memory_space<vmem>>, vector<1x16xf32>,
        %get3A_409 = vector.shape_cast %get3A_408 : vector<1x16xf32> to vector<16xf32>
        %mul3A_410 = arith.mulf %gather3A_397, %get3A_6 : vector<16xf32>
        %add3A_411 = arith.addf %get3A_409, %mul3A_410 : vector<16xf32>
        %mul3A_412 = arith.mulf %gather3A_401, %get3A_30 : vector<16xf32>
        %add3A_413 = arith.addf %add3A_411, %mul3A_412 : vector<16xf32>
        %swap3A_414 = arith.index_cast %add3A_405 : i32 to index
        %swap3A_415 = arith.constant 0 : index
        %swap3A_416 = tpu.vector_load %arg13[%swap3A_414, %swap3A_415] {strides = array<i32>} : memref<128x128xf32, #tpu.memory_space<vmem>>, vector<1x16xf32>,
        %swap3A_417 = vector.shape_cast %swap3A_416 : vector<1x16xf32> to vector<16xf32>
        %swap3A_418 = vector.shape_cast %add3A_413 : vector<16xf32> to vector<1x16xf32>
        tpu.vector_store %arg13[%swap3A_414, %swap3A_415], %swap3A_418 {strides = array<i32>} : memref<128x128xf32, #tpu.memory_space<vmem>>, vector<1x16xf32>,
        %get3A_419 = arith.index_cast %add3A_405 : i32 to index
        %get3A_420 = arith.constant 16 : index
        %get3A_421 = tpu.vector_load %arg15[%get3A_419, %get3A_420] {strides = array<i32>} : memref<128x128xf32, #tpu.memory_space<vmem>>, vector<1x16xf32>,
        %get3A_422 = vector.shape_cast %get3A_421 : vector<1x16xf32> to vector<16xf32>
        %mul3A_423 = arith.mulf %gather3A_397, %get3A_9 : vector<16xf32>
        %add3A_424 = arith.addf %get3A_422, %mul3A_423 : vector<16xf32>
        %mul3A_425 = arith.mulf %gather3A_401, %get3A_33 : vector<16xf32>
        %add3A_426 = arith.addf %add3A_424, %mul3A_425 : vector<16xf32>
        %swap3A_427 = arith.index_cast %add3A_405 : i32 to index
        %swap3A_428 = arith.constant 16 : index
        %swap3A_429 = tpu.vector_load %arg13[%swap3A_427, %swap3A_428] {strides = array<i32>} : memref<128x128xf32, #tpu.memory_space<vmem>>, vector<1x16xf32>,
        %swap3A_430 = vector.shape_cast %swap3A_429 : vector<1x16xf32> to vector<16xf32>
        %swap3A_431 = vector.shape_cast %add3A_426 : vector<16xf32> to vector<1x16xf32>
        tpu.vector_store %arg13[%swap3A_427, %swap3A_428], %swap3A_431 {strides = array<i32>} : memref<128x128xf32, #tpu.memory_space<vmem>>, vector<1x16xf32>,
        %get3A_432 = arith.index_cast %add3A_405 : i32 to index
        %get3A_433 = arith.constant 32 : index
        %get3A_434 = tpu.vector_load %arg15[%get3A_432, %get3A_433] {strides = array<i32>} : memref<128x128xf32, #tpu.memory_space<vmem>>, vector<1x16xf32>,
        %get3A_435 = vector.shape_cast %get3A_434 : vector<1x16xf32> to vector<16xf32>
        %mul3A_436 = arith.mulf %gather3A_397, %get3A_12 : vector<16xf32>
        %add3A_437 = arith.addf %get3A_435, %mul3A_436 : vector<16xf32>
        %mul3A_438 = arith.mulf %gather3A_401, %get3A_36 : vector<16xf32>
        %add3A_439 = arith.addf %add3A_437, %mul3A_438 : vector<16xf32>
        %swap3A_440 = arith.index_cast %add3A_405 : i32 to index
        %swap3A_441 = arith.constant 32 : index
        %swap3A_442 = tpu.vector_load %arg13[%swap3A_440, %swap3A_441] {strides = array<i32>} : memref<128x128xf32, #tpu.memory_space<vmem>>, vector<1x16xf32>,
        %swap3A_443 = vector.shape_cast %swap3A_442 : vector<1x16xf32> to vector<16xf32>
        %swap3A_444 = vector.shape_cast %add3A_439 : vector<16xf32> to vector<1x16xf32>
        tpu.vector_store %arg13[%swap3A_440, %swap3A_441], %swap3A_444 {strides = array<i32>} : memref<128x128xf32, #tpu.memory_space<vmem>>, vector<1x16xf32>,
        %get3A_445 = arith.index_cast %add3A_405 : i32 to index
        %get3A_446 = arith.constant 48 : index
        %get3A_447 = tpu.vector_load %arg15[%get3A_445, %get3A_446] {strides = array<i32>} : memref<128x128xf32, #tpu.memory_space<vmem>>, vector<1x16xf32>,
        %get3A_448 = vector.shape_cast %get3A_447 : vector<1x16xf32> to vector<16xf32>
        %mul3A_449 = arith.mulf %gather3A_397, %get3A_15 : vector<16xf32>
        %add3A_450 = arith.addf %get3A_448, %mul3A_449 : vector<16xf32>
        %mul3A_451 = arith.mulf %gather3A_401, %get3A_39 : vector<16xf32>
        %add3A_452 = arith.addf %add3A_450, %mul3A_451 : vector<16xf32>
        %swap3A_453 = arith.index_cast %add3A_405 : i32 to index
        %swap3A_454 = arith.constant 48 : index
        %swap3A_455 = tpu.vector_load %arg13[%swap3A_453, %swap3A_454] {strides = array<i32>} : memref<128x128xf32, #tpu.memory_space<vmem>>, vector<1x16xf32>,
        %swap3A_456 = vector.shape_cast %swap3A_455 : vector<1x16xf32> to vector<16xf32>
        %swap3A_457 = vector.shape_cast %add3A_452 : vector<16xf32> to vector<1x16xf32>
        tpu.vector_store %arg13[%swap3A_453, %swap3A_454], %swap3A_457 {strides = array<i32>} : memref<128x128xf32, #tpu.memory_space<vmem>>, vector<1x16xf32>,
        %get3A_458 = arith.index_cast %add3A_405 : i32 to index
        %get3A_459 = arith.constant 64 : index
        %get3A_460 = tpu.vector_load %arg15[%get3A_458, %get3A_459] {strides = array<i32>} : memref<128x128xf32, #tpu.memory_space<vmem>>, vector<1x16xf32>,
        %get3A_461 = vector.shape_cast %get3A_460 : vector<1x16xf32> to vector<16xf32>
        %mul3A_462 = arith.mulf %gather3A_397, %get3A_18 : vector<16xf32>
        %add3A_463 = arith.addf %get3A_461, %mul3A_462 : vector<16xf32>
        %mul3A_464 = arith.mulf %gather3A_401, %get3A_42 : vector<16xf32>
        %add3A_465 = arith.addf %add3A_463, %mul3A_464 : vector<16xf32>
        %swap3A_466 = arith.index_cast %add3A_405 : i32 to index
        %swap3A_467 = arith.constant 64 : index
        %swap3A_468 = tpu.vector_load %arg13[%swap3A_466, %swap3A_467] {strides = array<i32>} : memref<128x128xf32, #tpu.memory_space<vmem>>, vector<1x16xf32>,
        %swap3A_469 = vector.shape_cast %swap3A_468 : vector<1x16xf32> to vector<16xf32>
        %swap3A_470 = vector.shape_cast %add3A_465 : vector<16xf32> to vector<1x16xf32>
        tpu.vector_store %arg13[%swap3A_466, %swap3A_467], %swap3A_470 {strides = array<i32>} : memref<128x128xf32, #tpu.memory_space<vmem>>, vector<1x16xf32>,
        %get3A_471 = arith.index_cast %add3A_405 : i32 to index
        %get3A_472 = arith.constant 80 : index
        %get3A_473 = tpu.vector_load %arg15[%get3A_471, %get3A_472] {strides = array<i32>} : memref<128x128xf32, #tpu.memory_space<vmem>>, vector<1x16xf32>,
        %get3A_474 = vector.shape_cast %get3A_473 : vector<1x16xf32> to vector<16xf32>
        %mul3A_475 = arith.mulf %gather3A_397, %get3A_21 : vector<16xf32>
        %add3A_476 = arith.addf %get3A_474, %mul3A_475 : vector<16xf32>
        %mul3A_477 = arith.mulf %gather3A_401, %get3A_45 : vector<16xf32>
        %add3A_478 = arith.addf %add3A_476, %mul3A_477 : vector<16xf32>
        %swap3A_479 = arith.index_cast %add3A_405 : i32 to index
        %swap3A_480 = arith.constant 80 : index
        %swap3A_481 = tpu.vector_load %arg13[%swap3A_479, %swap3A_480] {strides = array<i32>} : memref<128x128xf32, #tpu.memory_space<vmem>>, vector<1x16xf32>,
        %swap3A_482 = vector.shape_cast %swap3A_481 : vector<1x16xf32> to vector<16xf32>
        %swap3A_483 = vector.shape_cast %add3A_478 : vector<16xf32> to vector<1x16xf32>
        tpu.vector_store %arg13[%swap3A_479, %swap3A_480], %swap3A_483 {strides = array<i32>} : memref<128x128xf32, #tpu.memory_space<vmem>>, vector<1x16xf32>,
        %get3A_484 = arith.index_cast %add3A_405 : i32 to index
        %get3A_485 = arith.constant 96 : index
        %get3A_486 = tpu.vector_load %arg15[%get3A_484, %get3A_485] {strides = array<i32>} : memref<128x128xf32, #tpu.memory_space<vmem>>, vector<1x16xf32>,
        %get3A_487 = vector.shape_cast %get3A_486 : vector<1x16xf32> to vector<16xf32>
        %mul3A_488 = arith.mulf %gather3A_397, %get3A_24 : vector<16xf32>
        %add3A_489 = arith.addf %get3A_487, %mul3A_488 : vector<16xf32>
        %mul3A_490 = arith.mulf %gather3A_401, %get3A_48 : vector<16xf32>
        %add3A_491 = arith.addf %add3A_489, %mul3A_490 : vector<16xf32>
        %swap3A_492 = arith.index_cast %add3A_405 : i32 to index
        %swap3A_493 = arith.constant 96 : index
        %swap3A_494 = tpu.vector_load %arg13[%swap3A_492, %swap3A_493] {strides = array<i32>} : memref<128x128xf32, #tpu.memory_space<vmem>>, vector<1x16xf32>,
        %swap3A_495 = vector.shape_cast %swap3A_494 : vector<1x16xf32> to vector<16xf32>
        %swap3A_496 = vector.shape_cast %add3A_491 : vector<16xf32> to vector<1x16xf32>
        tpu.vector_store %arg13[%swap3A_492, %swap3A_493], %swap3A_496 {strides = array<i32>} : memref<128x128xf32, #tpu.memory_space<vmem>>, vector<1x16xf32>,
        %get3A_497 = arith.index_cast %add3A_405 : i32 to index
        %get3A_498 = arith.constant 112 : index
        %get3A_499 = tpu.vector_load %arg15[%get3A_497, %get3A_498] {strides = array<i32>} : memref<128x128xf32, #tpu.memory_space<vmem>>, vector<1x16xf32>,
        %get3A_500 = vector.shape_cast %get3A_499 : vector<1x16xf32> to vector<16xf32>
        %mul3A_501 = arith.mulf %gather3A_397, %get3A_27 : vector<16xf32>
        %add3A_502 = arith.addf %get3A_500, %mul3A_501 : vector<16xf32>
        %mul3A_503 = arith.mulf %gather3A_401, %get3A_51 : vector<16xf32>
        %add3A_504 = arith.addf %add3A_502, %mul3A_503 : vector<16xf32>
        %swap3A_505 = arith.index_cast %add3A_405 : i32 to index
        %swap3A_506 = arith.constant 112 : index
        %swap3A_507 = tpu.vector_load %arg13[%swap3A_505, %swap3A_506] {strides = array<i32>} : memref<128x128xf32, #tpu.memory_space<vmem>>, vector<1x16xf32>,
        %swap3A_508 = vector.shape_cast %swap3A_507 : vector<1x16xf32> to vector<16xf32>
        %swap3A_509 = vector.shape_cast %add3A_504 : vector<16xf32> to vector<1x16xf32>
        tpu.vector_store %arg13[%swap3A_505, %swap3A_506], %swap3A_509 {strides = array<i32>} : memref<128x128xf32, #tpu.memory_space<vmem>>, vector<1x16xf32>,
        %broadcast_in_dim3A_510 = arith.constant 3 : i32
        %broadcast_in_dim3A_511 = vector.broadcast %broadcast_in_dim3A_510 : i32 to vector<16x1xi32>
        %gather3A_512 = vector.shape_cast %broadcast_in_dim3A_511 : vector<16x1xi32> to vector<16xi32>
        %gather3A_513 = tpu.dynamic_gather %get3A_161[%gather3A_512] in [0] : vector<16xf32>, vector<16xi32> -> vector<16xf32>
        %broadcast_in_dim3A_514 = arith.constant 3 : i32
        %broadcast_in_dim3A_515 = vector.broadcast %broadcast_in_dim3A_514 : i32 to vector<16x1xi32>
        %gather3A_516 = vector.shape_cast %broadcast_in_dim3A_515 : vector<16x1xi32> to vector<16xi32>
        %gather3A_517 = tpu.dynamic_gather %get3A_164[%gather3A_516] in [0] : vector<16xf32>, vector<16xi32> -> vector<16xf32>
        %mul3A_518 = arith.constant 16 : i32
        %mul3A_519 = arith.muli %scan3A_153, %mul3A_518 : i32
        %add3A_520 = arith.constant 3 : i32
        %add3A_521 = arith.addi %mul3A_519, %add3A_520 : i32
        %get3A_522 = arith.index_cast %add3A_521 : i32 to index
        %get3A_523 = arith.constant 0 : index
        %get3A_524 = tpu.vector_load %arg15[%get3A_522, %get3A_523] {strides = array<i32>} : memref<128x128xf32, #tpu.memory_space<vmem>>, vector<1x16xf32>,
        %get3A_525 = vector.shape_cast %get3A_524 : vector<1x16xf32> to vector<16xf32>
        %mul3A_526 = arith.mulf %gather3A_513, %get3A_6 : vector<16xf32>
        %add3A_527 = arith.addf %get3A_525, %mul3A_526 : vector<16xf32>
        %mul3A_528 = arith.mulf %gather3A_517, %get3A_30 : vector<16xf32>
        %add3A_529 = arith.addf %add3A_527, %mul3A_528 : vector<16xf32>
        %swap3A_530 = arith.index_cast %add3A_521 : i32 to index
        %swap3A_531 = arith.constant 0 : index
        %swap3A_532 = tpu.vector_load %arg13[%swap3A_530, %swap3A_531] {strides = array<i32>} : memref<128x128xf32, #tpu.memory_space<vmem>>, vector<1x16xf32>,
        %swap3A_533 = vector.shape_cast %swap3A_532 : vector<1x16xf32> to vector<16xf32>
        %swap3A_534 = vector.shape_cast %add3A_529 : vector<16xf32> to vector<1x16xf32>
        tpu.vector_store %arg13[%swap3A_530, %swap3A_531], %swap3A_534 {strides = array<i32>} : memref<128x128xf32, #tpu.memory_space<vmem>>, vector<1x16xf32>,
        %get3A_535 = arith.index_cast %add3A_521 : i32 to index
        %get3A_536 = arith.constant 16 : index
        %get3A_537 = tpu.vector_load %arg15[%get3A_535, %get3A_536] {strides = array<i32>} : memref<128x128xf32, #tpu.memory_space<vmem>>, vector<1x16xf32>,
        %get3A_538 = vector.shape_cast %get3A_537 : vector<1x16xf32> to vector<16xf32>
        %mul3A_539 = arith.mulf %gather3A_513, %get3A_9 : vector<16xf32>
        %add3A_540 = arith.addf %get3A_538, %mul3A_539 : vector<16xf32>
        %mul3A_541 = arith.mulf %gather3A_517, %get3A_33 : vector<16xf32>
        %add3A_542 = arith.addf %add3A_540, %mul3A_541 : vector<16xf32>
        %swap3A_543 = arith.index_cast %add3A_521 : i32 to index
        %swap3A_544 = arith.constant 16 : index
        %swap3A_545 = tpu.vector_load %arg13[%swap3A_543, %swap3A_544] {strides = array<i32>} : memref<128x128xf32, #tpu.memory_space<vmem>>, vector<1x16xf32>,
        %swap3A_546 = vector.shape_cast %swap3A_545 : vector<1x16xf32> to vector<16xf32>
        %swap3A_547 = vector.shape_cast %add3A_542 : vector<16xf32> to vector<1x16xf32>
        tpu.vector_store %arg13[%swap3A_543, %swap3A_544], %swap3A_547 {strides = array<i32>} : memref<128x128xf32, #tpu.memory_space<vmem>>, vector<1x16xf32>,
        %get3A_548 = arith.index_cast %add3A_521 : i32 to index
        %get3A_549 = arith.constant 32 : index
        %get3A_550 = tpu.vector_load %arg15[%get3A_548, %get3A_549] {strides = array<i32>} : memref<128x128xf32, #tpu.memory_space<vmem>>, vector<1x16xf32>,
        %get3A_551 = vector.shape_cast %get3A_550 : vector<1x16xf32> to vector<16xf32>
        %mul3A_552 = arith.mulf %gather3A_513, %get3A_12 : vector<16xf32>
        %add3A_553 = arith.addf %get3A_551, %mul3A_552 : vector<16xf32>
        %mul3A_554 = arith.mulf %gather3A_517, %get3A_36 : vector<16xf32>
        %add3A_555 = arith.addf %add3A_553, %mul3A_554 : vector<16xf32>
        %swap3A_556 = arith.index_cast %add3A_521 : i32 to index
        %swap3A_557 = arith.constant 32 : index
        %swap3A_558 = tpu.vector_load %arg13[%swap3A_556, %swap3A_557] {strides = array<i32>} : memref<128x128xf32, #tpu.memory_space<vmem>>, vector<1x16xf32>,
        %swap3A_559 = vector.shape_cast %swap3A_558 : vector<1x16xf32> to vector<16xf32>
        %swap3A_560 = vector.shape_cast %add3A_555 : vector<16xf32> to vector<1x16xf32>
        tpu.vector_store %arg13[%swap3A_556, %swap3A_557], %swap3A_560 {strides = array<i32>} : memref<128x128xf32, #tpu.memory_space<vmem>>, vector<1x16xf32>,
        %get3A_561 = arith.index_cast %add3A_521 : i32 to index
        %get3A_562 = arith.constant 48 : index
        %get3A_563 = tpu.vector_load %arg15[%get3A_561, %get3A_562] {strides = array<i32>} : memref<128x128xf32, #tpu.memory_space<vmem>>, vector<1x16xf32>,
        %get3A_564 = vector.shape_cast %get3A_563 : vector<1x16xf32> to vector<16xf32>
        %mul3A_565 = arith.mulf %gather3A_513, %get3A_15 : vector<16xf32>
        %add3A_566 = arith.addf %get3A_564, %mul3A_565 : vector<16xf32>
        %mul3A_567 = arith.mulf %gather3A_517, %get3A_39 : vector<16xf32>
        %add3A_568 = arith.addf %add3A_566, %mul3A_567 : vector<16xf32>
        %swap3A_569 = arith.index_cast %add3A_521 : i32 to index
        %swap3A_570 = arith.constant 48 : index
        %swap3A_571 = tpu.vector_load %arg13[%swap3A_569, %swap3A_570] {strides = array<i32>} : memref<128x128xf32, #tpu.memory_space<vmem>>, vector<1x16xf32>,
        %swap3A_572 = vector.shape_cast %swap3A_571 : vector<1x16xf32> to vector<16xf32>
        %swap3A_573 = vector.shape_cast %add3A_568 : vector<16xf32> to vector<1x16xf32>
        tpu.vector_store %arg13[%swap3A_569, %swap3A_570], %swap3A_573 {strides = array<i32>} : memref<128x128xf32, #tpu.memory_space<vmem>>, vector<1x16xf32>,
        %get3A_574 = arith.index_cast %add3A_521 : i32 to index
        %get3A_575 = arith.constant 64 : index
        %get3A_576 = tpu.vector_load %arg15[%get3A_574, %get3A_575] {strides = array<i32>} : memref<128x128xf32, #tpu.memory_space<vmem>>, vector<1x16xf32>,
        %get3A_577 = vector.shape_cast %get3A_576 : vector<1x16xf32> to vector<16xf32>
        %mul3A_578 = arith.mulf %gather3A_513, %get3A_18 : vector<16xf32>
        %add3A_579 = arith.addf %get3A_577, %mul3A_578 : vector<16xf32>
        %mul3A_580 = arith.mulf %gather3A_517, %get3A_42 : vector<16xf32>
        %add3A_581 = arith.addf %add3A_579, %mul3A_580 : vector<16xf32>
        %swap3A_582 = arith.index_cast %add3A_521 : i32 to index
        %swap3A_583 = arith.constant 64 : index
        %swap3A_584 = tpu.vector_load %arg13[%swap3A_582, %swap3A_583] {strides = array<i32>} : memref<128x128xf32, #tpu.memory_space<vmem>>, vector<1x16xf32>,
        %swap3A_585 = vector.shape_cast %swap3A_584 : vector<1x16xf32> to vector<16xf32>
        %swap3A_586 = vector.shape_cast %add3A_581 : vector<16xf32> to vector<1x16xf32>
        tpu.vector_store %arg13[%swap3A_582, %swap3A_583], %swap3A_586 {strides = array<i32>} : memref<128x128xf32, #tpu.memory_space<vmem>>, vector<1x16xf32>,
        %get3A_587 = arith.index_cast %add3A_521 : i32 to index
        %get3A_588 = arith.constant 80 : index
        %get3A_589 = tpu.vector_load %arg15[%get3A_587, %get3A_588] {strides = array<i32>} : memref<128x128xf32, #tpu.memory_space<vmem>>, vector<1x16xf32>,
        %get3A_590 = vector.shape_cast %get3A_589 : vector<1x16xf32> to vector<16xf32>
        %mul3A_591 = arith.mulf %gather3A_513, %get3A_21 : vector<16xf32>
        %add3A_592 = arith.addf %get3A_590, %mul3A_591 : vector<16xf32>
        %mul3A_593 = arith.mulf %gather3A_517, %get3A_45 : vector<16xf32>
        %add3A_594 = arith.addf %add3A_592, %mul3A_593 : vector<16xf32>
        %swap3A_595 = arith.index_cast %add3A_521 : i32 to index
        %swap3A_596 = arith.constant 80 : index
        %swap3A_597 = tpu.vector_load %arg13[%swap3A_595, %swap3A_596] {strides = array<i32>} : memref<128x128xf32, #tpu.memory_space<vmem>>, vector<1x16xf32>,
        %swap3A_598 = vector.shape_cast %swap3A_597 : vector<1x16xf32> to vector<16xf32>
        %swap3A_599 = vector.shape_cast %add3A_594 : vector<16xf32> to vector<1x16xf32>
        tpu.vector_store %arg13[%swap3A_595, %swap3A_596], %swap3A_599 {strides = array<i32>} : memref<128x128xf32, #tpu.memory_space<vmem>>, vector<1x16xf32>,
        %get3A_600 = arith.index_cast %add3A_521 : i32 to index
        %get3A_601 = arith.constant 96 : index
        %get3A_602 = tpu.vector_load %arg15[%get3A_600, %get3A_601] {strides = array<i32>} : memref<128x128xf32, #tpu.memory_space<vmem>>, vector<1x16xf32>,
        %get3A_603 = vector.shape_cast %get3A_602 : vector<1x16xf32> to vector<16xf32>
        %mul3A_604 = arith.mulf %gather3A_513, %get3A_24 : vector<16xf32>
        %add3A_605 = arith.addf %get3A_603, %mul3A_604 : vector<16xf32>
        %mul3A_606 = arith.mulf %gather3A_517, %get3A_48 : vector<16xf32>
        %add3A_607 = arith.addf %add3A_605, %mul3A_606 : vector<16xf32>
        %swap3A_608 = arith.index_cast %add3A_521 : i32 to index
        %swap3A_609 = arith.constant 96 : index
        %swap3A_610 = tpu.vector_load %arg13[%swap3A_608, %swap3A_609] {strides = array<i32>} : memref<128x128xf32, #tpu.memory_space<vmem>>, vector<1x16xf32>,
        %swap3A_611 = vector.shape_cast %swap3A_610 : vector<1x16xf32> to vector<16xf32>
        %swap3A_612 = vector.shape_cast %add3A_607 : vector<16xf32> to vector<1x16xf32>
        tpu.vector_store %arg13[%swap3A_608, %swap3A_609], %swap3A_612 {strides = array<i32>} : memref<128x128xf32, #tpu.memory_space<vmem>>, vector<1x16xf32>,
        %get3A_613 = arith.index_cast %add3A_521 : i32 to index
        %get3A_614 = arith.constant 112 : index
        %get3A_615 = tpu.vector_load %arg15[%get3A_613, %get3A_614] {strides = array<i32>} : memref<128x128xf32, #tpu.memory_space<vmem>>, vector<1x16xf32>,
        %get3A_616 = vector.shape_cast %get3A_615 : vector<1x16xf32> to vector<16xf32>
        %mul3A_617 = arith.mulf %gather3A_513, %get3A_27 : vector<16xf32>
        %add3A_618 = arith.addf %get3A_616, %mul3A_617 : vector<16xf32>
        %mul3A_619 = arith.mulf %gather3A_517, %get3A_51 : vector<16xf32>
        %add3A_620 = arith.addf %add3A_618, %mul3A_619 : vector<16xf32>
        %swap3A_621 = arith.index_cast %add3A_521 : i32 to index
        %swap3A_622 = arith.constant 112 : index
        %swap3A_623 = tpu.vector_load %arg13[%swap3A_621, %swap3A_622] {strides = array<i32>} : memref<128x128xf32, #tpu.memory_space<vmem>>, vector<1x16xf32>,
        %swap3A_624 = vector.shape_cast %swap3A_623 : vector<1x16xf32> to vector<16xf32>
        %swap3A_625 = vector.shape_cast %add3A_620 : vector<16xf32> to vector<1x16xf32>
        tpu.vector_store %arg13[%swap3A_621, %swap3A_622], %swap3A_625 {strides = array<i32>} : memref<128x128xf32, #tpu.memory_space<vmem>>, vector<1x16xf32>,
        %broadcast_in_dim3A_626 = arith.constant 4 : i32
        %broadcast_in_dim3A_627 = vector.broadcast %broadcast_in_dim3A_626 : i32 to vector<16x1xi32>
        %gather3A_628 = vector.shape_cast %broadcast_in_dim3A_627 : vector<16x1xi32> to vector<16xi32>
        %gather3A_629 = tpu.dynamic_gather %get3A_161[%gather3A_628] in [0] : vector<16xf32>, vector<16xi32> -> vector<16xf32>
        %broadcast_in_dim3A_630 = arith.constant 4 : i32
        %broadcast_in_dim3A_631 = vector.broadcast %broadcast_in_dim3A_630 : i32 to vector<16x1xi32>
        %gather3A_632 = vector.shape_cast %broadcast_in_dim3A_631 : vector<16x1xi32> to vector<16xi32>
        %gather3A_633 = tpu.dynamic_gather %get3A_164[%gather3A_632] in [0] : vector<16xf32>, vector<16xi32> -> vector<16xf32>
        %mul3A_634 = arith.constant 16 : i32
        %mul3A_635 = arith.muli %scan3A_153, %mul3A_634 : i32
        %add3A_636 = arith.constant 4 : i32
        %add3A_637 = arith.addi %mul3A_635, %add3A_636 : i32
        %get3A_638 = arith.index_cast %add3A_637 : i32 to index
        %get3A_639 = arith.constant 0 : index
        %get3A_640 = tpu.vector_load %arg15[%get3A_638, %get3A_639] {strides = array<i32>} : memref<128x128xf32, #tpu.memory_space<vmem>>, vector<1x16xf32>,
        %get3A_641 = vector.shape_cast %get3A_640 : vector<1x16xf32> to vector<16xf32>
        %mul3A_642 = arith.mulf %gather3A_629, %get3A_6 : vector<16xf32>
        %add3A_643 = arith.addf %get3A_641, %mul3A_642 : vector<16xf32>
        %mul3A_644 = arith.mulf %gather3A_633, %get3A_30 : vector<16xf32>
        %add3A_645 = arith.addf %add3A_643, %mul3A_644 : vector<16xf32>
        %swap3A_646 = arith.index_cast %add3A_637 : i32 to index
        %swap3A_647 = arith.constant 0 : index
        %swap3A_648 = tpu.vector_load %arg13[%swap3A_646, %swap3A_647] {strides = array<i32>} : memref<128x128xf32, #tpu.memory_space<vmem>>, vector<1x16xf32>,
        %swap3A_649 = vector.shape_cast %swap3A_648 : vector<1x16xf32> to vector<16xf32>
        %swap3A_650 = vector.shape_cast %add3A_645 : vector<16xf32> to vector<1x16xf32>
        tpu.vector_store %arg13[%swap3A_646, %swap3A_647], %swap3A_650 {strides = array<i32>} : memref<128x128xf32, #tpu.memory_space<vmem>>, vector<1x16xf32>,
        %get3A_651 = arith.index_cast %add3A_637 : i32 to index
        %get3A_652 = arith.constant 16 : index
        %get3A_653 = tpu.vector_load %arg15[%get3A_651, %get3A_652] {strides = array<i32>} : memref<128x128xf32, #tpu.memory_space<vmem>>, vector<1x16xf32>,
        %get3A_654 = vector.shape_cast %get3A_653 : vector<1x16xf32> to vector<16xf32>
        %mul3A_655 = arith.mulf %gather3A_629, %get3A_9 : vector<16xf32>
        %add3A_656 = arith.addf %get3A_654, %mul3A_655 : vector<16xf32>
        %mul3A_657 = arith.mulf %gather3A_633, %get3A_33 : vector<16xf32>
        %add3A_658 = arith.addf %add3A_656, %mul3A_657 : vector<16xf32>
        %swap3A_659 = arith.index_cast %add3A_637 : i32 to index
        %swap3A_660 = arith.constant 16 : index
        %swap3A_661 = tpu.vector_load %arg13[%swap3A_659, %swap3A_660] {strides = array<i32>} : memref<128x128xf32, #tpu.memory_space<vmem>>, vector<1x16xf32>,
        %swap3A_662 = vector.shape_cast %swap3A_661 : vector<1x16xf32> to vector<16xf32>
        %swap3A_663 = vector.shape_cast %add3A_658 : vector<16xf32> to vector<1x16xf32>
        tpu.vector_store %arg13[%swap3A_659, %swap3A_660], %swap3A_663 {strides = array<i32>} : memref<128x128xf32, #tpu.memory_space<vmem>>, vector<1x16xf32>,
        %get3A_664 = arith.index_cast %add3A_637 : i32 to index
        %get3A_665 = arith.constant 32 : index
        %get3A_666 = tpu.vector_load %arg15[%get3A_664, %get3A_665] {strides = array<i32>} : memref<128x128xf32, #tpu.memory_space<vmem>>, vector<1x16xf32>,
        %get3A_667 = vector.shape_cast %get3A_666 : vector<1x16xf32> to vector<16xf32>
        %mul3A_668 = arith.mulf %gather3A_629, %get3A_12 : vector<16xf32>
        %add3A_669 = arith.addf %get3A_667, %mul3A_668 : vector<16xf32>
        %mul3A_670 = arith.mulf %gather3A_633, %get3A_36 : vector<16xf32>
        %add3A_671 = arith.addf %add3A_669, %mul3A_670 : vector<16xf32>
        %swap3A_672 = arith.index_cast %add3A_637 : i32 to index
        %swap3A_673 = arith.constant 32 : index
        %swap3A_674 = tpu.vector_load %arg13[%swap3A_672, %swap3A_673] {strides = array<i32>} : memref<128x128xf32, #tpu.memory_space<vmem>>, vector<1x16xf32>,
        %swap3A_675 = vector.shape_cast %swap3A_674 : vector<1x16xf32> to vector<16xf32>
        %swap3A_676 = vector.shape_cast %add3A_671 : vector<16xf32> to vector<1x16xf32>
        tpu.vector_store %arg13[%swap3A_672, %swap3A_673], %swap3A_676 {strides = array<i32>} : memref<128x128xf32, #tpu.memory_space<vmem>>, vector<1x16xf32>,
        %get3A_677 = arith.index_cast %add3A_637 : i32 to index
        %get3A_678 = arith.constant 48 : index
        %get3A_679 = tpu.vector_load %arg15[%get3A_677, %get3A_678] {strides = array<i32>} : memref<128x128xf32, #tpu.memory_space<vmem>>, vector<1x16xf32>,
        %get3A_680 = vector.shape_cast %get3A_679 : vector<1x16xf32> to vector<16xf32>
        %mul3A_681 = arith.mulf %gather3A_629, %get3A_15 : vector<16xf32>
        %add3A_682 = arith.addf %get3A_680, %mul3A_681 : vector<16xf32>
        %mul3A_683 = arith.mulf %gather3A_633, %get3A_39 : vector<16xf32>
        %add3A_684 = arith.addf %add3A_682, %mul3A_683 : vector<16xf32>
        %swap3A_685 = arith.index_cast %add3A_637 : i32 to index
        %swap3A_686 = arith.constant 48 : index
        %swap3A_687 = tpu.vector_load %arg13[%swap3A_685, %swap3A_686] {strides = array<i32>} : memref<128x128xf32, #tpu.memory_space<vmem>>, vector<1x16xf32>,
        %swap3A_688 = vector.shape_cast %swap3A_687 : vector<1x16xf32> to vector<16xf32>
        %swap3A_689 = vector.shape_cast %add3A_684 : vector<16xf32> to vector<1x16xf32>
        tpu.vector_store %arg13[%swap3A_685, %swap3A_686], %swap3A_689 {strides = array<i32>} : memref<128x128xf32, #tpu.memory_space<vmem>>, vector<1x16xf32>,
        %get3A_690 = arith.index_cast %add3A_637 : i32 to index
        %get3A_691 = arith.constant 64 : index
        %get3A_692 = tpu.vector_load %arg15[%get3A_690, %get3A_691] {strides = array<i32>} : memref<128x128xf32, #tpu.memory_space<vmem>>, vector<1x16xf32>,
        %get3A_693 = vector.shape_cast %get3A_692 : vector<1x16xf32> to vector<16xf32>
        %mul3A_694 = arith.mulf %gather3A_629, %get3A_18 : vector<16xf32>
        %add3A_695 = arith.addf %get3A_693, %mul3A_694 : vector<16xf32>
        %mul3A_696 = arith.mulf %gather3A_633, %get3A_42 : vector<16xf32>
        %add3A_697 = arith.addf %add3A_695, %mul3A_696 : vector<16xf32>
        %swap3A_698 = arith.index_cast %add3A_637 : i32 to index
        %swap3A_699 = arith.constant 64 : index
        %swap3A_700 = tpu.vector_load %arg13[%swap3A_698, %swap3A_699] {strides = array<i32>} : memref<128x128xf32, #tpu.memory_space<vmem>>, vector<1x16xf32>,
        %swap3A_701 = vector.shape_cast %swap3A_700 : vector<1x16xf32> to vector<16xf32>
        %swap3A_702 = vector.shape_cast %add3A_697 : vector<16xf32> to vector<1x16xf32>
        tpu.vector_store %arg13[%swap3A_698, %swap3A_699], %swap3A_702 {strides = array<i32>} : memref<128x128xf32, #tpu.memory_space<vmem>>, vector<1x16xf32>,
        %get3A_703 = arith.index_cast %add3A_637 : i32 to index
        %get3A_704 = arith.constant 80 : index
        %get3A_705 = tpu.vector_load %arg15[%get3A_703, %get3A_704] {strides = array<i32>} : memref<128x128xf32, #tpu.memory_space<vmem>>, vector<1x16xf32>,
        %get3A_706 = vector.shape_cast %get3A_705 : vector<1x16xf32> to vector<16xf32>
        %mul3A_707 = arith.mulf %gather3A_629, %get3A_21 : vector<16xf32>
        %add3A_708 = arith.addf %get3A_706, %mul3A_707 : vector<16xf32>
        %mul3A_709 = arith.mulf %gather3A_633, %get3A_45 : vector<16xf32>
        %add3A_710 = arith.addf %add3A_708, %mul3A_709 : vector<16xf32>
        %swap3A_711 = arith.index_cast %add3A_637 : i32 to index
        %swap3A_712 = arith.constant 80 : index
        %swap3A_713 = tpu.vector_load %arg13[%swap3A_711, %swap3A_712] {strides = array<i32>} : memref<128x128xf32, #tpu.memory_space<vmem>>, vector<1x16xf32>,
        %swap3A_714 = vector.shape_cast %swap3A_713 : vector<1x16xf32> to vector<16xf32>
        %swap3A_715 = vector.shape_cast %add3A_710 : vector<16xf32> to vector<1x16xf32>
        tpu.vector_store %arg13[%swap3A_711, %swap3A_712], %swap3A_715 {strides = array<i32>} : memref<128x128xf32, #tpu.memory_space<vmem>>, vector<1x16xf32>,
        %get3A_716 = arith.index_cast %add3A_637 : i32 to index
        %get3A_717 = arith.constant 96 : index
        %get3A_718 = tpu.vector_load %arg15[%get3A_716, %get3A_717] {strides = array<i32>} : memref<128x128xf32, #tpu.memory_space<vmem>>, vector<1x16xf32>,
        %get3A_719 = vector.shape_cast %get3A_718 : vector<1x16xf32> to vector<16xf32>
        %mul3A_720 = arith.mulf %gather3A_629, %get3A_24 : vector<16xf32>
        %add3A_721 = arith.addf %get3A_719, %mul3A_720 : vector<16xf32>
        %mul3A_722 = arith.mulf %gather3A_633, %get3A_48 : vector<16xf32>
        %add3A_723 = arith.addf %add3A_721, %mul3A_722 : vector<16xf32>
        %swap3A_724 = arith.index_cast %add3A_637 : i32 to index
        %swap3A_725 = arith.constant 96 : index
        %swap3A_726 = tpu.vector_load %arg13[%swap3A_724, %swap3A_725] {strides = array<i32>} : memref<128x128xf32, #tpu.memory_space<vmem>>, vector<1x16xf32>,
        %swap3A_727 = vector.shape_cast %swap3A_726 : vector<1x16xf32> to vector<16xf32>
        %swap3A_728 = vector.shape_cast %add3A_723 : vector<16xf32> to vector<1x16xf32>
        tpu.vector_store %arg13[%swap3A_724, %swap3A_725], %swap3A_728 {strides = array<i32>} : memref<128x128xf32, #tpu.memory_space<vmem>>, vector<1x16xf32>,
        %get3A_729 = arith.index_cast %add3A_637 : i32 to index
        %get3A_730 = arith.constant 112 : index
        %get3A_731 = tpu.vector_load %arg15[%get3A_729, %get3A_730] {strides = array<i32>} : memref<128x128xf32, #tpu.memory_space<vmem>>, vector<1x16xf32>,
        %get3A_732 = vector.shape_cast %get3A_731 : vector<1x16xf32> to vector<16xf32>
        %mul3A_733 = arith.mulf %gather3A_629, %get3A_27 : vector<16xf32>
        %add3A_734 = arith.addf %get3A_732, %mul3A_733 : vector<16xf32>
        %mul3A_735 = arith.mulf %gather3A_633, %get3A_51 : vector<16xf32>
        %add3A_736 = arith.addf %add3A_734, %mul3A_735 : vector<16xf32>
        %swap3A_737 = arith.index_cast %add3A_637 : i32 to index
        %swap3A_738 = arith.constant 112 : index
        %swap3A_739 = tpu.vector_load %arg13[%swap3A_737, %swap3A_738] {strides = array<i32>} : memref<128x128xf32, #tpu.memory_space<vmem>>, vector<1x16xf32>,
        %swap3A_740 = vector.shape_cast %swap3A_739 : vector<1x16xf32> to vector<16xf32>
        %swap3A_741 = vector.shape_cast %add3A_736 : vector<16xf32> to vector<1x16xf32>
        tpu.vector_store %arg13[%swap3A_737, %swap3A_738], %swap3A_741 {strides = array<i32>} : memref<128x128xf32, #tpu.memory_space<vmem>>, vector<1x16xf32>,
        %broadcast_in_dim3A_742 = arith.constant 5 : i32
        %broadcast_in_dim3A_743 = vector.broadcast %broadcast_in_dim3A_742 : i32 to vector<16x1xi32>
        %gather3A_744 = vector.shape_cast %broadcast_in_dim3A_743 : vector<16x1xi32> to vector<16xi32>
        %gather3A_745 = tpu.dynamic_gather %get3A_161[%gather3A_744] in [0] : vector<16xf32>, vector<16xi32> -> vector<16xf32>
        %broadcast_in_dim3A_746 = arith.constant 5 : i32
        %broadcast_in_dim3A_747 = vector.broadcast %broadcast_in_dim3A_746 : i32 to vector<16x1xi32>
        %gather3A_748 = vector.shape_cast %broadcast_in_dim3A_747 : vector<16x1xi32> to vector<16xi32>
        %gather3A_749 = tpu.dynamic_gather %get3A_164[%gather3A_748] in [0] : vector<16xf32>, vector<16xi32> -> vector<16xf32>
        %mul3A_750 = arith.constant 16 : i32
        %mul3A_751 = arith.muli %scan3A_153, %mul3A_750 : i32
        %add3A_752 = arith.constant 5 : i32
        %add3A_753 = arith.addi %mul3A_751, %add3A_752 : i32
        %get3A_754 = arith.index_cast %add3A_753 : i32 to index
        %get3A_755 = arith.constant 0 : index
        %get3A_756 = tpu.vector_load %arg15[%get3A_754, %get3A_755] {strides = array<i32>} : memref<128x128xf32, #tpu.memory_space<vmem>>, vector<1x16xf32>,
        %get3A_757 = vector.shape_cast %get3A_756 : vector<1x16xf32> to vector<16xf32>
        %mul3A_758 = arith.mulf %gather3A_745, %get3A_6 : vector<16xf32>
        %add3A_759 = arith.addf %get3A_757, %mul3A_758 : vector<16xf32>
        %mul3A_760 = arith.mulf %gather3A_749, %get3A_30 : vector<16xf32>
        %add3A_761 = arith.addf %add3A_759, %mul3A_760 : vector<16xf32>
        %swap3A_762 = arith.index_cast %add3A_753 : i32 to index
        %swap3A_763 = arith.constant 0 : index
        %swap3A_764 = tpu.vector_load %arg13[%swap3A_762, %swap3A_763] {strides = array<i32>} : memref<128x128xf32, #tpu.memory_space<vmem>>, vector<1x16xf32>,
        %swap3A_765 = vector.shape_cast %swap3A_764 : vector<1x16xf32> to vector<16xf32>
        %swap3A_766 = vector.shape_cast %add3A_761 : vector<16xf32> to vector<1x16xf32>
        tpu.vector_store %arg13[%swap3A_762, %swap3A_763], %swap3A_766 {strides = array<i32>} : memref<128x128xf32, #tpu.memory_space<vmem>>, vector<1x16xf32>,
        %get3A_767 = arith.index_cast %add3A_753 : i32 to index
        %get3A_768 = arith.constant 16 : index
        %get3A_769 = tpu.vector_load %arg15[%get3A_767, %get3A_768] {strides = array<i32>} : memref<128x128xf32, #tpu.memory_space<vmem>>, vector<1x16xf32>,
        %get3A_770 = vector.shape_cast %get3A_769 : vector<1x16xf32> to vector<16xf32>
        %mul3A_771 = arith.mulf %gather3A_745, %get3A_9 : vector<16xf32>
        %add3A_772 = arith.addf %get3A_770, %mul3A_771 : vector<16xf32>
        %mul3A_773 = arith.mulf %gather3A_749, %get3A_33 : vector<16xf32>
        %add3A_774 = arith.addf %add3A_772, %mul3A_773 : vector<16xf32>
        %swap3A_775 = arith.index_cast %add3A_753 : i32 to index
        %swap3A_776 = arith.constant 16 : index
        %swap3A_777 = tpu.vector_load %arg13[%swap3A_775, %swap3A_776] {strides = array<i32>} : memref<128x128xf32, #tpu.memory_space<vmem>>, vector<1x16xf32>,
        %swap3A_778 = vector.shape_cast %swap3A_777 : vector<1x16xf32> to vector<16xf32>
        %swap3A_779 = vector.shape_cast %add3A_774 : vector<16xf32> to vector<1x16xf32>
        tpu.vector_store %arg13[%swap3A_775, %swap3A_776], %swap3A_779 {strides = array<i32>} : memref<128x128xf32, #tpu.memory_space<vmem>>, vector<1x16xf32>,
        %get3A_780 = arith.index_cast %add3A_753 : i32 to index
        %get3A_781 = arith.constant 32 : index
        %get3A_782 = tpu.vector_load %arg15[%get3A_780, %get3A_781] {strides = array<i32>} : memref<128x128xf32, #tpu.memory_space<vmem>>, vector<1x16xf32>,
        %get3A_783 = vector.shape_cast %get3A_782 : vector<1x16xf32> to vector<16xf32>
        %mul3A_784 = arith.mulf %gather3A_745, %get3A_12 : vector<16xf32>
        %add3A_785 = arith.addf %get3A_783, %mul3A_784 : vector<16xf32>
        %mul3A_786 = arith.mulf %gather3A_749, %get3A_36 : vector<16xf32>
        %add3A_787 = arith.addf %add3A_785, %mul3A_786 : vector<16xf32>
        %swap3A_788 = arith.index_cast %add3A_753 : i32 to index
        %swap3A_789 = arith.constant 32 : index
        %swap3A_790 = tpu.vector_load %arg13[%swap3A_788, %swap3A_789] {strides = array<i32>} : memref<128x128xf32, #tpu.memory_space<vmem>>, vector<1x16xf32>,
        %swap3A_791 = vector.shape_cast %swap3A_790 : vector<1x16xf32> to vector<16xf32>
        %swap3A_792 = vector.shape_cast %add3A_787 : vector<16xf32> to vector<1x16xf32>
        tpu.vector_store %arg13[%swap3A_788, %swap3A_789], %swap3A_792 {strides = array<i32>} : memref<128x128xf32, #tpu.memory_space<vmem>>, vector<1x16xf32>,
        %get3A_793 = arith.index_cast %add3A_753 : i32 to index
        %get3A_794 = arith.constant 48 : index
        %get3A_795 = tpu.vector_load %arg15[%get3A_793, %get3A_794] {strides = array<i32>} : memref<128x128xf32, #tpu.memory_space<vmem>>, vector<1x16xf32>,
        %get3A_796 = vector.shape_cast %get3A_795 : vector<1x16xf32> to vector<16xf32>
        %mul3A_797 = arith.mulf %gather3A_745, %get3A_15 : vector<16xf32>
        %add3A_798 = arith.addf %get3A_796, %mul3A_797 : vector<16xf32>
        %mul3A_799 = arith.mulf %gather3A_749, %get3A_39 : vector<16xf32>
        %add3A_800 = arith.addf %add3A_798, %mul3A_799 : vector<16xf32>
        %swap3A_801 = arith.index_cast %add3A_753 : i32 to index
        %swap3A_802 = arith.constant 48 : index
        %swap3A_803 = tpu.vector_load %arg13[%swap3A_801, %swap3A_802] {strides = array<i32>} : memref<128x128xf32, #tpu.memory_space<vmem>>, vector<1x16xf32>,
        %swap3A_804 = vector.shape_cast %swap3A_803 : vector<1x16xf32> to vector<16xf32>
        %swap3A_805 = vector.shape_cast %add3A_800 : vector<16xf32> to vector<1x16xf32>
        tpu.vector_store %arg13[%swap3A_801, %swap3A_802], %swap3A_805 {strides = array<i32>} : memref<128x128xf32, #tpu.memory_space<vmem>>, vector<1x16xf32>,
        %get3A_806 = arith.index_cast %add3A_753 : i32 to index
        %get3A_807 = arith.constant 64 : index
        %get3A_808 = tpu.vector_load %arg15[%get3A_806, %get3A_807] {strides = array<i32>} : memref<128x128xf32, #tpu.memory_space<vmem>>, vector<1x16xf32>,
        %get3A_809 = vector.shape_cast %get3A_808 : vector<1x16xf32> to vector<16xf32>
        %mul3A_810 = arith.mulf %gather3A_745, %get3A_18 : vector<16xf32>
        %add3A_811 = arith.addf %get3A_809, %mul3A_810 : vector<16xf32>
        %mul3A_812 = arith.mulf %gather3A_749, %get3A_42 : vector<16xf32>
        %add3A_813 = arith.addf %add3A_811, %mul3A_812 : vector<16xf32>
        %swap3A_814 = arith.index_cast %add3A_753 : i32 to index
        %swap3A_815 = arith.constant 64 : index
        %swap3A_816 = tpu.vector_load %arg13[%swap3A_814, %swap3A_815] {strides = array<i32>} : memref<128x128xf32, #tpu.memory_space<vmem>>, vector<1x16xf32>,
        %swap3A_817 = vector.shape_cast %swap3A_816 : vector<1x16xf32> to vector<16xf32>
        %swap3A_818 = vector.shape_cast %add3A_813 : vector<16xf32> to vector<1x16xf32>
        tpu.vector_store %arg13[%swap3A_814, %swap3A_815], %swap3A_818 {strides = array<i32>} : memref<128x128xf32, #tpu.memory_space<vmem>>, vector<1x16xf32>,
        %get3A_819 = arith.index_cast %add3A_753 : i32 to index
        %get3A_820 = arith.constant 80 : index
        %get3A_821 = tpu.vector_load %arg15[%get3A_819, %get3A_820] {strides = array<i32>} : memref<128x128xf32, #tpu.memory_space<vmem>>, vector<1x16xf32>,
        %get3A_822 = vector.shape_cast %get3A_821 : vector<1x16xf32> to vector<16xf32>
        %mul3A_823 = arith.mulf %gather3A_745, %get3A_21 : vector<16xf32>
        %add3A_824 = arith.addf %get3A_822, %mul3A_823 : vector<16xf32>
        %mul3A_825 = arith.mulf %gather3A_749, %get3A_45 : vector<16xf32>
        %add3A_826 = arith.addf %add3A_824, %mul3A_825 : vector<16xf32>
        %swap3A_827 = arith.index_cast %add3A_753 : i32 to index
        %swap3A_828 = arith.constant 80 : index
        %swap3A_829 = tpu.vector_load %arg13[%swap3A_827, %swap3A_828] {strides = array<i32>} : memref<128x128xf32, #tpu.memory_space<vmem>>, vector<1x16xf32>,
        %swap3A_830 = vector.shape_cast %swap3A_829 : vector<1x16xf32> to vector<16xf32>
        %swap3A_831 = vector.shape_cast %add3A_826 : vector<16xf32> to vector<1x16xf32>
        tpu.vector_store %arg13[%swap3A_827, %swap3A_828], %swap3A_831 {strides = array<i32>} : memref<128x128xf32, #tpu.memory_space<vmem>>, vector<1x16xf32>,
        %get3A_832 = arith.index_cast %add3A_753 : i32 to index
        %get3A_833 = arith.constant 96 : index
        %get3A_834 = tpu.vector_load %arg15[%get3A_832, %get3A_833] {strides = array<i32>} : memref<128x128xf32, #tpu.memory_space<vmem>>, vector<1x16xf32>,
        %get3A_835 = vector.shape_cast %get3A_834 : vector<1x16xf32> to vector<16xf32>
        %mul3A_836 = arith.mulf %gather3A_745, %get3A_24 : vector<16xf32>
        %add3A_837 = arith.addf %get3A_835, %mul3A_836 : vector<16xf32>
        %mul3A_838 = arith.mulf %gather3A_749, %get3A_48 : vector<16xf32>
        %add3A_839 = arith.addf %add3A_837, %mul3A_838 : vector<16xf32>
        %swap3A_840 = arith.index_cast %add3A_753 : i32 to index
        %swap3A_841 = arith.constant 96 : index
        %swap3A_842 = tpu.vector_load %arg13[%swap3A_840, %swap3A_841] {strides = array<i32>} : memref<128x128xf32, #tpu.memory_space<vmem>>, vector<1x16xf32>,
        %swap3A_843 = vector.shape_cast %swap3A_842 : vector<1x16xf32> to vector<16xf32>
        %swap3A_844 = vector.shape_cast %add3A_839 : vector<16xf32> to vector<1x16xf32>
        tpu.vector_store %arg13[%swap3A_840, %swap3A_841], %swap3A_844 {strides = array<i32>} : memref<128x128xf32, #tpu.memory_space<vmem>>, vector<1x16xf32>,
        %get3A_845 = arith.index_cast %add3A_753 : i32 to index
        %get3A_846 = arith.constant 112 : index
        %get3A_847 = tpu.vector_load %arg15[%get3A_845, %get3A_846] {strides = array<i32>} : memref<128x128xf32, #tpu.memory_space<vmem>>, vector<1x16xf32>,
        %get3A_848 = vector.shape_cast %get3A_847 : vector<1x16xf32> to vector<16xf32>
        %mul3A_849 = arith.mulf %gather3A_745, %get3A_27 : vector<16xf32>
        %add3A_850 = arith.addf %get3A_848, %mul3A_849 : vector<16xf32>
        %mul3A_851 = arith.mulf %gather3A_749, %get3A_51 : vector<16xf32>
        %add3A_852 = arith.addf %add3A_850, %mul3A_851 : vector<16xf32>
        %swap3A_853 = arith.index_cast %add3A_753 : i32 to index
        %swap3A_854 = arith.constant 112 : index
        %swap3A_855 = tpu.vector_load %arg13[%swap3A_853, %swap3A_854] {strides = array<i32>} : memref<128x128xf32, #tpu.memory_space<vmem>>, vector<1x16xf32>,
        %swap3A_856 = vector.shape_cast %swap3A_855 : vector<1x16xf32> to vector<16xf32>
        %swap3A_857 = vector.shape_cast %add3A_852 : vector<16xf32> to vector<1x16xf32>
        tpu.vector_store %arg13[%swap3A_853, %swap3A_854], %swap3A_857 {strides = array<i32>} : memref<128x128xf32, #tpu.memory_space<vmem>>, vector<1x16xf32>,
        %broadcast_in_dim3A_858 = arith.constant 6 : i32
        %broadcast_in_dim3A_859 = vector.broadcast %broadcast_in_dim3A_858 : i32 to vector<16x1xi32>
        %gather3A_860 = vector.shape_cast %broadcast_in_dim3A_859 : vector<16x1xi32> to vector<16xi32>
        %gather3A_861 = tpu.dynamic_gather %get3A_161[%gather3A_860] in [0] : vector<16xf32>, vector<16xi32> -> vector<16xf32>
        %broadcast_in_dim3A_862 = arith.constant 6 : i32
        %broadcast_in_dim3A_863 = vector.broadcast %broadcast_in_dim3A_862 : i32 to vector<16x1xi32>
        %gather3A_864 = vector.shape_cast %broadcast_in_dim3A_863 : vector<16x1xi32> to vector<16xi32>
        %gather3A_865 = tpu.dynamic_gather %get3A_164[%gather3A_864] in [0] : vector<16xf32>, vector<16xi32> -> vector<16xf32>
        %mul3A_866 = arith.constant 16 : i32
        %mul3A_867 = arith.muli %scan3A_153, %mul3A_866 : i32
        %add3A_868 = arith.constant 6 : i32
        %add3A_869 = arith.addi %mul3A_867, %add3A_868 : i32
        %get3A_870 = arith.index_cast %add3A_869 : i32 to index
        %get3A_871 = arith.constant 0 : index
        %get3A_872 = tpu.vector_load %arg15[%get3A_870, %get3A_871] {strides = array<i32>} : memref<128x128xf32, #tpu.memory_space<vmem>>, vector<1x16xf32>,
        %get3A_873 = vector.shape_cast %get3A_872 : vector<1x16xf32> to vector<16xf32>
        %mul3A_874 = arith.mulf %gather3A_861, %get3A_6 : vector<16xf32>
        %add3A_875 = arith.addf %get3A_873, %mul3A_874 : vector<16xf32>
        %mul3A_876 = arith.mulf %gather3A_865, %get3A_30 : vector<16xf32>
        %add3A_877 = arith.addf %add3A_875, %mul3A_876 : vector<16xf32>
        %swap3A_878 = arith.index_cast %add3A_869 : i32 to index
        %swap3A_879 = arith.constant 0 : index
        %swap3A_880 = tpu.vector_load %arg13[%swap3A_878, %swap3A_879] {strides = array<i32>} : memref<128x128xf32, #tpu.memory_space<vmem>>, vector<1x16xf32>,
        %swap3A_881 = vector.shape_cast %swap3A_880 : vector<1x16xf32> to vector<16xf32>
        %swap3A_882 = vector.shape_cast %add3A_877 : vector<16xf32> to vector<1x16xf32>
        tpu.vector_store %arg13[%swap3A_878, %swap3A_879], %swap3A_882 {strides = array<i32>} : memref<128x128xf32, #tpu.memory_space<vmem>>, vector<1x16xf32>,
        %get3A_883 = arith.index_cast %add3A_869 : i32 to index
        %get3A_884 = arith.constant 16 : index
        %get3A_885 = tpu.vector_load %arg15[%get3A_883, %get3A_884] {strides = array<i32>} : memref<128x128xf32, #tpu.memory_space<vmem>>, vector<1x16xf32>,
        %get3A_886 = vector.shape_cast %get3A_885 : vector<1x16xf32> to vector<16xf32>
        %mul3A_887 = arith.mulf %gather3A_861, %get3A_9 : vector<16xf32>
        %add3A_888 = arith.addf %get3A_886, %mul3A_887 : vector<16xf32>
        %mul3A_889 = arith.mulf %gather3A_865, %get3A_33 : vector<16xf32>
        %add3A_890 = arith.addf %add3A_888, %mul3A_889 : vector<16xf32>
        %swap3A_891 = arith.index_cast %add3A_869 : i32 to index
        %swap3A_892 = arith.constant 16 : index
        %swap3A_893 = tpu.vector_load %arg13[%swap3A_891, %swap3A_892] {strides = array<i32>} : memref<128x128xf32, #tpu.memory_space<vmem>>, vector<1x16xf32>,
        %swap3A_894 = vector.shape_cast %swap3A_893 : vector<1x16xf32> to vector<16xf32>
        %swap3A_895 = vector.shape_cast %add3A_890 : vector<16xf32> to vector<1x16xf32>
        tpu.vector_store %arg13[%swap3A_891, %swap3A_892], %swap3A_895 {strides = array<i32>} : memref<128x128xf32, #tpu.memory_space<vmem>>, vector<1x16xf32>,
        %get3A_896 = arith.index_cast %add3A_869 : i32 to index
        %get3A_897 = arith.constant 32 : index
        %get3A_898 = tpu.vector_load %arg15[%get3A_896, %get3A_897] {strides = array<i32>} : memref<128x128xf32, #tpu.memory_space<vmem>>, vector<1x16xf32>,
        %get3A_899 = vector.shape_cast %get3A_898 : vector<1x16xf32> to vector<16xf32>
        %mul3A_900 = arith.mulf %gather3A_861, %get3A_12 : vector<16xf32>
        %add3A_901 = arith.addf %get3A_899, %mul3A_900 : vector<16xf32>
        %mul3A_902 = arith.mulf %gather3A_865, %get3A_36 : vector<16xf32>
        %add3A_903 = arith.addf %add3A_901, %mul3A_902 : vector<16xf32>
        %swap3A_904 = arith.index_cast %add3A_869 : i32 to index
        %swap3A_905 = arith.constant 32 : index
        %swap3A_906 = tpu.vector_load %arg13[%swap3A_904, %swap3A_905] {strides = array<i32>} : memref<128x128xf32, #tpu.memory_space<vmem>>, vector<1x16xf32>,
        %swap3A_907 = vector.shape_cast %swap3A_906 : vector<1x16xf32> to vector<16xf32>
        %swap3A_908 = vector.shape_cast %add3A_903 : vector<16xf32> to vector<1x16xf32>
        tpu.vector_store %arg13[%swap3A_904, %swap3A_905], %swap3A_908 {strides = array<i32>} : memref<128x128xf32, #tpu.memory_space<vmem>>, vector<1x16xf32>,
        %get3A_909 = arith.index_cast %add3A_869 : i32 to index
        %get3A_910 = arith.constant 48 : index
        %get3A_911 = tpu.vector_load %arg15[%get3A_909, %get3A_910] {strides = array<i32>} : memref<128x128xf32, #tpu.memory_space<vmem>>, vector<1x16xf32>,
        %get3A_912 = vector.shape_cast %get3A_911 : vector<1x16xf32> to vector<16xf32>
        %mul3A_913 = arith.mulf %gather3A_861, %get3A_15 : vector<16xf32>
        %add3A_914 = arith.addf %get3A_912, %mul3A_913 : vector<16xf32>
        %mul3A_915 = arith.mulf %gather3A_865, %get3A_39 : vector<16xf32>
        %add3A_916 = arith.addf %add3A_914, %mul3A_915 : vector<16xf32>
        %swap3A_917 = arith.index_cast %add3A_869 : i32 to index
        %swap3A_918 = arith.constant 48 : index
        %swap3A_919 = tpu.vector_load %arg13[%swap3A_917, %swap3A_918] {strides = array<i32>} : memref<128x128xf32, #tpu.memory_space<vmem>>, vector<1x16xf32>,
        %swap3A_920 = vector.shape_cast %swap3A_919 : vector<1x16xf32> to vector<16xf32>
        %swap3A_921 = vector.shape_cast %add3A_916 : vector<16xf32> to vector<1x16xf32>
        tpu.vector_store %arg13[%swap3A_917, %swap3A_918], %swap3A_921 {strides = array<i32>} : memref<128x128xf32, #tpu.memory_space<vmem>>, vector<1x16xf32>,
        %get3A_922 = arith.index_cast %add3A_869 : i32 to index
        %get3A_923 = arith.constant 64 : index
        %get3A_924 = tpu.vector_load %arg15[%get3A_922, %get3A_923] {strides = array<i32>} : memref<128x128xf32, #tpu.memory_space<vmem>>, vector<1x16xf32>,
        %get3A_925 = vector.shape_cast %get3A_924 : vector<1x16xf32> to vector<16xf32>
        %mul3A_926 = arith.mulf %gather3A_861, %get3A_18 : vector<16xf32>
        %add3A_927 = arith.addf %get3A_925, %mul3A_926 : vector<16xf32>
        %mul3A_928 = arith.mulf %gather3A_865, %get3A_42 : vector<16xf32>
        %add3A_929 = arith.addf %add3A_927, %mul3A_928 : vector<16xf32>
        %swap3A_930 = arith.index_cast %add3A_869 : i32 to index
        %swap3A_931 = arith.constant 64 : index
        %swap3A_932 = tpu.vector_load %arg13[%swap3A_930, %swap3A_931] {strides = array<i32>} : memref<128x128xf32, #tpu.memory_space<vmem>>, vector<1x16xf32>,
        %swap3A_933 = vector.shape_cast %swap3A_932 : vector<1x16xf32> to vector<16xf32>
        %swap3A_934 = vector.shape_cast %add3A_929 : vector<16xf32> to vector<1x16xf32>
        tpu.vector_store %arg13[%swap3A_930, %swap3A_931], %swap3A_934 {strides = array<i32>} : memref<128x128xf32, #tpu.memory_space<vmem>>, vector<1x16xf32>,
        %get3A_935 = arith.index_cast %add3A_869 : i32 to index
        %get3A_936 = arith.constant 80 : index
        %get3A_937 = tpu.vector_load %arg15[%get3A_935, %get3A_936] {strides = array<i32>} : memref<128x128xf32, #tpu.memory_space<vmem>>, vector<1x16xf32>,
        %get3A_938 = vector.shape_cast %get3A_937 : vector<1x16xf32> to vector<16xf32>
        %mul3A_939 = arith.mulf %gather3A_861, %get3A_21 : vector<16xf32>
        %add3A_940 = arith.addf %get3A_938, %mul3A_939 : vector<16xf32>
        %mul3A_941 = arith.mulf %gather3A_865, %get3A_45 : vector<16xf32>
        %add3A_942 = arith.addf %add3A_940, %mul3A_941 : vector<16xf32>
        %swap3A_943 = arith.index_cast %add3A_869 : i32 to index
        %swap3A_944 = arith.constant 80 : index
        %swap3A_945 = tpu.vector_load %arg13[%swap3A_943, %swap3A_944] {strides = array<i32>} : memref<128x128xf32, #tpu.memory_space<vmem>>, vector<1x16xf32>,
        %swap3A_946 = vector.shape_cast %swap3A_945 : vector<1x16xf32> to vector<16xf32>
        %swap3A_947 = vector.shape_cast %add3A_942 : vector<16xf32> to vector<1x16xf32>
        tpu.vector_store %arg13[%swap3A_943, %swap3A_944], %swap3A_947 {strides = array<i32>} : memref<128x128xf32, #tpu.memory_space<vmem>>, vector<1x16xf32>,
        %get3A_948 = arith.index_cast %add3A_869 : i32 to index
        %get3A_949 = arith.constant 96 : index
        %get3A_950 = tpu.vector_load %arg15[%get3A_948, %get3A_949] {strides = array<i32>} : memref<128x128xf32, #tpu.memory_space<vmem>>, vector<1x16xf32>,
        %get3A_951 = vector.shape_cast %get3A_950 : vector<1x16xf32> to vector<16xf32>
        %mul3A_952 = arith.mulf %gather3A_861, %get3A_24 : vector<16xf32>
        %add3A_953 = arith.addf %get3A_951, %mul3A_952 : vector<16xf32>
        %mul3A_954 = arith.mulf %gather3A_865, %get3A_48 : vector<16xf32>
        %add3A_955 = arith.addf %add3A_953, %mul3A_954 : vector<16xf32>
        %swap3A_956 = arith.index_cast %add3A_869 : i32 to index
        %swap3A_957 = arith.constant 96 : index
        %swap3A_958 = tpu.vector_load %arg13[%swap3A_956, %swap3A_957] {strides = array<i32>} : memref<128x128xf32, #tpu.memory_space<vmem>>, vector<1x16xf32>,
        %swap3A_959 = vector.shape_cast %swap3A_958 : vector<1x16xf32> to vector<16xf32>
        %swap3A_960 = vector.shape_cast %add3A_955 : vector<16xf32> to vector<1x16xf32>
        tpu.vector_store %arg13[%swap3A_956, %swap3A_957], %swap3A_960 {strides = array<i32>} : memref<128x128xf32, #tpu.memory_space<vmem>>, vector<1x16xf32>,
        %get3A_961 = arith.index_cast %add3A_869 : i32 to index
        %get3A_962 = arith.constant 112 : index
        %get3A_963 = tpu.vector_load %arg15[%get3A_961, %get3A_962] {strides = array<i32>} : memref<128x128xf32, #tpu.memory_space<vmem>>, vector<1x16xf32>,
        %get3A_964 = vector.shape_cast %get3A_963 : vector<1x16xf32> to vector<16xf32>
        %mul3A_965 = arith.mulf %gather3A_861, %get3A_27 : vector<16xf32>
        %add3A_966 = arith.addf %get3A_964, %mul3A_965 : vector<16xf32>
        %mul3A_967 = arith.mulf %gather3A_865, %get3A_51 : vector<16xf32>
        %add3A_968 = arith.addf %add3A_966, %mul3A_967 : vector<16xf32>
        %swap3A_969 = arith.index_cast %add3A_869 : i32 to index
        %swap3A_970 = arith.constant 112 : index
        %swap3A_971 = tpu.vector_load %arg13[%swap3A_969, %swap3A_970] {strides = array<i32>} : memref<128x128xf32, #tpu.memory_space<vmem>>, vector<1x16xf32>,
        %swap3A_972 = vector.shape_cast %swap3A_971 : vector<1x16xf32> to vector<16xf32>
        %swap3A_973 = vector.shape_cast %add3A_968 : vector<16xf32> to vector<1x16xf32>
        tpu.vector_store %arg13[%swap3A_969, %swap3A_970], %swap3A_973 {strides = array<i32>} : memref<128x128xf32, #tpu.memory_space<vmem>>, vector<1x16xf32>,
        %broadcast_in_dim3A_974 = arith.constant 7 : i32
        %broadcast_in_dim3A_975 = vector.broadcast %broadcast_in_dim3A_974 : i32 to vector<16x1xi32>
        %gather3A_976 = vector.shape_cast %broadcast_in_dim3A_975 : vector<16x1xi32> to vector<16xi32>
        %gather3A_977 = tpu.dynamic_gather %get3A_161[%gather3A_976] in [0] : vector<16xf32>, vector<16xi32> -> vector<16xf32>
        %broadcast_in_dim3A_978 = arith.constant 7 : i32
        %broadcast_in_dim3A_979 = vector.broadcast %broadcast_in_dim3A_978 : i32 to vector<16x1xi32>
        %gather3A_980 = vector.shape_cast %broadcast_in_dim3A_979 : vector<16x1xi32> to vector<16xi32>
        %gather3A_981 = tpu.dynamic_gather %get3A_164[%gather3A_980] in [0] : vector<16xf32>, vector<16xi32> -> vector<16xf32>
        %mul3A_982 = arith.constant 16 : i32
        %mul3A_983 = arith.muli %scan3A_153, %mul3A_982 : i32
        %add3A_984 = arith.constant 7 : i32
        %add3A_985 = arith.addi %mul3A_983, %add3A_984 : i32
        %get3A_986 = arith.index_cast %add3A_985 : i32 to index
        %get3A_987 = arith.constant 0 : index
        %get3A_988 = tpu.vector_load %arg15[%get3A_986, %get3A_987] {strides = array<i32>} : memref<128x128xf32, #tpu.memory_space<vmem>>, vector<1x16xf32>,
        %get3A_989 = vector.shape_cast %get3A_988 : vector<1x16xf32> to vector<16xf32>
        %mul3A_990 = arith.mulf %gather3A_977, %get3A_6 : vector<16xf32>
        %add3A_991 = arith.addf %get3A_989, %mul3A_990 : vector<16xf32>
        %mul3A_992 = arith.mulf %gather3A_981, %get3A_30 : vector<16xf32>
        %add3A_993 = arith.addf %add3A_991, %mul3A_992 : vector<16xf32>
        %swap3A_994 = arith.index_cast %add3A_985 : i32 to index
        %swap3A_995 = arith.constant 0 : index
        %swap3A_996 = tpu.vector_load %arg13[%swap3A_994, %swap3A_995] {strides = array<i32>} : memref<128x128xf32, #tpu.memory_space<vmem>>, vector<1x16xf32>,
        %swap3A_997 = vector.shape_cast %swap3A_996 : vector<1x16xf32> to vector<16xf32>
        %swap3A_998 = vector.shape_cast %add3A_993 : vector<16xf32> to vector<1x16xf32>
        tpu.vector_store %arg13[%swap3A_994, %swap3A_995], %swap3A_998 {strides = array<i32>} : memref<128x128xf32, #tpu.memory_space<vmem>>, vector<1x16xf32>,
        %get3A_999 = arith.index_cast %add3A_985 : i32 to index
        %get3A_1000 = arith.constant 16 : index
        %get3A_1001 = tpu.vector_load %arg15[%get3A_999, %get3A_1000] {strides = array<i32>} : memref<128x128xf32, #tpu.memory_space<vmem>>, vector<1x16xf32>,
        %get3A_1002 = vector.shape_cast %get3A_1001 : vector<1x16xf32> to vector<16xf32>
        %mul3A_1003 = arith.mulf %gather3A_977, %get3A_9 : vector<16xf32>
        %add3A_1004 = arith.addf %get3A_1002, %mul3A_1003 : vector<16xf32>
        %mul3A_1005 = arith.mulf %gather3A_981, %get3A_33 : vector<16xf32>
        %add3A_1006 = arith.addf %add3A_1004, %mul3A_1005 : vector<16xf32>
        %swap3A_1007 = arith.index_cast %add3A_985 : i32 to index
        %swap3A_1008 = arith.constant 16 : index
        %swap3A_1009 = tpu.vector_load %arg13[%swap3A_1007, %swap3A_1008] {strides = array<i32>} : memref<128x128xf32, #tpu.memory_space<vmem>>, vector<1x16xf32>,
        %swap3A_1010 = vector.shape_cast %swap3A_1009 : vector<1x16xf32> to vector<16xf32>
        %swap3A_1011 = vector.shape_cast %add3A_1006 : vector<16xf32> to vector<1x16xf32>
        tpu.vector_store %arg13[%swap3A_1007, %swap3A_1008], %swap3A_1011 {strides = array<i32>} : memref<128x128xf32, #tpu.memory_space<vmem>>, vector<1x16xf32>,
        %get3A_1012 = arith.index_cast %add3A_985 : i32 to index
        %get3A_1013 = arith.constant 32 : index
        %get3A_1014 = tpu.vector_load %arg15[%get3A_1012, %get3A_1013] {strides = array<i32>} : memref<128x128xf32, #tpu.memory_space<vmem>>, vector<1x16xf32>,
        %get3A_1015 = vector.shape_cast %get3A_1014 : vector<1x16xf32> to vector<16xf32>
        %mul3A_1016 = arith.mulf %gather3A_977, %get3A_12 : vector<16xf32>
        %add3A_1017 = arith.addf %get3A_1015, %mul3A_1016 : vector<16xf32>
        %mul3A_1018 = arith.mulf %gather3A_981, %get3A_36 : vector<16xf32>
        %add3A_1019 = arith.addf %add3A_1017, %mul3A_1018 : vector<16xf32>
        %swap3A_1020 = arith.index_cast %add3A_985 : i32 to index
        %swap3A_1021 = arith.constant 32 : index
        %swap3A_1022 = tpu.vector_load %arg13[%swap3A_1020, %swap3A_1021] {strides = array<i32>} : memref<128x128xf32, #tpu.memory_space<vmem>>, vector<1x16xf32>,
        %swap3A_1023 = vector.shape_cast %swap3A_1022 : vector<1x16xf32> to vector<16xf32>
        %swap3A_1024 = vector.shape_cast %add3A_1019 : vector<16xf32> to vector<1x16xf32>
        tpu.vector_store %arg13[%swap3A_1020, %swap3A_1021], %swap3A_1024 {strides = array<i32>} : memref<128x128xf32, #tpu.memory_space<vmem>>, vector<1x16xf32>,
        %get3A_1025 = arith.index_cast %add3A_985 : i32 to index
        %get3A_1026 = arith.constant 48 : index
        %get3A_1027 = tpu.vector_load %arg15[%get3A_1025, %get3A_1026] {strides = array<i32>} : memref<128x128xf32, #tpu.memory_space<vmem>>, vector<1x16xf32>,
        %get3A_1028 = vector.shape_cast %get3A_1027 : vector<1x16xf32> to vector<16xf32>
        %mul3A_1029 = arith.mulf %gather3A_977, %get3A_15 : vector<16xf32>
        %add3A_1030 = arith.addf %get3A_1028, %mul3A_1029 : vector<16xf32>
        %mul3A_1031 = arith.mulf %gather3A_981, %get3A_39 : vector<16xf32>
        %add3A_1032 = arith.addf %add3A_1030, %mul3A_1031 : vector<16xf32>
        %swap3A_1033 = arith.index_cast %add3A_985 : i32 to index
        %swap3A_1034 = arith.constant 48 : index
        %swap3A_1035 = tpu.vector_load %arg13[%swap3A_1033, %swap3A_1034] {strides = array<i32>} : memref<128x128xf32, #tpu.memory_space<vmem>>, vector<1x16xf32>,
        %swap3A_1036 = vector.shape_cast %swap3A_1035 : vector<1x16xf32> to vector<16xf32>
        %swap3A_1037 = vector.shape_cast %add3A_1032 : vector<16xf32> to vector<1x16xf32>
        tpu.vector_store %arg13[%swap3A_1033, %swap3A_1034], %swap3A_1037 {strides = array<i32>} : memref<128x128xf32, #tpu.memory_space<vmem>>, vector<1x16xf32>,
        %get3A_1038 = arith.index_cast %add3A_985 : i32 to index
        %get3A_1039 = arith.constant 64 : index
        %get3A_1040 = tpu.vector_load %arg15[%get3A_1038, %get3A_1039] {strides = array<i32>} : memref<128x128xf32, #tpu.memory_space<vmem>>, vector<1x16xf32>,
        %get3A_1041 = vector.shape_cast %get3A_1040 : vector<1x16xf32> to vector<16xf32>
        %mul3A_1042 = arith.mulf %gather3A_977, %get3A_18 : vector<16xf32>
        %add3A_1043 = arith.addf %get3A_1041, %mul3A_1042 : vector<16xf32>
        %mul3A_1044 = arith.mulf %gather3A_981, %get3A_42 : vector<16xf32>
        %add3A_1045 = arith.addf %add3A_1043, %mul3A_1044 : vector<16xf32>
        %swap3A_1046 = arith.index_cast %add3A_985 : i32 to index
        %swap3A_1047 = arith.constant 64 : index
        %swap3A_1048 = tpu.vector_load %arg13[%swap3A_1046, %swap3A_1047] {strides = array<i32>} : memref<128x128xf32, #tpu.memory_space<vmem>>, vector<1x16xf32>,
        %swap3A_1049 = vector.shape_cast %swap3A_1048 : vector<1x16xf32> to vector<16xf32>
        %swap3A_1050 = vector.shape_cast %add3A_1045 : vector<16xf32> to vector<1x16xf32>
        tpu.vector_store %arg13[%swap3A_1046, %swap3A_1047], %swap3A_1050 {strides = array<i32>} : memref<128x128xf32, #tpu.memory_space<vmem>>, vector<1x16xf32>,
        %get3A_1051 = arith.index_cast %add3A_985 : i32 to index
        %get3A_1052 = arith.constant 80 : index
        %get3A_1053 = tpu.vector_load %arg15[%get3A_1051, %get3A_1052] {strides = array<i32>} : memref<128x128xf32, #tpu.memory_space<vmem>>, vector<1x16xf32>,
        %get3A_1054 = vector.shape_cast %get3A_1053 : vector<1x16xf32> to vector<16xf32>
        %mul3A_1055 = arith.mulf %gather3A_977, %get3A_21 : vector<16xf32>
        %add3A_1056 = arith.addf %get3A_1054, %mul3A_1055 : vector<16xf32>
        %mul3A_1057 = arith.mulf %gather3A_981, %get3A_45 : vector<16xf32>
        %add3A_1058 = arith.addf %add3A_1056, %mul3A_1057 : vector<16xf32>
        %swap3A_1059 = arith.index_cast %add3A_985 : i32 to index
        %swap3A_1060 = arith.constant 80 : index
        %swap3A_1061 = tpu.vector_load %arg13[%swap3A_1059, %swap3A_1060] {strides = array<i32>} : memref<128x128xf32, #tpu.memory_space<vmem>>, vector<1x16xf32>,
        %swap3A_1062 = vector.shape_cast %swap3A_1061 : vector<1x16xf32> to vector<16xf32>
        %swap3A_1063 = vector.shape_cast %add3A_1058 : vector<16xf32> to vector<1x16xf32>
        tpu.vector_store %arg13[%swap3A_1059, %swap3A_1060], %swap3A_1063 {strides = array<i32>} : memref<128x128xf32, #tpu.memory_space<vmem>>, vector<1x16xf32>,
        %get3A_1064 = arith.index_cast %add3A_985 : i32 to index
        %get3A_1065 = arith.constant 96 : index
        %get3A_1066 = tpu.vector_load %arg15[%get3A_1064, %get3A_1065] {strides = array<i32>} : memref<128x128xf32, #tpu.memory_space<vmem>>, vector<1x16xf32>,
        %get3A_1067 = vector.shape_cast %get3A_1066 : vector<1x16xf32> to vector<16xf32>
        %mul3A_1068 = arith.mulf %gather3A_977, %get3A_24 : vector<16xf32>
        %add3A_1069 = arith.addf %get3A_1067, %mul3A_1068 : vector<16xf32>
        %mul3A_1070 = arith.mulf %gather3A_981, %get3A_48 : vector<16xf32>
        %add3A_1071 = arith.addf %add3A_1069, %mul3A_1070 : vector<16xf32>
        %swap3A_1072 = arith.index_cast %add3A_985 : i32 to index
        %swap3A_1073 = arith.constant 96 : index
        %swap3A_1074 = tpu.vector_load %arg13[%swap3A_1072, %swap3A_1073] {strides = array<i32>} : memref<128x128xf32, #tpu.memory_space<vmem>>, vector<1x16xf32>,
        %swap3A_1075 = vector.shape_cast %swap3A_1074 : vector<1x16xf32> to vector<16xf32>
        %swap3A_1076 = vector.shape_cast %add3A_1071 : vector<16xf32> to vector<1x16xf32>
        tpu.vector_store %arg13[%swap3A_1072, %swap3A_1073], %swap3A_1076 {strides = array<i32>} : memref<128x128xf32, #tpu.memory_space<vmem>>, vector<1x16xf32>,
        %get3A_1077 = arith.index_cast %add3A_985 : i32 to index
        %get3A_1078 = arith.constant 112 : index
        %get3A_1079 = tpu.vector_load %arg15[%get3A_1077, %get3A_1078] {strides = array<i32>} : memref<128x128xf32, #tpu.memory_space<vmem>>, vector<1x16xf32>,
        %get3A_1080 = vector.shape_cast %get3A_1079 : vector<1x16xf32> to vector<16xf32>
        %mul3A_1081 = arith.mulf %gather3A_977, %get3A_27 : vector<16xf32>
        %add3A_1082 = arith.addf %get3A_1080, %mul3A_1081 : vector<16xf32>
        %mul3A_1083 = arith.mulf %gather3A_981, %get3A_51 : vector<16xf32>
        %add3A_1084 = arith.addf %add3A_1082, %mul3A_1083 : vector<16xf32>
        %swap3A_1085 = arith.index_cast %add3A_985 : i32 to index
        %swap3A_1086 = arith.constant 112 : index
        %swap3A_1087 = tpu.vector_load %arg13[%swap3A_1085, %swap3A_1086] {strides = array<i32>} : memref<128x128xf32, #tpu.memory_space<vmem>>, vector<1x16xf32>,
        %swap3A_1088 = vector.shape_cast %swap3A_1087 : vector<1x16xf32> to vector<16xf32>
        %swap3A_1089 = vector.shape_cast %add3A_1084 : vector<16xf32> to vector<1x16xf32>
        tpu.vector_store %arg13[%swap3A_1085, %swap3A_1086], %swap3A_1089 {strides = array<i32>} : memref<128x128xf32, #tpu.memory_space<vmem>>, vector<1x16xf32>,
        %broadcast_in_dim3A_1090 = arith.constant 8 : i32
        %broadcast_in_dim3A_1091 = vector.broadcast %broadcast_in_dim3A_1090 : i32 to vector<16x1xi32>
        %gather3A_1092 = vector.shape_cast %broadcast_in_dim3A_1091 : vector<16x1xi32> to vector<16xi32>
        %gather3A_1093 = tpu.dynamic_gather %get3A_161[%gather3A_1092] in [0] : vector<16xf32>, vector<16xi32> -> vector<16xf32>
        %broadcast_in_dim3A_1094 = arith.constant 8 : i32
        %broadcast_in_dim3A_1095 = vector.broadcast %broadcast_in_dim3A_1094 : i32 to vector<16x1xi32>
        %gather3A_1096 = vector.shape_cast %broadcast_in_dim3A_1095 : vector<16x1xi32> to vector<16xi32>
        %gather3A_1097 = tpu.dynamic_gather %get3A_164[%gather3A_1096] in [0] : vector<16xf32>, vector<16xi32> -> vector<16xf32>
        %mul3A_1098 = arith.constant 16 : i32
        %mul3A_1099 = arith.muli %scan3A_153, %mul3A_1098 : i32
        %add3A_1100 = arith.constant 8 : i32
        %add3A_1101 = arith.addi %mul3A_1099, %add3A_1100 : i32
        %get3A_1102 = arith.index_cast %add3A_1101 : i32 to index
        %get3A_1103 = arith.constant 0 : index
        %get3A_1104 = tpu.vector_load %arg15[%get3A_1102, %get3A_1103] {strides = array<i32>} : memref<128x128xf32, #tpu.memory_space<vmem>>, vector<1x16xf32>,
        %get3A_1105 = vector.shape_cast %get3A_1104 : vector<1x16xf32> to vector<16xf32>
        %mul3A_1106 = arith.mulf %gather3A_1093, %get3A_6 : vector<16xf32>
        %add3A_1107 = arith.addf %get3A_1105, %mul3A_1106 : vector<16xf32>
        %mul3A_1108 = arith.mulf %gather3A_1097, %get3A_30 : vector<16xf32>
        %add3A_1109 = arith.addf %add3A_1107, %mul3A_1108 : vector<16xf32>
        %swap3A_1110 = arith.index_cast %add3A_1101 : i32 to index
        %swap3A_1111 = arith.constant 0 : index
        %swap3A_1112 = tpu.vector_load %arg13[%swap3A_1110, %swap3A_1111] {strides = array<i32>} : memref<128x128xf32, #tpu.memory_space<vmem>>, vector<1x16xf32>,
        %swap3A_1113 = vector.shape_cast %swap3A_1112 : vector<1x16xf32> to vector<16xf32>
        %swap3A_1114 = vector.shape_cast %add3A_1109 : vector<16xf32> to vector<1x16xf32>
        tpu.vector_store %arg13[%swap3A_1110, %swap3A_1111], %swap3A_1114 {strides = array<i32>} : memref<128x128xf32, #tpu.memory_space<vmem>>, vector<1x16xf32>,
        %get3A_1115 = arith.index_cast %add3A_1101 : i32 to index
        %get3A_1116 = arith.constant 16 : index
        %get3A_1117 = tpu.vector_load %arg15[%get3A_1115, %get3A_1116] {strides = array<i32>} : memref<128x128xf32, #tpu.memory_space<vmem>>, vector<1x16xf32>,
        %get3A_1118 = vector.shape_cast %get3A_1117 : vector<1x16xf32> to vector<16xf32>
        %mul3A_1119 = arith.mulf %gather3A_1093, %get3A_9 : vector<16xf32>
        %add3A_1120 = arith.addf %get3A_1118, %mul3A_1119 : vector<16xf32>
        %mul3A_1121 = arith.mulf %gather3A_1097, %get3A_33 : vector<16xf32>
        %add3A_1122 = arith.addf %add3A_1120, %mul3A_1121 : vector<16xf32>
        %swap3A_1123 = arith.index_cast %add3A_1101 : i32 to index
        %swap3A_1124 = arith.constant 16 : index
        %swap3A_1125 = tpu.vector_load %arg13[%swap3A_1123, %swap3A_1124] {strides = array<i32>} : memref<128x128xf32, #tpu.memory_space<vmem>>, vector<1x16xf32>,
        %swap3A_1126 = vector.shape_cast %swap3A_1125 : vector<1x16xf32> to vector<16xf32>
        %swap3A_1127 = vector.shape_cast %add3A_1122 : vector<16xf32> to vector<1x16xf32>
        tpu.vector_store %arg13[%swap3A_1123, %swap3A_1124], %swap3A_1127 {strides = array<i32>} : memref<128x128xf32, #tpu.memory_space<vmem>>, vector<1x16xf32>,
        %get3A_1128 = arith.index_cast %add3A_1101 : i32 to index
        %get3A_1129 = arith.constant 32 : index
        %get3A_1130 = tpu.vector_load %arg15[%get3A_1128, %get3A_1129] {strides = array<i32>} : memref<128x128xf32, #tpu.memory_space<vmem>>, vector<1x16xf32>,
        %get3A_1131 = vector.shape_cast %get3A_1130 : vector<1x16xf32> to vector<16xf32>
        %mul3A_1132 = arith.mulf %gather3A_1093, %get3A_12 : vector<16xf32>
        %add3A_1133 = arith.addf %get3A_1131, %mul3A_1132 : vector<16xf32>
        %mul3A_1134 = arith.mulf %gather3A_1097, %get3A_36 : vector<16xf32>
        %add3A_1135 = arith.addf %add3A_1133, %mul3A_1134 : vector<16xf32>
        %swap3A_1136 = arith.index_cast %add3A_1101 : i32 to index
        %swap3A_1137 = arith.constant 32 : index
        %swap3A_1138 = tpu.vector_load %arg13[%swap3A_1136, %swap3A_1137] {strides = array<i32>} : memref<128x128xf32, #tpu.memory_space<vmem>>, vector<1x16xf32>,
        %swap3A_1139 = vector.shape_cast %swap3A_1138 : vector<1x16xf32> to vector<16xf32>
        %swap3A_1140 = vector.shape_cast %add3A_1135 : vector<16xf32> to vector<1x16xf32>
        tpu.vector_store %arg13[%swap3A_1136, %swap3A_1137], %swap3A_1140 {strides = array<i32>} : memref<128x128xf32, #tpu.memory_space<vmem>>, vector<1x16xf32>,
        %get3A_1141 = arith.index_cast %add3A_1101 : i32 to index
        %get3A_1142 = arith.constant 48 : index
        %get3A_1143 = tpu.vector_load %arg15[%get3A_1141, %get3A_1142] {strides = array<i32>} : memref<128x128xf32, #tpu.memory_space<vmem>>, vector<1x16xf32>,
        %get3A_1144 = vector.shape_cast %get3A_1143 : vector<1x16xf32> to vector<16xf32>
        %mul3A_1145 = arith.mulf %gather3A_1093, %get3A_15 : vector<16xf32>
        %add3A_1146 = arith.addf %get3A_1144, %mul3A_1145 : vector<16xf32>
        %mul3A_1147 = arith.mulf %gather3A_1097, %get3A_39 : vector<16xf32>
        %add3A_1148 = arith.addf %add3A_1146, %mul3A_1147 : vector<16xf32>
        %swap3A_1149 = arith.index_cast %add3A_1101 : i32 to index
        %swap3A_1150 = arith.constant 48 : index
        %swap3A_1151 = tpu.vector_load %arg13[%swap3A_1149, %swap3A_1150] {strides = array<i32>} : memref<128x128xf32, #tpu.memory_space<vmem>>, vector<1x16xf32>,
        %swap3A_1152 = vector.shape_cast %swap3A_1151 : vector<1x16xf32> to vector<16xf32>
        %swap3A_1153 = vector.shape_cast %add3A_1148 : vector<16xf32> to vector<1x16xf32>
        tpu.vector_store %arg13[%swap3A_1149, %swap3A_1150], %swap3A_1153 {strides = array<i32>} : memref<128x128xf32, #tpu.memory_space<vmem>>, vector<1x16xf32>,
        %get3A_1154 = arith.index_cast %add3A_1101 : i32 to index
        %get3A_1155 = arith.constant 64 : index
        %get3A_1156 = tpu.vector_load %arg15[%get3A_1154, %get3A_1155] {strides = array<i32>} : memref<128x128xf32, #tpu.memory_space<vmem>>, vector<1x16xf32>,
        %get3A_1157 = vector.shape_cast %get3A_1156 : vector<1x16xf32> to vector<16xf32>
        %mul3A_1158 = arith.mulf %gather3A_1093, %get3A_18 : vector<16xf32>
        %add3A_1159 = arith.addf %get3A_1157, %mul3A_1158 : vector<16xf32>
        %mul3A_1160 = arith.mulf %gather3A_1097, %get3A_42 : vector<16xf32>
        %add3A_1161 = arith.addf %add3A_1159, %mul3A_1160 : vector<16xf32>
        %swap3A_1162 = arith.index_cast %add3A_1101 : i32 to index
        %swap3A_1163 = arith.constant 64 : index
        %swap3A_1164 = tpu.vector_load %arg13[%swap3A_1162, %swap3A_1163] {strides = array<i32>} : memref<128x128xf32, #tpu.memory_space<vmem>>, vector<1x16xf32>,
        %swap3A_1165 = vector.shape_cast %swap3A_1164 : vector<1x16xf32> to vector<16xf32>
        %swap3A_1166 = vector.shape_cast %add3A_1161 : vector<16xf32> to vector<1x16xf32>
        tpu.vector_store %arg13[%swap3A_1162, %swap3A_1163], %swap3A_1166 {strides = array<i32>} : memref<128x128xf32, #tpu.memory_space<vmem>>, vector<1x16xf32>,
        %get3A_1167 = arith.index_cast %add3A_1101 : i32 to index
        %get3A_1168 = arith.constant 80 : index
        %get3A_1169 = tpu.vector_load %arg15[%get3A_1167, %get3A_1168] {strides = array<i32>} : memref<128x128xf32, #tpu.memory_space<vmem>>, vector<1x16xf32>,
        %get3A_1170 = vector.shape_cast %get3A_1169 : vector<1x16xf32> to vector<16xf32>
        %mul3A_1171 = arith.mulf %gather3A_1093, %get3A_21 : vector<16xf32>
        %add3A_1172 = arith.addf %get3A_1170, %mul3A_1171 : vector<16xf32>
        %mul3A_1173 = arith.mulf %gather3A_1097, %get3A_45 : vector<16xf32>
        %add3A_1174 = arith.addf %add3A_1172, %mul3A_1173 : vector<16xf32>
        %swap3A_1175 = arith.index_cast %add3A_1101 : i32 to index
        %swap3A_1176 = arith.constant 80 : index
        %swap3A_1177 = tpu.vector_load %arg13[%swap3A_1175, %swap3A_1176] {strides = array<i32>} : memref<128x128xf32, #tpu.memory_space<vmem>>, vector<1x16xf32>,
        %swap3A_1178 = vector.shape_cast %swap3A_1177 : vector<1x16xf32> to vector<16xf32>
        %swap3A_1179 = vector.shape_cast %add3A_1174 : vector<16xf32> to vector<1x16xf32>
        tpu.vector_store %arg13[%swap3A_1175, %swap3A_1176], %swap3A_1179 {strides = array<i32>} : memref<128x128xf32, #tpu.memory_space<vmem>>, vector<1x16xf32>,
        %get3A_1180 = arith.index_cast %add3A_1101 : i32 to index
        %get3A_1181 = arith.constant 96 : index
        %get3A_1182 = tpu.vector_load %arg15[%get3A_1180, %get3A_1181] {strides = array<i32>} : memref<128x128xf32, #tpu.memory_space<vmem>>, vector<1x16xf32>,
        %get3A_1183 = vector.shape_cast %get3A_1182 : vector<1x16xf32> to vector<16xf32>
        %mul3A_1184 = arith.mulf %gather3A_1093, %get3A_24 : vector<16xf32>
        %add3A_1185 = arith.addf %get3A_1183, %mul3A_1184 : vector<16xf32>
        %mul3A_1186 = arith.mulf %gather3A_1097, %get3A_48 : vector<16xf32>
        %add3A_1187 = arith.addf %add3A_1185, %mul3A_1186 : vector<16xf32>
        %swap3A_1188 = arith.index_cast %add3A_1101 : i32 to index
        %swap3A_1189 = arith.constant 96 : index
        %swap3A_1190 = tpu.vector_load %arg13[%swap3A_1188, %swap3A_1189] {strides = array<i32>} : memref<128x128xf32, #tpu.memory_space<vmem>>, vector<1x16xf32>,
        %swap3A_1191 = vector.shape_cast %swap3A_1190 : vector<1x16xf32> to vector<16xf32>
        %swap3A_1192 = vector.shape_cast %add3A_1187 : vector<16xf32> to vector<1x16xf32>
        tpu.vector_store %arg13[%swap3A_1188, %swap3A_1189], %swap3A_1192 {strides = array<i32>} : memref<128x128xf32, #tpu.memory_space<vmem>>, vector<1x16xf32>,
        %get3A_1193 = arith.index_cast %add3A_1101 : i32 to index
        %get3A_1194 = arith.constant 112 : index
        %get3A_1195 = tpu.vector_load %arg15[%get3A_1193, %get3A_1194] {strides = array<i32>} : memref<128x128xf32, #tpu.memory_space<vmem>>, vector<1x16xf32>,
        %get3A_1196 = vector.shape_cast %get3A_1195 : vector<1x16xf32> to vector<16xf32>
        %mul3A_1197 = arith.mulf %gather3A_1093, %get3A_27 : vector<16xf32>
        %add3A_1198 = arith.addf %get3A_1196, %mul3A_1197 : vector<16xf32>
        %mul3A_1199 = arith.mulf %gather3A_1097, %get3A_51 : vector<16xf32>
        %add3A_1200 = arith.addf %add3A_1198, %mul3A_1199 : vector<16xf32>
        %swap3A_1201 = arith.index_cast %add3A_1101 : i32 to index
        %swap3A_1202 = arith.constant 112 : index
        %swap3A_1203 = tpu.vector_load %arg13[%swap3A_1201, %swap3A_1202] {strides = array<i32>} : memref<128x128xf32, #tpu.memory_space<vmem>>, vector<1x16xf32>,
        %swap3A_1204 = vector.shape_cast %swap3A_1203 : vector<1x16xf32> to vector<16xf32>
        %swap3A_1205 = vector.shape_cast %add3A_1200 : vector<16xf32> to vector<1x16xf32>
        tpu.vector_store %arg13[%swap3A_1201, %swap3A_1202], %swap3A_1205 {strides = array<i32>} : memref<128x128xf32, #tpu.memory_space<vmem>>, vector<1x16xf32>,
        %broadcast_in_dim3A_1206 = arith.constant 9 : i32
        %broadcast_in_dim3A_1207 = vector.broadcast %broadcast_in_dim3A_1206 : i32 to vector<16x1xi32>
        %gather3A_1208 = vector.shape_cast %broadcast_in_dim3A_1207 : vector<16x1xi32> to vector<16xi32>
        %gather3A_1209 = tpu.dynamic_gather %get3A_161[%gather3A_1208] in [0] : vector<16xf32>, vector<16xi32> -> vector<16xf32>
        %broadcast_in_dim3A_1210 = arith.constant 9 : i32
        %broadcast_in_dim3A_1211 = vector.broadcast %broadcast_in_dim3A_1210 : i32 to vector<16x1xi32>
        %gather3A_1212 = vector.shape_cast %broadcast_in_dim3A_1211 : vector<16x1xi32> to vector<16xi32>
        %gather3A_1213 = tpu.dynamic_gather %get3A_164[%gather3A_1212] in [0] : vector<16xf32>, vector<16xi32> -> vector<16xf32>
        %mul3A_1214 = arith.constant 16 : i32
        %mul3A_1215 = arith.muli %scan3A_153, %mul3A_1214 : i32
        %add3A_1216 = arith.constant 9 : i32
        %add3A_1217 = arith.addi %mul3A_1215, %add3A_1216 : i32
        %get3A_1218 = arith.index_cast %add3A_1217 : i32 to index
        %get3A_1219 = arith.constant 0 : index
        %get3A_1220 = tpu.vector_load %arg15[%get3A_1218, %get3A_1219] {strides = array<i32>} : memref<128x128xf32, #tpu.memory_space<vmem>>, vector<1x16xf32>,
        %get3A_1221 = vector.shape_cast %get3A_1220 : vector<1x16xf32> to vector<16xf32>
        %mul3A_1222 = arith.mulf %gather3A_1209, %get3A_6 : vector<16xf32>
        %add3A_1223 = arith.addf %get3A_1221, %mul3A_1222 : vector<16xf32>
        %mul3A_1224 = arith.mulf %gather3A_1213, %get3A_30 : vector<16xf32>
        %add3A_1225 = arith.addf %add3A_1223, %mul3A_1224 : vector<16xf32>
        %swap3A_1226 = arith.index_cast %add3A_1217 : i32 to index
        %swap3A_1227 = arith.constant 0 : index
        %swap3A_1228 = tpu.vector_load %arg13[%swap3A_1226, %swap3A_1227] {strides = array<i32>} : memref<128x128xf32, #tpu.memory_space<vmem>>, vector<1x16xf32>,
        %swap3A_1229 = vector.shape_cast %swap3A_1228 : vector<1x16xf32> to vector<16xf32>
        %swap3A_1230 = vector.shape_cast %add3A_1225 : vector<16xf32> to vector<1x16xf32>
        tpu.vector_store %arg13[%swap3A_1226, %swap3A_1227], %swap3A_1230 {strides = array<i32>} : memref<128x128xf32, #tpu.memory_space<vmem>>, vector<1x16xf32>,
        %get3A_1231 = arith.index_cast %add3A_1217 : i32 to index
        %get3A_1232 = arith.constant 16 : index
        %get3A_1233 = tpu.vector_load %arg15[%get3A_1231, %get3A_1232] {strides = array<i32>} : memref<128x128xf32, #tpu.memory_space<vmem>>, vector<1x16xf32>,
        %get3A_1234 = vector.shape_cast %get3A_1233 : vector<1x16xf32> to vector<16xf32>
        %mul3A_1235 = arith.mulf %gather3A_1209, %get3A_9 : vector<16xf32>
        %add3A_1236 = arith.addf %get3A_1234, %mul3A_1235 : vector<16xf32>
        %mul3A_1237 = arith.mulf %gather3A_1213, %get3A_33 : vector<16xf32>
        %add3A_1238 = arith.addf %add3A_1236, %mul3A_1237 : vector<16xf32>
        %swap3A_1239 = arith.index_cast %add3A_1217 : i32 to index
        %swap3A_1240 = arith.constant 16 : index
        %swap3A_1241 = tpu.vector_load %arg13[%swap3A_1239, %swap3A_1240] {strides = array<i32>} : memref<128x128xf32, #tpu.memory_space<vmem>>, vector<1x16xf32>,
        %swap3A_1242 = vector.shape_cast %swap3A_1241 : vector<1x16xf32> to vector<16xf32>
        %swap3A_1243 = vector.shape_cast %add3A_1238 : vector<16xf32> to vector<1x16xf32>
        tpu.vector_store %arg13[%swap3A_1239, %swap3A_1240], %swap3A_1243 {strides = array<i32>} : memref<128x128xf32, #tpu.memory_space<vmem>>, vector<1x16xf32>,
        %get3A_1244 = arith.index_cast %add3A_1217 : i32 to index
        %get3A_1245 = arith.constant 32 : index
        %get3A_1246 = tpu.vector_load %arg15[%get3A_1244, %get3A_1245] {strides = array<i32>} : memref<128x128xf32, #tpu.memory_space<vmem>>, vector<1x16xf32>,
        %get3A_1247 = vector.shape_cast %get3A_1246 : vector<1x16xf32> to vector<16xf32>
        %mul3A_1248 = arith.mulf %gather3A_1209, %get3A_12 : vector<16xf32>
        %add3A_1249 = arith.addf %get3A_1247, %mul3A_1248 : vector<16xf32>
        %mul3A_1250 = arith.mulf %gather3A_1213, %get3A_36 : vector<16xf32>
        %add3A_1251 = arith.addf %add3A_1249, %mul3A_1250 : vector<16xf32>
        %swap3A_1252 = arith.index_cast %add3A_1217 : i32 to index
        %swap3A_1253 = arith.constant 32 : index
        %swap3A_1254 = tpu.vector_load %arg13[%swap3A_1252, %swap3A_1253] {strides = array<i32>} : memref<128x128xf32, #tpu.memory_space<vmem>>, vector<1x16xf32>,
        %swap3A_1255 = vector.shape_cast %swap3A_1254 : vector<1x16xf32> to vector<16xf32>
        %swap3A_1256 = vector.shape_cast %add3A_1251 : vector<16xf32> to vector<1x16xf32>
        tpu.vector_store %arg13[%swap3A_1252, %swap3A_1253], %swap3A_1256 {strides = array<i32>} : memref<128x128xf32, #tpu.memory_space<vmem>>, vector<1x16xf32>,
        %get3A_1257 = arith.index_cast %add3A_1217 : i32 to index
        %get3A_1258 = arith.constant 48 : index
        %get3A_1259 = tpu.vector_load %arg15[%get3A_1257, %get3A_1258] {strides = array<i32>} : memref<128x128xf32, #tpu.memory_space<vmem>>, vector<1x16xf32>,
        %get3A_1260 = vector.shape_cast %get3A_1259 : vector<1x16xf32> to vector<16xf32>
        %mul3A_1261 = arith.mulf %gather3A_1209, %get3A_15 : vector<16xf32>
        %add3A_1262 = arith.addf %get3A_1260, %mul3A_1261 : vector<16xf32>
        %mul3A_1263 = arith.mulf %gather3A_1213, %get3A_39 : vector<16xf32>
        %add3A_1264 = arith.addf %add3A_1262, %mul3A_1263 : vector<16xf32>
        %swap3A_1265 = arith.index_cast %add3A_1217 : i32 to index
        %swap3A_1266 = arith.constant 48 : index
        %swap3A_1267 = tpu.vector_load %arg13[%swap3A_1265, %swap3A_1266] {strides = array<i32>} : memref<128x128xf32, #tpu.memory_space<vmem>>, vector<1x16xf32>,
        %swap3A_1268 = vector.shape_cast %swap3A_1267 : vector<1x16xf32> to vector<16xf32>
        %swap3A_1269 = vector.shape_cast %add3A_1264 : vector<16xf32> to vector<1x16xf32>
        tpu.vector_store %arg13[%swap3A_1265, %swap3A_1266], %swap3A_1269 {strides = array<i32>} : memref<128x128xf32, #tpu.memory_space<vmem>>, vector<1x16xf32>,
        %get3A_1270 = arith.index_cast %add3A_1217 : i32 to index
        %get3A_1271 = arith.constant 64 : index
        %get3A_1272 = tpu.vector_load %arg15[%get3A_1270, %get3A_1271] {strides = array<i32>} : memref<128x128xf32, #tpu.memory_space<vmem>>, vector<1x16xf32>,
        %get3A_1273 = vector.shape_cast %get3A_1272 : vector<1x16xf32> to vector<16xf32>
        %mul3A_1274 = arith.mulf %gather3A_1209, %get3A_18 : vector<16xf32>
        %add3A_1275 = arith.addf %get3A_1273, %mul3A_1274 : vector<16xf32>
        %mul3A_1276 = arith.mulf %gather3A_1213, %get3A_42 : vector<16xf32>
        %add3A_1277 = arith.addf %add3A_1275, %mul3A_1276 : vector<16xf32>
        %swap3A_1278 = arith.index_cast %add3A_1217 : i32 to index
        %swap3A_1279 = arith.constant 64 : index
        %swap3A_1280 = tpu.vector_load %arg13[%swap3A_1278, %swap3A_1279] {strides = array<i32>} : memref<128x128xf32, #tpu.memory_space<vmem>>, vector<1x16xf32>,
        %swap3A_1281 = vector.shape_cast %swap3A_1280 : vector<1x16xf32> to vector<16xf32>
        %swap3A_1282 = vector.shape_cast %add3A_1277 : vector<16xf32> to vector<1x16xf32>
        tpu.vector_store %arg13[%swap3A_1278, %swap3A_1279], %swap3A_1282 {strides = array<i32>} : memref<128x128xf32, #tpu.memory_space<vmem>>, vector<1x16xf32>,
        %get3A_1283 = arith.index_cast %add3A_1217 : i32 to index
        %get3A_1284 = arith.constant 80 : index
        %get3A_1285 = tpu.vector_load %arg15[%get3A_1283, %get3A_1284] {strides = array<i32>} : memref<128x128xf32, #tpu.memory_space<vmem>>, vector<1x16xf32>,
        %get3A_1286 = vector.shape_cast %get3A_1285 : vector<1x16xf32> to vector<16xf32>
        %mul3A_1287 = arith.mulf %gather3A_1209, %get3A_21 : vector<16xf32>
        %add3A_1288 = arith.addf %get3A_1286, %mul3A_1287 : vector<16xf32>
        %mul3A_1289 = arith.mulf %gather3A_1213, %get3A_45 : vector<16xf32>
        %add3A_1290 = arith.addf %add3A_1288, %mul3A_1289 : vector<16xf32>
        %swap3A_1291 = arith.index_cast %add3A_1217 : i32 to index
        %swap3A_1292 = arith.constant 80 : index
        %swap3A_1293 = tpu.vector_load %arg13[%swap3A_1291, %swap3A_1292] {strides = array<i32>} : memref<128x128xf32, #tpu.memory_space<vmem>>, vector<1x16xf32>,
        %swap3A_1294 = vector.shape_cast %swap3A_1293 : vector<1x16xf32> to vector<16xf32>
        %swap3A_1295 = vector.shape_cast %add3A_1290 : vector<16xf32> to vector<1x16xf32>
        tpu.vector_store %arg13[%swap3A_1291, %swap3A_1292], %swap3A_1295 {strides = array<i32>} : memref<128x128xf32, #tpu.memory_space<vmem>>, vector<1x16xf32>,
        %get3A_1296 = arith.index_cast %add3A_1217 : i32 to index
        %get3A_1297 = arith.constant 96 : index
        %get3A_1298 = tpu.vector_load %arg15[%get3A_1296, %get3A_1297] {strides = array<i32>} : memref<128x128xf32, #tpu.memory_space<vmem>>, vector<1x16xf32>,
        %get3A_1299 = vector.shape_cast %get3A_1298 : vector<1x16xf32> to vector<16xf32>
        %mul3A_1300 = arith.mulf %gather3A_1209, %get3A_24 : vector<16xf32>
        %add3A_1301 = arith.addf %get3A_1299, %mul3A_1300 : vector<16xf32>
        %mul3A_1302 = arith.mulf %gather3A_1213, %get3A_48 : vector<16xf32>
        %add3A_1303 = arith.addf %add3A_1301, %mul3A_1302 : vector<16xf32>
        %swap3A_1304 = arith.index_cast %add3A_1217 : i32 to index
        %swap3A_1305 = arith.constant 96 : index
        %swap3A_1306 = tpu.vector_load %arg13[%swap3A_1304, %swap3A_1305] {strides = array<i32>} : memref<128x128xf32, #tpu.memory_space<vmem>>, vector<1x16xf32>,
        %swap3A_1307 = vector.shape_cast %swap3A_1306 : vector<1x16xf32> to vector<16xf32>
        %swap3A_1308 = vector.shape_cast %add3A_1303 : vector<16xf32> to vector<1x16xf32>
        tpu.vector_store %arg13[%swap3A_1304, %swap3A_1305], %swap3A_1308 {strides = array<i32>} : memref<128x128xf32, #tpu.memory_space<vmem>>, vector<1x16xf32>,
        %get3A_1309 = arith.index_cast %add3A_1217 : i32 to index
        %get3A_1310 = arith.constant 112 : index
        %get3A_1311 = tpu.vector_load %arg15[%get3A_1309, %get3A_1310] {strides = array<i32>} : memref<128x128xf32, #tpu.memory_space<vmem>>, vector<1x16xf32>,
        %get3A_1312 = vector.shape_cast %get3A_1311 : vector<1x16xf32> to vector<16xf32>
        %mul3A_1313 = arith.mulf %gather3A_1209, %get3A_27 : vector<16xf32>
        %add3A_1314 = arith.addf %get3A_1312, %mul3A_1313 : vector<16xf32>
        %mul3A_1315 = arith.mulf %gather3A_1213, %get3A_51 : vector<16xf32>
        %add3A_1316 = arith.addf %add3A_1314, %mul3A_1315 : vector<16xf32>
        %swap3A_1317 = arith.index_cast %add3A_1217 : i32 to index
        %swap3A_1318 = arith.constant 112 : index
        %swap3A_1319 = tpu.vector_load %arg13[%swap3A_1317, %swap3A_1318] {strides = array<i32>} : memref<128x128xf32, #tpu.memory_space<vmem>>, vector<1x16xf32>,
        %swap3A_1320 = vector.shape_cast %swap3A_1319 : vector<1x16xf32> to vector<16xf32>
        %swap3A_1321 = vector.shape_cast %add3A_1316 : vector<16xf32> to vector<1x16xf32>
        tpu.vector_store %arg13[%swap3A_1317, %swap3A_1318], %swap3A_1321 {strides = array<i32>} : memref<128x128xf32, #tpu.memory_space<vmem>>, vector<1x16xf32>,
        %broadcast_in_dim3A_1322 = arith.constant 10 : i32
        %broadcast_in_dim3A_1323 = vector.broadcast %broadcast_in_dim3A_1322 : i32 to vector<16x1xi32>
        %gather3A_1324 = vector.shape_cast %broadcast_in_dim3A_1323 : vector<16x1xi32> to vector<16xi32>
        %gather3A_1325 = tpu.dynamic_gather %get3A_161[%gather3A_1324] in [0] : vector<16xf32>, vector<16xi32> -> vector<16xf32>
        %broadcast_in_dim3A_1326 = arith.constant 10 : i32
        %broadcast_in_dim3A_1327 = vector.broadcast %broadcast_in_dim3A_1326 : i32 to vector<16x1xi32>
        %gather3A_1328 = vector.shape_cast %broadcast_in_dim3A_1327 : vector<16x1xi32> to vector<16xi32>
        %gather3A_1329 = tpu.dynamic_gather %get3A_164[%gather3A_1328] in [0] : vector<16xf32>, vector<16xi32> -> vector<16xf32>
        %mul3A_1330 = arith.constant 16 : i32
        %mul3A_1331 = arith.muli %scan3A_153, %mul3A_1330 : i32
        %add3A_1332 = arith.constant 10 : i32
        %add3A_1333 = arith.addi %mul3A_1331, %add3A_1332 : i32
        %get3A_1334 = arith.index_cast %add3A_1333 : i32 to index
        %get3A_1335 = arith.constant 0 : index
        %get3A_1336 = tpu.vector_load %arg15[%get3A_1334, %get3A_1335] {strides = array<i32>} : memref<128x128xf32, #tpu.memory_space<vmem>>, vector<1x16xf32>,
        %get3A_1337 = vector.shape_cast %get3A_1336 : vector<1x16xf32> to vector<16xf32>
        %mul3A_1338 = arith.mulf %gather3A_1325, %get3A_6 : vector<16xf32>
        %add3A_1339 = arith.addf %get3A_1337, %mul3A_1338 : vector<16xf32>
        %mul3A_1340 = arith.mulf %gather3A_1329, %get3A_30 : vector<16xf32>
        %add3A_1341 = arith.addf %add3A_1339, %mul3A_1340 : vector<16xf32>
        %swap3A_1342 = arith.index_cast %add3A_1333 : i32 to index
        %swap3A_1343 = arith.constant 0 : index
        %swap3A_1344 = tpu.vector_load %arg13[%swap3A_1342, %swap3A_1343] {strides = array<i32>} : memref<128x128xf32, #tpu.memory_space<vmem>>, vector<1x16xf32>,
        %swap3A_1345 = vector.shape_cast %swap3A_1344 : vector<1x16xf32> to vector<16xf32>
        %swap3A_1346 = vector.shape_cast %add3A_1341 : vector<16xf32> to vector<1x16xf32>
        tpu.vector_store %arg13[%swap3A_1342, %swap3A_1343], %swap3A_1346 {strides = array<i32>} : memref<128x128xf32, #tpu.memory_space<vmem>>, vector<1x16xf32>,
        %get3A_1347 = arith.index_cast %add3A_1333 : i32 to index
        %get3A_1348 = arith.constant 16 : index
        %get3A_1349 = tpu.vector_load %arg15[%get3A_1347, %get3A_1348] {strides = array<i32>} : memref<128x128xf32, #tpu.memory_space<vmem>>, vector<1x16xf32>,
        %get3A_1350 = vector.shape_cast %get3A_1349 : vector<1x16xf32> to vector<16xf32>
        %mul3A_1351 = arith.mulf %gather3A_1325, %get3A_9 : vector<16xf32>
        %add3A_1352 = arith.addf %get3A_1350, %mul3A_1351 : vector<16xf32>
        %mul3A_1353 = arith.mulf %gather3A_1329, %get3A_33 : vector<16xf32>
        %add3A_1354 = arith.addf %add3A_1352, %mul3A_1353 : vector<16xf32>
        %swap3A_1355 = arith.index_cast %add3A_1333 : i32 to index
        %swap3A_1356 = arith.constant 16 : index
        %swap3A_1357 = tpu.vector_load %arg13[%swap3A_1355, %swap3A_1356] {strides = array<i32>} : memref<128x128xf32, #tpu.memory_space<vmem>>, vector<1x16xf32>,
        %swap3A_1358 = vector.shape_cast %swap3A_1357 : vector<1x16xf32> to vector<16xf32>
        %swap3A_1359 = vector.shape_cast %add3A_1354 : vector<16xf32> to vector<1x16xf32>
        tpu.vector_store %arg13[%swap3A_1355, %swap3A_1356], %swap3A_1359 {strides = array<i32>} : memref<128x128xf32, #tpu.memory_space<vmem>>, vector<1x16xf32>,
        %get3A_1360 = arith.index_cast %add3A_1333 : i32 to index
        %get3A_1361 = arith.constant 32 : index
        %get3A_1362 = tpu.vector_load %arg15[%get3A_1360, %get3A_1361] {strides = array<i32>} : memref<128x128xf32, #tpu.memory_space<vmem>>, vector<1x16xf32>,
        %get3A_1363 = vector.shape_cast %get3A_1362 : vector<1x16xf32> to vector<16xf32>
        %mul3A_1364 = arith.mulf %gather3A_1325, %get3A_12 : vector<16xf32>
        %add3A_1365 = arith.addf %get3A_1363, %mul3A_1364 : vector<16xf32>
        %mul3A_1366 = arith.mulf %gather3A_1329, %get3A_36 : vector<16xf32>
        %add3A_1367 = arith.addf %add3A_1365, %mul3A_1366 : vector<16xf32>
        %swap3A_1368 = arith.index_cast %add3A_1333 : i32 to index
        %swap3A_1369 = arith.constant 32 : index
        %swap3A_1370 = tpu.vector_load %arg13[%swap3A_1368, %swap3A_1369] {strides = array<i32>} : memref<128x128xf32, #tpu.memory_space<vmem>>, vector<1x16xf32>,
        %swap3A_1371 = vector.shape_cast %swap3A_1370 : vector<1x16xf32> to vector<16xf32>
        %swap3A_1372 = vector.shape_cast %add3A_1367 : vector<16xf32> to vector<1x16xf32>
        tpu.vector_store %arg13[%swap3A_1368, %swap3A_1369], %swap3A_1372 {strides = array<i32>} : memref<128x128xf32, #tpu.memory_space<vmem>>, vector<1x16xf32>,
        %get3A_1373 = arith.index_cast %add3A_1333 : i32 to index
        %get3A_1374 = arith.constant 48 : index
        %get3A_1375 = tpu.vector_load %arg15[%get3A_1373, %get3A_1374] {strides = array<i32>} : memref<128x128xf32, #tpu.memory_space<vmem>>, vector<1x16xf32>,
        %get3A_1376 = vector.shape_cast %get3A_1375 : vector<1x16xf32> to vector<16xf32>
        %mul3A_1377 = arith.mulf %gather3A_1325, %get3A_15 : vector<16xf32>
        %add3A_1378 = arith.addf %get3A_1376, %mul3A_1377 : vector<16xf32>
        %mul3A_1379 = arith.mulf %gather3A_1329, %get3A_39 : vector<16xf32>
        %add3A_1380 = arith.addf %add3A_1378, %mul3A_1379 : vector<16xf32>
        %swap3A_1381 = arith.index_cast %add3A_1333 : i32 to index
        %swap3A_1382 = arith.constant 48 : index
        %swap3A_1383 = tpu.vector_load %arg13[%swap3A_1381, %swap3A_1382] {strides = array<i32>} : memref<128x128xf32, #tpu.memory_space<vmem>>, vector<1x16xf32>,
        %swap3A_1384 = vector.shape_cast %swap3A_1383 : vector<1x16xf32> to vector<16xf32>
        %swap3A_1385 = vector.shape_cast %add3A_1380 : vector<16xf32> to vector<1x16xf32>
        tpu.vector_store %arg13[%swap3A_1381, %swap3A_1382], %swap3A_1385 {strides = array<i32>} : memref<128x128xf32, #tpu.memory_space<vmem>>, vector<1x16xf32>,
        %get3A_1386 = arith.index_cast %add3A_1333 : i32 to index
        %get3A_1387 = arith.constant 64 : index
        %get3A_1388 = tpu.vector_load %arg15[%get3A_1386, %get3A_1387] {strides = array<i32>} : memref<128x128xf32, #tpu.memory_space<vmem>>, vector<1x16xf32>,
        %get3A_1389 = vector.shape_cast %get3A_1388 : vector<1x16xf32> to vector<16xf32>
        %mul3A_1390 = arith.mulf %gather3A_1325, %get3A_18 : vector<16xf32>
        %add3A_1391 = arith.addf %get3A_1389, %mul3A_1390 : vector<16xf32>
        %mul3A_1392 = arith.mulf %gather3A_1329, %get3A_42 : vector<16xf32>
        %add3A_1393 = arith.addf %add3A_1391, %mul3A_1392 : vector<16xf32>
        %swap3A_1394 = arith.index_cast %add3A_1333 : i32 to index
        %swap3A_1395 = arith.constant 64 : index
        %swap3A_1396 = tpu.vector_load %arg13[%swap3A_1394, %swap3A_1395] {strides = array<i32>} : memref<128x128xf32, #tpu.memory_space<vmem>>, vector<1x16xf32>,
        %swap3A_1397 = vector.shape_cast %swap3A_1396 : vector<1x16xf32> to vector<16xf32>
        %swap3A_1398 = vector.shape_cast %add3A_1393 : vector<16xf32> to vector<1x16xf32>
        tpu.vector_store %arg13[%swap3A_1394, %swap3A_1395], %swap3A_1398 {strides = array<i32>} : memref<128x128xf32, #tpu.memory_space<vmem>>, vector<1x16xf32>,
        %get3A_1399 = arith.index_cast %add3A_1333 : i32 to index
        %get3A_1400 = arith.constant 80 : index
        %get3A_1401 = tpu.vector_load %arg15[%get3A_1399, %get3A_1400] {strides = array<i32>} : memref<128x128xf32, #tpu.memory_space<vmem>>, vector<1x16xf32>,
        %get3A_1402 = vector.shape_cast %get3A_1401 : vector<1x16xf32> to vector<16xf32>
        %mul3A_1403 = arith.mulf %gather3A_1325, %get3A_21 : vector<16xf32>
        %add3A_1404 = arith.addf %get3A_1402, %mul3A_1403 : vector<16xf32>
        %mul3A_1405 = arith.mulf %gather3A_1329, %get3A_45 : vector<16xf32>
        %add3A_1406 = arith.addf %add3A_1404, %mul3A_1405 : vector<16xf32>
        %swap3A_1407 = arith.index_cast %add3A_1333 : i32 to index
        %swap3A_1408 = arith.constant 80 : index
        %swap3A_1409 = tpu.vector_load %arg13[%swap3A_1407, %swap3A_1408] {strides = array<i32>} : memref<128x128xf32, #tpu.memory_space<vmem>>, vector<1x16xf32>,
        %swap3A_1410 = vector.shape_cast %swap3A_1409 : vector<1x16xf32> to vector<16xf32>
        %swap3A_1411 = vector.shape_cast %add3A_1406 : vector<16xf32> to vector<1x16xf32>
        tpu.vector_store %arg13[%swap3A_1407, %swap3A_1408], %swap3A_1411 {strides = array<i32>} : memref<128x128xf32, #tpu.memory_space<vmem>>, vector<1x16xf32>,
        %get3A_1412 = arith.index_cast %add3A_1333 : i32 to index
        %get3A_1413 = arith.constant 96 : index
        %get3A_1414 = tpu.vector_load %arg15[%get3A_1412, %get3A_1413] {strides = array<i32>} : memref<128x128xf32, #tpu.memory_space<vmem>>, vector<1x16xf32>,
        %get3A_1415 = vector.shape_cast %get3A_1414 : vector<1x16xf32> to vector<16xf32>
        %mul3A_1416 = arith.mulf %gather3A_1325, %get3A_24 : vector<16xf32>
        %add3A_1417 = arith.addf %get3A_1415, %mul3A_1416 : vector<16xf32>
        %mul3A_1418 = arith.mulf %gather3A_1329, %get3A_48 : vector<16xf32>
        %add3A_1419 = arith.addf %add3A_1417, %mul3A_1418 : vector<16xf32>
        %swap3A_1420 = arith.index_cast %add3A_1333 : i32 to index
        %swap3A_1421 = arith.constant 96 : index
        %swap3A_1422 = tpu.vector_load %arg13[%swap3A_1420, %swap3A_1421] {strides = array<i32>} : memref<128x128xf32, #tpu.memory_space<vmem>>, vector<1x16xf32>,
        %swap3A_1423 = vector.shape_cast %swap3A_1422 : vector<1x16xf32> to vector<16xf32>
        %swap3A_1424 = vector.shape_cast %add3A_1419 : vector<16xf32> to vector<1x16xf32>
        tpu.vector_store %arg13[%swap3A_1420, %swap3A_1421], %swap3A_1424 {strides = array<i32>} : memref<128x128xf32, #tpu.memory_space<vmem>>, vector<1x16xf32>,
        %get3A_1425 = arith.index_cast %add3A_1333 : i32 to index
        %get3A_1426 = arith.constant 112 : index
        %get3A_1427 = tpu.vector_load %arg15[%get3A_1425, %get3A_1426] {strides = array<i32>} : memref<128x128xf32, #tpu.memory_space<vmem>>, vector<1x16xf32>,
        %get3A_1428 = vector.shape_cast %get3A_1427 : vector<1x16xf32> to vector<16xf32>
        %mul3A_1429 = arith.mulf %gather3A_1325, %get3A_27 : vector<16xf32>
        %add3A_1430 = arith.addf %get3A_1428, %mul3A_1429 : vector<16xf32>
        %mul3A_1431 = arith.mulf %gather3A_1329, %get3A_51 : vector<16xf32>
        %add3A_1432 = arith.addf %add3A_1430, %mul3A_1431 : vector<16xf32>
        %swap3A_1433 = arith.index_cast %add3A_1333 : i32 to index
        %swap3A_1434 = arith.constant 112 : index
        %swap3A_1435 = tpu.vector_load %arg13[%swap3A_1433, %swap3A_1434] {strides = array<i32>} : memref<128x128xf32, #tpu.memory_space<vmem>>, vector<1x16xf32>,
        %swap3A_1436 = vector.shape_cast %swap3A_1435 : vector<1x16xf32> to vector<16xf32>
        %swap3A_1437 = vector.shape_cast %add3A_1432 : vector<16xf32> to vector<1x16xf32>
        tpu.vector_store %arg13[%swap3A_1433, %swap3A_1434], %swap3A_1437 {strides = array<i32>} : memref<128x128xf32, #tpu.memory_space<vmem>>, vector<1x16xf32>,
        %broadcast_in_dim3A_1438 = arith.constant 11 : i32
        %broadcast_in_dim3A_1439 = vector.broadcast %broadcast_in_dim3A_1438 : i32 to vector<16x1xi32>
        %gather3A_1440 = vector.shape_cast %broadcast_in_dim3A_1439 : vector<16x1xi32> to vector<16xi32>
        %gather3A_1441 = tpu.dynamic_gather %get3A_161[%gather3A_1440] in [0] : vector<16xf32>, vector<16xi32> -> vector<16xf32>
        %broadcast_in_dim3A_1442 = arith.constant 11 : i32
        %broadcast_in_dim3A_1443 = vector.broadcast %broadcast_in_dim3A_1442 : i32 to vector<16x1xi32>
        %gather3A_1444 = vector.shape_cast %broadcast_in_dim3A_1443 : vector<16x1xi32> to vector<16xi32>
        %gather3A_1445 = tpu.dynamic_gather %get3A_164[%gather3A_1444] in [0] : vector<16xf32>, vector<16xi32> -> vector<16xf32>
        %mul3A_1446 = arith.constant 16 : i32
        %mul3A_1447 = arith.muli %scan3A_153, %mul3A_1446 : i32
        %add3A_1448 = arith.constant 11 : i32
        %add3A_1449 = arith.addi %mul3A_1447, %add3A_1448 : i32
        %get3A_1450 = arith.index_cast %add3A_1449 : i32 to index
        %get3A_1451 = arith.constant 0 : index
        %get3A_1452 = tpu.vector_load %arg15[%get3A_1450, %get3A_1451] {strides = array<i32>} : memref<128x128xf32, #tpu.memory_space<vmem>>, vector<1x16xf32>,
        %get3A_1453 = vector.shape_cast %get3A_1452 : vector<1x16xf32> to vector<16xf32>
        %mul3A_1454 = arith.mulf %gather3A_1441, %get3A_6 : vector<16xf32>
        %add3A_1455 = arith.addf %get3A_1453, %mul3A_1454 : vector<16xf32>
        %mul3A_1456 = arith.mulf %gather3A_1445, %get3A_30 : vector<16xf32>
        %add3A_1457 = arith.addf %add3A_1455, %mul3A_1456 : vector<16xf32>
        %swap3A_1458 = arith.index_cast %add3A_1449 : i32 to index
        %swap3A_1459 = arith.constant 0 : index
        %swap3A_1460 = tpu.vector_load %arg13[%swap3A_1458, %swap3A_1459] {strides = array<i32>} : memref<128x128xf32, #tpu.memory_space<vmem>>, vector<1x16xf32>,
        %swap3A_1461 = vector.shape_cast %swap3A_1460 : vector<1x16xf32> to vector<16xf32>
        %swap3A_1462 = vector.shape_cast %add3A_1457 : vector<16xf32> to vector<1x16xf32>
        tpu.vector_store %arg13[%swap3A_1458, %swap3A_1459], %swap3A_1462 {strides = array<i32>} : memref<128x128xf32, #tpu.memory_space<vmem>>, vector<1x16xf32>,
        %get3A_1463 = arith.index_cast %add3A_1449 : i32 to index
        %get3A_1464 = arith.constant 16 : index
        %get3A_1465 = tpu.vector_load %arg15[%get3A_1463, %get3A_1464] {strides = array<i32>} : memref<128x128xf32, #tpu.memory_space<vmem>>, vector<1x16xf32>,
        %get3A_1466 = vector.shape_cast %get3A_1465 : vector<1x16xf32> to vector<16xf32>
        %mul3A_1467 = arith.mulf %gather3A_1441, %get3A_9 : vector<16xf32>
        %add3A_1468 = arith.addf %get3A_1466, %mul3A_1467 : vector<16xf32>
        %mul3A_1469 = arith.mulf %gather3A_1445, %get3A_33 : vector<16xf32>
        %add3A_1470 = arith.addf %add3A_1468, %mul3A_1469 : vector<16xf32>
        %swap3A_1471 = arith.index_cast %add3A_1449 : i32 to index
        %swap3A_1472 = arith.constant 16 : index
        %swap3A_1473 = tpu.vector_load %arg13[%swap3A_1471, %swap3A_1472] {strides = array<i32>} : memref<128x128xf32, #tpu.memory_space<vmem>>, vector<1x16xf32>,
        %swap3A_1474 = vector.shape_cast %swap3A_1473 : vector<1x16xf32> to vector<16xf32>
        %swap3A_1475 = vector.shape_cast %add3A_1470 : vector<16xf32> to vector<1x16xf32>
        tpu.vector_store %arg13[%swap3A_1471, %swap3A_1472], %swap3A_1475 {strides = array<i32>} : memref<128x128xf32, #tpu.memory_space<vmem>>, vector<1x16xf32>,
        %get3A_1476 = arith.index_cast %add3A_1449 : i32 to index
        %get3A_1477 = arith.constant 32 : index
        %get3A_1478 = tpu.vector_load %arg15[%get3A_1476, %get3A_1477] {strides = array<i32>} : memref<128x128xf32, #tpu.memory_space<vmem>>, vector<1x16xf32>,
        %get3A_1479 = vector.shape_cast %get3A_1478 : vector<1x16xf32> to vector<16xf32>
        %mul3A_1480 = arith.mulf %gather3A_1441, %get3A_12 : vector<16xf32>
        %add3A_1481 = arith.addf %get3A_1479, %mul3A_1480 : vector<16xf32>
        %mul3A_1482 = arith.mulf %gather3A_1445, %get3A_36 : vector<16xf32>
        %add3A_1483 = arith.addf %add3A_1481, %mul3A_1482 : vector<16xf32>
        %swap3A_1484 = arith.index_cast %add3A_1449 : i32 to index
        %swap3A_1485 = arith.constant 32 : index
        %swap3A_1486 = tpu.vector_load %arg13[%swap3A_1484, %swap3A_1485] {strides = array<i32>} : memref<128x128xf32, #tpu.memory_space<vmem>>, vector<1x16xf32>,
        %swap3A_1487 = vector.shape_cast %swap3A_1486 : vector<1x16xf32> to vector<16xf32>
        %swap3A_1488 = vector.shape_cast %add3A_1483 : vector<16xf32> to vector<1x16xf32>
        tpu.vector_store %arg13[%swap3A_1484, %swap3A_1485], %swap3A_1488 {strides = array<i32>} : memref<128x128xf32, #tpu.memory_space<vmem>>, vector<1x16xf32>,
        %get3A_1489 = arith.index_cast %add3A_1449 : i32 to index
        %get3A_1490 = arith.constant 48 : index
        %get3A_1491 = tpu.vector_load %arg15[%get3A_1489, %get3A_1490] {strides = array<i32>} : memref<128x128xf32, #tpu.memory_space<vmem>>, vector<1x16xf32>,
        %get3A_1492 = vector.shape_cast %get3A_1491 : vector<1x16xf32> to vector<16xf32>
        %mul3A_1493 = arith.mulf %gather3A_1441, %get3A_15 : vector<16xf32>
        %add3A_1494 = arith.addf %get3A_1492, %mul3A_1493 : vector<16xf32>
        %mul3A_1495 = arith.mulf %gather3A_1445, %get3A_39 : vector<16xf32>
        %add3A_1496 = arith.addf %add3A_1494, %mul3A_1495 : vector<16xf32>
        %swap3A_1497 = arith.index_cast %add3A_1449 : i32 to index
        %swap3A_1498 = arith.constant 48 : index
        %swap3A_1499 = tpu.vector_load %arg13[%swap3A_1497, %swap3A_1498] {strides = array<i32>} : memref<128x128xf32, #tpu.memory_space<vmem>>, vector<1x16xf32>,
        %swap3A_1500 = vector.shape_cast %swap3A_1499 : vector<1x16xf32> to vector<16xf32>
        %swap3A_1501 = vector.shape_cast %add3A_1496 : vector<16xf32> to vector<1x16xf32>
        tpu.vector_store %arg13[%swap3A_1497, %swap3A_1498], %swap3A_1501 {strides = array<i32>} : memref<128x128xf32, #tpu.memory_space<vmem>>, vector<1x16xf32>,
        %get3A_1502 = arith.index_cast %add3A_1449 : i32 to index
        %get3A_1503 = arith.constant 64 : index
        %get3A_1504 = tpu.vector_load %arg15[%get3A_1502, %get3A_1503] {strides = array<i32>} : memref<128x128xf32, #tpu.memory_space<vmem>>, vector<1x16xf32>,
        %get3A_1505 = vector.shape_cast %get3A_1504 : vector<1x16xf32> to vector<16xf32>
        %mul3A_1506 = arith.mulf %gather3A_1441, %get3A_18 : vector<16xf32>
        %add3A_1507 = arith.addf %get3A_1505, %mul3A_1506 : vector<16xf32>
        %mul3A_1508 = arith.mulf %gather3A_1445, %get3A_42 : vector<16xf32>
        %add3A_1509 = arith.addf %add3A_1507, %mul3A_1508 : vector<16xf32>
        %swap3A_1510 = arith.index_cast %add3A_1449 : i32 to index
        %swap3A_1511 = arith.constant 64 : index
        %swap3A_1512 = tpu.vector_load %arg13[%swap3A_1510, %swap3A_1511] {strides = array<i32>} : memref<128x128xf32, #tpu.memory_space<vmem>>, vector<1x16xf32>,
        %swap3A_1513 = vector.shape_cast %swap3A_1512 : vector<1x16xf32> to vector<16xf32>
        %swap3A_1514 = vector.shape_cast %add3A_1509 : vector<16xf32> to vector<1x16xf32>
        tpu.vector_store %arg13[%swap3A_1510, %swap3A_1511], %swap3A_1514 {strides = array<i32>} : memref<128x128xf32, #tpu.memory_space<vmem>>, vector<1x16xf32>,
        %get3A_1515 = arith.index_cast %add3A_1449 : i32 to index
        %get3A_1516 = arith.constant 80 : index
        %get3A_1517 = tpu.vector_load %arg15[%get3A_1515, %get3A_1516] {strides = array<i32>} : memref<128x128xf32, #tpu.memory_space<vmem>>, vector<1x16xf32>,
        %get3A_1518 = vector.shape_cast %get3A_1517 : vector<1x16xf32> to vector<16xf32>
        %mul3A_1519 = arith.mulf %gather3A_1441, %get3A_21 : vector<16xf32>
        %add3A_1520 = arith.addf %get3A_1518, %mul3A_1519 : vector<16xf32>
        %mul3A_1521 = arith.mulf %gather3A_1445, %get3A_45 : vector<16xf32>
        %add3A_1522 = arith.addf %add3A_1520, %mul3A_1521 : vector<16xf32>
        %swap3A_1523 = arith.index_cast %add3A_1449 : i32 to index
        %swap3A_1524 = arith.constant 80 : index
        %swap3A_1525 = tpu.vector_load %arg13[%swap3A_1523, %swap3A_1524] {strides = array<i32>} : memref<128x128xf32, #tpu.memory_space<vmem>>, vector<1x16xf32>,
        %swap3A_1526 = vector.shape_cast %swap3A_1525 : vector<1x16xf32> to vector<16xf32>
        %swap3A_1527 = vector.shape_cast %add3A_1522 : vector<16xf32> to vector<1x16xf32>
        tpu.vector_store %arg13[%swap3A_1523, %swap3A_1524], %swap3A_1527 {strides = array<i32>} : memref<128x128xf32, #tpu.memory_space<vmem>>, vector<1x16xf32>,
        %get3A_1528 = arith.index_cast %add3A_1449 : i32 to index
        %get3A_1529 = arith.constant 96 : index
        %get3A_1530 = tpu.vector_load %arg15[%get3A_1528, %get3A_1529] {strides = array<i32>} : memref<128x128xf32, #tpu.memory_space<vmem>>, vector<1x16xf32>,
        %get3A_1531 = vector.shape_cast %get3A_1530 : vector<1x16xf32> to vector<16xf32>
        %mul3A_1532 = arith.mulf %gather3A_1441, %get3A_24 : vector<16xf32>
        %add3A_1533 = arith.addf %get3A_1531, %mul3A_1532 : vector<16xf32>
        %mul3A_1534 = arith.mulf %gather3A_1445, %get3A_48 : vector<16xf32>
        %add3A_1535 = arith.addf %add3A_1533, %mul3A_1534 : vector<16xf32>
        %swap3A_1536 = arith.index_cast %add3A_1449 : i32 to index
        %swap3A_1537 = arith.constant 96 : index
        %swap3A_1538 = tpu.vector_load %arg13[%swap3A_1536, %swap3A_1537] {strides = array<i32>} : memref<128x128xf32, #tpu.memory_space<vmem>>, vector<1x16xf32>,
        %swap3A_1539 = vector.shape_cast %swap3A_1538 : vector<1x16xf32> to vector<16xf32>
        %swap3A_1540 = vector.shape_cast %add3A_1535 : vector<16xf32> to vector<1x16xf32>
        tpu.vector_store %arg13[%swap3A_1536, %swap3A_1537], %swap3A_1540 {strides = array<i32>} : memref<128x128xf32, #tpu.memory_space<vmem>>, vector<1x16xf32>,
        %get3A_1541 = arith.index_cast %add3A_1449 : i32 to index
        %get3A_1542 = arith.constant 112 : index
        %get3A_1543 = tpu.vector_load %arg15[%get3A_1541, %get3A_1542] {strides = array<i32>} : memref<128x128xf32, #tpu.memory_space<vmem>>, vector<1x16xf32>,
        %get3A_1544 = vector.shape_cast %get3A_1543 : vector<1x16xf32> to vector<16xf32>
        %mul3A_1545 = arith.mulf %gather3A_1441, %get3A_27 : vector<16xf32>
        %add3A_1546 = arith.addf %get3A_1544, %mul3A_1545 : vector<16xf32>
        %mul3A_1547 = arith.mulf %gather3A_1445, %get3A_51 : vector<16xf32>
        %add3A_1548 = arith.addf %add3A_1546, %mul3A_1547 : vector<16xf32>
        %swap3A_1549 = arith.index_cast %add3A_1449 : i32 to index
        %swap3A_1550 = arith.constant 112 : index
        %swap3A_1551 = tpu.vector_load %arg13[%swap3A_1549, %swap3A_1550] {strides = array<i32>} : memref<128x128xf32, #tpu.memory_space<vmem>>, vector<1x16xf32>,
        %swap3A_1552 = vector.shape_cast %swap3A_1551 : vector<1x16xf32> to vector<16xf32>
        %swap3A_1553 = vector.shape_cast %add3A_1548 : vector<16xf32> to vector<1x16xf32>
        tpu.vector_store %arg13[%swap3A_1549, %swap3A_1550], %swap3A_1553 {strides = array<i32>} : memref<128x128xf32, #tpu.memory_space<vmem>>, vector<1x16xf32>,
        %broadcast_in_dim3A_1554 = arith.constant 12 : i32
        %broadcast_in_dim3A_1555 = vector.broadcast %broadcast_in_dim3A_1554 : i32 to vector<16x1xi32>
        %gather3A_1556 = vector.shape_cast %broadcast_in_dim3A_1555 : vector<16x1xi32> to vector<16xi32>
        %gather3A_1557 = tpu.dynamic_gather %get3A_161[%gather3A_1556] in [0] : vector<16xf32>, vector<16xi32> -> vector<16xf32>
        %broadcast_in_dim3A_1558 = arith.constant 12 : i32
        %broadcast_in_dim3A_1559 = vector.broadcast %broadcast_in_dim3A_1558 : i32 to vector<16x1xi32>
        %gather3A_1560 = vector.shape_cast %broadcast_in_dim3A_1559 : vector<16x1xi32> to vector<16xi32>
        %gather3A_1561 = tpu.dynamic_gather %get3A_164[%gather3A_1560] in [0] : vector<16xf32>, vector<16xi32> -> vector<16xf32>
        %mul3A_1562 = arith.constant 16 : i32
        %mul3A_1563 = arith.muli %scan3A_153, %mul3A_1562 : i32
        %add3A_1564 = arith.constant 12 : i32
        %add3A_1565 = arith.addi %mul3A_1563, %add3A_1564 : i32
        %get3A_1566 = arith.index_cast %add3A_1565 : i32 to index
        %get3A_1567 = arith.constant 0 : index
        %get3A_1568 = tpu.vector_load %arg15[%get3A_1566, %get3A_1567] {strides = array<i32>} : memref<128x128xf32, #tpu.memory_space<vmem>>, vector<1x16xf32>,
        %get3A_1569 = vector.shape_cast %get3A_1568 : vector<1x16xf32> to vector<16xf32>
        %mul3A_1570 = arith.mulf %gather3A_1557, %get3A_6 : vector<16xf32>
        %add3A_1571 = arith.addf %get3A_1569, %mul3A_1570 : vector<16xf32>
        %mul3A_1572 = arith.mulf %gather3A_1561, %get3A_30 : vector<16xf32>
        %add3A_1573 = arith.addf %add3A_1571, %mul3A_1572 : vector<16xf32>
        %swap3A_1574 = arith.index_cast %add3A_1565 : i32 to index
        %swap3A_1575 = arith.constant 0 : index
        %swap3A_1576 = tpu.vector_load %arg13[%swap3A_1574, %swap3A_1575] {strides = array<i32>} : memref<128x128xf32, #tpu.memory_space<vmem>>, vector<1x16xf32>,
        %swap3A_1577 = vector.shape_cast %swap3A_1576 : vector<1x16xf32> to vector<16xf32>
        %swap3A_1578 = vector.shape_cast %add3A_1573 : vector<16xf32> to vector<1x16xf32>
        tpu.vector_store %arg13[%swap3A_1574, %swap3A_1575], %swap3A_1578 {strides = array<i32>} : memref<128x128xf32, #tpu.memory_space<vmem>>, vector<1x16xf32>,
        %get3A_1579 = arith.index_cast %add3A_1565 : i32 to index
        %get3A_1580 = arith.constant 16 : index
        %get3A_1581 = tpu.vector_load %arg15[%get3A_1579, %get3A_1580] {strides = array<i32>} : memref<128x128xf32, #tpu.memory_space<vmem>>, vector<1x16xf32>,
        %get3A_1582 = vector.shape_cast %get3A_1581 : vector<1x16xf32> to vector<16xf32>
        %mul3A_1583 = arith.mulf %gather3A_1557, %get3A_9 : vector<16xf32>
        %add3A_1584 = arith.addf %get3A_1582, %mul3A_1583 : vector<16xf32>
        %mul3A_1585 = arith.mulf %gather3A_1561, %get3A_33 : vector<16xf32>
        %add3A_1586 = arith.addf %add3A_1584, %mul3A_1585 : vector<16xf32>
        %swap3A_1587 = arith.index_cast %add3A_1565 : i32 to index
        %swap3A_1588 = arith.constant 16 : index
        %swap3A_1589 = tpu.vector_load %arg13[%swap3A_1587, %swap3A_1588] {strides = array<i32>} : memref<128x128xf32, #tpu.memory_space<vmem>>, vector<1x16xf32>,
        %swap3A_1590 = vector.shape_cast %swap3A_1589 : vector<1x16xf32> to vector<16xf32>
        %swap3A_1591 = vector.shape_cast %add3A_1586 : vector<16xf32> to vector<1x16xf32>
        tpu.vector_store %arg13[%swap3A_1587, %swap3A_1588], %swap3A_1591 {strides = array<i32>} : memref<128x128xf32, #tpu.memory_space<vmem>>, vector<1x16xf32>,
        %get3A_1592 = arith.index_cast %add3A_1565 : i32 to index
        %get3A_1593 = arith.constant 32 : index
        %get3A_1594 = tpu.vector_load %arg15[%get3A_1592, %get3A_1593] {strides = array<i32>} : memref<128x128xf32, #tpu.memory_space<vmem>>, vector<1x16xf32>,
        %get3A_1595 = vector.shape_cast %get3A_1594 : vector<1x16xf32> to vector<16xf32>
        %mul3A_1596 = arith.mulf %gather3A_1557, %get3A_12 : vector<16xf32>
        %add3A_1597 = arith.addf %get3A_1595, %mul3A_1596 : vector<16xf32>
        %mul3A_1598 = arith.mulf %gather3A_1561, %get3A_36 : vector<16xf32>
        %add3A_1599 = arith.addf %add3A_1597, %mul3A_1598 : vector<16xf32>
        %swap3A_1600 = arith.index_cast %add3A_1565 : i32 to index
        %swap3A_1601 = arith.constant 32 : index
        %swap3A_1602 = tpu.vector_load %arg13[%swap3A_1600, %swap3A_1601] {strides = array<i32>} : memref<128x128xf32, #tpu.memory_space<vmem>>, vector<1x16xf32>,
        %swap3A_1603 = vector.shape_cast %swap3A_1602 : vector<1x16xf32> to vector<16xf32>
        %swap3A_1604 = vector.shape_cast %add3A_1599 : vector<16xf32> to vector<1x16xf32>
        tpu.vector_store %arg13[%swap3A_1600, %swap3A_1601], %swap3A_1604 {strides = array<i32>} : memref<128x128xf32, #tpu.memory_space<vmem>>, vector<1x16xf32>,
        %get3A_1605 = arith.index_cast %add3A_1565 : i32 to index
        %get3A_1606 = arith.constant 48 : index
        %get3A_1607 = tpu.vector_load %arg15[%get3A_1605, %get3A_1606] {strides = array<i32>} : memref<128x128xf32, #tpu.memory_space<vmem>>, vector<1x16xf32>,
        %get3A_1608 = vector.shape_cast %get3A_1607 : vector<1x16xf32> to vector<16xf32>
        %mul3A_1609 = arith.mulf %gather3A_1557, %get3A_15 : vector<16xf32>
        %add3A_1610 = arith.addf %get3A_1608, %mul3A_1609 : vector<16xf32>
        %mul3A_1611 = arith.mulf %gather3A_1561, %get3A_39 : vector<16xf32>
        %add3A_1612 = arith.addf %add3A_1610, %mul3A_1611 : vector<16xf32>
        %swap3A_1613 = arith.index_cast %add3A_1565 : i32 to index
        %swap3A_1614 = arith.constant 48 : index
        %swap3A_1615 = tpu.vector_load %arg13[%swap3A_1613, %swap3A_1614] {strides = array<i32>} : memref<128x128xf32, #tpu.memory_space<vmem>>, vector<1x16xf32>,
        %swap3A_1616 = vector.shape_cast %swap3A_1615 : vector<1x16xf32> to vector<16xf32>
        %swap3A_1617 = vector.shape_cast %add3A_1612 : vector<16xf32> to vector<1x16xf32>
        tpu.vector_store %arg13[%swap3A_1613, %swap3A_1614], %swap3A_1617 {strides = array<i32>} : memref<128x128xf32, #tpu.memory_space<vmem>>, vector<1x16xf32>,
        %get3A_1618 = arith.index_cast %add3A_1565 : i32 to index
        %get3A_1619 = arith.constant 64 : index
        %get3A_1620 = tpu.vector_load %arg15[%get3A_1618, %get3A_1619] {strides = array<i32>} : memref<128x128xf32, #tpu.memory_space<vmem>>, vector<1x16xf32>,
        %get3A_1621 = vector.shape_cast %get3A_1620 : vector<1x16xf32> to vector<16xf32>
        %mul3A_1622 = arith.mulf %gather3A_1557, %get3A_18 : vector<16xf32>
        %add3A_1623 = arith.addf %get3A_1621, %mul3A_1622 : vector<16xf32>
        %mul3A_1624 = arith.mulf %gather3A_1561, %get3A_42 : vector<16xf32>
        %add3A_1625 = arith.addf %add3A_1623, %mul3A_1624 : vector<16xf32>
        %swap3A_1626 = arith.index_cast %add3A_1565 : i32 to index
        %swap3A_1627 = arith.constant 64 : index
        %swap3A_1628 = tpu.vector_load %arg13[%swap3A_1626, %swap3A_1627] {strides = array<i32>} : memref<128x128xf32, #tpu.memory_space<vmem>>, vector<1x16xf32>,
        %swap3A_1629 = vector.shape_cast %swap3A_1628 : vector<1x16xf32> to vector<16xf32>
        %swap3A_1630 = vector.shape_cast %add3A_1625 : vector<16xf32> to vector<1x16xf32>
        tpu.vector_store %arg13[%swap3A_1626, %swap3A_1627], %swap3A_1630 {strides = array<i32>} : memref<128x128xf32, #tpu.memory_space<vmem>>, vector<1x16xf32>,
        %get3A_1631 = arith.index_cast %add3A_1565 : i32 to index
        %get3A_1632 = arith.constant 80 : index
        %get3A_1633 = tpu.vector_load %arg15[%get3A_1631, %get3A_1632] {strides = array<i32>} : memref<128x128xf32, #tpu.memory_space<vmem>>, vector<1x16xf32>,
        %get3A_1634 = vector.shape_cast %get3A_1633 : vector<1x16xf32> to vector<16xf32>
        %mul3A_1635 = arith.mulf %gather3A_1557, %get3A_21 : vector<16xf32>
        %add3A_1636 = arith.addf %get3A_1634, %mul3A_1635 : vector<16xf32>
        %mul3A_1637 = arith.mulf %gather3A_1561, %get3A_45 : vector<16xf32>
        %add3A_1638 = arith.addf %add3A_1636, %mul3A_1637 : vector<16xf32>
        %swap3A_1639 = arith.index_cast %add3A_1565 : i32 to index
        %swap3A_1640 = arith.constant 80 : index
        %swap3A_1641 = tpu.vector_load %arg13[%swap3A_1639, %swap3A_1640] {strides = array<i32>} : memref<128x128xf32, #tpu.memory_space<vmem>>, vector<1x16xf32>,
        %swap3A_1642 = vector.shape_cast %swap3A_1641 : vector<1x16xf32> to vector<16xf32>
        %swap3A_1643 = vector.shape_cast %add3A_1638 : vector<16xf32> to vector<1x16xf32>
        tpu.vector_store %arg13[%swap3A_1639, %swap3A_1640], %swap3A_1643 {strides = array<i32>} : memref<128x128xf32, #tpu.memory_space<vmem>>, vector<1x16xf32>,
        %get3A_1644 = arith.index_cast %add3A_1565 : i32 to index
        %get3A_1645 = arith.constant 96 : index
        %get3A_1646 = tpu.vector_load %arg15[%get3A_1644, %get3A_1645] {strides = array<i32>} : memref<128x128xf32, #tpu.memory_space<vmem>>, vector<1x16xf32>,
        %get3A_1647 = vector.shape_cast %get3A_1646 : vector<1x16xf32> to vector<16xf32>
        %mul3A_1648 = arith.mulf %gather3A_1557, %get3A_24 : vector<16xf32>
        %add3A_1649 = arith.addf %get3A_1647, %mul3A_1648 : vector<16xf32>
        %mul3A_1650 = arith.mulf %gather3A_1561, %get3A_48 : vector<16xf32>
        %add3A_1651 = arith.addf %add3A_1649, %mul3A_1650 : vector<16xf32>
        %swap3A_1652 = arith.index_cast %add3A_1565 : i32 to index
        %swap3A_1653 = arith.constant 96 : index
        %swap3A_1654 = tpu.vector_load %arg13[%swap3A_1652, %swap3A_1653] {strides = array<i32>} : memref<128x128xf32, #tpu.memory_space<vmem>>, vector<1x16xf32>,
        %swap3A_1655 = vector.shape_cast %swap3A_1654 : vector<1x16xf32> to vector<16xf32>
        %swap3A_1656 = vector.shape_cast %add3A_1651 : vector<16xf32> to vector<1x16xf32>
        tpu.vector_store %arg13[%swap3A_1652, %swap3A_1653], %swap3A_1656 {strides = array<i32>} : memref<128x128xf32, #tpu.memory_space<vmem>>, vector<1x16xf32>,
        %get3A_1657 = arith.index_cast %add3A_1565 : i32 to index
        %get3A_1658 = arith.constant 112 : index
        %get3A_1659 = tpu.vector_load %arg15[%get3A_1657, %get3A_1658] {strides = array<i32>} : memref<128x128xf32, #tpu.memory_space<vmem>>, vector<1x16xf32>,
        %get3A_1660 = vector.shape_cast %get3A_1659 : vector<1x16xf32> to vector<16xf32>
        %mul3A_1661 = arith.mulf %gather3A_1557, %get3A_27 : vector<16xf32>
        %add3A_1662 = arith.addf %get3A_1660, %mul3A_1661 : vector<16xf32>
        %mul3A_1663 = arith.mulf %gather3A_1561, %get3A_51 : vector<16xf32>
        %add3A_1664 = arith.addf %add3A_1662, %mul3A_1663 : vector<16xf32>
        %swap3A_1665 = arith.index_cast %add3A_1565 : i32 to index
        %swap3A_1666 = arith.constant 112 : index
        %swap3A_1667 = tpu.vector_load %arg13[%swap3A_1665, %swap3A_1666] {strides = array<i32>} : memref<128x128xf32, #tpu.memory_space<vmem>>, vector<1x16xf32>,
        %swap3A_1668 = vector.shape_cast %swap3A_1667 : vector<1x16xf32> to vector<16xf32>
        %swap3A_1669 = vector.shape_cast %add3A_1664 : vector<16xf32> to vector<1x16xf32>
        tpu.vector_store %arg13[%swap3A_1665, %swap3A_1666], %swap3A_1669 {strides = array<i32>} : memref<128x128xf32, #tpu.memory_space<vmem>>, vector<1x16xf32>,
        %broadcast_in_dim3A_1670 = arith.constant 13 : i32
        %broadcast_in_dim3A_1671 = vector.broadcast %broadcast_in_dim3A_1670 : i32 to vector<16x1xi32>
        %gather3A_1672 = vector.shape_cast %broadcast_in_dim3A_1671 : vector<16x1xi32> to vector<16xi32>
        %gather3A_1673 = tpu.dynamic_gather %get3A_161[%gather3A_1672] in [0] : vector<16xf32>, vector<16xi32> -> vector<16xf32>
        %broadcast_in_dim3A_1674 = arith.constant 13 : i32
        %broadcast_in_dim3A_1675 = vector.broadcast %broadcast_in_dim3A_1674 : i32 to vector<16x1xi32>
        %gather3A_1676 = vector.shape_cast %broadcast_in_dim3A_1675 : vector<16x1xi32> to vector<16xi32>
        %gather3A_1677 = tpu.dynamic_gather %get3A_164[%gather3A_1676] in [0] : vector<16xf32>, vector<16xi32> -> vector<16xf32>
        %mul3A_1678 = arith.constant 16 : i32
        %mul3A_1679 = arith.muli %scan3A_153, %mul3A_1678 : i32
        %add3A_1680 = arith.constant 13 : i32
        %add3A_1681 = arith.addi %mul3A_1679, %add3A_1680 : i32
        %get3A_1682 = arith.index_cast %add3A_1681 : i32 to index
        %get3A_1683 = arith.constant 0 : index
        %get3A_1684 = tpu.vector_load %arg15[%get3A_1682, %get3A_1683] {strides = array<i32>} : memref<128x128xf32, #tpu.memory_space<vmem>>, vector<1x16xf32>,
        %get3A_1685 = vector.shape_cast %get3A_1684 : vector<1x16xf32> to vector<16xf32>
        %mul3A_1686 = arith.mulf %gather3A_1673, %get3A_6 : vector<16xf32>
        %add3A_1687 = arith.addf %get3A_1685, %mul3A_1686 : vector<16xf32>
        %mul3A_1688 = arith.mulf %gather3A_1677, %get3A_30 : vector<16xf32>
        %add3A_1689 = arith.addf %add3A_1687, %mul3A_1688 : vector<16xf32>
        %swap3A_1690 = arith.index_cast %add3A_1681 : i32 to index
        %swap3A_1691 = arith.constant 0 : index
        %swap3A_1692 = tpu.vector_load %arg13[%swap3A_1690, %swap3A_1691] {strides = array<i32>} : memref<128x128xf32, #tpu.memory_space<vmem>>, vector<1x16xf32>,
        %swap3A_1693 = vector.shape_cast %swap3A_1692 : vector<1x16xf32> to vector<16xf32>
        %swap3A_1694 = vector.shape_cast %add3A_1689 : vector<16xf32> to vector<1x16xf32>
        tpu.vector_store %arg13[%swap3A_1690, %swap3A_1691], %swap3A_1694 {strides = array<i32>} : memref<128x128xf32, #tpu.memory_space<vmem>>, vector<1x16xf32>,
        %get3A_1695 = arith.index_cast %add3A_1681 : i32 to index
        %get3A_1696 = arith.constant 16 : index
        %get3A_1697 = tpu.vector_load %arg15[%get3A_1695, %get3A_1696] {strides = array<i32>} : memref<128x128xf32, #tpu.memory_space<vmem>>, vector<1x16xf32>,
        %get3A_1698 = vector.shape_cast %get3A_1697 : vector<1x16xf32> to vector<16xf32>
        %mul3A_1699 = arith.mulf %gather3A_1673, %get3A_9 : vector<16xf32>
        %add3A_1700 = arith.addf %get3A_1698, %mul3A_1699 : vector<16xf32>
        %mul3A_1701 = arith.mulf %gather3A_1677, %get3A_33 : vector<16xf32>
        %add3A_1702 = arith.addf %add3A_1700, %mul3A_1701 : vector<16xf32>
        %swap3A_1703 = arith.index_cast %add3A_1681 : i32 to index
        %swap3A_1704 = arith.constant 16 : index
        %swap3A_1705 = tpu.vector_load %arg13[%swap3A_1703, %swap3A_1704] {strides = array<i32>} : memref<128x128xf32, #tpu.memory_space<vmem>>, vector<1x16xf32>,
        %swap3A_1706 = vector.shape_cast %swap3A_1705 : vector<1x16xf32> to vector<16xf32>
        %swap3A_1707 = vector.shape_cast %add3A_1702 : vector<16xf32> to vector<1x16xf32>
        tpu.vector_store %arg13[%swap3A_1703, %swap3A_1704], %swap3A_1707 {strides = array<i32>} : memref<128x128xf32, #tpu.memory_space<vmem>>, vector<1x16xf32>,
        %get3A_1708 = arith.index_cast %add3A_1681 : i32 to index
        %get3A_1709 = arith.constant 32 : index
        %get3A_1710 = tpu.vector_load %arg15[%get3A_1708, %get3A_1709] {strides = array<i32>} : memref<128x128xf32, #tpu.memory_space<vmem>>, vector<1x16xf32>,
        %get3A_1711 = vector.shape_cast %get3A_1710 : vector<1x16xf32> to vector<16xf32>
        %mul3A_1712 = arith.mulf %gather3A_1673, %get3A_12 : vector<16xf32>
        %add3A_1713 = arith.addf %get3A_1711, %mul3A_1712 : vector<16xf32>
        %mul3A_1714 = arith.mulf %gather3A_1677, %get3A_36 : vector<16xf32>
        %add3A_1715 = arith.addf %add3A_1713, %mul3A_1714 : vector<16xf32>
        %swap3A_1716 = arith.index_cast %add3A_1681 : i32 to index
        %swap3A_1717 = arith.constant 32 : index
        %swap3A_1718 = tpu.vector_load %arg13[%swap3A_1716, %swap3A_1717] {strides = array<i32>} : memref<128x128xf32, #tpu.memory_space<vmem>>, vector<1x16xf32>,
        %swap3A_1719 = vector.shape_cast %swap3A_1718 : vector<1x16xf32> to vector<16xf32>
        %swap3A_1720 = vector.shape_cast %add3A_1715 : vector<16xf32> to vector<1x16xf32>
        tpu.vector_store %arg13[%swap3A_1716, %swap3A_1717], %swap3A_1720 {strides = array<i32>} : memref<128x128xf32, #tpu.memory_space<vmem>>, vector<1x16xf32>,
        %get3A_1721 = arith.index_cast %add3A_1681 : i32 to index
        %get3A_1722 = arith.constant 48 : index
        %get3A_1723 = tpu.vector_load %arg15[%get3A_1721, %get3A_1722] {strides = array<i32>} : memref<128x128xf32, #tpu.memory_space<vmem>>, vector<1x16xf32>,
        %get3A_1724 = vector.shape_cast %get3A_1723 : vector<1x16xf32> to vector<16xf32>
        %mul3A_1725 = arith.mulf %gather3A_1673, %get3A_15 : vector<16xf32>
        %add3A_1726 = arith.addf %get3A_1724, %mul3A_1725 : vector<16xf32>
        %mul3A_1727 = arith.mulf %gather3A_1677, %get3A_39 : vector<16xf32>
        %add3A_1728 = arith.addf %add3A_1726, %mul3A_1727 : vector<16xf32>
        %swap3A_1729 = arith.index_cast %add3A_1681 : i32 to index
        %swap3A_1730 = arith.constant 48 : index
        %swap3A_1731 = tpu.vector_load %arg13[%swap3A_1729, %swap3A_1730] {strides = array<i32>} : memref<128x128xf32, #tpu.memory_space<vmem>>, vector<1x16xf32>,
        %swap3A_1732 = vector.shape_cast %swap3A_1731 : vector<1x16xf32> to vector<16xf32>
        %swap3A_1733 = vector.shape_cast %add3A_1728 : vector<16xf32> to vector<1x16xf32>
        tpu.vector_store %arg13[%swap3A_1729, %swap3A_1730], %swap3A_1733 {strides = array<i32>} : memref<128x128xf32, #tpu.memory_space<vmem>>, vector<1x16xf32>,
        %get3A_1734 = arith.index_cast %add3A_1681 : i32 to index
        %get3A_1735 = arith.constant 64 : index
        %get3A_1736 = tpu.vector_load %arg15[%get3A_1734, %get3A_1735] {strides = array<i32>} : memref<128x128xf32, #tpu.memory_space<vmem>>, vector<1x16xf32>,
        %get3A_1737 = vector.shape_cast %get3A_1736 : vector<1x16xf32> to vector<16xf32>
        %mul3A_1738 = arith.mulf %gather3A_1673, %get3A_18 : vector<16xf32>
        %add3A_1739 = arith.addf %get3A_1737, %mul3A_1738 : vector<16xf32>
        %mul3A_1740 = arith.mulf %gather3A_1677, %get3A_42 : vector<16xf32>
        %add3A_1741 = arith.addf %add3A_1739, %mul3A_1740 : vector<16xf32>
        %swap3A_1742 = arith.index_cast %add3A_1681 : i32 to index
        %swap3A_1743 = arith.constant 64 : index
        %swap3A_1744 = tpu.vector_load %arg13[%swap3A_1742, %swap3A_1743] {strides = array<i32>} : memref<128x128xf32, #tpu.memory_space<vmem>>, vector<1x16xf32>,
        %swap3A_1745 = vector.shape_cast %swap3A_1744 : vector<1x16xf32> to vector<16xf32>
        %swap3A_1746 = vector.shape_cast %add3A_1741 : vector<16xf32> to vector<1x16xf32>
        tpu.vector_store %arg13[%swap3A_1742, %swap3A_1743], %swap3A_1746 {strides = array<i32>} : memref<128x128xf32, #tpu.memory_space<vmem>>, vector<1x16xf32>,
        %get3A_1747 = arith.index_cast %add3A_1681 : i32 to index
        %get3A_1748 = arith.constant 80 : index
        %get3A_1749 = tpu.vector_load %arg15[%get3A_1747, %get3A_1748] {strides = array<i32>} : memref<128x128xf32, #tpu.memory_space<vmem>>, vector<1x16xf32>,
        %get3A_1750 = vector.shape_cast %get3A_1749 : vector<1x16xf32> to vector<16xf32>
        %mul3A_1751 = arith.mulf %gather3A_1673, %get3A_21 : vector<16xf32>
        %add3A_1752 = arith.addf %get3A_1750, %mul3A_1751 : vector<16xf32>
        %mul3A_1753 = arith.mulf %gather3A_1677, %get3A_45 : vector<16xf32>
        %add3A_1754 = arith.addf %add3A_1752, %mul3A_1753 : vector<16xf32>
        %swap3A_1755 = arith.index_cast %add3A_1681 : i32 to index
        %swap3A_1756 = arith.constant 80 : index
        %swap3A_1757 = tpu.vector_load %arg13[%swap3A_1755, %swap3A_1756] {strides = array<i32>} : memref<128x128xf32, #tpu.memory_space<vmem>>, vector<1x16xf32>,
        %swap3A_1758 = vector.shape_cast %swap3A_1757 : vector<1x16xf32> to vector<16xf32>
        %swap3A_1759 = vector.shape_cast %add3A_1754 : vector<16xf32> to vector<1x16xf32>
        tpu.vector_store %arg13[%swap3A_1755, %swap3A_1756], %swap3A_1759 {strides = array<i32>} : memref<128x128xf32, #tpu.memory_space<vmem>>, vector<1x16xf32>,
        %get3A_1760 = arith.index_cast %add3A_1681 : i32 to index
        %get3A_1761 = arith.constant 96 : index
        %get3A_1762 = tpu.vector_load %arg15[%get3A_1760, %get3A_1761] {strides = array<i32>} : memref<128x128xf32, #tpu.memory_space<vmem>>, vector<1x16xf32>,
        %get3A_1763 = vector.shape_cast %get3A_1762 : vector<1x16xf32> to vector<16xf32>
        %mul3A_1764 = arith.mulf %gather3A_1673, %get3A_24 : vector<16xf32>
        %add3A_1765 = arith.addf %get3A_1763, %mul3A_1764 : vector<16xf32>
        %mul3A_1766 = arith.mulf %gather3A_1677, %get3A_48 : vector<16xf32>
        %add3A_1767 = arith.addf %add3A_1765, %mul3A_1766 : vector<16xf32>
        %swap3A_1768 = arith.index_cast %add3A_1681 : i32 to index
        %swap3A_1769 = arith.constant 96 : index
        %swap3A_1770 = tpu.vector_load %arg13[%swap3A_1768, %swap3A_1769] {strides = array<i32>} : memref<128x128xf32, #tpu.memory_space<vmem>>, vector<1x16xf32>,
        %swap3A_1771 = vector.shape_cast %swap3A_1770 : vector<1x16xf32> to vector<16xf32>
        %swap3A_1772 = vector.shape_cast %add3A_1767 : vector<16xf32> to vector<1x16xf32>
        tpu.vector_store %arg13[%swap3A_1768, %swap3A_1769], %swap3A_1772 {strides = array<i32>} : memref<128x128xf32, #tpu.memory_space<vmem>>, vector<1x16xf32>,
        %get3A_1773 = arith.index_cast %add3A_1681 : i32 to index
        %get3A_1774 = arith.constant 112 : index
        %get3A_1775 = tpu.vector_load %arg15[%get3A_1773, %get3A_1774] {strides = array<i32>} : memref<128x128xf32, #tpu.memory_space<vmem>>, vector<1x16xf32>,
        %get3A_1776 = vector.shape_cast %get3A_1775 : vector<1x16xf32> to vector<16xf32>
        %mul3A_1777 = arith.mulf %gather3A_1673, %get3A_27 : vector<16xf32>
        %add3A_1778 = arith.addf %get3A_1776, %mul3A_1777 : vector<16xf32>
        %mul3A_1779 = arith.mulf %gather3A_1677, %get3A_51 : vector<16xf32>
        %add3A_1780 = arith.addf %add3A_1778, %mul3A_1779 : vector<16xf32>
        %swap3A_1781 = arith.index_cast %add3A_1681 : i32 to index
        %swap3A_1782 = arith.constant 112 : index
        %swap3A_1783 = tpu.vector_load %arg13[%swap3A_1781, %swap3A_1782] {strides = array<i32>} : memref<128x128xf32, #tpu.memory_space<vmem>>, vector<1x16xf32>,
        %swap3A_1784 = vector.shape_cast %swap3A_1783 : vector<1x16xf32> to vector<16xf32>
        %swap3A_1785 = vector.shape_cast %add3A_1780 : vector<16xf32> to vector<1x16xf32>
        tpu.vector_store %arg13[%swap3A_1781, %swap3A_1782], %swap3A_1785 {strides = array<i32>} : memref<128x128xf32, #tpu.memory_space<vmem>>, vector<1x16xf32>,
        %broadcast_in_dim3A_1786 = arith.constant 14 : i32
        %broadcast_in_dim3A_1787 = vector.broadcast %broadcast_in_dim3A_1786 : i32 to vector<16x1xi32>
        %gather3A_1788 = vector.shape_cast %broadcast_in_dim3A_1787 : vector<16x1xi32> to vector<16xi32>
        %gather3A_1789 = tpu.dynamic_gather %get3A_161[%gather3A_1788] in [0] : vector<16xf32>, vector<16xi32> -> vector<16xf32>
        %broadcast_in_dim3A_1790 = arith.constant 14 : i32
        %broadcast_in_dim3A_1791 = vector.broadcast %broadcast_in_dim3A_1790 : i32 to vector<16x1xi32>
        %gather3A_1792 = vector.shape_cast %broadcast_in_dim3A_1791 : vector<16x1xi32> to vector<16xi32>
        %gather3A_1793 = tpu.dynamic_gather %get3A_164[%gather3A_1792] in [0] : vector<16xf32>, vector<16xi32> -> vector<16xf32>
        %mul3A_1794 = arith.constant 16 : i32
        %mul3A_1795 = arith.muli %scan3A_153, %mul3A_1794 : i32
        %add3A_1796 = arith.constant 14 : i32
        %add3A_1797 = arith.addi %mul3A_1795, %add3A_1796 : i32
        %get3A_1798 = arith.index_cast %add3A_1797 : i32 to index
        %get3A_1799 = arith.constant 0 : index
        %get3A_1800 = tpu.vector_load %arg15[%get3A_1798, %get3A_1799] {strides = array<i32>} : memref<128x128xf32, #tpu.memory_space<vmem>>, vector<1x16xf32>,
        %get3A_1801 = vector.shape_cast %get3A_1800 : vector<1x16xf32> to vector<16xf32>
        %mul3A_1802 = arith.mulf %gather3A_1789, %get3A_6 : vector<16xf32>
        %add3A_1803 = arith.addf %get3A_1801, %mul3A_1802 : vector<16xf32>
        %mul3A_1804 = arith.mulf %gather3A_1793, %get3A_30 : vector<16xf32>
        %add3A_1805 = arith.addf %add3A_1803, %mul3A_1804 : vector<16xf32>
        %swap3A_1806 = arith.index_cast %add3A_1797 : i32 to index
        %swap3A_1807 = arith.constant 0 : index
        %swap3A_1808 = tpu.vector_load %arg13[%swap3A_1806, %swap3A_1807] {strides = array<i32>} : memref<128x128xf32, #tpu.memory_space<vmem>>, vector<1x16xf32>,
        %swap3A_1809 = vector.shape_cast %swap3A_1808 : vector<1x16xf32> to vector<16xf32>
        %swap3A_1810 = vector.shape_cast %add3A_1805 : vector<16xf32> to vector<1x16xf32>
        tpu.vector_store %arg13[%swap3A_1806, %swap3A_1807], %swap3A_1810 {strides = array<i32>} : memref<128x128xf32, #tpu.memory_space<vmem>>, vector<1x16xf32>,
        %get3A_1811 = arith.index_cast %add3A_1797 : i32 to index
        %get3A_1812 = arith.constant 16 : index
        %get3A_1813 = tpu.vector_load %arg15[%get3A_1811, %get3A_1812] {strides = array<i32>} : memref<128x128xf32, #tpu.memory_space<vmem>>, vector<1x16xf32>,
        %get3A_1814 = vector.shape_cast %get3A_1813 : vector<1x16xf32> to vector<16xf32>
        %mul3A_1815 = arith.mulf %gather3A_1789, %get3A_9 : vector<16xf32>
        %add3A_1816 = arith.addf %get3A_1814, %mul3A_1815 : vector<16xf32>
        %mul3A_1817 = arith.mulf %gather3A_1793, %get3A_33 : vector<16xf32>
        %add3A_1818 = arith.addf %add3A_1816, %mul3A_1817 : vector<16xf32>
        %swap3A_1819 = arith.index_cast %add3A_1797 : i32 to index
        %swap3A_1820 = arith.constant 16 : index
        %swap3A_1821 = tpu.vector_load %arg13[%swap3A_1819, %swap3A_1820] {strides = array<i32>} : memref<128x128xf32, #tpu.memory_space<vmem>>, vector<1x16xf32>,
        %swap3A_1822 = vector.shape_cast %swap3A_1821 : vector<1x16xf32> to vector<16xf32>
        %swap3A_1823 = vector.shape_cast %add3A_1818 : vector<16xf32> to vector<1x16xf32>
        tpu.vector_store %arg13[%swap3A_1819, %swap3A_1820], %swap3A_1823 {strides = array<i32>} : memref<128x128xf32, #tpu.memory_space<vmem>>, vector<1x16xf32>,
        %get3A_1824 = arith.index_cast %add3A_1797 : i32 to index
        %get3A_1825 = arith.constant 32 : index
        %get3A_1826 = tpu.vector_load %arg15[%get3A_1824, %get3A_1825] {strides = array<i32>} : memref<128x128xf32, #tpu.memory_space<vmem>>, vector<1x16xf32>,
        %get3A_1827 = vector.shape_cast %get3A_1826 : vector<1x16xf32> to vector<16xf32>
        %mul3A_1828 = arith.mulf %gather3A_1789, %get3A_12 : vector<16xf32>
        %add3A_1829 = arith.addf %get3A_1827, %mul3A_1828 : vector<16xf32>
        %mul3A_1830 = arith.mulf %gather3A_1793, %get3A_36 : vector<16xf32>
        %add3A_1831 = arith.addf %add3A_1829, %mul3A_1830 : vector<16xf32>
        %swap3A_1832 = arith.index_cast %add3A_1797 : i32 to index
        %swap3A_1833 = arith.constant 32 : index
        %swap3A_1834 = tpu.vector_load %arg13[%swap3A_1832, %swap3A_1833] {strides = array<i32>} : memref<128x128xf32, #tpu.memory_space<vmem>>, vector<1x16xf32>,
        %swap3A_1835 = vector.shape_cast %swap3A_1834 : vector<1x16xf32> to vector<16xf32>
        %swap3A_1836 = vector.shape_cast %add3A_1831 : vector<16xf32> to vector<1x16xf32>
        tpu.vector_store %arg13[%swap3A_1832, %swap3A_1833], %swap3A_1836 {strides = array<i32>} : memref<128x128xf32, #tpu.memory_space<vmem>>, vector<1x16xf32>,
        %get3A_1837 = arith.index_cast %add3A_1797 : i32 to index
        %get3A_1838 = arith.constant 48 : index
        %get3A_1839 = tpu.vector_load %arg15[%get3A_1837, %get3A_1838] {strides = array<i32>} : memref<128x128xf32, #tpu.memory_space<vmem>>, vector<1x16xf32>,
        %get3A_1840 = vector.shape_cast %get3A_1839 : vector<1x16xf32> to vector<16xf32>
        %mul3A_1841 = arith.mulf %gather3A_1789, %get3A_15 : vector<16xf32>
        %add3A_1842 = arith.addf %get3A_1840, %mul3A_1841 : vector<16xf32>
        %mul3A_1843 = arith.mulf %gather3A_1793, %get3A_39 : vector<16xf32>
        %add3A_1844 = arith.addf %add3A_1842, %mul3A_1843 : vector<16xf32>
        %swap3A_1845 = arith.index_cast %add3A_1797 : i32 to index
        %swap3A_1846 = arith.constant 48 : index
        %swap3A_1847 = tpu.vector_load %arg13[%swap3A_1845, %swap3A_1846] {strides = array<i32>} : memref<128x128xf32, #tpu.memory_space<vmem>>, vector<1x16xf32>,
        %swap3A_1848 = vector.shape_cast %swap3A_1847 : vector<1x16xf32> to vector<16xf32>
        %swap3A_1849 = vector.shape_cast %add3A_1844 : vector<16xf32> to vector<1x16xf32>
        tpu.vector_store %arg13[%swap3A_1845, %swap3A_1846], %swap3A_1849 {strides = array<i32>} : memref<128x128xf32, #tpu.memory_space<vmem>>, vector<1x16xf32>,
        %get3A_1850 = arith.index_cast %add3A_1797 : i32 to index
        %get3A_1851 = arith.constant 64 : index
        %get3A_1852 = tpu.vector_load %arg15[%get3A_1850, %get3A_1851] {strides = array<i32>} : memref<128x128xf32, #tpu.memory_space<vmem>>, vector<1x16xf32>,
        %get3A_1853 = vector.shape_cast %get3A_1852 : vector<1x16xf32> to vector<16xf32>
        %mul3A_1854 = arith.mulf %gather3A_1789, %get3A_18 : vector<16xf32>
        %add3A_1855 = arith.addf %get3A_1853, %mul3A_1854 : vector<16xf32>
        %mul3A_1856 = arith.mulf %gather3A_1793, %get3A_42 : vector<16xf32>
        %add3A_1857 = arith.addf %add3A_1855, %mul3A_1856 : vector<16xf32>
        %swap3A_1858 = arith.index_cast %add3A_1797 : i32 to index
        %swap3A_1859 = arith.constant 64 : index
        %swap3A_1860 = tpu.vector_load %arg13[%swap3A_1858, %swap3A_1859] {strides = array<i32>} : memref<128x128xf32, #tpu.memory_space<vmem>>, vector<1x16xf32>,
        %swap3A_1861 = vector.shape_cast %swap3A_1860 : vector<1x16xf32> to vector<16xf32>
        %swap3A_1862 = vector.shape_cast %add3A_1857 : vector<16xf32> to vector<1x16xf32>
        tpu.vector_store %arg13[%swap3A_1858, %swap3A_1859], %swap3A_1862 {strides = array<i32>} : memref<128x128xf32, #tpu.memory_space<vmem>>, vector<1x16xf32>,
        %get3A_1863 = arith.index_cast %add3A_1797 : i32 to index
        %get3A_1864 = arith.constant 80 : index
        %get3A_1865 = tpu.vector_load %arg15[%get3A_1863, %get3A_1864] {strides = array<i32>} : memref<128x128xf32, #tpu.memory_space<vmem>>, vector<1x16xf32>,
        %get3A_1866 = vector.shape_cast %get3A_1865 : vector<1x16xf32> to vector<16xf32>
        %mul3A_1867 = arith.mulf %gather3A_1789, %get3A_21 : vector<16xf32>
        %add3A_1868 = arith.addf %get3A_1866, %mul3A_1867 : vector<16xf32>
        %mul3A_1869 = arith.mulf %gather3A_1793, %get3A_45 : vector<16xf32>
        %add3A_1870 = arith.addf %add3A_1868, %mul3A_1869 : vector<16xf32>
        %swap3A_1871 = arith.index_cast %add3A_1797 : i32 to index
        %swap3A_1872 = arith.constant 80 : index
        %swap3A_1873 = tpu.vector_load %arg13[%swap3A_1871, %swap3A_1872] {strides = array<i32>} : memref<128x128xf32, #tpu.memory_space<vmem>>, vector<1x16xf32>,
        %swap3A_1874 = vector.shape_cast %swap3A_1873 : vector<1x16xf32> to vector<16xf32>
        %swap3A_1875 = vector.shape_cast %add3A_1870 : vector<16xf32> to vector<1x16xf32>
        tpu.vector_store %arg13[%swap3A_1871, %swap3A_1872], %swap3A_1875 {strides = array<i32>} : memref<128x128xf32, #tpu.memory_space<vmem>>, vector<1x16xf32>,
        %get3A_1876 = arith.index_cast %add3A_1797 : i32 to index
        %get3A_1877 = arith.constant 96 : index
        %get3A_1878 = tpu.vector_load %arg15[%get3A_1876, %get3A_1877] {strides = array<i32>} : memref<128x128xf32, #tpu.memory_space<vmem>>, vector<1x16xf32>,
        %get3A_1879 = vector.shape_cast %get3A_1878 : vector<1x16xf32> to vector<16xf32>
        %mul3A_1880 = arith.mulf %gather3A_1789, %get3A_24 : vector<16xf32>
        %add3A_1881 = arith.addf %get3A_1879, %mul3A_1880 : vector<16xf32>
        %mul3A_1882 = arith.mulf %gather3A_1793, %get3A_48 : vector<16xf32>
        %add3A_1883 = arith.addf %add3A_1881, %mul3A_1882 : vector<16xf32>
        %swap3A_1884 = arith.index_cast %add3A_1797 : i32 to index
        %swap3A_1885 = arith.constant 96 : index
        %swap3A_1886 = tpu.vector_load %arg13[%swap3A_1884, %swap3A_1885] {strides = array<i32>} : memref<128x128xf32, #tpu.memory_space<vmem>>, vector<1x16xf32>,
        %swap3A_1887 = vector.shape_cast %swap3A_1886 : vector<1x16xf32> to vector<16xf32>
        %swap3A_1888 = vector.shape_cast %add3A_1883 : vector<16xf32> to vector<1x16xf32>
        tpu.vector_store %arg13[%swap3A_1884, %swap3A_1885], %swap3A_1888 {strides = array<i32>} : memref<128x128xf32, #tpu.memory_space<vmem>>, vector<1x16xf32>,
        %get3A_1889 = arith.index_cast %add3A_1797 : i32 to index
        %get3A_1890 = arith.constant 112 : index
        %get3A_1891 = tpu.vector_load %arg15[%get3A_1889, %get3A_1890] {strides = array<i32>} : memref<128x128xf32, #tpu.memory_space<vmem>>, vector<1x16xf32>,
        %get3A_1892 = vector.shape_cast %get3A_1891 : vector<1x16xf32> to vector<16xf32>
        %mul3A_1893 = arith.mulf %gather3A_1789, %get3A_27 : vector<16xf32>
        %add3A_1894 = arith.addf %get3A_1892, %mul3A_1893 : vector<16xf32>
        %mul3A_1895 = arith.mulf %gather3A_1793, %get3A_51 : vector<16xf32>
        %add3A_1896 = arith.addf %add3A_1894, %mul3A_1895 : vector<16xf32>
        %swap3A_1897 = arith.index_cast %add3A_1797 : i32 to index
        %swap3A_1898 = arith.constant 112 : index
        %swap3A_1899 = tpu.vector_load %arg13[%swap3A_1897, %swap3A_1898] {strides = array<i32>} : memref<128x128xf32, #tpu.memory_space<vmem>>, vector<1x16xf32>,
        %swap3A_1900 = vector.shape_cast %swap3A_1899 : vector<1x16xf32> to vector<16xf32>
        %swap3A_1901 = vector.shape_cast %add3A_1896 : vector<16xf32> to vector<1x16xf32>
        tpu.vector_store %arg13[%swap3A_1897, %swap3A_1898], %swap3A_1901 {strides = array<i32>} : memref<128x128xf32, #tpu.memory_space<vmem>>, vector<1x16xf32>,
        %broadcast_in_dim3A_1902 = arith.constant 15 : i32
        %broadcast_in_dim3A_1903 = vector.broadcast %broadcast_in_dim3A_1902 : i32 to vector<16x1xi32>
        %gather3A_1904 = vector.shape_cast %broadcast_in_dim3A_1903 : vector<16x1xi32> to vector<16xi32>
        %gather3A_1905 = tpu.dynamic_gather %get3A_161[%gather3A_1904] in [0] : vector<16xf32>, vector<16xi32> -> vector<16xf32>
        %broadcast_in_dim3A_1906 = arith.constant 15 : i32
        %broadcast_in_dim3A_1907 = vector.broadcast %broadcast_in_dim3A_1906 : i32 to vector<16x1xi32>
        %gather3A_1908 = vector.shape_cast %broadcast_in_dim3A_1907 : vector<16x1xi32> to vector<16xi32>
        %gather3A_1909 = tpu.dynamic_gather %get3A_164[%gather3A_1908] in [0] : vector<16xf32>, vector<16xi32> -> vector<16xf32>
        %mul3A_1910 = arith.constant 16 : i32
        %mul3A_1911 = arith.muli %scan3A_153, %mul3A_1910 : i32
        %add3A_1912 = arith.constant 15 : i32
        %add3A_1913 = arith.addi %mul3A_1911, %add3A_1912 : i32
        %get3A_1914 = arith.index_cast %add3A_1913 : i32 to index
        %get3A_1915 = arith.constant 0 : index
        %get3A_1916 = tpu.vector_load %arg15[%get3A_1914, %get3A_1915] {strides = array<i32>} : memref<128x128xf32, #tpu.memory_space<vmem>>, vector<1x16xf32>,
        %get3A_1917 = vector.shape_cast %get3A_1916 : vector<1x16xf32> to vector<16xf32>
        %mul3A_1918 = arith.mulf %gather3A_1905, %get3A_6 : vector<16xf32>
        %add3A_1919 = arith.addf %get3A_1917, %mul3A_1918 : vector<16xf32>
        %mul3A_1920 = arith.mulf %gather3A_1909, %get3A_30 : vector<16xf32>
        %add3A_1921 = arith.addf %add3A_1919, %mul3A_1920 : vector<16xf32>
        %swap3A_1922 = arith.index_cast %add3A_1913 : i32 to index
        %swap3A_1923 = arith.constant 0 : index
        %swap3A_1924 = tpu.vector_load %arg13[%swap3A_1922, %swap3A_1923] {strides = array<i32>} : memref<128x128xf32, #tpu.memory_space<vmem>>, vector<1x16xf32>,
        %swap3A_1925 = vector.shape_cast %swap3A_1924 : vector<1x16xf32> to vector<16xf32>
        %swap3A_1926 = vector.shape_cast %add3A_1921 : vector<16xf32> to vector<1x16xf32>
        tpu.vector_store %arg13[%swap3A_1922, %swap3A_1923], %swap3A_1926 {strides = array<i32>} : memref<128x128xf32, #tpu.memory_space<vmem>>, vector<1x16xf32>,
        %get3A_1927 = arith.index_cast %add3A_1913 : i32 to index
        %get3A_1928 = arith.constant 16 : index
        %get3A_1929 = tpu.vector_load %arg15[%get3A_1927, %get3A_1928] {strides = array<i32>} : memref<128x128xf32, #tpu.memory_space<vmem>>, vector<1x16xf32>,
        %get3A_1930 = vector.shape_cast %get3A_1929 : vector<1x16xf32> to vector<16xf32>
        %mul3A_1931 = arith.mulf %gather3A_1905, %get3A_9 : vector<16xf32>
        %add3A_1932 = arith.addf %get3A_1930, %mul3A_1931 : vector<16xf32>
        %mul3A_1933 = arith.mulf %gather3A_1909, %get3A_33 : vector<16xf32>
        %add3A_1934 = arith.addf %add3A_1932, %mul3A_1933 : vector<16xf32>
        %swap3A_1935 = arith.index_cast %add3A_1913 : i32 to index
        %swap3A_1936 = arith.constant 16 : index
        %swap3A_1937 = tpu.vector_load %arg13[%swap3A_1935, %swap3A_1936] {strides = array<i32>} : memref<128x128xf32, #tpu.memory_space<vmem>>, vector<1x16xf32>,
        %swap3A_1938 = vector.shape_cast %swap3A_1937 : vector<1x16xf32> to vector<16xf32>
        %swap3A_1939 = vector.shape_cast %add3A_1934 : vector<16xf32> to vector<1x16xf32>
        tpu.vector_store %arg13[%swap3A_1935, %swap3A_1936], %swap3A_1939 {strides = array<i32>} : memref<128x128xf32, #tpu.memory_space<vmem>>, vector<1x16xf32>,
        %get3A_1940 = arith.index_cast %add3A_1913 : i32 to index
        %get3A_1941 = arith.constant 32 : index
        %get3A_1942 = tpu.vector_load %arg15[%get3A_1940, %get3A_1941] {strides = array<i32>} : memref<128x128xf32, #tpu.memory_space<vmem>>, vector<1x16xf32>,
        %get3A_1943 = vector.shape_cast %get3A_1942 : vector<1x16xf32> to vector<16xf32>
        %mul3A_1944 = arith.mulf %gather3A_1905, %get3A_12 : vector<16xf32>
        %add3A_1945 = arith.addf %get3A_1943, %mul3A_1944 : vector<16xf32>
        %mul3A_1946 = arith.mulf %gather3A_1909, %get3A_36 : vector<16xf32>
        %add3A_1947 = arith.addf %add3A_1945, %mul3A_1946 : vector<16xf32>
        %swap3A_1948 = arith.index_cast %add3A_1913 : i32 to index
        %swap3A_1949 = arith.constant 32 : index
        %swap3A_1950 = tpu.vector_load %arg13[%swap3A_1948, %swap3A_1949] {strides = array<i32>} : memref<128x128xf32, #tpu.memory_space<vmem>>, vector<1x16xf32>,
        %swap3A_1951 = vector.shape_cast %swap3A_1950 : vector<1x16xf32> to vector<16xf32>
        %swap3A_1952 = vector.shape_cast %add3A_1947 : vector<16xf32> to vector<1x16xf32>
        tpu.vector_store %arg13[%swap3A_1948, %swap3A_1949], %swap3A_1952 {strides = array<i32>} : memref<128x128xf32, #tpu.memory_space<vmem>>, vector<1x16xf32>,
        %get3A_1953 = arith.index_cast %add3A_1913 : i32 to index
        %get3A_1954 = arith.constant 48 : index
        %get3A_1955 = tpu.vector_load %arg15[%get3A_1953, %get3A_1954] {strides = array<i32>} : memref<128x128xf32, #tpu.memory_space<vmem>>, vector<1x16xf32>,
        %get3A_1956 = vector.shape_cast %get3A_1955 : vector<1x16xf32> to vector<16xf32>
        %mul3A_1957 = arith.mulf %gather3A_1905, %get3A_15 : vector<16xf32>
        %add3A_1958 = arith.addf %get3A_1956, %mul3A_1957 : vector<16xf32>
        %mul3A_1959 = arith.mulf %gather3A_1909, %get3A_39 : vector<16xf32>
        %add3A_1960 = arith.addf %add3A_1958, %mul3A_1959 : vector<16xf32>
        %swap3A_1961 = arith.index_cast %add3A_1913 : i32 to index
        %swap3A_1962 = arith.constant 48 : index
        %swap3A_1963 = tpu.vector_load %arg13[%swap3A_1961, %swap3A_1962] {strides = array<i32>} : memref<128x128xf32, #tpu.memory_space<vmem>>, vector<1x16xf32>,
        %swap3A_1964 = vector.shape_cast %swap3A_1963 : vector<1x16xf32> to vector<16xf32>
        %swap3A_1965 = vector.shape_cast %add3A_1960 : vector<16xf32> to vector<1x16xf32>
        tpu.vector_store %arg13[%swap3A_1961, %swap3A_1962], %swap3A_1965 {strides = array<i32>} : memref<128x128xf32, #tpu.memory_space<vmem>>, vector<1x16xf32>,
        %get3A_1966 = arith.index_cast %add3A_1913 : i32 to index
        %get3A_1967 = arith.constant 64 : index
        %get3A_1968 = tpu.vector_load %arg15[%get3A_1966, %get3A_1967] {strides = array<i32>} : memref<128x128xf32, #tpu.memory_space<vmem>>, vector<1x16xf32>,
        %get3A_1969 = vector.shape_cast %get3A_1968 : vector<1x16xf32> to vector<16xf32>
        %mul3A_1970 = arith.mulf %gather3A_1905, %get3A_18 : vector<16xf32>
        %add3A_1971 = arith.addf %get3A_1969, %mul3A_1970 : vector<16xf32>
        %mul3A_1972 = arith.mulf %gather3A_1909, %get3A_42 : vector<16xf32>
        %add3A_1973 = arith.addf %add3A_1971, %mul3A_1972 : vector<16xf32>
        %swap3A_1974 = arith.index_cast %add3A_1913 : i32 to index
        %swap3A_1975 = arith.constant 64 : index
        %swap3A_1976 = tpu.vector_load %arg13[%swap3A_1974, %swap3A_1975] {strides = array<i32>} : memref<128x128xf32, #tpu.memory_space<vmem>>, vector<1x16xf32>,
        %swap3A_1977 = vector.shape_cast %swap3A_1976 : vector<1x16xf32> to vector<16xf32>
        %swap3A_1978 = vector.shape_cast %add3A_1973 : vector<16xf32> to vector<1x16xf32>
        tpu.vector_store %arg13[%swap3A_1974, %swap3A_1975], %swap3A_1978 {strides = array<i32>} : memref<128x128xf32, #tpu.memory_space<vmem>>, vector<1x16xf32>,
        %get3A_1979 = arith.index_cast %add3A_1913 : i32 to index
        %get3A_1980 = arith.constant 80 : index
        %get3A_1981 = tpu.vector_load %arg15[%get3A_1979, %get3A_1980] {strides = array<i32>} : memref<128x128xf32, #tpu.memory_space<vmem>>, vector<1x16xf32>,
        %get3A_1982 = vector.shape_cast %get3A_1981 : vector<1x16xf32> to vector<16xf32>
        %mul3A_1983 = arith.mulf %gather3A_1905, %get3A_21 : vector<16xf32>
        %add3A_1984 = arith.addf %get3A_1982, %mul3A_1983 : vector<16xf32>
        %mul3A_1985 = arith.mulf %gather3A_1909, %get3A_45 : vector<16xf32>
        %add3A_1986 = arith.addf %add3A_1984, %mul3A_1985 : vector<16xf32>
        %swap3A_1987 = arith.index_cast %add3A_1913 : i32 to index
        %swap3A_1988 = arith.constant 80 : index
        %swap3A_1989 = tpu.vector_load %arg13[%swap3A_1987, %swap3A_1988] {strides = array<i32>} : memref<128x128xf32, #tpu.memory_space<vmem>>, vector<1x16xf32>,
        %swap3A_1990 = vector.shape_cast %swap3A_1989 : vector<1x16xf32> to vector<16xf32>
        %swap3A_1991 = vector.shape_cast %add3A_1986 : vector<16xf32> to vector<1x16xf32>
        tpu.vector_store %arg13[%swap3A_1987, %swap3A_1988], %swap3A_1991 {strides = array<i32>} : memref<128x128xf32, #tpu.memory_space<vmem>>, vector<1x16xf32>,
        %get3A_1992 = arith.index_cast %add3A_1913 : i32 to index
        %get3A_1993 = arith.constant 96 : index
        %get3A_1994 = tpu.vector_load %arg15[%get3A_1992, %get3A_1993] {strides = array<i32>} : memref<128x128xf32, #tpu.memory_space<vmem>>, vector<1x16xf32>,
        %get3A_1995 = vector.shape_cast %get3A_1994 : vector<1x16xf32> to vector<16xf32>
        %mul3A_1996 = arith.mulf %gather3A_1905, %get3A_24 : vector<16xf32>
        %add3A_1997 = arith.addf %get3A_1995, %mul3A_1996 : vector<16xf32>
        %mul3A_1998 = arith.mulf %gather3A_1909, %get3A_48 : vector<16xf32>
        %add3A_1999 = arith.addf %add3A_1997, %mul3A_1998 : vector<16xf32>
        %swap3A_2000 = arith.index_cast %add3A_1913 : i32 to index
        %swap3A_2001 = arith.constant 96 : index
        %swap3A_2002 = tpu.vector_load %arg13[%swap3A_2000, %swap3A_2001] {strides = array<i32>} : memref<128x128xf32, #tpu.memory_space<vmem>>, vector<1x16xf32>,
        %swap3A_2003 = vector.shape_cast %swap3A_2002 : vector<1x16xf32> to vector<16xf32>
        %swap3A_2004 = vector.shape_cast %add3A_1999 : vector<16xf32> to vector<1x16xf32>
        tpu.vector_store %arg13[%swap3A_2000, %swap3A_2001], %swap3A_2004 {strides = array<i32>} : memref<128x128xf32, #tpu.memory_space<vmem>>, vector<1x16xf32>,
        %get3A_2005 = arith.index_cast %add3A_1913 : i32 to index
        %get3A_2006 = arith.constant 112 : index
        %get3A_2007 = tpu.vector_load %arg15[%get3A_2005, %get3A_2006] {strides = array<i32>} : memref<128x128xf32, #tpu.memory_space<vmem>>, vector<1x16xf32>,
        %get3A_2008 = vector.shape_cast %get3A_2007 : vector<1x16xf32> to vector<16xf32>
        %mul3A_2009 = arith.mulf %gather3A_1905, %get3A_27 : vector<16xf32>
        %add3A_2010 = arith.addf %get3A_2008, %mul3A_2009 : vector<16xf32>
        %mul3A_2011 = arith.mulf %gather3A_1909, %get3A_51 : vector<16xf32>
        %add3A_2012 = arith.addf %add3A_2010, %mul3A_2011 : vector<16xf32>
        %swap3A_2013 = arith.index_cast %add3A_1913 : i32 to index
        %swap3A_2014 = arith.constant 112 : index
        %swap3A_2015 = tpu.vector_load %arg13[%swap3A_2013, %swap3A_2014] {strides = array<i32>} : memref<128x128xf32, #tpu.memory_space<vmem>>, vector<1x16xf32>,
        %swap3A_2016 = vector.shape_cast %swap3A_2015 : vector<1x16xf32> to vector<16xf32>
        %swap3A_2017 = vector.shape_cast %add3A_2012 : vector<16xf32> to vector<1x16xf32>
        tpu.vector_store %arg13[%swap3A_2013, %swap3A_2014], %swap3A_2017 {strides = array<i32>} : memref<128x128xf32, #tpu.memory_space<vmem>>, vector<1x16xf32>,
      }
      %scan3A_109 = arith.constant 8 : i32
      %mul3A_110 = arith.constant 128 : i32
      %mul3A_111 = arith.muli %add3A_78, %mul3A_110 : i32
      %add3A_112 = arith.addi %mul3A_2, %mul3A_111 : i32
      %dma_start3A_113 = arith.constant 0 : i32
      %dma_start3A_114 = tpu.memref_slice %arg8[%add3A_112, %dma_start3A_113] : memref<204800x128xf32, #tpu.memory_space<hbm>> -> memref<128x128xf32, #tpu.memory_space<hbm>>
      %dma_start3A_115 = arith.constant 0 : i32
      %dma_start3A_116 = tpu.memref_slice %arg8[%add3A_112, %dma_start3A_115] : memref<204800x128xf32, #tpu.memory_space<hbm>> -> memref<128x128xf32, #tpu.memory_space<hbm>>
      tpu.enqueue_dma source(%arg13 : memref<128x128xf32, #tpu.memory_space<vmem>>) target(%dma_start3A_116 : memref<128x128xf32, #tpu.memory_space<hbm>>) target_semaphore(%arg21 : memref<!tpu.dma_semaphore, #tpu.memory_space<semaphore_mem>>)
      %add3A_117 = arith.constant 2 : i32
      %add3A_118 = arith.addi %add3A_78, %add3A_117 : i32
      %lt3A = arith.constant 50 : i32
      %lt3A_119 = arith.cmpi slt, %add3A_118, %lt3A : i32
      %convert_element_type3A_120 = arith.extui %lt3A_119 : i1 to i32
      %cond3A_121 = arith.constant 0 : i32
      %cond3A_122 = arith.cmpi ne, %convert_element_type3A_120, %cond3A_121 : i32
      scf.if %cond3A_122 {
        %add3A_153 = arith.constant 2 : i32
        %add3A_154 = arith.addi %add3A_78, %add3A_153 : i32
        %mul3A_155 = arith.constant 128 : i32
        %mul3A_156 = arith.muli %add3A_154, %mul3A_155 : i32
        %add3A_157 = arith.constant 0 : i32
        %add3A_158 = arith.addi %mul3A_156, %add3A_157 : i32
        %dma_start3A_159 = arith.constant 0 : i32
        %dma_start3A_160 = arith.constant 0 : i32
        %dma_start3A_161 = tpu.memref_slice %arg15[%dma_start3A_159, %dma_start3A_160] : memref<128x128xf32, #tpu.memory_space<vmem>> -> memref<128x128xf32, #tpu.memory_space<vmem>>
        %dma_start3A_162 = tpu.memref_slice %arg10[%add3A_158] : memref<6400xi32, #tpu.memory_space<vmem>> -> memref<128xi32, #tpu.memory_space<vmem>>
        %dma_start3A_163 = arith.constant 0 : i32
        %dma_start3A_164 = arith.constant 0 : i32
        %dma_start3A_165 = tpu.memref_slice %arg9[%dma_start3A_163, %dma_start3A_164] : memref<3072x128xf32, #tpu.memory_space<vmem_shared>> -> memref<3072x128xf32, #tpu.memory_space<vmem_shared>>
        tpu.enqueue_indirect_dma source(%dma_start3A_165 : memref<3072x128xf32, #tpu.memory_space<vmem_shared>>) target(%dma_start3A_161 : memref<128x128xf32, #tpu.memory_space<vmem>>) offsets(%dma_start3A_162 : memref<128xi32, #tpu.memory_space<vmem>>) semaphore(%arg19 : memref<!tpu.dma_semaphore, #tpu.memory_space<semaphore_mem>>)
      } else {
      }
      %dma_wait3A_123 = arith.constant 0 : i32
      %dma_wait3A_124 = arith.constant 0 : i32
      %dma_wait3A_125 = tpu.memref_slice %arg16[%dma_wait3A_123, %dma_wait3A_124] : memref<128x128xf32, #tpu.memory_space<vmem>> -> memref<128x128xf32, #tpu.memory_space<vmem>>
      %dma_wait3A_126 = arith.constant 0 : i32
      %dma_wait3A_127 = tpu.memref_slice %arg10[%dma_wait3A_126] : memref<6400xi32, #tpu.memory_space<vmem>> -> memref<128xi32, #tpu.memory_space<vmem>>
      %dma_wait3A_128 = arith.constant 0 : i32
      %dma_wait3A_129 = arith.constant 0 : i32
      %dma_wait3A_130 = tpu.memref_slice %arg9[%dma_wait3A_128, %dma_wait3A_129] : memref<3072x128xf32, #tpu.memory_space<vmem_shared>> -> memref<3072x128xf32, #tpu.memory_space<vmem_shared>>
      tpu.wait_indirect_dma semaphore(%arg20 : memref<!tpu.dma_semaphore, #tpu.memory_space<semaphore_mem>>) src(%dma_wait3A_130 : memref<3072x128xf32, #tpu.memory_space<vmem_shared>>) dst(%dma_wait3A_125 : memref<128x128xf32, #tpu.memory_space<vmem>>)
      %ge3A_131 = arith.constant 1 : i32
      %ge3A_132 = arith.cmpi sge, %add3A_78, %ge3A_131 : i32
      %convert_element_type3A_133 = arith.extui %ge3A_132 : i1 to i32
      %cond3A_134 = arith.constant 0 : i32
      %cond3A_135 = arith.cmpi ne, %convert_element_type3A_133, %cond3A_134 : i32
      scf.if %cond3A_135 {
        %dma_wait3A_153 = arith.constant 0 : i32
        %dma_wait3A_154 = arith.constant 0 : i32
        %dma_wait3A_155 = tpu.memref_slice %arg8[%dma_wait3A_153, %dma_wait3A_154] : memref<204800x128xf32, #tpu.memory_space<hbm>> -> memref<128x128xf32, #tpu.memory_space<hbm>>
        %dma_wait3A_156 = arith.constant 0 : i32
        %dma_wait3A_157 = arith.constant 0 : i32
        %dma_wait3A_158 = tpu.memref_slice %arg8[%dma_wait3A_156, %dma_wait3A_157] : memref<204800x128xf32, #tpu.memory_space<hbm>> -> memref<128x128xf32, #tpu.memory_space<hbm>>
        tpu.wait_dma2 semaphore(%arg22 : memref<!tpu.dma_semaphore, #tpu.memory_space<semaphore_mem>>) src(%arg14 : memref<128x128xf32, #tpu.memory_space<vmem>>) dst(%dma_wait3A_158 : memref<128x128xf32, #tpu.memory_space<hbm>>)
      } else {
      }
      %add3A_136 = arith.constant 1 : i32
      %add3A_137 = arith.addi %add3A_78, %add3A_136 : i32
      %scan3A_138 = arith.constant 0 : i32
      %scan3A_139 = arith.constant 0 : i32
      %scan3A_140 = arith.constant 8 : i32
      %scan3A_141 = arith.addi %scan3A_139, %scan3A_140 : i32
      %scan3A_142 = arith.constant 1 : i32
      scf.for %scan3A_153 = %scan3A_139 to %scan3A_141 step %scan3A_142  : i32 {
        %mul3A_154 = arith.constant 128 : i32
        %mul3A_155 = arith.muli %add3A_137, %mul3A_154 : i32
        %mul3A_156 = arith.constant 16 : i32
        %mul3A_157 = arith.muli %scan3A_153, %mul3A_156 : i32
        %add3A_158 = arith.addi %mul3A_155, %mul3A_157 : i32
        %get3A_159 = arith.index_cast %add3A_158 : i32 to index
        %get3A_160 = tpu.vector_load %arg11[%get3A_159] {strides = array<i32>} : memref<6400xf32, #tpu.memory_space<vmem>>, vector<16xf32>,
        %get3A_161 = vector.shape_cast %get3A_160 : vector<16xf32> to vector<16xf32>
        %get3A_162 = arith.index_cast %add3A_158 : i32 to index
        %get3A_163 = tpu.vector_load %arg12[%get3A_162] {strides = array<i32>} : memref<6400xf32, #tpu.memory_space<vmem>>, vector<16xf32>,
        %get3A_164 = vector.shape_cast %get3A_163 : vector<16xf32> to vector<16xf32>
        %broadcast_in_dim3A = arith.constant 0 : i32
        %broadcast_in_dim3A_165 = vector.broadcast %broadcast_in_dim3A : i32 to vector<16x1xi32>
        %gather3A = vector.shape_cast %broadcast_in_dim3A_165 : vector<16x1xi32> to vector<16xi32>
        %gather3A_166 = tpu.dynamic_gather %get3A_161[%gather3A] in [0] : vector<16xf32>, vector<16xi32> -> vector<16xf32>
        %broadcast_in_dim3A_167 = arith.constant 0 : i32
        %broadcast_in_dim3A_168 = vector.broadcast %broadcast_in_dim3A_167 : i32 to vector<16x1xi32>
        %gather3A_169 = vector.shape_cast %broadcast_in_dim3A_168 : vector<16x1xi32> to vector<16xi32>
        %gather3A_170 = tpu.dynamic_gather %get3A_164[%gather3A_169] in [0] : vector<16xf32>, vector<16xi32> -> vector<16xf32>
        %mul3A_171 = arith.constant 16 : i32
        %mul3A_172 = arith.muli %scan3A_153, %mul3A_171 : i32
        %add3A_173 = arith.constant 0 : i32
        %add3A_174 = arith.addi %mul3A_172, %add3A_173 : i32
        %get3A_175 = arith.index_cast %add3A_174 : i32 to index
        %get3A_176 = arith.constant 0 : index
        %get3A_177 = tpu.vector_load %arg16[%get3A_175, %get3A_176] {strides = array<i32>} : memref<128x128xf32, #tpu.memory_space<vmem>>, vector<1x16xf32>,
        %get3A_178 = vector.shape_cast %get3A_177 : vector<1x16xf32> to vector<16xf32>
        %mul3A_179 = arith.mulf %gather3A_166, %get3A_6 : vector<16xf32>
        %add3A_180 = arith.addf %get3A_178, %mul3A_179 : vector<16xf32>
        %mul3A_181 = arith.mulf %gather3A_170, %get3A_30 : vector<16xf32>
        %add3A_182 = arith.addf %add3A_180, %mul3A_181 : vector<16xf32>
        %swap3A = arith.index_cast %add3A_174 : i32 to index
        %swap3A_183 = arith.constant 0 : index
        %swap3A_184 = tpu.vector_load %arg14[%swap3A, %swap3A_183] {strides = array<i32>} : memref<128x128xf32, #tpu.memory_space<vmem>>, vector<1x16xf32>,
        %swap3A_185 = vector.shape_cast %swap3A_184 : vector<1x16xf32> to vector<16xf32>
        %swap3A_186 = vector.shape_cast %add3A_182 : vector<16xf32> to vector<1x16xf32>
        tpu.vector_store %arg14[%swap3A, %swap3A_183], %swap3A_186 {strides = array<i32>} : memref<128x128xf32, #tpu.memory_space<vmem>>, vector<1x16xf32>,
        %get3A_187 = arith.index_cast %add3A_174 : i32 to index
        %get3A_188 = arith.constant 16 : index
        %get3A_189 = tpu.vector_load %arg16[%get3A_187, %get3A_188] {strides = array<i32>} : memref<128x128xf32, #tpu.memory_space<vmem>>, vector<1x16xf32>,
        %get3A_190 = vector.shape_cast %get3A_189 : vector<1x16xf32> to vector<16xf32>
        %mul3A_191 = arith.mulf %gather3A_166, %get3A_9 : vector<16xf32>
        %add3A_192 = arith.addf %get3A_190, %mul3A_191 : vector<16xf32>
        %mul3A_193 = arith.mulf %gather3A_170, %get3A_33 : vector<16xf32>
        %add3A_194 = arith.addf %add3A_192, %mul3A_193 : vector<16xf32>
        %swap3A_195 = arith.index_cast %add3A_174 : i32 to index
        %swap3A_196 = arith.constant 16 : index
        %swap3A_197 = tpu.vector_load %arg14[%swap3A_195, %swap3A_196] {strides = array<i32>} : memref<128x128xf32, #tpu.memory_space<vmem>>, vector<1x16xf32>,
        %swap3A_198 = vector.shape_cast %swap3A_197 : vector<1x16xf32> to vector<16xf32>
        %swap3A_199 = vector.shape_cast %add3A_194 : vector<16xf32> to vector<1x16xf32>
        tpu.vector_store %arg14[%swap3A_195, %swap3A_196], %swap3A_199 {strides = array<i32>} : memref<128x128xf32, #tpu.memory_space<vmem>>, vector<1x16xf32>,
        %get3A_200 = arith.index_cast %add3A_174 : i32 to index
        %get3A_201 = arith.constant 32 : index
        %get3A_202 = tpu.vector_load %arg16[%get3A_200, %get3A_201] {strides = array<i32>} : memref<128x128xf32, #tpu.memory_space<vmem>>, vector<1x16xf32>,
        %get3A_203 = vector.shape_cast %get3A_202 : vector<1x16xf32> to vector<16xf32>
        %mul3A_204 = arith.mulf %gather3A_166, %get3A_12 : vector<16xf32>
        %add3A_205 = arith.addf %get3A_203, %mul3A_204 : vector<16xf32>
        %mul3A_206 = arith.mulf %gather3A_170, %get3A_36 : vector<16xf32>
        %add3A_207 = arith.addf %add3A_205, %mul3A_206 : vector<16xf32>
        %swap3A_208 = arith.index_cast %add3A_174 : i32 to index
        %swap3A_209 = arith.constant 32 : index
        %swap3A_210 = tpu.vector_load %arg14[%swap3A_208, %swap3A_209] {strides = array<i32>} : memref<128x128xf32, #tpu.memory_space<vmem>>, vector<1x16xf32>,
        %swap3A_211 = vector.shape_cast %swap3A_210 : vector<1x16xf32> to vector<16xf32>
        %swap3A_212 = vector.shape_cast %add3A_207 : vector<16xf32> to vector<1x16xf32>
        tpu.vector_store %arg14[%swap3A_208, %swap3A_209], %swap3A_212 {strides = array<i32>} : memref<128x128xf32, #tpu.memory_space<vmem>>, vector<1x16xf32>,
        %get3A_213 = arith.index_cast %add3A_174 : i32 to index
        %get3A_214 = arith.constant 48 : index
        %get3A_215 = tpu.vector_load %arg16[%get3A_213, %get3A_214] {strides = array<i32>} : memref<128x128xf32, #tpu.memory_space<vmem>>, vector<1x16xf32>,
        %get3A_216 = vector.shape_cast %get3A_215 : vector<1x16xf32> to vector<16xf32>
        %mul3A_217 = arith.mulf %gather3A_166, %get3A_15 : vector<16xf32>
        %add3A_218 = arith.addf %get3A_216, %mul3A_217 : vector<16xf32>
        %mul3A_219 = arith.mulf %gather3A_170, %get3A_39 : vector<16xf32>
        %add3A_220 = arith.addf %add3A_218, %mul3A_219 : vector<16xf32>
        %swap3A_221 = arith.index_cast %add3A_174 : i32 to index
        %swap3A_222 = arith.constant 48 : index
        %swap3A_223 = tpu.vector_load %arg14[%swap3A_221, %swap3A_222] {strides = array<i32>} : memref<128x128xf32, #tpu.memory_space<vmem>>, vector<1x16xf32>,
        %swap3A_224 = vector.shape_cast %swap3A_223 : vector<1x16xf32> to vector<16xf32>
        %swap3A_225 = vector.shape_cast %add3A_220 : vector<16xf32> to vector<1x16xf32>
        tpu.vector_store %arg14[%swap3A_221, %swap3A_222], %swap3A_225 {strides = array<i32>} : memref<128x128xf32, #tpu.memory_space<vmem>>, vector<1x16xf32>,
        %get3A_226 = arith.index_cast %add3A_174 : i32 to index
        %get3A_227 = arith.constant 64 : index
        %get3A_228 = tpu.vector_load %arg16[%get3A_226, %get3A_227] {strides = array<i32>} : memref<128x128xf32, #tpu.memory_space<vmem>>, vector<1x16xf32>,
        %get3A_229 = vector.shape_cast %get3A_228 : vector<1x16xf32> to vector<16xf32>
        %mul3A_230 = arith.mulf %gather3A_166, %get3A_18 : vector<16xf32>
        %add3A_231 = arith.addf %get3A_229, %mul3A_230 : vector<16xf32>
        %mul3A_232 = arith.mulf %gather3A_170, %get3A_42 : vector<16xf32>
        %add3A_233 = arith.addf %add3A_231, %mul3A_232 : vector<16xf32>
        %swap3A_234 = arith.index_cast %add3A_174 : i32 to index
        %swap3A_235 = arith.constant 64 : index
        %swap3A_236 = tpu.vector_load %arg14[%swap3A_234, %swap3A_235] {strides = array<i32>} : memref<128x128xf32, #tpu.memory_space<vmem>>, vector<1x16xf32>,
        %swap3A_237 = vector.shape_cast %swap3A_236 : vector<1x16xf32> to vector<16xf32>
        %swap3A_238 = vector.shape_cast %add3A_233 : vector<16xf32> to vector<1x16xf32>
        tpu.vector_store %arg14[%swap3A_234, %swap3A_235], %swap3A_238 {strides = array<i32>} : memref<128x128xf32, #tpu.memory_space<vmem>>, vector<1x16xf32>,
        %get3A_239 = arith.index_cast %add3A_174 : i32 to index
        %get3A_240 = arith.constant 80 : index
        %get3A_241 = tpu.vector_load %arg16[%get3A_239, %get3A_240] {strides = array<i32>} : memref<128x128xf32, #tpu.memory_space<vmem>>, vector<1x16xf32>,
        %get3A_242 = vector.shape_cast %get3A_241 : vector<1x16xf32> to vector<16xf32>
        %mul3A_243 = arith.mulf %gather3A_166, %get3A_21 : vector<16xf32>
        %add3A_244 = arith.addf %get3A_242, %mul3A_243 : vector<16xf32>
        %mul3A_245 = arith.mulf %gather3A_170, %get3A_45 : vector<16xf32>
        %add3A_246 = arith.addf %add3A_244, %mul3A_245 : vector<16xf32>
        %swap3A_247 = arith.index_cast %add3A_174 : i32 to index
        %swap3A_248 = arith.constant 80 : index
        %swap3A_249 = tpu.vector_load %arg14[%swap3A_247, %swap3A_248] {strides = array<i32>} : memref<128x128xf32, #tpu.memory_space<vmem>>, vector<1x16xf32>,
        %swap3A_250 = vector.shape_cast %swap3A_249 : vector<1x16xf32> to vector<16xf32>
        %swap3A_251 = vector.shape_cast %add3A_246 : vector<16xf32> to vector<1x16xf32>
        tpu.vector_store %arg14[%swap3A_247, %swap3A_248], %swap3A_251 {strides = array<i32>} : memref<128x128xf32, #tpu.memory_space<vmem>>, vector<1x16xf32>,
        %get3A_252 = arith.index_cast %add3A_174 : i32 to index
        %get3A_253 = arith.constant 96 : index
        %get3A_254 = tpu.vector_load %arg16[%get3A_252, %get3A_253] {strides = array<i32>} : memref<128x128xf32, #tpu.memory_space<vmem>>, vector<1x16xf32>,
        %get3A_255 = vector.shape_cast %get3A_254 : vector<1x16xf32> to vector<16xf32>
        %mul3A_256 = arith.mulf %gather3A_166, %get3A_24 : vector<16xf32>
        %add3A_257 = arith.addf %get3A_255, %mul3A_256 : vector<16xf32>
        %mul3A_258 = arith.mulf %gather3A_170, %get3A_48 : vector<16xf32>
        %add3A_259 = arith.addf %add3A_257, %mul3A_258 : vector<16xf32>
        %swap3A_260 = arith.index_cast %add3A_174 : i32 to index
        %swap3A_261 = arith.constant 96 : index
        %swap3A_262 = tpu.vector_load %arg14[%swap3A_260, %swap3A_261] {strides = array<i32>} : memref<128x128xf32, #tpu.memory_space<vmem>>, vector<1x16xf32>,
        %swap3A_263 = vector.shape_cast %swap3A_262 : vector<1x16xf32> to vector<16xf32>
        %swap3A_264 = vector.shape_cast %add3A_259 : vector<16xf32> to vector<1x16xf32>
        tpu.vector_store %arg14[%swap3A_260, %swap3A_261], %swap3A_264 {strides = array<i32>} : memref<128x128xf32, #tpu.memory_space<vmem>>, vector<1x16xf32>,
        %get3A_265 = arith.index_cast %add3A_174 : i32 to index
        %get3A_266 = arith.constant 112 : index
        %get3A_267 = tpu.vector_load %arg16[%get3A_265, %get3A_266] {strides = array<i32>} : memref<128x128xf32, #tpu.memory_space<vmem>>, vector<1x16xf32>,
        %get3A_268 = vector.shape_cast %get3A_267 : vector<1x16xf32> to vector<16xf32>
        %mul3A_269 = arith.mulf %gather3A_166, %get3A_27 : vector<16xf32>
        %add3A_270 = arith.addf %get3A_268, %mul3A_269 : vector<16xf32>
        %mul3A_271 = arith.mulf %gather3A_170, %get3A_51 : vector<16xf32>
        %add3A_272 = arith.addf %add3A_270, %mul3A_271 : vector<16xf32>
        %swap3A_273 = arith.index_cast %add3A_174 : i32 to index
        %swap3A_274 = arith.constant 112 : index
        %swap3A_275 = tpu.vector_load %arg14[%swap3A_273, %swap3A_274] {strides = array<i32>} : memref<128x128xf32, #tpu.memory_space<vmem>>, vector<1x16xf32>,
        %swap3A_276 = vector.shape_cast %swap3A_275 : vector<1x16xf32> to vector<16xf32>
        %swap3A_277 = vector.shape_cast %add3A_272 : vector<16xf32> to vector<1x16xf32>
        tpu.vector_store %arg14[%swap3A_273, %swap3A_274], %swap3A_277 {strides = array<i32>} : memref<128x128xf32, #tpu.memory_space<vmem>>, vector<1x16xf32>,
        %broadcast_in_dim3A_278 = arith.constant 1 : i32
        %broadcast_in_dim3A_279 = vector.broadcast %broadcast_in_dim3A_278 : i32 to vector<16x1xi32>
        %gather3A_280 = vector.shape_cast %broadcast_in_dim3A_279 : vector<16x1xi32> to vector<16xi32>
        %gather3A_281 = tpu.dynamic_gather %get3A_161[%gather3A_280] in [0] : vector<16xf32>, vector<16xi32> -> vector<16xf32>
        %broadcast_in_dim3A_282 = arith.constant 1 : i32
        %broadcast_in_dim3A_283 = vector.broadcast %broadcast_in_dim3A_282 : i32 to vector<16x1xi32>
        %gather3A_284 = vector.shape_cast %broadcast_in_dim3A_283 : vector<16x1xi32> to vector<16xi32>
        %gather3A_285 = tpu.dynamic_gather %get3A_164[%gather3A_284] in [0] : vector<16xf32>, vector<16xi32> -> vector<16xf32>
        %mul3A_286 = arith.constant 16 : i32
        %mul3A_287 = arith.muli %scan3A_153, %mul3A_286 : i32
        %add3A_288 = arith.constant 1 : i32
        %add3A_289 = arith.addi %mul3A_287, %add3A_288 : i32
        %get3A_290 = arith.index_cast %add3A_289 : i32 to index
        %get3A_291 = arith.constant 0 : index
        %get3A_292 = tpu.vector_load %arg16[%get3A_290, %get3A_291] {strides = array<i32>} : memref<128x128xf32, #tpu.memory_space<vmem>>, vector<1x16xf32>,
        %get3A_293 = vector.shape_cast %get3A_292 : vector<1x16xf32> to vector<16xf32>
        %mul3A_294 = arith.mulf %gather3A_281, %get3A_6 : vector<16xf32>
        %add3A_295 = arith.addf %get3A_293, %mul3A_294 : vector<16xf32>
        %mul3A_296 = arith.mulf %gather3A_285, %get3A_30 : vector<16xf32>
        %add3A_297 = arith.addf %add3A_295, %mul3A_296 : vector<16xf32>
        %swap3A_298 = arith.index_cast %add3A_289 : i32 to index
        %swap3A_299 = arith.constant 0 : index
        %swap3A_300 = tpu.vector_load %arg14[%swap3A_298, %swap3A_299] {strides = array<i32>} : memref<128x128xf32, #tpu.memory_space<vmem>>, vector<1x16xf32>,
        %swap3A_301 = vector.shape_cast %swap3A_300 : vector<1x16xf32> to vector<16xf32>
        %swap3A_302 = vector.shape_cast %add3A_297 : vector<16xf32> to vector<1x16xf32>
        tpu.vector_store %arg14[%swap3A_298, %swap3A_299], %swap3A_302 {strides = array<i32>} : memref<128x128xf32, #tpu.memory_space<vmem>>, vector<1x16xf32>,
        %get3A_303 = arith.index_cast %add3A_289 : i32 to index
        %get3A_304 = arith.constant 16 : index
        %get3A_305 = tpu.vector_load %arg16[%get3A_303, %get3A_304] {strides = array<i32>} : memref<128x128xf32, #tpu.memory_space<vmem>>, vector<1x16xf32>,
        %get3A_306 = vector.shape_cast %get3A_305 : vector<1x16xf32> to vector<16xf32>
        %mul3A_307 = arith.mulf %gather3A_281, %get3A_9 : vector<16xf32>
        %add3A_308 = arith.addf %get3A_306, %mul3A_307 : vector<16xf32>
        %mul3A_309 = arith.mulf %gather3A_285, %get3A_33 : vector<16xf32>
        %add3A_310 = arith.addf %add3A_308, %mul3A_309 : vector<16xf32>
        %swap3A_311 = arith.index_cast %add3A_289 : i32 to index
        %swap3A_312 = arith.constant 16 : index
        %swap3A_313 = tpu.vector_load %arg14[%swap3A_311, %swap3A_312] {strides = array<i32>} : memref<128x128xf32, #tpu.memory_space<vmem>>, vector<1x16xf32>,
        %swap3A_314 = vector.shape_cast %swap3A_313 : vector<1x16xf32> to vector<16xf32>
        %swap3A_315 = vector.shape_cast %add3A_310 : vector<16xf32> to vector<1x16xf32>
        tpu.vector_store %arg14[%swap3A_311, %swap3A_312], %swap3A_315 {strides = array<i32>} : memref<128x128xf32, #tpu.memory_space<vmem>>, vector<1x16xf32>,
        %get3A_316 = arith.index_cast %add3A_289 : i32 to index
        %get3A_317 = arith.constant 32 : index
        %get3A_318 = tpu.vector_load %arg16[%get3A_316, %get3A_317] {strides = array<i32>} : memref<128x128xf32, #tpu.memory_space<vmem>>, vector<1x16xf32>,
        %get3A_319 = vector.shape_cast %get3A_318 : vector<1x16xf32> to vector<16xf32>
        %mul3A_320 = arith.mulf %gather3A_281, %get3A_12 : vector<16xf32>
        %add3A_321 = arith.addf %get3A_319, %mul3A_320 : vector<16xf32>
        %mul3A_322 = arith.mulf %gather3A_285, %get3A_36 : vector<16xf32>
        %add3A_323 = arith.addf %add3A_321, %mul3A_322 : vector<16xf32>
        %swap3A_324 = arith.index_cast %add3A_289 : i32 to index
        %swap3A_325 = arith.constant 32 : index
        %swap3A_326 = tpu.vector_load %arg14[%swap3A_324, %swap3A_325] {strides = array<i32>} : memref<128x128xf32, #tpu.memory_space<vmem>>, vector<1x16xf32>,
        %swap3A_327 = vector.shape_cast %swap3A_326 : vector<1x16xf32> to vector<16xf32>
        %swap3A_328 = vector.shape_cast %add3A_323 : vector<16xf32> to vector<1x16xf32>
        tpu.vector_store %arg14[%swap3A_324, %swap3A_325], %swap3A_328 {strides = array<i32>} : memref<128x128xf32, #tpu.memory_space<vmem>>, vector<1x16xf32>,
        %get3A_329 = arith.index_cast %add3A_289 : i32 to index
        %get3A_330 = arith.constant 48 : index
        %get3A_331 = tpu.vector_load %arg16[%get3A_329, %get3A_330] {strides = array<i32>} : memref<128x128xf32, #tpu.memory_space<vmem>>, vector<1x16xf32>,
        %get3A_332 = vector.shape_cast %get3A_331 : vector<1x16xf32> to vector<16xf32>
        %mul3A_333 = arith.mulf %gather3A_281, %get3A_15 : vector<16xf32>
        %add3A_334 = arith.addf %get3A_332, %mul3A_333 : vector<16xf32>
        %mul3A_335 = arith.mulf %gather3A_285, %get3A_39 : vector<16xf32>
        %add3A_336 = arith.addf %add3A_334, %mul3A_335 : vector<16xf32>
        %swap3A_337 = arith.index_cast %add3A_289 : i32 to index
        %swap3A_338 = arith.constant 48 : index
        %swap3A_339 = tpu.vector_load %arg14[%swap3A_337, %swap3A_338] {strides = array<i32>} : memref<128x128xf32, #tpu.memory_space<vmem>>, vector<1x16xf32>,
        %swap3A_340 = vector.shape_cast %swap3A_339 : vector<1x16xf32> to vector<16xf32>
        %swap3A_341 = vector.shape_cast %add3A_336 : vector<16xf32> to vector<1x16xf32>
        tpu.vector_store %arg14[%swap3A_337, %swap3A_338], %swap3A_341 {strides = array<i32>} : memref<128x128xf32, #tpu.memory_space<vmem>>, vector<1x16xf32>,
        %get3A_342 = arith.index_cast %add3A_289 : i32 to index
        %get3A_343 = arith.constant 64 : index
        %get3A_344 = tpu.vector_load %arg16[%get3A_342, %get3A_343] {strides = array<i32>} : memref<128x128xf32, #tpu.memory_space<vmem>>, vector<1x16xf32>,
        %get3A_345 = vector.shape_cast %get3A_344 : vector<1x16xf32> to vector<16xf32>
        %mul3A_346 = arith.mulf %gather3A_281, %get3A_18 : vector<16xf32>
        %add3A_347 = arith.addf %get3A_345, %mul3A_346 : vector<16xf32>
        %mul3A_348 = arith.mulf %gather3A_285, %get3A_42 : vector<16xf32>
        %add3A_349 = arith.addf %add3A_347, %mul3A_348 : vector<16xf32>
        %swap3A_350 = arith.index_cast %add3A_289 : i32 to index
        %swap3A_351 = arith.constant 64 : index
        %swap3A_352 = tpu.vector_load %arg14[%swap3A_350, %swap3A_351] {strides = array<i32>} : memref<128x128xf32, #tpu.memory_space<vmem>>, vector<1x16xf32>,
        %swap3A_353 = vector.shape_cast %swap3A_352 : vector<1x16xf32> to vector<16xf32>
        %swap3A_354 = vector.shape_cast %add3A_349 : vector<16xf32> to vector<1x16xf32>
        tpu.vector_store %arg14[%swap3A_350, %swap3A_351], %swap3A_354 {strides = array<i32>} : memref<128x128xf32, #tpu.memory_space<vmem>>, vector<1x16xf32>,
        %get3A_355 = arith.index_cast %add3A_289 : i32 to index
        %get3A_356 = arith.constant 80 : index
        %get3A_357 = tpu.vector_load %arg16[%get3A_355, %get3A_356] {strides = array<i32>} : memref<128x128xf32, #tpu.memory_space<vmem>>, vector<1x16xf32>,
        %get3A_358 = vector.shape_cast %get3A_357 : vector<1x16xf32> to vector<16xf32>
        %mul3A_359 = arith.mulf %gather3A_281, %get3A_21 : vector<16xf32>
        %add3A_360 = arith.addf %get3A_358, %mul3A_359 : vector<16xf32>
        %mul3A_361 = arith.mulf %gather3A_285, %get3A_45 : vector<16xf32>
        %add3A_362 = arith.addf %add3A_360, %mul3A_361 : vector<16xf32>
        %swap3A_363 = arith.index_cast %add3A_289 : i32 to index
        %swap3A_364 = arith.constant 80 : index
        %swap3A_365 = tpu.vector_load %arg14[%swap3A_363, %swap3A_364] {strides = array<i32>} : memref<128x128xf32, #tpu.memory_space<vmem>>, vector<1x16xf32>,
        %swap3A_366 = vector.shape_cast %swap3A_365 : vector<1x16xf32> to vector<16xf32>
        %swap3A_367 = vector.shape_cast %add3A_362 : vector<16xf32> to vector<1x16xf32>
        tpu.vector_store %arg14[%swap3A_363, %swap3A_364], %swap3A_367 {strides = array<i32>} : memref<128x128xf32, #tpu.memory_space<vmem>>, vector<1x16xf32>,
        %get3A_368 = arith.index_cast %add3A_289 : i32 to index
        %get3A_369 = arith.constant 96 : index
        %get3A_370 = tpu.vector_load %arg16[%get3A_368, %get3A_369] {strides = array<i32>} : memref<128x128xf32, #tpu.memory_space<vmem>>, vector<1x16xf32>,
        %get3A_371 = vector.shape_cast %get3A_370 : vector<1x16xf32> to vector<16xf32>
        %mul3A_372 = arith.mulf %gather3A_281, %get3A_24 : vector<16xf32>
        %add3A_373 = arith.addf %get3A_371, %mul3A_372 : vector<16xf32>
        %mul3A_374 = arith.mulf %gather3A_285, %get3A_48 : vector<16xf32>
        %add3A_375 = arith.addf %add3A_373, %mul3A_374 : vector<16xf32>
        %swap3A_376 = arith.index_cast %add3A_289 : i32 to index
        %swap3A_377 = arith.constant 96 : index
        %swap3A_378 = tpu.vector_load %arg14[%swap3A_376, %swap3A_377] {strides = array<i32>} : memref<128x128xf32, #tpu.memory_space<vmem>>, vector<1x16xf32>,
        %swap3A_379 = vector.shape_cast %swap3A_378 : vector<1x16xf32> to vector<16xf32>
        %swap3A_380 = vector.shape_cast %add3A_375 : vector<16xf32> to vector<1x16xf32>
        tpu.vector_store %arg14[%swap3A_376, %swap3A_377], %swap3A_380 {strides = array<i32>} : memref<128x128xf32, #tpu.memory_space<vmem>>, vector<1x16xf32>,
        %get3A_381 = arith.index_cast %add3A_289 : i32 to index
        %get3A_382 = arith.constant 112 : index
        %get3A_383 = tpu.vector_load %arg16[%get3A_381, %get3A_382] {strides = array<i32>} : memref<128x128xf32, #tpu.memory_space<vmem>>, vector<1x16xf32>,
        %get3A_384 = vector.shape_cast %get3A_383 : vector<1x16xf32> to vector<16xf32>
        %mul3A_385 = arith.mulf %gather3A_281, %get3A_27 : vector<16xf32>
        %add3A_386 = arith.addf %get3A_384, %mul3A_385 : vector<16xf32>
        %mul3A_387 = arith.mulf %gather3A_285, %get3A_51 : vector<16xf32>
        %add3A_388 = arith.addf %add3A_386, %mul3A_387 : vector<16xf32>
        %swap3A_389 = arith.index_cast %add3A_289 : i32 to index
        %swap3A_390 = arith.constant 112 : index
        %swap3A_391 = tpu.vector_load %arg14[%swap3A_389, %swap3A_390] {strides = array<i32>} : memref<128x128xf32, #tpu.memory_space<vmem>>, vector<1x16xf32>,
        %swap3A_392 = vector.shape_cast %swap3A_391 : vector<1x16xf32> to vector<16xf32>
        %swap3A_393 = vector.shape_cast %add3A_388 : vector<16xf32> to vector<1x16xf32>
        tpu.vector_store %arg14[%swap3A_389, %swap3A_390], %swap3A_393 {strides = array<i32>} : memref<128x128xf32, #tpu.memory_space<vmem>>, vector<1x16xf32>,
        %broadcast_in_dim3A_394 = arith.constant 2 : i32
        %broadcast_in_dim3A_395 = vector.broadcast %broadcast_in_dim3A_394 : i32 to vector<16x1xi32>
        %gather3A_396 = vector.shape_cast %broadcast_in_dim3A_395 : vector<16x1xi32> to vector<16xi32>
        %gather3A_397 = tpu.dynamic_gather %get3A_161[%gather3A_396] in [0] : vector<16xf32>, vector<16xi32> -> vector<16xf32>
        %broadcast_in_dim3A_398 = arith.constant 2 : i32
        %broadcast_in_dim3A_399 = vector.broadcast %broadcast_in_dim3A_398 : i32 to vector<16x1xi32>
        %gather3A_400 = vector.shape_cast %broadcast_in_dim3A_399 : vector<16x1xi32> to vector<16xi32>
        %gather3A_401 = tpu.dynamic_gather %get3A_164[%gather3A_400] in [0] : vector<16xf32>, vector<16xi32> -> vector<16xf32>
        %mul3A_402 = arith.constant 16 : i32
        %mul3A_403 = arith.muli %scan3A_153, %mul3A_402 : i32
        %add3A_404 = arith.constant 2 : i32
        %add3A_405 = arith.addi %mul3A_403, %add3A_404 : i32
        %get3A_406 = arith.index_cast %add3A_405 : i32 to index
        %get3A_407 = arith.constant 0 : index
        %get3A_408 = tpu.vector_load %arg16[%get3A_406, %get3A_407] {strides = array<i32>} : memref<128x128xf32, #tpu.memory_space<vmem>>, vector<1x16xf32>,
        %get3A_409 = vector.shape_cast %get3A_408 : vector<1x16xf32> to vector<16xf32>
        %mul3A_410 = arith.mulf %gather3A_397, %get3A_6 : vector<16xf32>
        %add3A_411 = arith.addf %get3A_409, %mul3A_410 : vector<16xf32>
        %mul3A_412 = arith.mulf %gather3A_401, %get3A_30 : vector<16xf32>
        %add3A_413 = arith.addf %add3A_411, %mul3A_412 : vector<16xf32>
        %swap3A_414 = arith.index_cast %add3A_405 : i32 to index
        %swap3A_415 = arith.constant 0 : index
        %swap3A_416 = tpu.vector_load %arg14[%swap3A_414, %swap3A_415] {strides = array<i32>} : memref<128x128xf32, #tpu.memory_space<vmem>>, vector<1x16xf32>,
        %swap3A_417 = vector.shape_cast %swap3A_416 : vector<1x16xf32> to vector<16xf32>
        %swap3A_418 = vector.shape_cast %add3A_413 : vector<16xf32> to vector<1x16xf32>
        tpu.vector_store %arg14[%swap3A_414, %swap3A_415], %swap3A_418 {strides = array<i32>} : memref<128x128xf32, #tpu.memory_space<vmem>>, vector<1x16xf32>,
        %get3A_419 = arith.index_cast %add3A_405 : i32 to index
        %get3A_420 = arith.constant 16 : index
        %get3A_421 = tpu.vector_load %arg16[%get3A_419, %get3A_420] {strides = array<i32>} : memref<128x128xf32, #tpu.memory_space<vmem>>, vector<1x16xf32>,
        %get3A_422 = vector.shape_cast %get3A_421 : vector<1x16xf32> to vector<16xf32>
        %mul3A_423 = arith.mulf %gather3A_397, %get3A_9 : vector<16xf32>
        %add3A_424 = arith.addf %get3A_422, %mul3A_423 : vector<16xf32>
        %mul3A_425 = arith.mulf %gather3A_401, %get3A_33 : vector<16xf32>
        %add3A_426 = arith.addf %add3A_424, %mul3A_425 : vector<16xf32>
        %swap3A_427 = arith.index_cast %add3A_405 : i32 to index
        %swap3A_428 = arith.constant 16 : index
        %swap3A_429 = tpu.vector_load %arg14[%swap3A_427, %swap3A_428] {strides = array<i32>} : memref<128x128xf32, #tpu.memory_space<vmem>>, vector<1x16xf32>,
        %swap3A_430 = vector.shape_cast %swap3A_429 : vector<1x16xf32> to vector<16xf32>
        %swap3A_431 = vector.shape_cast %add3A_426 : vector<16xf32> to vector<1x16xf32>
        tpu.vector_store %arg14[%swap3A_427, %swap3A_428], %swap3A_431 {strides = array<i32>} : memref<128x128xf32, #tpu.memory_space<vmem>>, vector<1x16xf32>,
        %get3A_432 = arith.index_cast %add3A_405 : i32 to index
        %get3A_433 = arith.constant 32 : index
        %get3A_434 = tpu.vector_load %arg16[%get3A_432, %get3A_433] {strides = array<i32>} : memref<128x128xf32, #tpu.memory_space<vmem>>, vector<1x16xf32>,
        %get3A_435 = vector.shape_cast %get3A_434 : vector<1x16xf32> to vector<16xf32>
        %mul3A_436 = arith.mulf %gather3A_397, %get3A_12 : vector<16xf32>
        %add3A_437 = arith.addf %get3A_435, %mul3A_436 : vector<16xf32>
        %mul3A_438 = arith.mulf %gather3A_401, %get3A_36 : vector<16xf32>
        %add3A_439 = arith.addf %add3A_437, %mul3A_438 : vector<16xf32>
        %swap3A_440 = arith.index_cast %add3A_405 : i32 to index
        %swap3A_441 = arith.constant 32 : index
        %swap3A_442 = tpu.vector_load %arg14[%swap3A_440, %swap3A_441] {strides = array<i32>} : memref<128x128xf32, #tpu.memory_space<vmem>>, vector<1x16xf32>,
        %swap3A_443 = vector.shape_cast %swap3A_442 : vector<1x16xf32> to vector<16xf32>
        %swap3A_444 = vector.shape_cast %add3A_439 : vector<16xf32> to vector<1x16xf32>
        tpu.vector_store %arg14[%swap3A_440, %swap3A_441], %swap3A_444 {strides = array<i32>} : memref<128x128xf32, #tpu.memory_space<vmem>>, vector<1x16xf32>,
        %get3A_445 = arith.index_cast %add3A_405 : i32 to index
        %get3A_446 = arith.constant 48 : index
        %get3A_447 = tpu.vector_load %arg16[%get3A_445, %get3A_446] {strides = array<i32>} : memref<128x128xf32, #tpu.memory_space<vmem>>, vector<1x16xf32>,
        %get3A_448 = vector.shape_cast %get3A_447 : vector<1x16xf32> to vector<16xf32>
        %mul3A_449 = arith.mulf %gather3A_397, %get3A_15 : vector<16xf32>
        %add3A_450 = arith.addf %get3A_448, %mul3A_449 : vector<16xf32>
        %mul3A_451 = arith.mulf %gather3A_401, %get3A_39 : vector<16xf32>
        %add3A_452 = arith.addf %add3A_450, %mul3A_451 : vector<16xf32>
        %swap3A_453 = arith.index_cast %add3A_405 : i32 to index
        %swap3A_454 = arith.constant 48 : index
        %swap3A_455 = tpu.vector_load %arg14[%swap3A_453, %swap3A_454] {strides = array<i32>} : memref<128x128xf32, #tpu.memory_space<vmem>>, vector<1x16xf32>,
        %swap3A_456 = vector.shape_cast %swap3A_455 : vector<1x16xf32> to vector<16xf32>
        %swap3A_457 = vector.shape_cast %add3A_452 : vector<16xf32> to vector<1x16xf32>
        tpu.vector_store %arg14[%swap3A_453, %swap3A_454], %swap3A_457 {strides = array<i32>} : memref<128x128xf32, #tpu.memory_space<vmem>>, vector<1x16xf32>,
        %get3A_458 = arith.index_cast %add3A_405 : i32 to index
        %get3A_459 = arith.constant 64 : index
        %get3A_460 = tpu.vector_load %arg16[%get3A_458, %get3A_459] {strides = array<i32>} : memref<128x128xf32, #tpu.memory_space<vmem>>, vector<1x16xf32>,
        %get3A_461 = vector.shape_cast %get3A_460 : vector<1x16xf32> to vector<16xf32>
        %mul3A_462 = arith.mulf %gather3A_397, %get3A_18 : vector<16xf32>
        %add3A_463 = arith.addf %get3A_461, %mul3A_462 : vector<16xf32>
        %mul3A_464 = arith.mulf %gather3A_401, %get3A_42 : vector<16xf32>
        %add3A_465 = arith.addf %add3A_463, %mul3A_464 : vector<16xf32>
        %swap3A_466 = arith.index_cast %add3A_405 : i32 to index
        %swap3A_467 = arith.constant 64 : index
        %swap3A_468 = tpu.vector_load %arg14[%swap3A_466, %swap3A_467] {strides = array<i32>} : memref<128x128xf32, #tpu.memory_space<vmem>>, vector<1x16xf32>,
        %swap3A_469 = vector.shape_cast %swap3A_468 : vector<1x16xf32> to vector<16xf32>
        %swap3A_470 = vector.shape_cast %add3A_465 : vector<16xf32> to vector<1x16xf32>
        tpu.vector_store %arg14[%swap3A_466, %swap3A_467], %swap3A_470 {strides = array<i32>} : memref<128x128xf32, #tpu.memory_space<vmem>>, vector<1x16xf32>,
        %get3A_471 = arith.index_cast %add3A_405 : i32 to index
        %get3A_472 = arith.constant 80 : index
        %get3A_473 = tpu.vector_load %arg16[%get3A_471, %get3A_472] {strides = array<i32>} : memref<128x128xf32, #tpu.memory_space<vmem>>, vector<1x16xf32>,
        %get3A_474 = vector.shape_cast %get3A_473 : vector<1x16xf32> to vector<16xf32>
        %mul3A_475 = arith.mulf %gather3A_397, %get3A_21 : vector<16xf32>
        %add3A_476 = arith.addf %get3A_474, %mul3A_475 : vector<16xf32>
        %mul3A_477 = arith.mulf %gather3A_401, %get3A_45 : vector<16xf32>
        %add3A_478 = arith.addf %add3A_476, %mul3A_477 : vector<16xf32>
        %swap3A_479 = arith.index_cast %add3A_405 : i32 to index
        %swap3A_480 = arith.constant 80 : index
        %swap3A_481 = tpu.vector_load %arg14[%swap3A_479, %swap3A_480] {strides = array<i32>} : memref<128x128xf32, #tpu.memory_space<vmem>>, vector<1x16xf32>,
        %swap3A_482 = vector.shape_cast %swap3A_481 : vector<1x16xf32> to vector<16xf32>
        %swap3A_483 = vector.shape_cast %add3A_478 : vector<16xf32> to vector<1x16xf32>
        tpu.vector_store %arg14[%swap3A_479, %swap3A_480], %swap3A_483 {strides = array<i32>} : memref<128x128xf32, #tpu.memory_space<vmem>>, vector<1x16xf32>,
        %get3A_484 = arith.index_cast %add3A_405 : i32 to index
        %get3A_485 = arith.constant 96 : index
        %get3A_486 = tpu.vector_load %arg16[%get3A_484, %get3A_485] {strides = array<i32>} : memref<128x128xf32, #tpu.memory_space<vmem>>, vector<1x16xf32>,
        %get3A_487 = vector.shape_cast %get3A_486 : vector<1x16xf32> to vector<16xf32>
        %mul3A_488 = arith.mulf %gather3A_397, %get3A_24 : vector<16xf32>
        %add3A_489 = arith.addf %get3A_487, %mul3A_488 : vector<16xf32>
        %mul3A_490 = arith.mulf %gather3A_401, %get3A_48 : vector<16xf32>
        %add3A_491 = arith.addf %add3A_489, %mul3A_490 : vector<16xf32>
        %swap3A_492 = arith.index_cast %add3A_405 : i32 to index
        %swap3A_493 = arith.constant 96 : index
        %swap3A_494 = tpu.vector_load %arg14[%swap3A_492, %swap3A_493] {strides = array<i32>} : memref<128x128xf32, #tpu.memory_space<vmem>>, vector<1x16xf32>,
        %swap3A_495 = vector.shape_cast %swap3A_494 : vector<1x16xf32> to vector<16xf32>
        %swap3A_496 = vector.shape_cast %add3A_491 : vector<16xf32> to vector<1x16xf32>
        tpu.vector_store %arg14[%swap3A_492, %swap3A_493], %swap3A_496 {strides = array<i32>} : memref<128x128xf32, #tpu.memory_space<vmem>>, vector<1x16xf32>,
        %get3A_497 = arith.index_cast %add3A_405 : i32 to index
        %get3A_498 = arith.constant 112 : index
        %get3A_499 = tpu.vector_load %arg16[%get3A_497, %get3A_498] {strides = array<i32>} : memref<128x128xf32, #tpu.memory_space<vmem>>, vector<1x16xf32>,
        %get3A_500 = vector.shape_cast %get3A_499 : vector<1x16xf32> to vector<16xf32>
        %mul3A_501 = arith.mulf %gather3A_397, %get3A_27 : vector<16xf32>
        %add3A_502 = arith.addf %get3A_500, %mul3A_501 : vector<16xf32>
        %mul3A_503 = arith.mulf %gather3A_401, %get3A_51 : vector<16xf32>
        %add3A_504 = arith.addf %add3A_502, %mul3A_503 : vector<16xf32>
        %swap3A_505 = arith.index_cast %add3A_405 : i32 to index
        %swap3A_506 = arith.constant 112 : index
        %swap3A_507 = tpu.vector_load %arg14[%swap3A_505, %swap3A_506] {strides = array<i32>} : memref<128x128xf32, #tpu.memory_space<vmem>>, vector<1x16xf32>,
        %swap3A_508 = vector.shape_cast %swap3A_507 : vector<1x16xf32> to vector<16xf32>
        %swap3A_509 = vector.shape_cast %add3A_504 : vector<16xf32> to vector<1x16xf32>
        tpu.vector_store %arg14[%swap3A_505, %swap3A_506], %swap3A_509 {strides = array<i32>} : memref<128x128xf32, #tpu.memory_space<vmem>>, vector<1x16xf32>,
        %broadcast_in_dim3A_510 = arith.constant 3 : i32
        %broadcast_in_dim3A_511 = vector.broadcast %broadcast_in_dim3A_510 : i32 to vector<16x1xi32>
        %gather3A_512 = vector.shape_cast %broadcast_in_dim3A_511 : vector<16x1xi32> to vector<16xi32>
        %gather3A_513 = tpu.dynamic_gather %get3A_161[%gather3A_512] in [0] : vector<16xf32>, vector<16xi32> -> vector<16xf32>
        %broadcast_in_dim3A_514 = arith.constant 3 : i32
        %broadcast_in_dim3A_515 = vector.broadcast %broadcast_in_dim3A_514 : i32 to vector<16x1xi32>
        %gather3A_516 = vector.shape_cast %broadcast_in_dim3A_515 : vector<16x1xi32> to vector<16xi32>
        %gather3A_517 = tpu.dynamic_gather %get3A_164[%gather3A_516] in [0] : vector<16xf32>, vector<16xi32> -> vector<16xf32>
        %mul3A_518 = arith.constant 16 : i32
        %mul3A_519 = arith.muli %scan3A_153, %mul3A_518 : i32
        %add3A_520 = arith.constant 3 : i32
        %add3A_521 = arith.addi %mul3A_519, %add3A_520 : i32
        %get3A_522 = arith.index_cast %add3A_521 : i32 to index
        %get3A_523 = arith.constant 0 : index
        %get3A_524 = tpu.vector_load %arg16[%get3A_522, %get3A_523] {strides = array<i32>} : memref<128x128xf32, #tpu.memory_space<vmem>>, vector<1x16xf32>,
        %get3A_525 = vector.shape_cast %get3A_524 : vector<1x16xf32> to vector<16xf32>
        %mul3A_526 = arith.mulf %gather3A_513, %get3A_6 : vector<16xf32>
        %add3A_527 = arith.addf %get3A_525, %mul3A_526 : vector<16xf32>
        %mul3A_528 = arith.mulf %gather3A_517, %get3A_30 : vector<16xf32>
        %add3A_529 = arith.addf %add3A_527, %mul3A_528 : vector<16xf32>
        %swap3A_530 = arith.index_cast %add3A_521 : i32 to index
        %swap3A_531 = arith.constant 0 : index
        %swap3A_532 = tpu.vector_load %arg14[%swap3A_530, %swap3A_531] {strides = array<i32>} : memref<128x128xf32, #tpu.memory_space<vmem>>, vector<1x16xf32>,
        %swap3A_533 = vector.shape_cast %swap3A_532 : vector<1x16xf32> to vector<16xf32>
        %swap3A_534 = vector.shape_cast %add3A_529 : vector<16xf32> to vector<1x16xf32>
        tpu.vector_store %arg14[%swap3A_530, %swap3A_531], %swap3A_534 {strides = array<i32>} : memref<128x128xf32, #tpu.memory_space<vmem>>, vector<1x16xf32>,
        %get3A_535 = arith.index_cast %add3A_521 : i32 to index
        %get3A_536 = arith.constant 16 : index
        %get3A_537 = tpu.vector_load %arg16[%get3A_535, %get3A_536] {strides = array<i32>} : memref<128x128xf32, #tpu.memory_space<vmem>>, vector<1x16xf32>,
        %get3A_538 = vector.shape_cast %get3A_537 : vector<1x16xf32> to vector<16xf32>
        %mul3A_539 = arith.mulf %gather3A_513, %get3A_9 : vector<16xf32>
        %add3A_540 = arith.addf %get3A_538, %mul3A_539 : vector<16xf32>
        %mul3A_541 = arith.mulf %gather3A_517, %get3A_33 : vector<16xf32>
        %add3A_542 = arith.addf %add3A_540, %mul3A_541 : vector<16xf32>
        %swap3A_543 = arith.index_cast %add3A_521 : i32 to index
        %swap3A_544 = arith.constant 16 : index
        %swap3A_545 = tpu.vector_load %arg14[%swap3A_543, %swap3A_544] {strides = array<i32>} : memref<128x128xf32, #tpu.memory_space<vmem>>, vector<1x16xf32>,
        %swap3A_546 = vector.shape_cast %swap3A_545 : vector<1x16xf32> to vector<16xf32>
        %swap3A_547 = vector.shape_cast %add3A_542 : vector<16xf32> to vector<1x16xf32>
        tpu.vector_store %arg14[%swap3A_543, %swap3A_544], %swap3A_547 {strides = array<i32>} : memref<128x128xf32, #tpu.memory_space<vmem>>, vector<1x16xf32>,
        %get3A_548 = arith.index_cast %add3A_521 : i32 to index
        %get3A_549 = arith.constant 32 : index
        %get3A_550 = tpu.vector_load %arg16[%get3A_548, %get3A_549] {strides = array<i32>} : memref<128x128xf32, #tpu.memory_space<vmem>>, vector<1x16xf32>,
        %get3A_551 = vector.shape_cast %get3A_550 : vector<1x16xf32> to vector<16xf32>
        %mul3A_552 = arith.mulf %gather3A_513, %get3A_12 : vector<16xf32>
        %add3A_553 = arith.addf %get3A_551, %mul3A_552 : vector<16xf32>
        %mul3A_554 = arith.mulf %gather3A_517, %get3A_36 : vector<16xf32>
        %add3A_555 = arith.addf %add3A_553, %mul3A_554 : vector<16xf32>
        %swap3A_556 = arith.index_cast %add3A_521 : i32 to index
        %swap3A_557 = arith.constant 32 : index
        %swap3A_558 = tpu.vector_load %arg14[%swap3A_556, %swap3A_557] {strides = array<i32>} : memref<128x128xf32, #tpu.memory_space<vmem>>, vector<1x16xf32>,
        %swap3A_559 = vector.shape_cast %swap3A_558 : vector<1x16xf32> to vector<16xf32>
        %swap3A_560 = vector.shape_cast %add3A_555 : vector<16xf32> to vector<1x16xf32>
        tpu.vector_store %arg14[%swap3A_556, %swap3A_557], %swap3A_560 {strides = array<i32>} : memref<128x128xf32, #tpu.memory_space<vmem>>, vector<1x16xf32>,
        %get3A_561 = arith.index_cast %add3A_521 : i32 to index
        %get3A_562 = arith.constant 48 : index
        %get3A_563 = tpu.vector_load %arg16[%get3A_561, %get3A_562] {strides = array<i32>} : memref<128x128xf32, #tpu.memory_space<vmem>>, vector<1x16xf32>,
        %get3A_564 = vector.shape_cast %get3A_563 : vector<1x16xf32> to vector<16xf32>
        %mul3A_565 = arith.mulf %gather3A_513, %get3A_15 : vector<16xf32>
        %add3A_566 = arith.addf %get3A_564, %mul3A_565 : vector<16xf32>
        %mul3A_567 = arith.mulf %gather3A_517, %get3A_39 : vector<16xf32>
        %add3A_568 = arith.addf %add3A_566, %mul3A_567 : vector<16xf32>
        %swap3A_569 = arith.index_cast %add3A_521 : i32 to index
        %swap3A_570 = arith.constant 48 : index
        %swap3A_571 = tpu.vector_load %arg14[%swap3A_569, %swap3A_570] {strides = array<i32>} : memref<128x128xf32, #tpu.memory_space<vmem>>, vector<1x16xf32>,
        %swap3A_572 = vector.shape_cast %swap3A_571 : vector<1x16xf32> to vector<16xf32>
        %swap3A_573 = vector.shape_cast %add3A_568 : vector<16xf32> to vector<1x16xf32>
        tpu.vector_store %arg14[%swap3A_569, %swap3A_570], %swap3A_573 {strides = array<i32>} : memref<128x128xf32, #tpu.memory_space<vmem>>, vector<1x16xf32>,
        %get3A_574 = arith.index_cast %add3A_521 : i32 to index
        %get3A_575 = arith.constant 64 : index
        %get3A_576 = tpu.vector_load %arg16[%get3A_574, %get3A_575] {strides = array<i32>} : memref<128x128xf32, #tpu.memory_space<vmem>>, vector<1x16xf32>,
        %get3A_577 = vector.shape_cast %get3A_576 : vector<1x16xf32> to vector<16xf32>
        %mul3A_578 = arith.mulf %gather3A_513, %get3A_18 : vector<16xf32>
        %add3A_579 = arith.addf %get3A_577, %mul3A_578 : vector<16xf32>
        %mul3A_580 = arith.mulf %gather3A_517, %get3A_42 : vector<16xf32>
        %add3A_581 = arith.addf %add3A_579, %mul3A_580 : vector<16xf32>
        %swap3A_582 = arith.index_cast %add3A_521 : i32 to index
        %swap3A_583 = arith.constant 64 : index
        %swap3A_584 = tpu.vector_load %arg14[%swap3A_582, %swap3A_583] {strides = array<i32>} : memref<128x128xf32, #tpu.memory_space<vmem>>, vector<1x16xf32>,
        %swap3A_585 = vector.shape_cast %swap3A_584 : vector<1x16xf32> to vector<16xf32>
        %swap3A_586 = vector.shape_cast %add3A_581 : vector<16xf32> to vector<1x16xf32>
        tpu.vector_store %arg14[%swap3A_582, %swap3A_583], %swap3A_586 {strides = array<i32>} : memref<128x128xf32, #tpu.memory_space<vmem>>, vector<1x16xf32>,
        %get3A_587 = arith.index_cast %add3A_521 : i32 to index
        %get3A_588 = arith.constant 80 : index
        %get3A_589 = tpu.vector_load %arg16[%get3A_587, %get3A_588] {strides = array<i32>} : memref<128x128xf32, #tpu.memory_space<vmem>>, vector<1x16xf32>,
        %get3A_590 = vector.shape_cast %get3A_589 : vector<1x16xf32> to vector<16xf32>
        %mul3A_591 = arith.mulf %gather3A_513, %get3A_21 : vector<16xf32>
        %add3A_592 = arith.addf %get3A_590, %mul3A_591 : vector<16xf32>
        %mul3A_593 = arith.mulf %gather3A_517, %get3A_45 : vector<16xf32>
        %add3A_594 = arith.addf %add3A_592, %mul3A_593 : vector<16xf32>
        %swap3A_595 = arith.index_cast %add3A_521 : i32 to index
        %swap3A_596 = arith.constant 80 : index
        %swap3A_597 = tpu.vector_load %arg14[%swap3A_595, %swap3A_596] {strides = array<i32>} : memref<128x128xf32, #tpu.memory_space<vmem>>, vector<1x16xf32>,
        %swap3A_598 = vector.shape_cast %swap3A_597 : vector<1x16xf32> to vector<16xf32>
        %swap3A_599 = vector.shape_cast %add3A_594 : vector<16xf32> to vector<1x16xf32>
        tpu.vector_store %arg14[%swap3A_595, %swap3A_596], %swap3A_599 {strides = array<i32>} : memref<128x128xf32, #tpu.memory_space<vmem>>, vector<1x16xf32>,
        %get3A_600 = arith.index_cast %add3A_521 : i32 to index
        %get3A_601 = arith.constant 96 : index
        %get3A_602 = tpu.vector_load %arg16[%get3A_600, %get3A_601] {strides = array<i32>} : memref<128x128xf32, #tpu.memory_space<vmem>>, vector<1x16xf32>,
        %get3A_603 = vector.shape_cast %get3A_602 : vector<1x16xf32> to vector<16xf32>
        %mul3A_604 = arith.mulf %gather3A_513, %get3A_24 : vector<16xf32>
        %add3A_605 = arith.addf %get3A_603, %mul3A_604 : vector<16xf32>
        %mul3A_606 = arith.mulf %gather3A_517, %get3A_48 : vector<16xf32>
        %add3A_607 = arith.addf %add3A_605, %mul3A_606 : vector<16xf32>
        %swap3A_608 = arith.index_cast %add3A_521 : i32 to index
        %swap3A_609 = arith.constant 96 : index
        %swap3A_610 = tpu.vector_load %arg14[%swap3A_608, %swap3A_609] {strides = array<i32>} : memref<128x128xf32, #tpu.memory_space<vmem>>, vector<1x16xf32>,
        %swap3A_611 = vector.shape_cast %swap3A_610 : vector<1x16xf32> to vector<16xf32>
        %swap3A_612 = vector.shape_cast %add3A_607 : vector<16xf32> to vector<1x16xf32>
        tpu.vector_store %arg14[%swap3A_608, %swap3A_609], %swap3A_612 {strides = array<i32>} : memref<128x128xf32, #tpu.memory_space<vmem>>, vector<1x16xf32>,
        %get3A_613 = arith.index_cast %add3A_521 : i32 to index
        %get3A_614 = arith.constant 112 : index
        %get3A_615 = tpu.vector_load %arg16[%get3A_613, %get3A_614] {strides = array<i32>} : memref<128x128xf32, #tpu.memory_space<vmem>>, vector<1x16xf32>,
        %get3A_616 = vector.shape_cast %get3A_615 : vector<1x16xf32> to vector<16xf32>
        %mul3A_617 = arith.mulf %gather3A_513, %get3A_27 : vector<16xf32>
        %add3A_618 = arith.addf %get3A_616, %mul3A_617 : vector<16xf32>
        %mul3A_619 = arith.mulf %gather3A_517, %get3A_51 : vector<16xf32>
        %add3A_620 = arith.addf %add3A_618, %mul3A_619 : vector<16xf32>
        %swap3A_621 = arith.index_cast %add3A_521 : i32 to index
        %swap3A_622 = arith.constant 112 : index
        %swap3A_623 = tpu.vector_load %arg14[%swap3A_621, %swap3A_622] {strides = array<i32>} : memref<128x128xf32, #tpu.memory_space<vmem>>, vector<1x16xf32>,
        %swap3A_624 = vector.shape_cast %swap3A_623 : vector<1x16xf32> to vector<16xf32>
        %swap3A_625 = vector.shape_cast %add3A_620 : vector<16xf32> to vector<1x16xf32>
        tpu.vector_store %arg14[%swap3A_621, %swap3A_622], %swap3A_625 {strides = array<i32>} : memref<128x128xf32, #tpu.memory_space<vmem>>, vector<1x16xf32>,
        %broadcast_in_dim3A_626 = arith.constant 4 : i32
        %broadcast_in_dim3A_627 = vector.broadcast %broadcast_in_dim3A_626 : i32 to vector<16x1xi32>
        %gather3A_628 = vector.shape_cast %broadcast_in_dim3A_627 : vector<16x1xi32> to vector<16xi32>
        %gather3A_629 = tpu.dynamic_gather %get3A_161[%gather3A_628] in [0] : vector<16xf32>, vector<16xi32> -> vector<16xf32>
        %broadcast_in_dim3A_630 = arith.constant 4 : i32
        %broadcast_in_dim3A_631 = vector.broadcast %broadcast_in_dim3A_630 : i32 to vector<16x1xi32>
        %gather3A_632 = vector.shape_cast %broadcast_in_dim3A_631 : vector<16x1xi32> to vector<16xi32>
        %gather3A_633 = tpu.dynamic_gather %get3A_164[%gather3A_632] in [0] : vector<16xf32>, vector<16xi32> -> vector<16xf32>
        %mul3A_634 = arith.constant 16 : i32
        %mul3A_635 = arith.muli %scan3A_153, %mul3A_634 : i32
        %add3A_636 = arith.constant 4 : i32
        %add3A_637 = arith.addi %mul3A_635, %add3A_636 : i32
        %get3A_638 = arith.index_cast %add3A_637 : i32 to index
        %get3A_639 = arith.constant 0 : index
        %get3A_640 = tpu.vector_load %arg16[%get3A_638, %get3A_639] {strides = array<i32>} : memref<128x128xf32, #tpu.memory_space<vmem>>, vector<1x16xf32>,
        %get3A_641 = vector.shape_cast %get3A_640 : vector<1x16xf32> to vector<16xf32>
        %mul3A_642 = arith.mulf %gather3A_629, %get3A_6 : vector<16xf32>
        %add3A_643 = arith.addf %get3A_641, %mul3A_642 : vector<16xf32>
        %mul3A_644 = arith.mulf %gather3A_633, %get3A_30 : vector<16xf32>
        %add3A_645 = arith.addf %add3A_643, %mul3A_644 : vector<16xf32>
        %swap3A_646 = arith.index_cast %add3A_637 : i32 to index
        %swap3A_647 = arith.constant 0 : index
        %swap3A_648 = tpu.vector_load %arg14[%swap3A_646, %swap3A_647] {strides = array<i32>} : memref<128x128xf32, #tpu.memory_space<vmem>>, vector<1x16xf32>,
        %swap3A_649 = vector.shape_cast %swap3A_648 : vector<1x16xf32> to vector<16xf32>
        %swap3A_650 = vector.shape_cast %add3A_645 : vector<16xf32> to vector<1x16xf32>
        tpu.vector_store %arg14[%swap3A_646, %swap3A_647], %swap3A_650 {strides = array<i32>} : memref<128x128xf32, #tpu.memory_space<vmem>>, vector<1x16xf32>,
        %get3A_651 = arith.index_cast %add3A_637 : i32 to index
        %get3A_652 = arith.constant 16 : index
        %get3A_653 = tpu.vector_load %arg16[%get3A_651, %get3A_652] {strides = array<i32>} : memref<128x128xf32, #tpu.memory_space<vmem>>, vector<1x16xf32>,
        %get3A_654 = vector.shape_cast %get3A_653 : vector<1x16xf32> to vector<16xf32>
        %mul3A_655 = arith.mulf %gather3A_629, %get3A_9 : vector<16xf32>
        %add3A_656 = arith.addf %get3A_654, %mul3A_655 : vector<16xf32>
        %mul3A_657 = arith.mulf %gather3A_633, %get3A_33 : vector<16xf32>
        %add3A_658 = arith.addf %add3A_656, %mul3A_657 : vector<16xf32>
        %swap3A_659 = arith.index_cast %add3A_637 : i32 to index
        %swap3A_660 = arith.constant 16 : index
        %swap3A_661 = tpu.vector_load %arg14[%swap3A_659, %swap3A_660] {strides = array<i32>} : memref<128x128xf32, #tpu.memory_space<vmem>>, vector<1x16xf32>,
        %swap3A_662 = vector.shape_cast %swap3A_661 : vector<1x16xf32> to vector<16xf32>
        %swap3A_663 = vector.shape_cast %add3A_658 : vector<16xf32> to vector<1x16xf32>
        tpu.vector_store %arg14[%swap3A_659, %swap3A_660], %swap3A_663 {strides = array<i32>} : memref<128x128xf32, #tpu.memory_space<vmem>>, vector<1x16xf32>,
        %get3A_664 = arith.index_cast %add3A_637 : i32 to index
        %get3A_665 = arith.constant 32 : index
        %get3A_666 = tpu.vector_load %arg16[%get3A_664, %get3A_665] {strides = array<i32>} : memref<128x128xf32, #tpu.memory_space<vmem>>, vector<1x16xf32>,
        %get3A_667 = vector.shape_cast %get3A_666 : vector<1x16xf32> to vector<16xf32>
        %mul3A_668 = arith.mulf %gather3A_629, %get3A_12 : vector<16xf32>
        %add3A_669 = arith.addf %get3A_667, %mul3A_668 : vector<16xf32>
        %mul3A_670 = arith.mulf %gather3A_633, %get3A_36 : vector<16xf32>
        %add3A_671 = arith.addf %add3A_669, %mul3A_670 : vector<16xf32>
        %swap3A_672 = arith.index_cast %add3A_637 : i32 to index
        %swap3A_673 = arith.constant 32 : index
        %swap3A_674 = tpu.vector_load %arg14[%swap3A_672, %swap3A_673] {strides = array<i32>} : memref<128x128xf32, #tpu.memory_space<vmem>>, vector<1x16xf32>,
        %swap3A_675 = vector.shape_cast %swap3A_674 : vector<1x16xf32> to vector<16xf32>
        %swap3A_676 = vector.shape_cast %add3A_671 : vector<16xf32> to vector<1x16xf32>
        tpu.vector_store %arg14[%swap3A_672, %swap3A_673], %swap3A_676 {strides = array<i32>} : memref<128x128xf32, #tpu.memory_space<vmem>>, vector<1x16xf32>,
        %get3A_677 = arith.index_cast %add3A_637 : i32 to index
        %get3A_678 = arith.constant 48 : index
        %get3A_679 = tpu.vector_load %arg16[%get3A_677, %get3A_678] {strides = array<i32>} : memref<128x128xf32, #tpu.memory_space<vmem>>, vector<1x16xf32>,
        %get3A_680 = vector.shape_cast %get3A_679 : vector<1x16xf32> to vector<16xf32>
        %mul3A_681 = arith.mulf %gather3A_629, %get3A_15 : vector<16xf32>
        %add3A_682 = arith.addf %get3A_680, %mul3A_681 : vector<16xf32>
        %mul3A_683 = arith.mulf %gather3A_633, %get3A_39 : vector<16xf32>
        %add3A_684 = arith.addf %add3A_682, %mul3A_683 : vector<16xf32>
        %swap3A_685 = arith.index_cast %add3A_637 : i32 to index
        %swap3A_686 = arith.constant 48 : index
        %swap3A_687 = tpu.vector_load %arg14[%swap3A_685, %swap3A_686] {strides = array<i32>} : memref<128x128xf32, #tpu.memory_space<vmem>>, vector<1x16xf32>,
        %swap3A_688 = vector.shape_cast %swap3A_687 : vector<1x16xf32> to vector<16xf32>
        %swap3A_689 = vector.shape_cast %add3A_684 : vector<16xf32> to vector<1x16xf32>
        tpu.vector_store %arg14[%swap3A_685, %swap3A_686], %swap3A_689 {strides = array<i32>} : memref<128x128xf32, #tpu.memory_space<vmem>>, vector<1x16xf32>,
        %get3A_690 = arith.index_cast %add3A_637 : i32 to index
        %get3A_691 = arith.constant 64 : index
        %get3A_692 = tpu.vector_load %arg16[%get3A_690, %get3A_691] {strides = array<i32>} : memref<128x128xf32, #tpu.memory_space<vmem>>, vector<1x16xf32>,
        %get3A_693 = vector.shape_cast %get3A_692 : vector<1x16xf32> to vector<16xf32>
        %mul3A_694 = arith.mulf %gather3A_629, %get3A_18 : vector<16xf32>
        %add3A_695 = arith.addf %get3A_693, %mul3A_694 : vector<16xf32>
        %mul3A_696 = arith.mulf %gather3A_633, %get3A_42 : vector<16xf32>
        %add3A_697 = arith.addf %add3A_695, %mul3A_696 : vector<16xf32>
        %swap3A_698 = arith.index_cast %add3A_637 : i32 to index
        %swap3A_699 = arith.constant 64 : index
        %swap3A_700 = tpu.vector_load %arg14[%swap3A_698, %swap3A_699] {strides = array<i32>} : memref<128x128xf32, #tpu.memory_space<vmem>>, vector<1x16xf32>,
        %swap3A_701 = vector.shape_cast %swap3A_700 : vector<1x16xf32> to vector<16xf32>
        %swap3A_702 = vector.shape_cast %add3A_697 : vector<16xf32> to vector<1x16xf32>
        tpu.vector_store %arg14[%swap3A_698, %swap3A_699], %swap3A_702 {strides = array<i32>} : memref<128x128xf32, #tpu.memory_space<vmem>>, vector<1x16xf32>,
        %get3A_703 = arith.index_cast %add3A_637 : i32 to index
        %get3A_704 = arith.constant 80 : index
        %get3A_705 = tpu.vector_load %arg16[%get3A_703, %get3A_704] {strides = array<i32>} : memref<128x128xf32, #tpu.memory_space<vmem>>, vector<1x16xf32>,
        %get3A_706 = vector.shape_cast %get3A_705 : vector<1x16xf32> to vector<16xf32>
        %mul3A_707 = arith.mulf %gather3A_629, %get3A_21 : vector<16xf32>
        %add3A_708 = arith.addf %get3A_706, %mul3A_707 : vector<16xf32>
        %mul3A_709 = arith.mulf %gather3A_633, %get3A_45 : vector<16xf32>
        %add3A_710 = arith.addf %add3A_708, %mul3A_709 : vector<16xf32>
        %swap3A_711 = arith.index_cast %add3A_637 : i32 to index
        %swap3A_712 = arith.constant 80 : index
        %swap3A_713 = tpu.vector_load %arg14[%swap3A_711, %swap3A_712] {strides = array<i32>} : memref<128x128xf32, #tpu.memory_space<vmem>>, vector<1x16xf32>,
        %swap3A_714 = vector.shape_cast %swap3A_713 : vector<1x16xf32> to vector<16xf32>
        %swap3A_715 = vector.shape_cast %add3A_710 : vector<16xf32> to vector<1x16xf32>
        tpu.vector_store %arg14[%swap3A_711, %swap3A_712], %swap3A_715 {strides = array<i32>} : memref<128x128xf32, #tpu.memory_space<vmem>>, vector<1x16xf32>,
        %get3A_716 = arith.index_cast %add3A_637 : i32 to index
        %get3A_717 = arith.constant 96 : index
        %get3A_718 = tpu.vector_load %arg16[%get3A_716, %get3A_717] {strides = array<i32>} : memref<128x128xf32, #tpu.memory_space<vmem>>, vector<1x16xf32>,
        %get3A_719 = vector.shape_cast %get3A_718 : vector<1x16xf32> to vector<16xf32>
        %mul3A_720 = arith.mulf %gather3A_629, %get3A_24 : vector<16xf32>
        %add3A_721 = arith.addf %get3A_719, %mul3A_720 : vector<16xf32>
        %mul3A_722 = arith.mulf %gather3A_633, %get3A_48 : vector<16xf32>
        %add3A_723 = arith.addf %add3A_721, %mul3A_722 : vector<16xf32>
        %swap3A_724 = arith.index_cast %add3A_637 : i32 to index
        %swap3A_725 = arith.constant 96 : index
        %swap3A_726 = tpu.vector_load %arg14[%swap3A_724, %swap3A_725] {strides = array<i32>} : memref<128x128xf32, #tpu.memory_space<vmem>>, vector<1x16xf32>,
        %swap3A_727 = vector.shape_cast %swap3A_726 : vector<1x16xf32> to vector<16xf32>
        %swap3A_728 = vector.shape_cast %add3A_723 : vector<16xf32> to vector<1x16xf32>
        tpu.vector_store %arg14[%swap3A_724, %swap3A_725], %swap3A_728 {strides = array<i32>} : memref<128x128xf32, #tpu.memory_space<vmem>>, vector<1x16xf32>,
        %get3A_729 = arith.index_cast %add3A_637 : i32 to index
        %get3A_730 = arith.constant 112 : index
        %get3A_731 = tpu.vector_load %arg16[%get3A_729, %get3A_730] {strides = array<i32>} : memref<128x128xf32, #tpu.memory_space<vmem>>, vector<1x16xf32>,
        %get3A_732 = vector.shape_cast %get3A_731 : vector<1x16xf32> to vector<16xf32>
        %mul3A_733 = arith.mulf %gather3A_629, %get3A_27 : vector<16xf32>
        %add3A_734 = arith.addf %get3A_732, %mul3A_733 : vector<16xf32>
        %mul3A_735 = arith.mulf %gather3A_633, %get3A_51 : vector<16xf32>
        %add3A_736 = arith.addf %add3A_734, %mul3A_735 : vector<16xf32>
        %swap3A_737 = arith.index_cast %add3A_637 : i32 to index
        %swap3A_738 = arith.constant 112 : index
        %swap3A_739 = tpu.vector_load %arg14[%swap3A_737, %swap3A_738] {strides = array<i32>} : memref<128x128xf32, #tpu.memory_space<vmem>>, vector<1x16xf32>,
        %swap3A_740 = vector.shape_cast %swap3A_739 : vector<1x16xf32> to vector<16xf32>
        %swap3A_741 = vector.shape_cast %add3A_736 : vector<16xf32> to vector<1x16xf32>
        tpu.vector_store %arg14[%swap3A_737, %swap3A_738], %swap3A_741 {strides = array<i32>} : memref<128x128xf32, #tpu.memory_space<vmem>>, vector<1x16xf32>,
        %broadcast_in_dim3A_742 = arith.constant 5 : i32
        %broadcast_in_dim3A_743 = vector.broadcast %broadcast_in_dim3A_742 : i32 to vector<16x1xi32>
        %gather3A_744 = vector.shape_cast %broadcast_in_dim3A_743 : vector<16x1xi32> to vector<16xi32>
        %gather3A_745 = tpu.dynamic_gather %get3A_161[%gather3A_744] in [0] : vector<16xf32>, vector<16xi32> -> vector<16xf32>
        %broadcast_in_dim3A_746 = arith.constant 5 : i32
        %broadcast_in_dim3A_747 = vector.broadcast %broadcast_in_dim3A_746 : i32 to vector<16x1xi32>
        %gather3A_748 = vector.shape_cast %broadcast_in_dim3A_747 : vector<16x1xi32> to vector<16xi32>
        %gather3A_749 = tpu.dynamic_gather %get3A_164[%gather3A_748] in [0] : vector<16xf32>, vector<16xi32> -> vector<16xf32>
        %mul3A_750 = arith.constant 16 : i32
        %mul3A_751 = arith.muli %scan3A_153, %mul3A_750 : i32
        %add3A_752 = arith.constant 5 : i32
        %add3A_753 = arith.addi %mul3A_751, %add3A_752 : i32
        %get3A_754 = arith.index_cast %add3A_753 : i32 to index
        %get3A_755 = arith.constant 0 : index
        %get3A_756 = tpu.vector_load %arg16[%get3A_754, %get3A_755] {strides = array<i32>} : memref<128x128xf32, #tpu.memory_space<vmem>>, vector<1x16xf32>,
        %get3A_757 = vector.shape_cast %get3A_756 : vector<1x16xf32> to vector<16xf32>
        %mul3A_758 = arith.mulf %gather3A_745, %get3A_6 : vector<16xf32>
        %add3A_759 = arith.addf %get3A_757, %mul3A_758 : vector<16xf32>
        %mul3A_760 = arith.mulf %gather3A_749, %get3A_30 : vector<16xf32>
        %add3A_761 = arith.addf %add3A_759, %mul3A_760 : vector<16xf32>
        %swap3A_762 = arith.index_cast %add3A_753 : i32 to index
        %swap3A_763 = arith.constant 0 : index
        %swap3A_764 = tpu.vector_load %arg14[%swap3A_762, %swap3A_763] {strides = array<i32>} : memref<128x128xf32, #tpu.memory_space<vmem>>, vector<1x16xf32>,
        %swap3A_765 = vector.shape_cast %swap3A_764 : vector<1x16xf32> to vector<16xf32>
        %swap3A_766 = vector.shape_cast %add3A_761 : vector<16xf32> to vector<1x16xf32>
        tpu.vector_store %arg14[%swap3A_762, %swap3A_763], %swap3A_766 {strides = array<i32>} : memref<128x128xf32, #tpu.memory_space<vmem>>, vector<1x16xf32>,
        %get3A_767 = arith.index_cast %add3A_753 : i32 to index
        %get3A_768 = arith.constant 16 : index
        %get3A_769 = tpu.vector_load %arg16[%get3A_767, %get3A_768] {strides = array<i32>} : memref<128x128xf32, #tpu.memory_space<vmem>>, vector<1x16xf32>,
        %get3A_770 = vector.shape_cast %get3A_769 : vector<1x16xf32> to vector<16xf32>
        %mul3A_771 = arith.mulf %gather3A_745, %get3A_9 : vector<16xf32>
        %add3A_772 = arith.addf %get3A_770, %mul3A_771 : vector<16xf32>
        %mul3A_773 = arith.mulf %gather3A_749, %get3A_33 : vector<16xf32>
        %add3A_774 = arith.addf %add3A_772, %mul3A_773 : vector<16xf32>
        %swap3A_775 = arith.index_cast %add3A_753 : i32 to index
        %swap3A_776 = arith.constant 16 : index
        %swap3A_777 = tpu.vector_load %arg14[%swap3A_775, %swap3A_776] {strides = array<i32>} : memref<128x128xf32, #tpu.memory_space<vmem>>, vector<1x16xf32>,
        %swap3A_778 = vector.shape_cast %swap3A_777 : vector<1x16xf32> to vector<16xf32>
        %swap3A_779 = vector.shape_cast %add3A_774 : vector<16xf32> to vector<1x16xf32>
        tpu.vector_store %arg14[%swap3A_775, %swap3A_776], %swap3A_779 {strides = array<i32>} : memref<128x128xf32, #tpu.memory_space<vmem>>, vector<1x16xf32>,
        %get3A_780 = arith.index_cast %add3A_753 : i32 to index
        %get3A_781 = arith.constant 32 : index
        %get3A_782 = tpu.vector_load %arg16[%get3A_780, %get3A_781] {strides = array<i32>} : memref<128x128xf32, #tpu.memory_space<vmem>>, vector<1x16xf32>,
        %get3A_783 = vector.shape_cast %get3A_782 : vector<1x16xf32> to vector<16xf32>
        %mul3A_784 = arith.mulf %gather3A_745, %get3A_12 : vector<16xf32>
        %add3A_785 = arith.addf %get3A_783, %mul3A_784 : vector<16xf32>
        %mul3A_786 = arith.mulf %gather3A_749, %get3A_36 : vector<16xf32>
        %add3A_787 = arith.addf %add3A_785, %mul3A_786 : vector<16xf32>
        %swap3A_788 = arith.index_cast %add3A_753 : i32 to index
        %swap3A_789 = arith.constant 32 : index
        %swap3A_790 = tpu.vector_load %arg14[%swap3A_788, %swap3A_789] {strides = array<i32>} : memref<128x128xf32, #tpu.memory_space<vmem>>, vector<1x16xf32>,
        %swap3A_791 = vector.shape_cast %swap3A_790 : vector<1x16xf32> to vector<16xf32>
        %swap3A_792 = vector.shape_cast %add3A_787 : vector<16xf32> to vector<1x16xf32>
        tpu.vector_store %arg14[%swap3A_788, %swap3A_789], %swap3A_792 {strides = array<i32>} : memref<128x128xf32, #tpu.memory_space<vmem>>, vector<1x16xf32>,
        %get3A_793 = arith.index_cast %add3A_753 : i32 to index
        %get3A_794 = arith.constant 48 : index
        %get3A_795 = tpu.vector_load %arg16[%get3A_793, %get3A_794] {strides = array<i32>} : memref<128x128xf32, #tpu.memory_space<vmem>>, vector<1x16xf32>,
        %get3A_796 = vector.shape_cast %get3A_795 : vector<1x16xf32> to vector<16xf32>
        %mul3A_797 = arith.mulf %gather3A_745, %get3A_15 : vector<16xf32>
        %add3A_798 = arith.addf %get3A_796, %mul3A_797 : vector<16xf32>
        %mul3A_799 = arith.mulf %gather3A_749, %get3A_39 : vector<16xf32>
        %add3A_800 = arith.addf %add3A_798, %mul3A_799 : vector<16xf32>
        %swap3A_801 = arith.index_cast %add3A_753 : i32 to index
        %swap3A_802 = arith.constant 48 : index
        %swap3A_803 = tpu.vector_load %arg14[%swap3A_801, %swap3A_802] {strides = array<i32>} : memref<128x128xf32, #tpu.memory_space<vmem>>, vector<1x16xf32>,
        %swap3A_804 = vector.shape_cast %swap3A_803 : vector<1x16xf32> to vector<16xf32>
        %swap3A_805 = vector.shape_cast %add3A_800 : vector<16xf32> to vector<1x16xf32>
        tpu.vector_store %arg14[%swap3A_801, %swap3A_802], %swap3A_805 {strides = array<i32>} : memref<128x128xf32, #tpu.memory_space<vmem>>, vector<1x16xf32>,
        %get3A_806 = arith.index_cast %add3A_753 : i32 to index
        %get3A_807 = arith.constant 64 : index
        %get3A_808 = tpu.vector_load %arg16[%get3A_806, %get3A_807] {strides = array<i32>} : memref<128x128xf32, #tpu.memory_space<vmem>>, vector<1x16xf32>,
        %get3A_809 = vector.shape_cast %get3A_808 : vector<1x16xf32> to vector<16xf32>
        %mul3A_810 = arith.mulf %gather3A_745, %get3A_18 : vector<16xf32>
        %add3A_811 = arith.addf %get3A_809, %mul3A_810 : vector<16xf32>
        %mul3A_812 = arith.mulf %gather3A_749, %get3A_42 : vector<16xf32>
        %add3A_813 = arith.addf %add3A_811, %mul3A_812 : vector<16xf32>
        %swap3A_814 = arith.index_cast %add3A_753 : i32 to index
        %swap3A_815 = arith.constant 64 : index
        %swap3A_816 = tpu.vector_load %arg14[%swap3A_814, %swap3A_815] {strides = array<i32>} : memref<128x128xf32, #tpu.memory_space<vmem>>, vector<1x16xf32>,
        %swap3A_817 = vector.shape_cast %swap3A_816 : vector<1x16xf32> to vector<16xf32>
        %swap3A_818 = vector.shape_cast %add3A_813 : vector<16xf32> to vector<1x16xf32>
        tpu.vector_store %arg14[%swap3A_814, %swap3A_815], %swap3A_818 {strides = array<i32>} : memref<128x128xf32, #tpu.memory_space<vmem>>, vector<1x16xf32>,
        %get3A_819 = arith.index_cast %add3A_753 : i32 to index
        %get3A_820 = arith.constant 80 : index
        %get3A_821 = tpu.vector_load %arg16[%get3A_819, %get3A_820] {strides = array<i32>} : memref<128x128xf32, #tpu.memory_space<vmem>>, vector<1x16xf32>,
        %get3A_822 = vector.shape_cast %get3A_821 : vector<1x16xf32> to vector<16xf32>
        %mul3A_823 = arith.mulf %gather3A_745, %get3A_21 : vector<16xf32>
        %add3A_824 = arith.addf %get3A_822, %mul3A_823 : vector<16xf32>
        %mul3A_825 = arith.mulf %gather3A_749, %get3A_45 : vector<16xf32>
        %add3A_826 = arith.addf %add3A_824, %mul3A_825 : vector<16xf32>
        %swap3A_827 = arith.index_cast %add3A_753 : i32 to index
        %swap3A_828 = arith.constant 80 : index
        %swap3A_829 = tpu.vector_load %arg14[%swap3A_827, %swap3A_828] {strides = array<i32>} : memref<128x128xf32, #tpu.memory_space<vmem>>, vector<1x16xf32>,
        %swap3A_830 = vector.shape_cast %swap3A_829 : vector<1x16xf32> to vector<16xf32>
        %swap3A_831 = vector.shape_cast %add3A_826 : vector<16xf32> to vector<1x16xf32>
        tpu.vector_store %arg14[%swap3A_827, %swap3A_828], %swap3A_831 {strides = array<i32>} : memref<128x128xf32, #tpu.memory_space<vmem>>, vector<1x16xf32>,
        %get3A_832 = arith.index_cast %add3A_753 : i32 to index
        %get3A_833 = arith.constant 96 : index
        %get3A_834 = tpu.vector_load %arg16[%get3A_832, %get3A_833] {strides = array<i32>} : memref<128x128xf32, #tpu.memory_space<vmem>>, vector<1x16xf32>,
        %get3A_835 = vector.shape_cast %get3A_834 : vector<1x16xf32> to vector<16xf32>
        %mul3A_836 = arith.mulf %gather3A_745, %get3A_24 : vector<16xf32>
        %add3A_837 = arith.addf %get3A_835, %mul3A_836 : vector<16xf32>
        %mul3A_838 = arith.mulf %gather3A_749, %get3A_48 : vector<16xf32>
        %add3A_839 = arith.addf %add3A_837, %mul3A_838 : vector<16xf32>
        %swap3A_840 = arith.index_cast %add3A_753 : i32 to index
        %swap3A_841 = arith.constant 96 : index
        %swap3A_842 = tpu.vector_load %arg14[%swap3A_840, %swap3A_841] {strides = array<i32>} : memref<128x128xf32, #tpu.memory_space<vmem>>, vector<1x16xf32>,
        %swap3A_843 = vector.shape_cast %swap3A_842 : vector<1x16xf32> to vector<16xf32>
        %swap3A_844 = vector.shape_cast %add3A_839 : vector<16xf32> to vector<1x16xf32>
        tpu.vector_store %arg14[%swap3A_840, %swap3A_841], %swap3A_844 {strides = array<i32>} : memref<128x128xf32, #tpu.memory_space<vmem>>, vector<1x16xf32>,
        %get3A_845 = arith.index_cast %add3A_753 : i32 to index
        %get3A_846 = arith.constant 112 : index
        %get3A_847 = tpu.vector_load %arg16[%get3A_845, %get3A_846] {strides = array<i32>} : memref<128x128xf32, #tpu.memory_space<vmem>>, vector<1x16xf32>,
        %get3A_848 = vector.shape_cast %get3A_847 : vector<1x16xf32> to vector<16xf32>
        %mul3A_849 = arith.mulf %gather3A_745, %get3A_27 : vector<16xf32>
        %add3A_850 = arith.addf %get3A_848, %mul3A_849 : vector<16xf32>
        %mul3A_851 = arith.mulf %gather3A_749, %get3A_51 : vector<16xf32>
        %add3A_852 = arith.addf %add3A_850, %mul3A_851 : vector<16xf32>
        %swap3A_853 = arith.index_cast %add3A_753 : i32 to index
        %swap3A_854 = arith.constant 112 : index
        %swap3A_855 = tpu.vector_load %arg14[%swap3A_853, %swap3A_854] {strides = array<i32>} : memref<128x128xf32, #tpu.memory_space<vmem>>, vector<1x16xf32>,
        %swap3A_856 = vector.shape_cast %swap3A_855 : vector<1x16xf32> to vector<16xf32>
        %swap3A_857 = vector.shape_cast %add3A_852 : vector<16xf32> to vector<1x16xf32>
        tpu.vector_store %arg14[%swap3A_853, %swap3A_854], %swap3A_857 {strides = array<i32>} : memref<128x128xf32, #tpu.memory_space<vmem>>, vector<1x16xf32>,
        %broadcast_in_dim3A_858 = arith.constant 6 : i32
        %broadcast_in_dim3A_859 = vector.broadcast %broadcast_in_dim3A_858 : i32 to vector<16x1xi32>
        %gather3A_860 = vector.shape_cast %broadcast_in_dim3A_859 : vector<16x1xi32> to vector<16xi32>
        %gather3A_861 = tpu.dynamic_gather %get3A_161[%gather3A_860] in [0] : vector<16xf32>, vector<16xi32> -> vector<16xf32>
        %broadcast_in_dim3A_862 = arith.constant 6 : i32
        %broadcast_in_dim3A_863 = vector.broadcast %broadcast_in_dim3A_862 : i32 to vector<16x1xi32>
        %gather3A_864 = vector.shape_cast %broadcast_in_dim3A_863 : vector<16x1xi32> to vector<16xi32>
        %gather3A_865 = tpu.dynamic_gather %get3A_164[%gather3A_864] in [0] : vector<16xf32>, vector<16xi32> -> vector<16xf32>
        %mul3A_866 = arith.constant 16 : i32
        %mul3A_867 = arith.muli %scan3A_153, %mul3A_866 : i32
        %add3A_868 = arith.constant 6 : i32
        %add3A_869 = arith.addi %mul3A_867, %add3A_868 : i32
        %get3A_870 = arith.index_cast %add3A_869 : i32 to index
        %get3A_871 = arith.constant 0 : index
        %get3A_872 = tpu.vector_load %arg16[%get3A_870, %get3A_871] {strides = array<i32>} : memref<128x128xf32, #tpu.memory_space<vmem>>, vector<1x16xf32>,
        %get3A_873 = vector.shape_cast %get3A_872 : vector<1x16xf32> to vector<16xf32>
        %mul3A_874 = arith.mulf %gather3A_861, %get3A_6 : vector<16xf32>
        %add3A_875 = arith.addf %get3A_873, %mul3A_874 : vector<16xf32>
        %mul3A_876 = arith.mulf %gather3A_865, %get3A_30 : vector<16xf32>
        %add3A_877 = arith.addf %add3A_875, %mul3A_876 : vector<16xf32>
        %swap3A_878 = arith.index_cast %add3A_869 : i32 to index
        %swap3A_879 = arith.constant 0 : index
        %swap3A_880 = tpu.vector_load %arg14[%swap3A_878, %swap3A_879] {strides = array<i32>} : memref<128x128xf32, #tpu.memory_space<vmem>>, vector<1x16xf32>,
        %swap3A_881 = vector.shape_cast %swap3A_880 : vector<1x16xf32> to vector<16xf32>
        %swap3A_882 = vector.shape_cast %add3A_877 : vector<16xf32> to vector<1x16xf32>
        tpu.vector_store %arg14[%swap3A_878, %swap3A_879], %swap3A_882 {strides = array<i32>} : memref<128x128xf32, #tpu.memory_space<vmem>>, vector<1x16xf32>,
        %get3A_883 = arith.index_cast %add3A_869 : i32 to index
        %get3A_884 = arith.constant 16 : index
        %get3A_885 = tpu.vector_load %arg16[%get3A_883, %get3A_884] {strides = array<i32>} : memref<128x128xf32, #tpu.memory_space<vmem>>, vector<1x16xf32>,
        %get3A_886 = vector.shape_cast %get3A_885 : vector<1x16xf32> to vector<16xf32>
        %mul3A_887 = arith.mulf %gather3A_861, %get3A_9 : vector<16xf32>
        %add3A_888 = arith.addf %get3A_886, %mul3A_887 : vector<16xf32>
        %mul3A_889 = arith.mulf %gather3A_865, %get3A_33 : vector<16xf32>
        %add3A_890 = arith.addf %add3A_888, %mul3A_889 : vector<16xf32>
        %swap3A_891 = arith.index_cast %add3A_869 : i32 to index
        %swap3A_892 = arith.constant 16 : index
        %swap3A_893 = tpu.vector_load %arg14[%swap3A_891, %swap3A_892] {strides = array<i32>} : memref<128x128xf32, #tpu.memory_space<vmem>>, vector<1x16xf32>,
        %swap3A_894 = vector.shape_cast %swap3A_893 : vector<1x16xf32> to vector<16xf32>
        %swap3A_895 = vector.shape_cast %add3A_890 : vector<16xf32> to vector<1x16xf32>
        tpu.vector_store %arg14[%swap3A_891, %swap3A_892], %swap3A_895 {strides = array<i32>} : memref<128x128xf32, #tpu.memory_space<vmem>>, vector<1x16xf32>,
        %get3A_896 = arith.index_cast %add3A_869 : i32 to index
        %get3A_897 = arith.constant 32 : index
        %get3A_898 = tpu.vector_load %arg16[%get3A_896, %get3A_897] {strides = array<i32>} : memref<128x128xf32, #tpu.memory_space<vmem>>, vector<1x16xf32>,
        %get3A_899 = vector.shape_cast %get3A_898 : vector<1x16xf32> to vector<16xf32>
        %mul3A_900 = arith.mulf %gather3A_861, %get3A_12 : vector<16xf32>
        %add3A_901 = arith.addf %get3A_899, %mul3A_900 : vector<16xf32>
        %mul3A_902 = arith.mulf %gather3A_865, %get3A_36 : vector<16xf32>
        %add3A_903 = arith.addf %add3A_901, %mul3A_902 : vector<16xf32>
        %swap3A_904 = arith.index_cast %add3A_869 : i32 to index
        %swap3A_905 = arith.constant 32 : index
        %swap3A_906 = tpu.vector_load %arg14[%swap3A_904, %swap3A_905] {strides = array<i32>} : memref<128x128xf32, #tpu.memory_space<vmem>>, vector<1x16xf32>,
        %swap3A_907 = vector.shape_cast %swap3A_906 : vector<1x16xf32> to vector<16xf32>
        %swap3A_908 = vector.shape_cast %add3A_903 : vector<16xf32> to vector<1x16xf32>
        tpu.vector_store %arg14[%swap3A_904, %swap3A_905], %swap3A_908 {strides = array<i32>} : memref<128x128xf32, #tpu.memory_space<vmem>>, vector<1x16xf32>,
        %get3A_909 = arith.index_cast %add3A_869 : i32 to index
        %get3A_910 = arith.constant 48 : index
        %get3A_911 = tpu.vector_load %arg16[%get3A_909, %get3A_910] {strides = array<i32>} : memref<128x128xf32, #tpu.memory_space<vmem>>, vector<1x16xf32>,
        %get3A_912 = vector.shape_cast %get3A_911 : vector<1x16xf32> to vector<16xf32>
        %mul3A_913 = arith.mulf %gather3A_861, %get3A_15 : vector<16xf32>
        %add3A_914 = arith.addf %get3A_912, %mul3A_913 : vector<16xf32>
        %mul3A_915 = arith.mulf %gather3A_865, %get3A_39 : vector<16xf32>
        %add3A_916 = arith.addf %add3A_914, %mul3A_915 : vector<16xf32>
        %swap3A_917 = arith.index_cast %add3A_869 : i32 to index
        %swap3A_918 = arith.constant 48 : index
        %swap3A_919 = tpu.vector_load %arg14[%swap3A_917, %swap3A_918] {strides = array<i32>} : memref<128x128xf32, #tpu.memory_space<vmem>>, vector<1x16xf32>,
        %swap3A_920 = vector.shape_cast %swap3A_919 : vector<1x16xf32> to vector<16xf32>
        %swap3A_921 = vector.shape_cast %add3A_916 : vector<16xf32> to vector<1x16xf32>
        tpu.vector_store %arg14[%swap3A_917, %swap3A_918], %swap3A_921 {strides = array<i32>} : memref<128x128xf32, #tpu.memory_space<vmem>>, vector<1x16xf32>,
        %get3A_922 = arith.index_cast %add3A_869 : i32 to index
        %get3A_923 = arith.constant 64 : index
        %get3A_924 = tpu.vector_load %arg16[%get3A_922, %get3A_923] {strides = array<i32>} : memref<128x128xf32, #tpu.memory_space<vmem>>, vector<1x16xf32>,
        %get3A_925 = vector.shape_cast %get3A_924 : vector<1x16xf32> to vector<16xf32>
        %mul3A_926 = arith.mulf %gather3A_861, %get3A_18 : vector<16xf32>
        %add3A_927 = arith.addf %get3A_925, %mul3A_926 : vector<16xf32>
        %mul3A_928 = arith.mulf %gather3A_865, %get3A_42 : vector<16xf32>
        %add3A_929 = arith.addf %add3A_927, %mul3A_928 : vector<16xf32>
        %swap3A_930 = arith.index_cast %add3A_869 : i32 to index
        %swap3A_931 = arith.constant 64 : index
        %swap3A_932 = tpu.vector_load %arg14[%swap3A_930, %swap3A_931] {strides = array<i32>} : memref<128x128xf32, #tpu.memory_space<vmem>>, vector<1x16xf32>,
        %swap3A_933 = vector.shape_cast %swap3A_932 : vector<1x16xf32> to vector<16xf32>
        %swap3A_934 = vector.shape_cast %add3A_929 : vector<16xf32> to vector<1x16xf32>
        tpu.vector_store %arg14[%swap3A_930, %swap3A_931], %swap3A_934 {strides = array<i32>} : memref<128x128xf32, #tpu.memory_space<vmem>>, vector<1x16xf32>,
        %get3A_935 = arith.index_cast %add3A_869 : i32 to index
        %get3A_936 = arith.constant 80 : index
        %get3A_937 = tpu.vector_load %arg16[%get3A_935, %get3A_936] {strides = array<i32>} : memref<128x128xf32, #tpu.memory_space<vmem>>, vector<1x16xf32>,
        %get3A_938 = vector.shape_cast %get3A_937 : vector<1x16xf32> to vector<16xf32>
        %mul3A_939 = arith.mulf %gather3A_861, %get3A_21 : vector<16xf32>
        %add3A_940 = arith.addf %get3A_938, %mul3A_939 : vector<16xf32>
        %mul3A_941 = arith.mulf %gather3A_865, %get3A_45 : vector<16xf32>
        %add3A_942 = arith.addf %add3A_940, %mul3A_941 : vector<16xf32>
        %swap3A_943 = arith.index_cast %add3A_869 : i32 to index
        %swap3A_944 = arith.constant 80 : index
        %swap3A_945 = tpu.vector_load %arg14[%swap3A_943, %swap3A_944] {strides = array<i32>} : memref<128x128xf32, #tpu.memory_space<vmem>>, vector<1x16xf32>,
        %swap3A_946 = vector.shape_cast %swap3A_945 : vector<1x16xf32> to vector<16xf32>
        %swap3A_947 = vector.shape_cast %add3A_942 : vector<16xf32> to vector<1x16xf32>
        tpu.vector_store %arg14[%swap3A_943, %swap3A_944], %swap3A_947 {strides = array<i32>} : memref<128x128xf32, #tpu.memory_space<vmem>>, vector<1x16xf32>,
        %get3A_948 = arith.index_cast %add3A_869 : i32 to index
        %get3A_949 = arith.constant 96 : index
        %get3A_950 = tpu.vector_load %arg16[%get3A_948, %get3A_949] {strides = array<i32>} : memref<128x128xf32, #tpu.memory_space<vmem>>, vector<1x16xf32>,
        %get3A_951 = vector.shape_cast %get3A_950 : vector<1x16xf32> to vector<16xf32>
        %mul3A_952 = arith.mulf %gather3A_861, %get3A_24 : vector<16xf32>
        %add3A_953 = arith.addf %get3A_951, %mul3A_952 : vector<16xf32>
        %mul3A_954 = arith.mulf %gather3A_865, %get3A_48 : vector<16xf32>
        %add3A_955 = arith.addf %add3A_953, %mul3A_954 : vector<16xf32>
        %swap3A_956 = arith.index_cast %add3A_869 : i32 to index
        %swap3A_957 = arith.constant 96 : index
        %swap3A_958 = tpu.vector_load %arg14[%swap3A_956, %swap3A_957] {strides = array<i32>} : memref<128x128xf32, #tpu.memory_space<vmem>>, vector<1x16xf32>,
        %swap3A_959 = vector.shape_cast %swap3A_958 : vector<1x16xf32> to vector<16xf32>
        %swap3A_960 = vector.shape_cast %add3A_955 : vector<16xf32> to vector<1x16xf32>
        tpu.vector_store %arg14[%swap3A_956, %swap3A_957], %swap3A_960 {strides = array<i32>} : memref<128x128xf32, #tpu.memory_space<vmem>>, vector<1x16xf32>,
        %get3A_961 = arith.index_cast %add3A_869 : i32 to index
        %get3A_962 = arith.constant 112 : index
        %get3A_963 = tpu.vector_load %arg16[%get3A_961, %get3A_962] {strides = array<i32>} : memref<128x128xf32, #tpu.memory_space<vmem>>, vector<1x16xf32>,
        %get3A_964 = vector.shape_cast %get3A_963 : vector<1x16xf32> to vector<16xf32>
        %mul3A_965 = arith.mulf %gather3A_861, %get3A_27 : vector<16xf32>
        %add3A_966 = arith.addf %get3A_964, %mul3A_965 : vector<16xf32>
        %mul3A_967 = arith.mulf %gather3A_865, %get3A_51 : vector<16xf32>
        %add3A_968 = arith.addf %add3A_966, %mul3A_967 : vector<16xf32>
        %swap3A_969 = arith.index_cast %add3A_869 : i32 to index
        %swap3A_970 = arith.constant 112 : index
        %swap3A_971 = tpu.vector_load %arg14[%swap3A_969, %swap3A_970] {strides = array<i32>} : memref<128x128xf32, #tpu.memory_space<vmem>>, vector<1x16xf32>,
        %swap3A_972 = vector.shape_cast %swap3A_971 : vector<1x16xf32> to vector<16xf32>
        %swap3A_973 = vector.shape_cast %add3A_968 : vector<16xf32> to vector<1x16xf32>
        tpu.vector_store %arg14[%swap3A_969, %swap3A_970], %swap3A_973 {strides = array<i32>} : memref<128x128xf32, #tpu.memory_space<vmem>>, vector<1x16xf32>,
        %broadcast_in_dim3A_974 = arith.constant 7 : i32
        %broadcast_in_dim3A_975 = vector.broadcast %broadcast_in_dim3A_974 : i32 to vector<16x1xi32>
        %gather3A_976 = vector.shape_cast %broadcast_in_dim3A_975 : vector<16x1xi32> to vector<16xi32>
        %gather3A_977 = tpu.dynamic_gather %get3A_161[%gather3A_976] in [0] : vector<16xf32>, vector<16xi32> -> vector<16xf32>
        %broadcast_in_dim3A_978 = arith.constant 7 : i32
        %broadcast_in_dim3A_979 = vector.broadcast %broadcast_in_dim3A_978 : i32 to vector<16x1xi32>
        %gather3A_980 = vector.shape_cast %broadcast_in_dim3A_979 : vector<16x1xi32> to vector<16xi32>
        %gather3A_981 = tpu.dynamic_gather %get3A_164[%gather3A_980] in [0] : vector<16xf32>, vector<16xi32> -> vector<16xf32>
        %mul3A_982 = arith.constant 16 : i32
        %mul3A_983 = arith.muli %scan3A_153, %mul3A_982 : i32
        %add3A_984 = arith.constant 7 : i32
        %add3A_985 = arith.addi %mul3A_983, %add3A_984 : i32
        %get3A_986 = arith.index_cast %add3A_985 : i32 to index
        %get3A_987 = arith.constant 0 : index
        %get3A_988 = tpu.vector_load %arg16[%get3A_986, %get3A_987] {strides = array<i32>} : memref<128x128xf32, #tpu.memory_space<vmem>>, vector<1x16xf32>,
        %get3A_989 = vector.shape_cast %get3A_988 : vector<1x16xf32> to vector<16xf32>
        %mul3A_990 = arith.mulf %gather3A_977, %get3A_6 : vector<16xf32>
        %add3A_991 = arith.addf %get3A_989, %mul3A_990 : vector<16xf32>
        %mul3A_992 = arith.mulf %gather3A_981, %get3A_30 : vector<16xf32>
        %add3A_993 = arith.addf %add3A_991, %mul3A_992 : vector<16xf32>
        %swap3A_994 = arith.index_cast %add3A_985 : i32 to index
        %swap3A_995 = arith.constant 0 : index
        %swap3A_996 = tpu.vector_load %arg14[%swap3A_994, %swap3A_995] {strides = array<i32>} : memref<128x128xf32, #tpu.memory_space<vmem>>, vector<1x16xf32>,
        %swap3A_997 = vector.shape_cast %swap3A_996 : vector<1x16xf32> to vector<16xf32>
        %swap3A_998 = vector.shape_cast %add3A_993 : vector<16xf32> to vector<1x16xf32>
        tpu.vector_store %arg14[%swap3A_994, %swap3A_995], %swap3A_998 {strides = array<i32>} : memref<128x128xf32, #tpu.memory_space<vmem>>, vector<1x16xf32>,
        %get3A_999 = arith.index_cast %add3A_985 : i32 to index
        %get3A_1000 = arith.constant 16 : index
        %get3A_1001 = tpu.vector_load %arg16[%get3A_999, %get3A_1000] {strides = array<i32>} : memref<128x128xf32, #tpu.memory_space<vmem>>, vector<1x16xf32>,
        %get3A_1002 = vector.shape_cast %get3A_1001 : vector<1x16xf32> to vector<16xf32>
        %mul3A_1003 = arith.mulf %gather3A_977, %get3A_9 : vector<16xf32>
        %add3A_1004 = arith.addf %get3A_1002, %mul3A_1003 : vector<16xf32>
        %mul3A_1005 = arith.mulf %gather3A_981, %get3A_33 : vector<16xf32>
        %add3A_1006 = arith.addf %add3A_1004, %mul3A_1005 : vector<16xf32>
        %swap3A_1007 = arith.index_cast %add3A_985 : i32 to index
        %swap3A_1008 = arith.constant 16 : index
        %swap3A_1009 = tpu.vector_load %arg14[%swap3A_1007, %swap3A_1008] {strides = array<i32>} : memref<128x128xf32, #tpu.memory_space<vmem>>, vector<1x16xf32>,
        %swap3A_1010 = vector.shape_cast %swap3A_1009 : vector<1x16xf32> to vector<16xf32>
        %swap3A_1011 = vector.shape_cast %add3A_1006 : vector<16xf32> to vector<1x16xf32>
        tpu.vector_store %arg14[%swap3A_1007, %swap3A_1008], %swap3A_1011 {strides = array<i32>} : memref<128x128xf32, #tpu.memory_space<vmem>>, vector<1x16xf32>,
        %get3A_1012 = arith.index_cast %add3A_985 : i32 to index
        %get3A_1013 = arith.constant 32 : index
        %get3A_1014 = tpu.vector_load %arg16[%get3A_1012, %get3A_1013] {strides = array<i32>} : memref<128x128xf32, #tpu.memory_space<vmem>>, vector<1x16xf32>,
        %get3A_1015 = vector.shape_cast %get3A_1014 : vector<1x16xf32> to vector<16xf32>
        %mul3A_1016 = arith.mulf %gather3A_977, %get3A_12 : vector<16xf32>
        %add3A_1017 = arith.addf %get3A_1015, %mul3A_1016 : vector<16xf32>
        %mul3A_1018 = arith.mulf %gather3A_981, %get3A_36 : vector<16xf32>
        %add3A_1019 = arith.addf %add3A_1017, %mul3A_1018 : vector<16xf32>
        %swap3A_1020 = arith.index_cast %add3A_985 : i32 to index
        %swap3A_1021 = arith.constant 32 : index
        %swap3A_1022 = tpu.vector_load %arg14[%swap3A_1020, %swap3A_1021] {strides = array<i32>} : memref<128x128xf32, #tpu.memory_space<vmem>>, vector<1x16xf32>,
        %swap3A_1023 = vector.shape_cast %swap3A_1022 : vector<1x16xf32> to vector<16xf32>
        %swap3A_1024 = vector.shape_cast %add3A_1019 : vector<16xf32> to vector<1x16xf32>
        tpu.vector_store %arg14[%swap3A_1020, %swap3A_1021], %swap3A_1024 {strides = array<i32>} : memref<128x128xf32, #tpu.memory_space<vmem>>, vector<1x16xf32>,
        %get3A_1025 = arith.index_cast %add3A_985 : i32 to index
        %get3A_1026 = arith.constant 48 : index
        %get3A_1027 = tpu.vector_load %arg16[%get3A_1025, %get3A_1026] {strides = array<i32>} : memref<128x128xf32, #tpu.memory_space<vmem>>, vector<1x16xf32>,
        %get3A_1028 = vector.shape_cast %get3A_1027 : vector<1x16xf32> to vector<16xf32>
        %mul3A_1029 = arith.mulf %gather3A_977, %get3A_15 : vector<16xf32>
        %add3A_1030 = arith.addf %get3A_1028, %mul3A_1029 : vector<16xf32>
        %mul3A_1031 = arith.mulf %gather3A_981, %get3A_39 : vector<16xf32>
        %add3A_1032 = arith.addf %add3A_1030, %mul3A_1031 : vector<16xf32>
        %swap3A_1033 = arith.index_cast %add3A_985 : i32 to index
        %swap3A_1034 = arith.constant 48 : index
        %swap3A_1035 = tpu.vector_load %arg14[%swap3A_1033, %swap3A_1034] {strides = array<i32>} : memref<128x128xf32, #tpu.memory_space<vmem>>, vector<1x16xf32>,
        %swap3A_1036 = vector.shape_cast %swap3A_1035 : vector<1x16xf32> to vector<16xf32>
        %swap3A_1037 = vector.shape_cast %add3A_1032 : vector<16xf32> to vector<1x16xf32>
        tpu.vector_store %arg14[%swap3A_1033, %swap3A_1034], %swap3A_1037 {strides = array<i32>} : memref<128x128xf32, #tpu.memory_space<vmem>>, vector<1x16xf32>,
        %get3A_1038 = arith.index_cast %add3A_985 : i32 to index
        %get3A_1039 = arith.constant 64 : index
        %get3A_1040 = tpu.vector_load %arg16[%get3A_1038, %get3A_1039] {strides = array<i32>} : memref<128x128xf32, #tpu.memory_space<vmem>>, vector<1x16xf32>,
        %get3A_1041 = vector.shape_cast %get3A_1040 : vector<1x16xf32> to vector<16xf32>
        %mul3A_1042 = arith.mulf %gather3A_977, %get3A_18 : vector<16xf32>
        %add3A_1043 = arith.addf %get3A_1041, %mul3A_1042 : vector<16xf32>
        %mul3A_1044 = arith.mulf %gather3A_981, %get3A_42 : vector<16xf32>
        %add3A_1045 = arith.addf %add3A_1043, %mul3A_1044 : vector<16xf32>
        %swap3A_1046 = arith.index_cast %add3A_985 : i32 to index
        %swap3A_1047 = arith.constant 64 : index
        %swap3A_1048 = tpu.vector_load %arg14[%swap3A_1046, %swap3A_1047] {strides = array<i32>} : memref<128x128xf32, #tpu.memory_space<vmem>>, vector<1x16xf32>,
        %swap3A_1049 = vector.shape_cast %swap3A_1048 : vector<1x16xf32> to vector<16xf32>
        %swap3A_1050 = vector.shape_cast %add3A_1045 : vector<16xf32> to vector<1x16xf32>
        tpu.vector_store %arg14[%swap3A_1046, %swap3A_1047], %swap3A_1050 {strides = array<i32>} : memref<128x128xf32, #tpu.memory_space<vmem>>, vector<1x16xf32>,
        %get3A_1051 = arith.index_cast %add3A_985 : i32 to index
        %get3A_1052 = arith.constant 80 : index
        %get3A_1053 = tpu.vector_load %arg16[%get3A_1051, %get3A_1052] {strides = array<i32>} : memref<128x128xf32, #tpu.memory_space<vmem>>, vector<1x16xf32>,
        %get3A_1054 = vector.shape_cast %get3A_1053 : vector<1x16xf32> to vector<16xf32>
        %mul3A_1055 = arith.mulf %gather3A_977, %get3A_21 : vector<16xf32>
        %add3A_1056 = arith.addf %get3A_1054, %mul3A_1055 : vector<16xf32>
        %mul3A_1057 = arith.mulf %gather3A_981, %get3A_45 : vector<16xf32>
        %add3A_1058 = arith.addf %add3A_1056, %mul3A_1057 : vector<16xf32>
        %swap3A_1059 = arith.index_cast %add3A_985 : i32 to index
        %swap3A_1060 = arith.constant 80 : index
        %swap3A_1061 = tpu.vector_load %arg14[%swap3A_1059, %swap3A_1060] {strides = array<i32>} : memref<128x128xf32, #tpu.memory_space<vmem>>, vector<1x16xf32>,
        %swap3A_1062 = vector.shape_cast %swap3A_1061 : vector<1x16xf32> to vector<16xf32>
        %swap3A_1063 = vector.shape_cast %add3A_1058 : vector<16xf32> to vector<1x16xf32>
        tpu.vector_store %arg14[%swap3A_1059, %swap3A_1060], %swap3A_1063 {strides = array<i32>} : memref<128x128xf32, #tpu.memory_space<vmem>>, vector<1x16xf32>,
        %get3A_1064 = arith.index_cast %add3A_985 : i32 to index
        %get3A_1065 = arith.constant 96 : index
        %get3A_1066 = tpu.vector_load %arg16[%get3A_1064, %get3A_1065] {strides = array<i32>} : memref<128x128xf32, #tpu.memory_space<vmem>>, vector<1x16xf32>,
        %get3A_1067 = vector.shape_cast %get3A_1066 : vector<1x16xf32> to vector<16xf32>
        %mul3A_1068 = arith.mulf %gather3A_977, %get3A_24 : vector<16xf32>
        %add3A_1069 = arith.addf %get3A_1067, %mul3A_1068 : vector<16xf32>
        %mul3A_1070 = arith.mulf %gather3A_981, %get3A_48 : vector<16xf32>
        %add3A_1071 = arith.addf %add3A_1069, %mul3A_1070 : vector<16xf32>
        %swap3A_1072 = arith.index_cast %add3A_985 : i32 to index
        %swap3A_1073 = arith.constant 96 : index
        %swap3A_1074 = tpu.vector_load %arg14[%swap3A_1072, %swap3A_1073] {strides = array<i32>} : memref<128x128xf32, #tpu.memory_space<vmem>>, vector<1x16xf32>,
        %swap3A_1075 = vector.shape_cast %swap3A_1074 : vector<1x16xf32> to vector<16xf32>
        %swap3A_1076 = vector.shape_cast %add3A_1071 : vector<16xf32> to vector<1x16xf32>
        tpu.vector_store %arg14[%swap3A_1072, %swap3A_1073], %swap3A_1076 {strides = array<i32>} : memref<128x128xf32, #tpu.memory_space<vmem>>, vector<1x16xf32>,
        %get3A_1077 = arith.index_cast %add3A_985 : i32 to index
        %get3A_1078 = arith.constant 112 : index
        %get3A_1079 = tpu.vector_load %arg16[%get3A_1077, %get3A_1078] {strides = array<i32>} : memref<128x128xf32, #tpu.memory_space<vmem>>, vector<1x16xf32>,
        %get3A_1080 = vector.shape_cast %get3A_1079 : vector<1x16xf32> to vector<16xf32>
        %mul3A_1081 = arith.mulf %gather3A_977, %get3A_27 : vector<16xf32>
        %add3A_1082 = arith.addf %get3A_1080, %mul3A_1081 : vector<16xf32>
        %mul3A_1083 = arith.mulf %gather3A_981, %get3A_51 : vector<16xf32>
        %add3A_1084 = arith.addf %add3A_1082, %mul3A_1083 : vector<16xf32>
        %swap3A_1085 = arith.index_cast %add3A_985 : i32 to index
        %swap3A_1086 = arith.constant 112 : index
        %swap3A_1087 = tpu.vector_load %arg14[%swap3A_1085, %swap3A_1086] {strides = array<i32>} : memref<128x128xf32, #tpu.memory_space<vmem>>, vector<1x16xf32>,
        %swap3A_1088 = vector.shape_cast %swap3A_1087 : vector<1x16xf32> to vector<16xf32>
        %swap3A_1089 = vector.shape_cast %add3A_1084 : vector<16xf32> to vector<1x16xf32>
        tpu.vector_store %arg14[%swap3A_1085, %swap3A_1086], %swap3A_1089 {strides = array<i32>} : memref<128x128xf32, #tpu.memory_space<vmem>>, vector<1x16xf32>,
        %broadcast_in_dim3A_1090 = arith.constant 8 : i32
        %broadcast_in_dim3A_1091 = vector.broadcast %broadcast_in_dim3A_1090 : i32 to vector<16x1xi32>
        %gather3A_1092 = vector.shape_cast %broadcast_in_dim3A_1091 : vector<16x1xi32> to vector<16xi32>
        %gather3A_1093 = tpu.dynamic_gather %get3A_161[%gather3A_1092] in [0] : vector<16xf32>, vector<16xi32> -> vector<16xf32>
        %broadcast_in_dim3A_1094 = arith.constant 8 : i32
        %broadcast_in_dim3A_1095 = vector.broadcast %broadcast_in_dim3A_1094 : i32 to vector<16x1xi32>
        %gather3A_1096 = vector.shape_cast %broadcast_in_dim3A_1095 : vector<16x1xi32> to vector<16xi32>
        %gather3A_1097 = tpu.dynamic_gather %get3A_164[%gather3A_1096] in [0] : vector<16xf32>, vector<16xi32> -> vector<16xf32>
        %mul3A_1098 = arith.constant 16 : i32
        %mul3A_1099 = arith.muli %scan3A_153, %mul3A_1098 : i32
        %add3A_1100 = arith.constant 8 : i32
        %add3A_1101 = arith.addi %mul3A_1099, %add3A_1100 : i32
        %get3A_1102 = arith.index_cast %add3A_1101 : i32 to index
        %get3A_1103 = arith.constant 0 : index
        %get3A_1104 = tpu.vector_load %arg16[%get3A_1102, %get3A_1103] {strides = array<i32>} : memref<128x128xf32, #tpu.memory_space<vmem>>, vector<1x16xf32>,
        %get3A_1105 = vector.shape_cast %get3A_1104 : vector<1x16xf32> to vector<16xf32>
        %mul3A_1106 = arith.mulf %gather3A_1093, %get3A_6 : vector<16xf32>
        %add3A_1107 = arith.addf %get3A_1105, %mul3A_1106 : vector<16xf32>
        %mul3A_1108 = arith.mulf %gather3A_1097, %get3A_30 : vector<16xf32>
        %add3A_1109 = arith.addf %add3A_1107, %mul3A_1108 : vector<16xf32>
        %swap3A_1110 = arith.index_cast %add3A_1101 : i32 to index
        %swap3A_1111 = arith.constant 0 : index
        %swap3A_1112 = tpu.vector_load %arg14[%swap3A_1110, %swap3A_1111] {strides = array<i32>} : memref<128x128xf32, #tpu.memory_space<vmem>>, vector<1x16xf32>,
        %swap3A_1113 = vector.shape_cast %swap3A_1112 : vector<1x16xf32> to vector<16xf32>
        %swap3A_1114 = vector.shape_cast %add3A_1109 : vector<16xf32> to vector<1x16xf32>
        tpu.vector_store %arg14[%swap3A_1110, %swap3A_1111], %swap3A_1114 {strides = array<i32>} : memref<128x128xf32, #tpu.memory_space<vmem>>, vector<1x16xf32>,
        %get3A_1115 = arith.index_cast %add3A_1101 : i32 to index
        %get3A_1116 = arith.constant 16 : index
        %get3A_1117 = tpu.vector_load %arg16[%get3A_1115, %get3A_1116] {strides = array<i32>} : memref<128x128xf32, #tpu.memory_space<vmem>>, vector<1x16xf32>,
        %get3A_1118 = vector.shape_cast %get3A_1117 : vector<1x16xf32> to vector<16xf32>
        %mul3A_1119 = arith.mulf %gather3A_1093, %get3A_9 : vector<16xf32>
        %add3A_1120 = arith.addf %get3A_1118, %mul3A_1119 : vector<16xf32>
        %mul3A_1121 = arith.mulf %gather3A_1097, %get3A_33 : vector<16xf32>
        %add3A_1122 = arith.addf %add3A_1120, %mul3A_1121 : vector<16xf32>
        %swap3A_1123 = arith.index_cast %add3A_1101 : i32 to index
        %swap3A_1124 = arith.constant 16 : index
        %swap3A_1125 = tpu.vector_load %arg14[%swap3A_1123, %swap3A_1124] {strides = array<i32>} : memref<128x128xf32, #tpu.memory_space<vmem>>, vector<1x16xf32>,
        %swap3A_1126 = vector.shape_cast %swap3A_1125 : vector<1x16xf32> to vector<16xf32>
        %swap3A_1127 = vector.shape_cast %add3A_1122 : vector<16xf32> to vector<1x16xf32>
        tpu.vector_store %arg14[%swap3A_1123, %swap3A_1124], %swap3A_1127 {strides = array<i32>} : memref<128x128xf32, #tpu.memory_space<vmem>>, vector<1x16xf32>,
        %get3A_1128 = arith.index_cast %add3A_1101 : i32 to index
        %get3A_1129 = arith.constant 32 : index
        %get3A_1130 = tpu.vector_load %arg16[%get3A_1128, %get3A_1129] {strides = array<i32>} : memref<128x128xf32, #tpu.memory_space<vmem>>, vector<1x16xf32>,
        %get3A_1131 = vector.shape_cast %get3A_1130 : vector<1x16xf32> to vector<16xf32>
        %mul3A_1132 = arith.mulf %gather3A_1093, %get3A_12 : vector<16xf32>
        %add3A_1133 = arith.addf %get3A_1131, %mul3A_1132 : vector<16xf32>
        %mul3A_1134 = arith.mulf %gather3A_1097, %get3A_36 : vector<16xf32>
        %add3A_1135 = arith.addf %add3A_1133, %mul3A_1134 : vector<16xf32>
        %swap3A_1136 = arith.index_cast %add3A_1101 : i32 to index
        %swap3A_1137 = arith.constant 32 : index
        %swap3A_1138 = tpu.vector_load %arg14[%swap3A_1136, %swap3A_1137] {strides = array<i32>} : memref<128x128xf32, #tpu.memory_space<vmem>>, vector<1x16xf32>,
        %swap3A_1139 = vector.shape_cast %swap3A_1138 : vector<1x16xf32> to vector<16xf32>
        %swap3A_1140 = vector.shape_cast %add3A_1135 : vector<16xf32> to vector<1x16xf32>
        tpu.vector_store %arg14[%swap3A_1136, %swap3A_1137], %swap3A_1140 {strides = array<i32>} : memref<128x128xf32, #tpu.memory_space<vmem>>, vector<1x16xf32>,
        %get3A_1141 = arith.index_cast %add3A_1101 : i32 to index
        %get3A_1142 = arith.constant 48 : index
        %get3A_1143 = tpu.vector_load %arg16[%get3A_1141, %get3A_1142] {strides = array<i32>} : memref<128x128xf32, #tpu.memory_space<vmem>>, vector<1x16xf32>,
        %get3A_1144 = vector.shape_cast %get3A_1143 : vector<1x16xf32> to vector<16xf32>
        %mul3A_1145 = arith.mulf %gather3A_1093, %get3A_15 : vector<16xf32>
        %add3A_1146 = arith.addf %get3A_1144, %mul3A_1145 : vector<16xf32>
        %mul3A_1147 = arith.mulf %gather3A_1097, %get3A_39 : vector<16xf32>
        %add3A_1148 = arith.addf %add3A_1146, %mul3A_1147 : vector<16xf32>
        %swap3A_1149 = arith.index_cast %add3A_1101 : i32 to index
        %swap3A_1150 = arith.constant 48 : index
        %swap3A_1151 = tpu.vector_load %arg14[%swap3A_1149, %swap3A_1150] {strides = array<i32>} : memref<128x128xf32, #tpu.memory_space<vmem>>, vector<1x16xf32>,
        %swap3A_1152 = vector.shape_cast %swap3A_1151 : vector<1x16xf32> to vector<16xf32>
        %swap3A_1153 = vector.shape_cast %add3A_1148 : vector<16xf32> to vector<1x16xf32>
        tpu.vector_store %arg14[%swap3A_1149, %swap3A_1150], %swap3A_1153 {strides = array<i32>} : memref<128x128xf32, #tpu.memory_space<vmem>>, vector<1x16xf32>,
        %get3A_1154 = arith.index_cast %add3A_1101 : i32 to index
        %get3A_1155 = arith.constant 64 : index
        %get3A_1156 = tpu.vector_load %arg16[%get3A_1154, %get3A_1155] {strides = array<i32>} : memref<128x128xf32, #tpu.memory_space<vmem>>, vector<1x16xf32>,
        %get3A_1157 = vector.shape_cast %get3A_1156 : vector<1x16xf32> to vector<16xf32>
        %mul3A_1158 = arith.mulf %gather3A_1093, %get3A_18 : vector<16xf32>
        %add3A_1159 = arith.addf %get3A_1157, %mul3A_1158 : vector<16xf32>
        %mul3A_1160 = arith.mulf %gather3A_1097, %get3A_42 : vector<16xf32>
        %add3A_1161 = arith.addf %add3A_1159, %mul3A_1160 : vector<16xf32>
        %swap3A_1162 = arith.index_cast %add3A_1101 : i32 to index
        %swap3A_1163 = arith.constant 64 : index
        %swap3A_1164 = tpu.vector_load %arg14[%swap3A_1162, %swap3A_1163] {strides = array<i32>} : memref<128x128xf32, #tpu.memory_space<vmem>>, vector<1x16xf32>,
        %swap3A_1165 = vector.shape_cast %swap3A_1164 : vector<1x16xf32> to vector<16xf32>
        %swap3A_1166 = vector.shape_cast %add3A_1161 : vector<16xf32> to vector<1x16xf32>
        tpu.vector_store %arg14[%swap3A_1162, %swap3A_1163], %swap3A_1166 {strides = array<i32>} : memref<128x128xf32, #tpu.memory_space<vmem>>, vector<1x16xf32>,
        %get3A_1167 = arith.index_cast %add3A_1101 : i32 to index
        %get3A_1168 = arith.constant 80 : index
        %get3A_1169 = tpu.vector_load %arg16[%get3A_1167, %get3A_1168] {strides = array<i32>} : memref<128x128xf32, #tpu.memory_space<vmem>>, vector<1x16xf32>,
        %get3A_1170 = vector.shape_cast %get3A_1169 : vector<1x16xf32> to vector<16xf32>
        %mul3A_1171 = arith.mulf %gather3A_1093, %get3A_21 : vector<16xf32>
        %add3A_1172 = arith.addf %get3A_1170, %mul3A_1171 : vector<16xf32>
        %mul3A_1173 = arith.mulf %gather3A_1097, %get3A_45 : vector<16xf32>
        %add3A_1174 = arith.addf %add3A_1172, %mul3A_1173 : vector<16xf32>
        %swap3A_1175 = arith.index_cast %add3A_1101 : i32 to index
        %swap3A_1176 = arith.constant 80 : index
        %swap3A_1177 = tpu.vector_load %arg14[%swap3A_1175, %swap3A_1176] {strides = array<i32>} : memref<128x128xf32, #tpu.memory_space<vmem>>, vector<1x16xf32>,
        %swap3A_1178 = vector.shape_cast %swap3A_1177 : vector<1x16xf32> to vector<16xf32>
        %swap3A_1179 = vector.shape_cast %add3A_1174 : vector<16xf32> to vector<1x16xf32>
        tpu.vector_store %arg14[%swap3A_1175, %swap3A_1176], %swap3A_1179 {strides = array<i32>} : memref<128x128xf32, #tpu.memory_space<vmem>>, vector<1x16xf32>,
        %get3A_1180 = arith.index_cast %add3A_1101 : i32 to index
        %get3A_1181 = arith.constant 96 : index
        %get3A_1182 = tpu.vector_load %arg16[%get3A_1180, %get3A_1181] {strides = array<i32>} : memref<128x128xf32, #tpu.memory_space<vmem>>, vector<1x16xf32>,
        %get3A_1183 = vector.shape_cast %get3A_1182 : vector<1x16xf32> to vector<16xf32>
        %mul3A_1184 = arith.mulf %gather3A_1093, %get3A_24 : vector<16xf32>
        %add3A_1185 = arith.addf %get3A_1183, %mul3A_1184 : vector<16xf32>
        %mul3A_1186 = arith.mulf %gather3A_1097, %get3A_48 : vector<16xf32>
        %add3A_1187 = arith.addf %add3A_1185, %mul3A_1186 : vector<16xf32>
        %swap3A_1188 = arith.index_cast %add3A_1101 : i32 to index
        %swap3A_1189 = arith.constant 96 : index
        %swap3A_1190 = tpu.vector_load %arg14[%swap3A_1188, %swap3A_1189] {strides = array<i32>} : memref<128x128xf32, #tpu.memory_space<vmem>>, vector<1x16xf32>,
        %swap3A_1191 = vector.shape_cast %swap3A_1190 : vector<1x16xf32> to vector<16xf32>
        %swap3A_1192 = vector.shape_cast %add3A_1187 : vector<16xf32> to vector<1x16xf32>
        tpu.vector_store %arg14[%swap3A_1188, %swap3A_1189], %swap3A_1192 {strides = array<i32>} : memref<128x128xf32, #tpu.memory_space<vmem>>, vector<1x16xf32>,
        %get3A_1193 = arith.index_cast %add3A_1101 : i32 to index
        %get3A_1194 = arith.constant 112 : index
        %get3A_1195 = tpu.vector_load %arg16[%get3A_1193, %get3A_1194] {strides = array<i32>} : memref<128x128xf32, #tpu.memory_space<vmem>>, vector<1x16xf32>,
        %get3A_1196 = vector.shape_cast %get3A_1195 : vector<1x16xf32> to vector<16xf32>
        %mul3A_1197 = arith.mulf %gather3A_1093, %get3A_27 : vector<16xf32>
        %add3A_1198 = arith.addf %get3A_1196, %mul3A_1197 : vector<16xf32>
        %mul3A_1199 = arith.mulf %gather3A_1097, %get3A_51 : vector<16xf32>
        %add3A_1200 = arith.addf %add3A_1198, %mul3A_1199 : vector<16xf32>
        %swap3A_1201 = arith.index_cast %add3A_1101 : i32 to index
        %swap3A_1202 = arith.constant 112 : index
        %swap3A_1203 = tpu.vector_load %arg14[%swap3A_1201, %swap3A_1202] {strides = array<i32>} : memref<128x128xf32, #tpu.memory_space<vmem>>, vector<1x16xf32>,
        %swap3A_1204 = vector.shape_cast %swap3A_1203 : vector<1x16xf32> to vector<16xf32>
        %swap3A_1205 = vector.shape_cast %add3A_1200 : vector<16xf32> to vector<1x16xf32>
        tpu.vector_store %arg14[%swap3A_1201, %swap3A_1202], %swap3A_1205 {strides = array<i32>} : memref<128x128xf32, #tpu.memory_space<vmem>>, vector<1x16xf32>,
        %broadcast_in_dim3A_1206 = arith.constant 9 : i32
        %broadcast_in_dim3A_1207 = vector.broadcast %broadcast_in_dim3A_1206 : i32 to vector<16x1xi32>
        %gather3A_1208 = vector.shape_cast %broadcast_in_dim3A_1207 : vector<16x1xi32> to vector<16xi32>
        %gather3A_1209 = tpu.dynamic_gather %get3A_161[%gather3A_1208] in [0] : vector<16xf32>, vector<16xi32> -> vector<16xf32>
        %broadcast_in_dim3A_1210 = arith.constant 9 : i32
        %broadcast_in_dim3A_1211 = vector.broadcast %broadcast_in_dim3A_1210 : i32 to vector<16x1xi32>
        %gather3A_1212 = vector.shape_cast %broadcast_in_dim3A_1211 : vector<16x1xi32> to vector<16xi32>
        %gather3A_1213 = tpu.dynamic_gather %get3A_164[%gather3A_1212] in [0] : vector<16xf32>, vector<16xi32> -> vector<16xf32>
        %mul3A_1214 = arith.constant 16 : i32
        %mul3A_1215 = arith.muli %scan3A_153, %mul3A_1214 : i32
        %add3A_1216 = arith.constant 9 : i32
        %add3A_1217 = arith.addi %mul3A_1215, %add3A_1216 : i32
        %get3A_1218 = arith.index_cast %add3A_1217 : i32 to index
        %get3A_1219 = arith.constant 0 : index
        %get3A_1220 = tpu.vector_load %arg16[%get3A_1218, %get3A_1219] {strides = array<i32>} : memref<128x128xf32, #tpu.memory_space<vmem>>, vector<1x16xf32>,
        %get3A_1221 = vector.shape_cast %get3A_1220 : vector<1x16xf32> to vector<16xf32>
        %mul3A_1222 = arith.mulf %gather3A_1209, %get3A_6 : vector<16xf32>
        %add3A_1223 = arith.addf %get3A_1221, %mul3A_1222 : vector<16xf32>
        %mul3A_1224 = arith.mulf %gather3A_1213, %get3A_30 : vector<16xf32>
        %add3A_1225 = arith.addf %add3A_1223, %mul3A_1224 : vector<16xf32>
        %swap3A_1226 = arith.index_cast %add3A_1217 : i32 to index
        %swap3A_1227 = arith.constant 0 : index
        %swap3A_1228 = tpu.vector_load %arg14[%swap3A_1226, %swap3A_1227] {strides = array<i32>} : memref<128x128xf32, #tpu.memory_space<vmem>>, vector<1x16xf32>,
        %swap3A_1229 = vector.shape_cast %swap3A_1228 : vector<1x16xf32> to vector<16xf32>
        %swap3A_1230 = vector.shape_cast %add3A_1225 : vector<16xf32> to vector<1x16xf32>
        tpu.vector_store %arg14[%swap3A_1226, %swap3A_1227], %swap3A_1230 {strides = array<i32>} : memref<128x128xf32, #tpu.memory_space<vmem>>, vector<1x16xf32>,
        %get3A_1231 = arith.index_cast %add3A_1217 : i32 to index
        %get3A_1232 = arith.constant 16 : index
        %get3A_1233 = tpu.vector_load %arg16[%get3A_1231, %get3A_1232] {strides = array<i32>} : memref<128x128xf32, #tpu.memory_space<vmem>>, vector<1x16xf32>,
        %get3A_1234 = vector.shape_cast %get3A_1233 : vector<1x16xf32> to vector<16xf32>
        %mul3A_1235 = arith.mulf %gather3A_1209, %get3A_9 : vector<16xf32>
        %add3A_1236 = arith.addf %get3A_1234, %mul3A_1235 : vector<16xf32>
        %mul3A_1237 = arith.mulf %gather3A_1213, %get3A_33 : vector<16xf32>
        %add3A_1238 = arith.addf %add3A_1236, %mul3A_1237 : vector<16xf32>
        %swap3A_1239 = arith.index_cast %add3A_1217 : i32 to index
        %swap3A_1240 = arith.constant 16 : index
        %swap3A_1241 = tpu.vector_load %arg14[%swap3A_1239, %swap3A_1240] {strides = array<i32>} : memref<128x128xf32, #tpu.memory_space<vmem>>, vector<1x16xf32>,
        %swap3A_1242 = vector.shape_cast %swap3A_1241 : vector<1x16xf32> to vector<16xf32>
        %swap3A_1243 = vector.shape_cast %add3A_1238 : vector<16xf32> to vector<1x16xf32>
        tpu.vector_store %arg14[%swap3A_1239, %swap3A_1240], %swap3A_1243 {strides = array<i32>} : memref<128x128xf32, #tpu.memory_space<vmem>>, vector<1x16xf32>,
        %get3A_1244 = arith.index_cast %add3A_1217 : i32 to index
        %get3A_1245 = arith.constant 32 : index
        %get3A_1246 = tpu.vector_load %arg16[%get3A_1244, %get3A_1245] {strides = array<i32>} : memref<128x128xf32, #tpu.memory_space<vmem>>, vector<1x16xf32>,
        %get3A_1247 = vector.shape_cast %get3A_1246 : vector<1x16xf32> to vector<16xf32>
        %mul3A_1248 = arith.mulf %gather3A_1209, %get3A_12 : vector<16xf32>
        %add3A_1249 = arith.addf %get3A_1247, %mul3A_1248 : vector<16xf32>
        %mul3A_1250 = arith.mulf %gather3A_1213, %get3A_36 : vector<16xf32>
        %add3A_1251 = arith.addf %add3A_1249, %mul3A_1250 : vector<16xf32>
        %swap3A_1252 = arith.index_cast %add3A_1217 : i32 to index
        %swap3A_1253 = arith.constant 32 : index
        %swap3A_1254 = tpu.vector_load %arg14[%swap3A_1252, %swap3A_1253] {strides = array<i32>} : memref<128x128xf32, #tpu.memory_space<vmem>>, vector<1x16xf32>,
        %swap3A_1255 = vector.shape_cast %swap3A_1254 : vector<1x16xf32> to vector<16xf32>
        %swap3A_1256 = vector.shape_cast %add3A_1251 : vector<16xf32> to vector<1x16xf32>
        tpu.vector_store %arg14[%swap3A_1252, %swap3A_1253], %swap3A_1256 {strides = array<i32>} : memref<128x128xf32, #tpu.memory_space<vmem>>, vector<1x16xf32>,
        %get3A_1257 = arith.index_cast %add3A_1217 : i32 to index
        %get3A_1258 = arith.constant 48 : index
        %get3A_1259 = tpu.vector_load %arg16[%get3A_1257, %get3A_1258] {strides = array<i32>} : memref<128x128xf32, #tpu.memory_space<vmem>>, vector<1x16xf32>,
        %get3A_1260 = vector.shape_cast %get3A_1259 : vector<1x16xf32> to vector<16xf32>
        %mul3A_1261 = arith.mulf %gather3A_1209, %get3A_15 : vector<16xf32>
        %add3A_1262 = arith.addf %get3A_1260, %mul3A_1261 : vector<16xf32>
        %mul3A_1263 = arith.mulf %gather3A_1213, %get3A_39 : vector<16xf32>
        %add3A_1264 = arith.addf %add3A_1262, %mul3A_1263 : vector<16xf32>
        %swap3A_1265 = arith.index_cast %add3A_1217 : i32 to index
        %swap3A_1266 = arith.constant 48 : index
        %swap3A_1267 = tpu.vector_load %arg14[%swap3A_1265, %swap3A_1266] {strides = array<i32>} : memref<128x128xf32, #tpu.memory_space<vmem>>, vector<1x16xf32>,
        %swap3A_1268 = vector.shape_cast %swap3A_1267 : vector<1x16xf32> to vector<16xf32>
        %swap3A_1269 = vector.shape_cast %add3A_1264 : vector<16xf32> to vector<1x16xf32>
        tpu.vector_store %arg14[%swap3A_1265, %swap3A_1266], %swap3A_1269 {strides = array<i32>} : memref<128x128xf32, #tpu.memory_space<vmem>>, vector<1x16xf32>,
        %get3A_1270 = arith.index_cast %add3A_1217 : i32 to index
        %get3A_1271 = arith.constant 64 : index
        %get3A_1272 = tpu.vector_load %arg16[%get3A_1270, %get3A_1271] {strides = array<i32>} : memref<128x128xf32, #tpu.memory_space<vmem>>, vector<1x16xf32>,
        %get3A_1273 = vector.shape_cast %get3A_1272 : vector<1x16xf32> to vector<16xf32>
        %mul3A_1274 = arith.mulf %gather3A_1209, %get3A_18 : vector<16xf32>
        %add3A_1275 = arith.addf %get3A_1273, %mul3A_1274 : vector<16xf32>
        %mul3A_1276 = arith.mulf %gather3A_1213, %get3A_42 : vector<16xf32>
        %add3A_1277 = arith.addf %add3A_1275, %mul3A_1276 : vector<16xf32>
        %swap3A_1278 = arith.index_cast %add3A_1217 : i32 to index
        %swap3A_1279 = arith.constant 64 : index
        %swap3A_1280 = tpu.vector_load %arg14[%swap3A_1278, %swap3A_1279] {strides = array<i32>} : memref<128x128xf32, #tpu.memory_space<vmem>>, vector<1x16xf32>,
        %swap3A_1281 = vector.shape_cast %swap3A_1280 : vector<1x16xf32> to vector<16xf32>
        %swap3A_1282 = vector.shape_cast %add3A_1277 : vector<16xf32> to vector<1x16xf32>
        tpu.vector_store %arg14[%swap3A_1278, %swap3A_1279], %swap3A_1282 {strides = array<i32>} : memref<128x128xf32, #tpu.memory_space<vmem>>, vector<1x16xf32>,
        %get3A_1283 = arith.index_cast %add3A_1217 : i32 to index
        %get3A_1284 = arith.constant 80 : index
        %get3A_1285 = tpu.vector_load %arg16[%get3A_1283, %get3A_1284] {strides = array<i32>} : memref<128x128xf32, #tpu.memory_space<vmem>>, vector<1x16xf32>,
        %get3A_1286 = vector.shape_cast %get3A_1285 : vector<1x16xf32> to vector<16xf32>
        %mul3A_1287 = arith.mulf %gather3A_1209, %get3A_21 : vector<16xf32>
        %add3A_1288 = arith.addf %get3A_1286, %mul3A_1287 : vector<16xf32>
        %mul3A_1289 = arith.mulf %gather3A_1213, %get3A_45 : vector<16xf32>
        %add3A_1290 = arith.addf %add3A_1288, %mul3A_1289 : vector<16xf32>
        %swap3A_1291 = arith.index_cast %add3A_1217 : i32 to index
        %swap3A_1292 = arith.constant 80 : index
        %swap3A_1293 = tpu.vector_load %arg14[%swap3A_1291, %swap3A_1292] {strides = array<i32>} : memref<128x128xf32, #tpu.memory_space<vmem>>, vector<1x16xf32>,
        %swap3A_1294 = vector.shape_cast %swap3A_1293 : vector<1x16xf32> to vector<16xf32>
        %swap3A_1295 = vector.shape_cast %add3A_1290 : vector<16xf32> to vector<1x16xf32>
        tpu.vector_store %arg14[%swap3A_1291, %swap3A_1292], %swap3A_1295 {strides = array<i32>} : memref<128x128xf32, #tpu.memory_space<vmem>>, vector<1x16xf32>,
        %get3A_1296 = arith.index_cast %add3A_1217 : i32 to index
        %get3A_1297 = arith.constant 96 : index
        %get3A_1298 = tpu.vector_load %arg16[%get3A_1296, %get3A_1297] {strides = array<i32>} : memref<128x128xf32, #tpu.memory_space<vmem>>, vector<1x16xf32>,
        %get3A_1299 = vector.shape_cast %get3A_1298 : vector<1x16xf32> to vector<16xf32>
        %mul3A_1300 = arith.mulf %gather3A_1209, %get3A_24 : vector<16xf32>
        %add3A_1301 = arith.addf %get3A_1299, %mul3A_1300 : vector<16xf32>
        %mul3A_1302 = arith.mulf %gather3A_1213, %get3A_48 : vector<16xf32>
        %add3A_1303 = arith.addf %add3A_1301, %mul3A_1302 : vector<16xf32>
        %swap3A_1304 = arith.index_cast %add3A_1217 : i32 to index
        %swap3A_1305 = arith.constant 96 : index
        %swap3A_1306 = tpu.vector_load %arg14[%swap3A_1304, %swap3A_1305] {strides = array<i32>} : memref<128x128xf32, #tpu.memory_space<vmem>>, vector<1x16xf32>,
        %swap3A_1307 = vector.shape_cast %swap3A_1306 : vector<1x16xf32> to vector<16xf32>
        %swap3A_1308 = vector.shape_cast %add3A_1303 : vector<16xf32> to vector<1x16xf32>
        tpu.vector_store %arg14[%swap3A_1304, %swap3A_1305], %swap3A_1308 {strides = array<i32>} : memref<128x128xf32, #tpu.memory_space<vmem>>, vector<1x16xf32>,
        %get3A_1309 = arith.index_cast %add3A_1217 : i32 to index
        %get3A_1310 = arith.constant 112 : index
        %get3A_1311 = tpu.vector_load %arg16[%get3A_1309, %get3A_1310] {strides = array<i32>} : memref<128x128xf32, #tpu.memory_space<vmem>>, vector<1x16xf32>,
        %get3A_1312 = vector.shape_cast %get3A_1311 : vector<1x16xf32> to vector<16xf32>
        %mul3A_1313 = arith.mulf %gather3A_1209, %get3A_27 : vector<16xf32>
        %add3A_1314 = arith.addf %get3A_1312, %mul3A_1313 : vector<16xf32>
        %mul3A_1315 = arith.mulf %gather3A_1213, %get3A_51 : vector<16xf32>
        %add3A_1316 = arith.addf %add3A_1314, %mul3A_1315 : vector<16xf32>
        %swap3A_1317 = arith.index_cast %add3A_1217 : i32 to index
        %swap3A_1318 = arith.constant 112 : index
        %swap3A_1319 = tpu.vector_load %arg14[%swap3A_1317, %swap3A_1318] {strides = array<i32>} : memref<128x128xf32, #tpu.memory_space<vmem>>, vector<1x16xf32>,
        %swap3A_1320 = vector.shape_cast %swap3A_1319 : vector<1x16xf32> to vector<16xf32>
        %swap3A_1321 = vector.shape_cast %add3A_1316 : vector<16xf32> to vector<1x16xf32>
        tpu.vector_store %arg14[%swap3A_1317, %swap3A_1318], %swap3A_1321 {strides = array<i32>} : memref<128x128xf32, #tpu.memory_space<vmem>>, vector<1x16xf32>,
        %broadcast_in_dim3A_1322 = arith.constant 10 : i32
        %broadcast_in_dim3A_1323 = vector.broadcast %broadcast_in_dim3A_1322 : i32 to vector<16x1xi32>
        %gather3A_1324 = vector.shape_cast %broadcast_in_dim3A_1323 : vector<16x1xi32> to vector<16xi32>
        %gather3A_1325 = tpu.dynamic_gather %get3A_161[%gather3A_1324] in [0] : vector<16xf32>, vector<16xi32> -> vector<16xf32>
        %broadcast_in_dim3A_1326 = arith.constant 10 : i32
        %broadcast_in_dim3A_1327 = vector.broadcast %broadcast_in_dim3A_1326 : i32 to vector<16x1xi32>
        %gather3A_1328 = vector.shape_cast %broadcast_in_dim3A_1327 : vector<16x1xi32> to vector<16xi32>
        %gather3A_1329 = tpu.dynamic_gather %get3A_164[%gather3A_1328] in [0] : vector<16xf32>, vector<16xi32> -> vector<16xf32>
        %mul3A_1330 = arith.constant 16 : i32
        %mul3A_1331 = arith.muli %scan3A_153, %mul3A_1330 : i32
        %add3A_1332 = arith.constant 10 : i32
        %add3A_1333 = arith.addi %mul3A_1331, %add3A_1332 : i32
        %get3A_1334 = arith.index_cast %add3A_1333 : i32 to index
        %get3A_1335 = arith.constant 0 : index
        %get3A_1336 = tpu.vector_load %arg16[%get3A_1334, %get3A_1335] {strides = array<i32>} : memref<128x128xf32, #tpu.memory_space<vmem>>, vector<1x16xf32>,
        %get3A_1337 = vector.shape_cast %get3A_1336 : vector<1x16xf32> to vector<16xf32>
        %mul3A_1338 = arith.mulf %gather3A_1325, %get3A_6 : vector<16xf32>
        %add3A_1339 = arith.addf %get3A_1337, %mul3A_1338 : vector<16xf32>
        %mul3A_1340 = arith.mulf %gather3A_1329, %get3A_30 : vector<16xf32>
        %add3A_1341 = arith.addf %add3A_1339, %mul3A_1340 : vector<16xf32>
        %swap3A_1342 = arith.index_cast %add3A_1333 : i32 to index
        %swap3A_1343 = arith.constant 0 : index
        %swap3A_1344 = tpu.vector_load %arg14[%swap3A_1342, %swap3A_1343] {strides = array<i32>} : memref<128x128xf32, #tpu.memory_space<vmem>>, vector<1x16xf32>,
        %swap3A_1345 = vector.shape_cast %swap3A_1344 : vector<1x16xf32> to vector<16xf32>
        %swap3A_1346 = vector.shape_cast %add3A_1341 : vector<16xf32> to vector<1x16xf32>
        tpu.vector_store %arg14[%swap3A_1342, %swap3A_1343], %swap3A_1346 {strides = array<i32>} : memref<128x128xf32, #tpu.memory_space<vmem>>, vector<1x16xf32>,
        %get3A_1347 = arith.index_cast %add3A_1333 : i32 to index
        %get3A_1348 = arith.constant 16 : index
        %get3A_1349 = tpu.vector_load %arg16[%get3A_1347, %get3A_1348] {strides = array<i32>} : memref<128x128xf32, #tpu.memory_space<vmem>>, vector<1x16xf32>,
        %get3A_1350 = vector.shape_cast %get3A_1349 : vector<1x16xf32> to vector<16xf32>
        %mul3A_1351 = arith.mulf %gather3A_1325, %get3A_9 : vector<16xf32>
        %add3A_1352 = arith.addf %get3A_1350, %mul3A_1351 : vector<16xf32>
        %mul3A_1353 = arith.mulf %gather3A_1329, %get3A_33 : vector<16xf32>
        %add3A_1354 = arith.addf %add3A_1352, %mul3A_1353 : vector<16xf32>
        %swap3A_1355 = arith.index_cast %add3A_1333 : i32 to index
        %swap3A_1356 = arith.constant 16 : index
        %swap3A_1357 = tpu.vector_load %arg14[%swap3A_1355, %swap3A_1356] {strides = array<i32>} : memref<128x128xf32, #tpu.memory_space<vmem>>, vector<1x16xf32>,
        %swap3A_1358 = vector.shape_cast %swap3A_1357 : vector<1x16xf32> to vector<16xf32>
        %swap3A_1359 = vector.shape_cast %add3A_1354 : vector<16xf32> to vector<1x16xf32>
        tpu.vector_store %arg14[%swap3A_1355, %swap3A_1356], %swap3A_1359 {strides = array<i32>} : memref<128x128xf32, #tpu.memory_space<vmem>>, vector<1x16xf32>,
        %get3A_1360 = arith.index_cast %add3A_1333 : i32 to index
        %get3A_1361 = arith.constant 32 : index
        %get3A_1362 = tpu.vector_load %arg16[%get3A_1360, %get3A_1361] {strides = array<i32>} : memref<128x128xf32, #tpu.memory_space<vmem>>, vector<1x16xf32>,
        %get3A_1363 = vector.shape_cast %get3A_1362 : vector<1x16xf32> to vector<16xf32>
        %mul3A_1364 = arith.mulf %gather3A_1325, %get3A_12 : vector<16xf32>
        %add3A_1365 = arith.addf %get3A_1363, %mul3A_1364 : vector<16xf32>
        %mul3A_1366 = arith.mulf %gather3A_1329, %get3A_36 : vector<16xf32>
        %add3A_1367 = arith.addf %add3A_1365, %mul3A_1366 : vector<16xf32>
        %swap3A_1368 = arith.index_cast %add3A_1333 : i32 to index
        %swap3A_1369 = arith.constant 32 : index
        %swap3A_1370 = tpu.vector_load %arg14[%swap3A_1368, %swap3A_1369] {strides = array<i32>} : memref<128x128xf32, #tpu.memory_space<vmem>>, vector<1x16xf32>,
        %swap3A_1371 = vector.shape_cast %swap3A_1370 : vector<1x16xf32> to vector<16xf32>
        %swap3A_1372 = vector.shape_cast %add3A_1367 : vector<16xf32> to vector<1x16xf32>
        tpu.vector_store %arg14[%swap3A_1368, %swap3A_1369], %swap3A_1372 {strides = array<i32>} : memref<128x128xf32, #tpu.memory_space<vmem>>, vector<1x16xf32>,
        %get3A_1373 = arith.index_cast %add3A_1333 : i32 to index
        %get3A_1374 = arith.constant 48 : index
        %get3A_1375 = tpu.vector_load %arg16[%get3A_1373, %get3A_1374] {strides = array<i32>} : memref<128x128xf32, #tpu.memory_space<vmem>>, vector<1x16xf32>,
        %get3A_1376 = vector.shape_cast %get3A_1375 : vector<1x16xf32> to vector<16xf32>
        %mul3A_1377 = arith.mulf %gather3A_1325, %get3A_15 : vector<16xf32>
        %add3A_1378 = arith.addf %get3A_1376, %mul3A_1377 : vector<16xf32>
        %mul3A_1379 = arith.mulf %gather3A_1329, %get3A_39 : vector<16xf32>
        %add3A_1380 = arith.addf %add3A_1378, %mul3A_1379 : vector<16xf32>
        %swap3A_1381 = arith.index_cast %add3A_1333 : i32 to index
        %swap3A_1382 = arith.constant 48 : index
        %swap3A_1383 = tpu.vector_load %arg14[%swap3A_1381, %swap3A_1382] {strides = array<i32>} : memref<128x128xf32, #tpu.memory_space<vmem>>, vector<1x16xf32>,
        %swap3A_1384 = vector.shape_cast %swap3A_1383 : vector<1x16xf32> to vector<16xf32>
        %swap3A_1385 = vector.shape_cast %add3A_1380 : vector<16xf32> to vector<1x16xf32>
        tpu.vector_store %arg14[%swap3A_1381, %swap3A_1382], %swap3A_1385 {strides = array<i32>} : memref<128x128xf32, #tpu.memory_space<vmem>>, vector<1x16xf32>,
        %get3A_1386 = arith.index_cast %add3A_1333 : i32 to index
        %get3A_1387 = arith.constant 64 : index
        %get3A_1388 = tpu.vector_load %arg16[%get3A_1386, %get3A_1387] {strides = array<i32>} : memref<128x128xf32, #tpu.memory_space<vmem>>, vector<1x16xf32>,
        %get3A_1389 = vector.shape_cast %get3A_1388 : vector<1x16xf32> to vector<16xf32>
        %mul3A_1390 = arith.mulf %gather3A_1325, %get3A_18 : vector<16xf32>
        %add3A_1391 = arith.addf %get3A_1389, %mul3A_1390 : vector<16xf32>
        %mul3A_1392 = arith.mulf %gather3A_1329, %get3A_42 : vector<16xf32>
        %add3A_1393 = arith.addf %add3A_1391, %mul3A_1392 : vector<16xf32>
        %swap3A_1394 = arith.index_cast %add3A_1333 : i32 to index
        %swap3A_1395 = arith.constant 64 : index
        %swap3A_1396 = tpu.vector_load %arg14[%swap3A_1394, %swap3A_1395] {strides = array<i32>} : memref<128x128xf32, #tpu.memory_space<vmem>>, vector<1x16xf32>,
        %swap3A_1397 = vector.shape_cast %swap3A_1396 : vector<1x16xf32> to vector<16xf32>
        %swap3A_1398 = vector.shape_cast %add3A_1393 : vector<16xf32> to vector<1x16xf32>
        tpu.vector_store %arg14[%swap3A_1394, %swap3A_1395], %swap3A_1398 {strides = array<i32>} : memref<128x128xf32, #tpu.memory_space<vmem>>, vector<1x16xf32>,
        %get3A_1399 = arith.index_cast %add3A_1333 : i32 to index
        %get3A_1400 = arith.constant 80 : index
        %get3A_1401 = tpu.vector_load %arg16[%get3A_1399, %get3A_1400] {strides = array<i32>} : memref<128x128xf32, #tpu.memory_space<vmem>>, vector<1x16xf32>,
        %get3A_1402 = vector.shape_cast %get3A_1401 : vector<1x16xf32> to vector<16xf32>
        %mul3A_1403 = arith.mulf %gather3A_1325, %get3A_21 : vector<16xf32>
        %add3A_1404 = arith.addf %get3A_1402, %mul3A_1403 : vector<16xf32>
        %mul3A_1405 = arith.mulf %gather3A_1329, %get3A_45 : vector<16xf32>
        %add3A_1406 = arith.addf %add3A_1404, %mul3A_1405 : vector<16xf32>
        %swap3A_1407 = arith.index_cast %add3A_1333 : i32 to index
        %swap3A_1408 = arith.constant 80 : index
        %swap3A_1409 = tpu.vector_load %arg14[%swap3A_1407, %swap3A_1408] {strides = array<i32>} : memref<128x128xf32, #tpu.memory_space<vmem>>, vector<1x16xf32>,
        %swap3A_1410 = vector.shape_cast %swap3A_1409 : vector<1x16xf32> to vector<16xf32>
        %swap3A_1411 = vector.shape_cast %add3A_1406 : vector<16xf32> to vector<1x16xf32>
        tpu.vector_store %arg14[%swap3A_1407, %swap3A_1408], %swap3A_1411 {strides = array<i32>} : memref<128x128xf32, #tpu.memory_space<vmem>>, vector<1x16xf32>,
        %get3A_1412 = arith.index_cast %add3A_1333 : i32 to index
        %get3A_1413 = arith.constant 96 : index
        %get3A_1414 = tpu.vector_load %arg16[%get3A_1412, %get3A_1413] {strides = array<i32>} : memref<128x128xf32, #tpu.memory_space<vmem>>, vector<1x16xf32>,
        %get3A_1415 = vector.shape_cast %get3A_1414 : vector<1x16xf32> to vector<16xf32>
        %mul3A_1416 = arith.mulf %gather3A_1325, %get3A_24 : vector<16xf32>
        %add3A_1417 = arith.addf %get3A_1415, %mul3A_1416 : vector<16xf32>
        %mul3A_1418 = arith.mulf %gather3A_1329, %get3A_48 : vector<16xf32>
        %add3A_1419 = arith.addf %add3A_1417, %mul3A_1418 : vector<16xf32>
        %swap3A_1420 = arith.index_cast %add3A_1333 : i32 to index
        %swap3A_1421 = arith.constant 96 : index
        %swap3A_1422 = tpu.vector_load %arg14[%swap3A_1420, %swap3A_1421] {strides = array<i32>} : memref<128x128xf32, #tpu.memory_space<vmem>>, vector<1x16xf32>,
        %swap3A_1423 = vector.shape_cast %swap3A_1422 : vector<1x16xf32> to vector<16xf32>
        %swap3A_1424 = vector.shape_cast %add3A_1419 : vector<16xf32> to vector<1x16xf32>
        tpu.vector_store %arg14[%swap3A_1420, %swap3A_1421], %swap3A_1424 {strides = array<i32>} : memref<128x128xf32, #tpu.memory_space<vmem>>, vector<1x16xf32>,
        %get3A_1425 = arith.index_cast %add3A_1333 : i32 to index
        %get3A_1426 = arith.constant 112 : index
        %get3A_1427 = tpu.vector_load %arg16[%get3A_1425, %get3A_1426] {strides = array<i32>} : memref<128x128xf32, #tpu.memory_space<vmem>>, vector<1x16xf32>,
        %get3A_1428 = vector.shape_cast %get3A_1427 : vector<1x16xf32> to vector<16xf32>
        %mul3A_1429 = arith.mulf %gather3A_1325, %get3A_27 : vector<16xf32>
        %add3A_1430 = arith.addf %get3A_1428, %mul3A_1429 : vector<16xf32>
        %mul3A_1431 = arith.mulf %gather3A_1329, %get3A_51 : vector<16xf32>
        %add3A_1432 = arith.addf %add3A_1430, %mul3A_1431 : vector<16xf32>
        %swap3A_1433 = arith.index_cast %add3A_1333 : i32 to index
        %swap3A_1434 = arith.constant 112 : index
        %swap3A_1435 = tpu.vector_load %arg14[%swap3A_1433, %swap3A_1434] {strides = array<i32>} : memref<128x128xf32, #tpu.memory_space<vmem>>, vector<1x16xf32>,
        %swap3A_1436 = vector.shape_cast %swap3A_1435 : vector<1x16xf32> to vector<16xf32>
        %swap3A_1437 = vector.shape_cast %add3A_1432 : vector<16xf32> to vector<1x16xf32>
        tpu.vector_store %arg14[%swap3A_1433, %swap3A_1434], %swap3A_1437 {strides = array<i32>} : memref<128x128xf32, #tpu.memory_space<vmem>>, vector<1x16xf32>,
        %broadcast_in_dim3A_1438 = arith.constant 11 : i32
        %broadcast_in_dim3A_1439 = vector.broadcast %broadcast_in_dim3A_1438 : i32 to vector<16x1xi32>
        %gather3A_1440 = vector.shape_cast %broadcast_in_dim3A_1439 : vector<16x1xi32> to vector<16xi32>
        %gather3A_1441 = tpu.dynamic_gather %get3A_161[%gather3A_1440] in [0] : vector<16xf32>, vector<16xi32> -> vector<16xf32>
        %broadcast_in_dim3A_1442 = arith.constant 11 : i32
        %broadcast_in_dim3A_1443 = vector.broadcast %broadcast_in_dim3A_1442 : i32 to vector<16x1xi32>
        %gather3A_1444 = vector.shape_cast %broadcast_in_dim3A_1443 : vector<16x1xi32> to vector<16xi32>
        %gather3A_1445 = tpu.dynamic_gather %get3A_164[%gather3A_1444] in [0] : vector<16xf32>, vector<16xi32> -> vector<16xf32>
        %mul3A_1446 = arith.constant 16 : i32
        %mul3A_1447 = arith.muli %scan3A_153, %mul3A_1446 : i32
        %add3A_1448 = arith.constant 11 : i32
        %add3A_1449 = arith.addi %mul3A_1447, %add3A_1448 : i32
        %get3A_1450 = arith.index_cast %add3A_1449 : i32 to index
        %get3A_1451 = arith.constant 0 : index
        %get3A_1452 = tpu.vector_load %arg16[%get3A_1450, %get3A_1451] {strides = array<i32>} : memref<128x128xf32, #tpu.memory_space<vmem>>, vector<1x16xf32>,
        %get3A_1453 = vector.shape_cast %get3A_1452 : vector<1x16xf32> to vector<16xf32>
        %mul3A_1454 = arith.mulf %gather3A_1441, %get3A_6 : vector<16xf32>
        %add3A_1455 = arith.addf %get3A_1453, %mul3A_1454 : vector<16xf32>
        %mul3A_1456 = arith.mulf %gather3A_1445, %get3A_30 : vector<16xf32>
        %add3A_1457 = arith.addf %add3A_1455, %mul3A_1456 : vector<16xf32>
        %swap3A_1458 = arith.index_cast %add3A_1449 : i32 to index
        %swap3A_1459 = arith.constant 0 : index
        %swap3A_1460 = tpu.vector_load %arg14[%swap3A_1458, %swap3A_1459] {strides = array<i32>} : memref<128x128xf32, #tpu.memory_space<vmem>>, vector<1x16xf32>,
        %swap3A_1461 = vector.shape_cast %swap3A_1460 : vector<1x16xf32> to vector<16xf32>
        %swap3A_1462 = vector.shape_cast %add3A_1457 : vector<16xf32> to vector<1x16xf32>
        tpu.vector_store %arg14[%swap3A_1458, %swap3A_1459], %swap3A_1462 {strides = array<i32>} : memref<128x128xf32, #tpu.memory_space<vmem>>, vector<1x16xf32>,
        %get3A_1463 = arith.index_cast %add3A_1449 : i32 to index
        %get3A_1464 = arith.constant 16 : index
        %get3A_1465 = tpu.vector_load %arg16[%get3A_1463, %get3A_1464] {strides = array<i32>} : memref<128x128xf32, #tpu.memory_space<vmem>>, vector<1x16xf32>,
        %get3A_1466 = vector.shape_cast %get3A_1465 : vector<1x16xf32> to vector<16xf32>
        %mul3A_1467 = arith.mulf %gather3A_1441, %get3A_9 : vector<16xf32>
        %add3A_1468 = arith.addf %get3A_1466, %mul3A_1467 : vector<16xf32>
        %mul3A_1469 = arith.mulf %gather3A_1445, %get3A_33 : vector<16xf32>
        %add3A_1470 = arith.addf %add3A_1468, %mul3A_1469 : vector<16xf32>
        %swap3A_1471 = arith.index_cast %add3A_1449 : i32 to index
        %swap3A_1472 = arith.constant 16 : index
        %swap3A_1473 = tpu.vector_load %arg14[%swap3A_1471, %swap3A_1472] {strides = array<i32>} : memref<128x128xf32, #tpu.memory_space<vmem>>, vector<1x16xf32>,
        %swap3A_1474 = vector.shape_cast %swap3A_1473 : vector<1x16xf32> to vector<16xf32>
        %swap3A_1475 = vector.shape_cast %add3A_1470 : vector<16xf32> to vector<1x16xf32>
        tpu.vector_store %arg14[%swap3A_1471, %swap3A_1472], %swap3A_1475 {strides = array<i32>} : memref<128x128xf32, #tpu.memory_space<vmem>>, vector<1x16xf32>,
        %get3A_1476 = arith.index_cast %add3A_1449 : i32 to index
        %get3A_1477 = arith.constant 32 : index
        %get3A_1478 = tpu.vector_load %arg16[%get3A_1476, %get3A_1477] {strides = array<i32>} : memref<128x128xf32, #tpu.memory_space<vmem>>, vector<1x16xf32>,
        %get3A_1479 = vector.shape_cast %get3A_1478 : vector<1x16xf32> to vector<16xf32>
        %mul3A_1480 = arith.mulf %gather3A_1441, %get3A_12 : vector<16xf32>
        %add3A_1481 = arith.addf %get3A_1479, %mul3A_1480 : vector<16xf32>
        %mul3A_1482 = arith.mulf %gather3A_1445, %get3A_36 : vector<16xf32>
        %add3A_1483 = arith.addf %add3A_1481, %mul3A_1482 : vector<16xf32>
        %swap3A_1484 = arith.index_cast %add3A_1449 : i32 to index
        %swap3A_1485 = arith.constant 32 : index
        %swap3A_1486 = tpu.vector_load %arg14[%swap3A_1484, %swap3A_1485] {strides = array<i32>} : memref<128x128xf32, #tpu.memory_space<vmem>>, vector<1x16xf32>,
        %swap3A_1487 = vector.shape_cast %swap3A_1486 : vector<1x16xf32> to vector<16xf32>
        %swap3A_1488 = vector.shape_cast %add3A_1483 : vector<16xf32> to vector<1x16xf32>
        tpu.vector_store %arg14[%swap3A_1484, %swap3A_1485], %swap3A_1488 {strides = array<i32>} : memref<128x128xf32, #tpu.memory_space<vmem>>, vector<1x16xf32>,
        %get3A_1489 = arith.index_cast %add3A_1449 : i32 to index
        %get3A_1490 = arith.constant 48 : index
        %get3A_1491 = tpu.vector_load %arg16[%get3A_1489, %get3A_1490] {strides = array<i32>} : memref<128x128xf32, #tpu.memory_space<vmem>>, vector<1x16xf32>,
        %get3A_1492 = vector.shape_cast %get3A_1491 : vector<1x16xf32> to vector<16xf32>
        %mul3A_1493 = arith.mulf %gather3A_1441, %get3A_15 : vector<16xf32>
        %add3A_1494 = arith.addf %get3A_1492, %mul3A_1493 : vector<16xf32>
        %mul3A_1495 = arith.mulf %gather3A_1445, %get3A_39 : vector<16xf32>
        %add3A_1496 = arith.addf %add3A_1494, %mul3A_1495 : vector<16xf32>
        %swap3A_1497 = arith.index_cast %add3A_1449 : i32 to index
        %swap3A_1498 = arith.constant 48 : index
        %swap3A_1499 = tpu.vector_load %arg14[%swap3A_1497, %swap3A_1498] {strides = array<i32>} : memref<128x128xf32, #tpu.memory_space<vmem>>, vector<1x16xf32>,
        %swap3A_1500 = vector.shape_cast %swap3A_1499 : vector<1x16xf32> to vector<16xf32>
        %swap3A_1501 = vector.shape_cast %add3A_1496 : vector<16xf32> to vector<1x16xf32>
        tpu.vector_store %arg14[%swap3A_1497, %swap3A_1498], %swap3A_1501 {strides = array<i32>} : memref<128x128xf32, #tpu.memory_space<vmem>>, vector<1x16xf32>,
        %get3A_1502 = arith.index_cast %add3A_1449 : i32 to index
        %get3A_1503 = arith.constant 64 : index
        %get3A_1504 = tpu.vector_load %arg16[%get3A_1502, %get3A_1503] {strides = array<i32>} : memref<128x128xf32, #tpu.memory_space<vmem>>, vector<1x16xf32>,
        %get3A_1505 = vector.shape_cast %get3A_1504 : vector<1x16xf32> to vector<16xf32>
        %mul3A_1506 = arith.mulf %gather3A_1441, %get3A_18 : vector<16xf32>
        %add3A_1507 = arith.addf %get3A_1505, %mul3A_1506 : vector<16xf32>
        %mul3A_1508 = arith.mulf %gather3A_1445, %get3A_42 : vector<16xf32>
        %add3A_1509 = arith.addf %add3A_1507, %mul3A_1508 : vector<16xf32>
        %swap3A_1510 = arith.index_cast %add3A_1449 : i32 to index
        %swap3A_1511 = arith.constant 64 : index
        %swap3A_1512 = tpu.vector_load %arg14[%swap3A_1510, %swap3A_1511] {strides = array<i32>} : memref<128x128xf32, #tpu.memory_space<vmem>>, vector<1x16xf32>,
        %swap3A_1513 = vector.shape_cast %swap3A_1512 : vector<1x16xf32> to vector<16xf32>
        %swap3A_1514 = vector.shape_cast %add3A_1509 : vector<16xf32> to vector<1x16xf32>
        tpu.vector_store %arg14[%swap3A_1510, %swap3A_1511], %swap3A_1514 {strides = array<i32>} : memref<128x128xf32, #tpu.memory_space<vmem>>, vector<1x16xf32>,
        %get3A_1515 = arith.index_cast %add3A_1449 : i32 to index
        %get3A_1516 = arith.constant 80 : index
        %get3A_1517 = tpu.vector_load %arg16[%get3A_1515, %get3A_1516] {strides = array<i32>} : memref<128x128xf32, #tpu.memory_space<vmem>>, vector<1x16xf32>,
        %get3A_1518 = vector.shape_cast %get3A_1517 : vector<1x16xf32> to vector<16xf32>
        %mul3A_1519 = arith.mulf %gather3A_1441, %get3A_21 : vector<16xf32>
        %add3A_1520 = arith.addf %get3A_1518, %mul3A_1519 : vector<16xf32>
        %mul3A_1521 = arith.mulf %gather3A_1445, %get3A_45 : vector<16xf32>
        %add3A_1522 = arith.addf %add3A_1520, %mul3A_1521 : vector<16xf32>
        %swap3A_1523 = arith.index_cast %add3A_1449 : i32 to index
        %swap3A_1524 = arith.constant 80 : index
        %swap3A_1525 = tpu.vector_load %arg14[%swap3A_1523, %swap3A_1524] {strides = array<i32>} : memref<128x128xf32, #tpu.memory_space<vmem>>, vector<1x16xf32>,
        %swap3A_1526 = vector.shape_cast %swap3A_1525 : vector<1x16xf32> to vector<16xf32>
        %swap3A_1527 = vector.shape_cast %add3A_1522 : vector<16xf32> to vector<1x16xf32>
        tpu.vector_store %arg14[%swap3A_1523, %swap3A_1524], %swap3A_1527 {strides = array<i32>} : memref<128x128xf32, #tpu.memory_space<vmem>>, vector<1x16xf32>,
        %get3A_1528 = arith.index_cast %add3A_1449 : i32 to index
        %get3A_1529 = arith.constant 96 : index
        %get3A_1530 = tpu.vector_load %arg16[%get3A_1528, %get3A_1529] {strides = array<i32>} : memref<128x128xf32, #tpu.memory_space<vmem>>, vector<1x16xf32>,
        %get3A_1531 = vector.shape_cast %get3A_1530 : vector<1x16xf32> to vector<16xf32>
        %mul3A_1532 = arith.mulf %gather3A_1441, %get3A_24 : vector<16xf32>
        %add3A_1533 = arith.addf %get3A_1531, %mul3A_1532 : vector<16xf32>
        %mul3A_1534 = arith.mulf %gather3A_1445, %get3A_48 : vector<16xf32>
        %add3A_1535 = arith.addf %add3A_1533, %mul3A_1534 : vector<16xf32>
        %swap3A_1536 = arith.index_cast %add3A_1449 : i32 to index
        %swap3A_1537 = arith.constant 96 : index
        %swap3A_1538 = tpu.vector_load %arg14[%swap3A_1536, %swap3A_1537] {strides = array<i32>} : memref<128x128xf32, #tpu.memory_space<vmem>>, vector<1x16xf32>,
        %swap3A_1539 = vector.shape_cast %swap3A_1538 : vector<1x16xf32> to vector<16xf32>
        %swap3A_1540 = vector.shape_cast %add3A_1535 : vector<16xf32> to vector<1x16xf32>
        tpu.vector_store %arg14[%swap3A_1536, %swap3A_1537], %swap3A_1540 {strides = array<i32>} : memref<128x128xf32, #tpu.memory_space<vmem>>, vector<1x16xf32>,
        %get3A_1541 = arith.index_cast %add3A_1449 : i32 to index
        %get3A_1542 = arith.constant 112 : index
        %get3A_1543 = tpu.vector_load %arg16[%get3A_1541, %get3A_1542] {strides = array<i32>} : memref<128x128xf32, #tpu.memory_space<vmem>>, vector<1x16xf32>,
        %get3A_1544 = vector.shape_cast %get3A_1543 : vector<1x16xf32> to vector<16xf32>
        %mul3A_1545 = arith.mulf %gather3A_1441, %get3A_27 : vector<16xf32>
        %add3A_1546 = arith.addf %get3A_1544, %mul3A_1545 : vector<16xf32>
        %mul3A_1547 = arith.mulf %gather3A_1445, %get3A_51 : vector<16xf32>
        %add3A_1548 = arith.addf %add3A_1546, %mul3A_1547 : vector<16xf32>
        %swap3A_1549 = arith.index_cast %add3A_1449 : i32 to index
        %swap3A_1550 = arith.constant 112 : index
        %swap3A_1551 = tpu.vector_load %arg14[%swap3A_1549, %swap3A_1550] {strides = array<i32>} : memref<128x128xf32, #tpu.memory_space<vmem>>, vector<1x16xf32>,
        %swap3A_1552 = vector.shape_cast %swap3A_1551 : vector<1x16xf32> to vector<16xf32>
        %swap3A_1553 = vector.shape_cast %add3A_1548 : vector<16xf32> to vector<1x16xf32>
        tpu.vector_store %arg14[%swap3A_1549, %swap3A_1550], %swap3A_1553 {strides = array<i32>} : memref<128x128xf32, #tpu.memory_space<vmem>>, vector<1x16xf32>,
        %broadcast_in_dim3A_1554 = arith.constant 12 : i32
        %broadcast_in_dim3A_1555 = vector.broadcast %broadcast_in_dim3A_1554 : i32 to vector<16x1xi32>
        %gather3A_1556 = vector.shape_cast %broadcast_in_dim3A_1555 : vector<16x1xi32> to vector<16xi32>
        %gather3A_1557 = tpu.dynamic_gather %get3A_161[%gather3A_1556] in [0] : vector<16xf32>, vector<16xi32> -> vector<16xf32>
        %broadcast_in_dim3A_1558 = arith.constant 12 : i32
        %broadcast_in_dim3A_1559 = vector.broadcast %broadcast_in_dim3A_1558 : i32 to vector<16x1xi32>
        %gather3A_1560 = vector.shape_cast %broadcast_in_dim3A_1559 : vector<16x1xi32> to vector<16xi32>
        %gather3A_1561 = tpu.dynamic_gather %get3A_164[%gather3A_1560] in [0] : vector<16xf32>, vector<16xi32> -> vector<16xf32>
        %mul3A_1562 = arith.constant 16 : i32
        %mul3A_1563 = arith.muli %scan3A_153, %mul3A_1562 : i32
        %add3A_1564 = arith.constant 12 : i32
        %add3A_1565 = arith.addi %mul3A_1563, %add3A_1564 : i32
        %get3A_1566 = arith.index_cast %add3A_1565 : i32 to index
        %get3A_1567 = arith.constant 0 : index
        %get3A_1568 = tpu.vector_load %arg16[%get3A_1566, %get3A_1567] {strides = array<i32>} : memref<128x128xf32, #tpu.memory_space<vmem>>, vector<1x16xf32>,
        %get3A_1569 = vector.shape_cast %get3A_1568 : vector<1x16xf32> to vector<16xf32>
        %mul3A_1570 = arith.mulf %gather3A_1557, %get3A_6 : vector<16xf32>
        %add3A_1571 = arith.addf %get3A_1569, %mul3A_1570 : vector<16xf32>
        %mul3A_1572 = arith.mulf %gather3A_1561, %get3A_30 : vector<16xf32>
        %add3A_1573 = arith.addf %add3A_1571, %mul3A_1572 : vector<16xf32>
        %swap3A_1574 = arith.index_cast %add3A_1565 : i32 to index
        %swap3A_1575 = arith.constant 0 : index
        %swap3A_1576 = tpu.vector_load %arg14[%swap3A_1574, %swap3A_1575] {strides = array<i32>} : memref<128x128xf32, #tpu.memory_space<vmem>>, vector<1x16xf32>,
        %swap3A_1577 = vector.shape_cast %swap3A_1576 : vector<1x16xf32> to vector<16xf32>
        %swap3A_1578 = vector.shape_cast %add3A_1573 : vector<16xf32> to vector<1x16xf32>
        tpu.vector_store %arg14[%swap3A_1574, %swap3A_1575], %swap3A_1578 {strides = array<i32>} : memref<128x128xf32, #tpu.memory_space<vmem>>, vector<1x16xf32>,
        %get3A_1579 = arith.index_cast %add3A_1565 : i32 to index
        %get3A_1580 = arith.constant 16 : index
        %get3A_1581 = tpu.vector_load %arg16[%get3A_1579, %get3A_1580] {strides = array<i32>} : memref<128x128xf32, #tpu.memory_space<vmem>>, vector<1x16xf32>,
        %get3A_1582 = vector.shape_cast %get3A_1581 : vector<1x16xf32> to vector<16xf32>
        %mul3A_1583 = arith.mulf %gather3A_1557, %get3A_9 : vector<16xf32>
        %add3A_1584 = arith.addf %get3A_1582, %mul3A_1583 : vector<16xf32>
        %mul3A_1585 = arith.mulf %gather3A_1561, %get3A_33 : vector<16xf32>
        %add3A_1586 = arith.addf %add3A_1584, %mul3A_1585 : vector<16xf32>
        %swap3A_1587 = arith.index_cast %add3A_1565 : i32 to index
        %swap3A_1588 = arith.constant 16 : index
        %swap3A_1589 = tpu.vector_load %arg14[%swap3A_1587, %swap3A_1588] {strides = array<i32>} : memref<128x128xf32, #tpu.memory_space<vmem>>, vector<1x16xf32>,
        %swap3A_1590 = vector.shape_cast %swap3A_1589 : vector<1x16xf32> to vector<16xf32>
        %swap3A_1591 = vector.shape_cast %add3A_1586 : vector<16xf32> to vector<1x16xf32>
        tpu.vector_store %arg14[%swap3A_1587, %swap3A_1588], %swap3A_1591 {strides = array<i32>} : memref<128x128xf32, #tpu.memory_space<vmem>>, vector<1x16xf32>,
        %get3A_1592 = arith.index_cast %add3A_1565 : i32 to index
        %get3A_1593 = arith.constant 32 : index
        %get3A_1594 = tpu.vector_load %arg16[%get3A_1592, %get3A_1593] {strides = array<i32>} : memref<128x128xf32, #tpu.memory_space<vmem>>, vector<1x16xf32>,
        %get3A_1595 = vector.shape_cast %get3A_1594 : vector<1x16xf32> to vector<16xf32>
        %mul3A_1596 = arith.mulf %gather3A_1557, %get3A_12 : vector<16xf32>
        %add3A_1597 = arith.addf %get3A_1595, %mul3A_1596 : vector<16xf32>
        %mul3A_1598 = arith.mulf %gather3A_1561, %get3A_36 : vector<16xf32>
        %add3A_1599 = arith.addf %add3A_1597, %mul3A_1598 : vector<16xf32>
        %swap3A_1600 = arith.index_cast %add3A_1565 : i32 to index
        %swap3A_1601 = arith.constant 32 : index
        %swap3A_1602 = tpu.vector_load %arg14[%swap3A_1600, %swap3A_1601] {strides = array<i32>} : memref<128x128xf32, #tpu.memory_space<vmem>>, vector<1x16xf32>,
        %swap3A_1603 = vector.shape_cast %swap3A_1602 : vector<1x16xf32> to vector<16xf32>
        %swap3A_1604 = vector.shape_cast %add3A_1599 : vector<16xf32> to vector<1x16xf32>
        tpu.vector_store %arg14[%swap3A_1600, %swap3A_1601], %swap3A_1604 {strides = array<i32>} : memref<128x128xf32, #tpu.memory_space<vmem>>, vector<1x16xf32>,
        %get3A_1605 = arith.index_cast %add3A_1565 : i32 to index
        %get3A_1606 = arith.constant 48 : index
        %get3A_1607 = tpu.vector_load %arg16[%get3A_1605, %get3A_1606] {strides = array<i32>} : memref<128x128xf32, #tpu.memory_space<vmem>>, vector<1x16xf32>,
        %get3A_1608 = vector.shape_cast %get3A_1607 : vector<1x16xf32> to vector<16xf32>
        %mul3A_1609 = arith.mulf %gather3A_1557, %get3A_15 : vector<16xf32>
        %add3A_1610 = arith.addf %get3A_1608, %mul3A_1609 : vector<16xf32>
        %mul3A_1611 = arith.mulf %gather3A_1561, %get3A_39 : vector<16xf32>
        %add3A_1612 = arith.addf %add3A_1610, %mul3A_1611 : vector<16xf32>
        %swap3A_1613 = arith.index_cast %add3A_1565 : i32 to index
        %swap3A_1614 = arith.constant 48 : index
        %swap3A_1615 = tpu.vector_load %arg14[%swap3A_1613, %swap3A_1614] {strides = array<i32>} : memref<128x128xf32, #tpu.memory_space<vmem>>, vector<1x16xf32>,
        %swap3A_1616 = vector.shape_cast %swap3A_1615 : vector<1x16xf32> to vector<16xf32>
        %swap3A_1617 = vector.shape_cast %add3A_1612 : vector<16xf32> to vector<1x16xf32>
        tpu.vector_store %arg14[%swap3A_1613, %swap3A_1614], %swap3A_1617 {strides = array<i32>} : memref<128x128xf32, #tpu.memory_space<vmem>>, vector<1x16xf32>,
        %get3A_1618 = arith.index_cast %add3A_1565 : i32 to index
        %get3A_1619 = arith.constant 64 : index
        %get3A_1620 = tpu.vector_load %arg16[%get3A_1618, %get3A_1619] {strides = array<i32>} : memref<128x128xf32, #tpu.memory_space<vmem>>, vector<1x16xf32>,
        %get3A_1621 = vector.shape_cast %get3A_1620 : vector<1x16xf32> to vector<16xf32>
        %mul3A_1622 = arith.mulf %gather3A_1557, %get3A_18 : vector<16xf32>
        %add3A_1623 = arith.addf %get3A_1621, %mul3A_1622 : vector<16xf32>
        %mul3A_1624 = arith.mulf %gather3A_1561, %get3A_42 : vector<16xf32>
        %add3A_1625 = arith.addf %add3A_1623, %mul3A_1624 : vector<16xf32>
        %swap3A_1626 = arith.index_cast %add3A_1565 : i32 to index
        %swap3A_1627 = arith.constant 64 : index
        %swap3A_1628 = tpu.vector_load %arg14[%swap3A_1626, %swap3A_1627] {strides = array<i32>} : memref<128x128xf32, #tpu.memory_space<vmem>>, vector<1x16xf32>,
        %swap3A_1629 = vector.shape_cast %swap3A_1628 : vector<1x16xf32> to vector<16xf32>
        %swap3A_1630 = vector.shape_cast %add3A_1625 : vector<16xf32> to vector<1x16xf32>
        tpu.vector_store %arg14[%swap3A_1626, %swap3A_1627], %swap3A_1630 {strides = array<i32>} : memref<128x128xf32, #tpu.memory_space<vmem>>, vector<1x16xf32>,
        %get3A_1631 = arith.index_cast %add3A_1565 : i32 to index
        %get3A_1632 = arith.constant 80 : index
        %get3A_1633 = tpu.vector_load %arg16[%get3A_1631, %get3A_1632] {strides = array<i32>} : memref<128x128xf32, #tpu.memory_space<vmem>>, vector<1x16xf32>,
        %get3A_1634 = vector.shape_cast %get3A_1633 : vector<1x16xf32> to vector<16xf32>
        %mul3A_1635 = arith.mulf %gather3A_1557, %get3A_21 : vector<16xf32>
        %add3A_1636 = arith.addf %get3A_1634, %mul3A_1635 : vector<16xf32>
        %mul3A_1637 = arith.mulf %gather3A_1561, %get3A_45 : vector<16xf32>
        %add3A_1638 = arith.addf %add3A_1636, %mul3A_1637 : vector<16xf32>
        %swap3A_1639 = arith.index_cast %add3A_1565 : i32 to index
        %swap3A_1640 = arith.constant 80 : index
        %swap3A_1641 = tpu.vector_load %arg14[%swap3A_1639, %swap3A_1640] {strides = array<i32>} : memref<128x128xf32, #tpu.memory_space<vmem>>, vector<1x16xf32>,
        %swap3A_1642 = vector.shape_cast %swap3A_1641 : vector<1x16xf32> to vector<16xf32>
        %swap3A_1643 = vector.shape_cast %add3A_1638 : vector<16xf32> to vector<1x16xf32>
        tpu.vector_store %arg14[%swap3A_1639, %swap3A_1640], %swap3A_1643 {strides = array<i32>} : memref<128x128xf32, #tpu.memory_space<vmem>>, vector<1x16xf32>,
        %get3A_1644 = arith.index_cast %add3A_1565 : i32 to index
        %get3A_1645 = arith.constant 96 : index
        %get3A_1646 = tpu.vector_load %arg16[%get3A_1644, %get3A_1645] {strides = array<i32>} : memref<128x128xf32, #tpu.memory_space<vmem>>, vector<1x16xf32>,
        %get3A_1647 = vector.shape_cast %get3A_1646 : vector<1x16xf32> to vector<16xf32>
        %mul3A_1648 = arith.mulf %gather3A_1557, %get3A_24 : vector<16xf32>
        %add3A_1649 = arith.addf %get3A_1647, %mul3A_1648 : vector<16xf32>
        %mul3A_1650 = arith.mulf %gather3A_1561, %get3A_48 : vector<16xf32>
        %add3A_1651 = arith.addf %add3A_1649, %mul3A_1650 : vector<16xf32>
        %swap3A_1652 = arith.index_cast %add3A_1565 : i32 to index
        %swap3A_1653 = arith.constant 96 : index
        %swap3A_1654 = tpu.vector_load %arg14[%swap3A_1652, %swap3A_1653] {strides = array<i32>} : memref<128x128xf32, #tpu.memory_space<vmem>>, vector<1x16xf32>,
        %swap3A_1655 = vector.shape_cast %swap3A_1654 : vector<1x16xf32> to vector<16xf32>
        %swap3A_1656 = vector.shape_cast %add3A_1651 : vector<16xf32> to vector<1x16xf32>
        tpu.vector_store %arg14[%swap3A_1652, %swap3A_1653], %swap3A_1656 {strides = array<i32>} : memref<128x128xf32, #tpu.memory_space<vmem>>, vector<1x16xf32>,
        %get3A_1657 = arith.index_cast %add3A_1565 : i32 to index
        %get3A_1658 = arith.constant 112 : index
        %get3A_1659 = tpu.vector_load %arg16[%get3A_1657, %get3A_1658] {strides = array<i32>} : memref<128x128xf32, #tpu.memory_space<vmem>>, vector<1x16xf32>,
        %get3A_1660 = vector.shape_cast %get3A_1659 : vector<1x16xf32> to vector<16xf32>
        %mul3A_1661 = arith.mulf %gather3A_1557, %get3A_27 : vector<16xf32>
        %add3A_1662 = arith.addf %get3A_1660, %mul3A_1661 : vector<16xf32>
        %mul3A_1663 = arith.mulf %gather3A_1561, %get3A_51 : vector<16xf32>
        %add3A_1664 = arith.addf %add3A_1662, %mul3A_1663 : vector<16xf32>
        %swap3A_1665 = arith.index_cast %add3A_1565 : i32 to index
        %swap3A_1666 = arith.constant 112 : index
        %swap3A_1667 = tpu.vector_load %arg14[%swap3A_1665, %swap3A_1666] {strides = array<i32>} : memref<128x128xf32, #tpu.memory_space<vmem>>, vector<1x16xf32>,
        %swap3A_1668 = vector.shape_cast %swap3A_1667 : vector<1x16xf32> to vector<16xf32>
        %swap3A_1669 = vector.shape_cast %add3A_1664 : vector<16xf32> to vector<1x16xf32>
        tpu.vector_store %arg14[%swap3A_1665, %swap3A_1666], %swap3A_1669 {strides = array<i32>} : memref<128x128xf32, #tpu.memory_space<vmem>>, vector<1x16xf32>,
        %broadcast_in_dim3A_1670 = arith.constant 13 : i32
        %broadcast_in_dim3A_1671 = vector.broadcast %broadcast_in_dim3A_1670 : i32 to vector<16x1xi32>
        %gather3A_1672 = vector.shape_cast %broadcast_in_dim3A_1671 : vector<16x1xi32> to vector<16xi32>
        %gather3A_1673 = tpu.dynamic_gather %get3A_161[%gather3A_1672] in [0] : vector<16xf32>, vector<16xi32> -> vector<16xf32>
        %broadcast_in_dim3A_1674 = arith.constant 13 : i32
        %broadcast_in_dim3A_1675 = vector.broadcast %broadcast_in_dim3A_1674 : i32 to vector<16x1xi32>
        %gather3A_1676 = vector.shape_cast %broadcast_in_dim3A_1675 : vector<16x1xi32> to vector<16xi32>
        %gather3A_1677 = tpu.dynamic_gather %get3A_164[%gather3A_1676] in [0] : vector<16xf32>, vector<16xi32> -> vector<16xf32>
        %mul3A_1678 = arith.constant 16 : i32
        %mul3A_1679 = arith.muli %scan3A_153, %mul3A_1678 : i32
        %add3A_1680 = arith.constant 13 : i32
        %add3A_1681 = arith.addi %mul3A_1679, %add3A_1680 : i32
        %get3A_1682 = arith.index_cast %add3A_1681 : i32 to index
        %get3A_1683 = arith.constant 0 : index
        %get3A_1684 = tpu.vector_load %arg16[%get3A_1682, %get3A_1683] {strides = array<i32>} : memref<128x128xf32, #tpu.memory_space<vmem>>, vector<1x16xf32>,
        %get3A_1685 = vector.shape_cast %get3A_1684 : vector<1x16xf32> to vector<16xf32>
        %mul3A_1686 = arith.mulf %gather3A_1673, %get3A_6 : vector<16xf32>
        %add3A_1687 = arith.addf %get3A_1685, %mul3A_1686 : vector<16xf32>
        %mul3A_1688 = arith.mulf %gather3A_1677, %get3A_30 : vector<16xf32>
        %add3A_1689 = arith.addf %add3A_1687, %mul3A_1688 : vector<16xf32>
        %swap3A_1690 = arith.index_cast %add3A_1681 : i32 to index
        %swap3A_1691 = arith.constant 0 : index
        %swap3A_1692 = tpu.vector_load %arg14[%swap3A_1690, %swap3A_1691] {strides = array<i32>} : memref<128x128xf32, #tpu.memory_space<vmem>>, vector<1x16xf32>,
        %swap3A_1693 = vector.shape_cast %swap3A_1692 : vector<1x16xf32> to vector<16xf32>
        %swap3A_1694 = vector.shape_cast %add3A_1689 : vector<16xf32> to vector<1x16xf32>
        tpu.vector_store %arg14[%swap3A_1690, %swap3A_1691], %swap3A_1694 {strides = array<i32>} : memref<128x128xf32, #tpu.memory_space<vmem>>, vector<1x16xf32>,
        %get3A_1695 = arith.index_cast %add3A_1681 : i32 to index
        %get3A_1696 = arith.constant 16 : index
        %get3A_1697 = tpu.vector_load %arg16[%get3A_1695, %get3A_1696] {strides = array<i32>} : memref<128x128xf32, #tpu.memory_space<vmem>>, vector<1x16xf32>,
        %get3A_1698 = vector.shape_cast %get3A_1697 : vector<1x16xf32> to vector<16xf32>
        %mul3A_1699 = arith.mulf %gather3A_1673, %get3A_9 : vector<16xf32>
        %add3A_1700 = arith.addf %get3A_1698, %mul3A_1699 : vector<16xf32>
        %mul3A_1701 = arith.mulf %gather3A_1677, %get3A_33 : vector<16xf32>
        %add3A_1702 = arith.addf %add3A_1700, %mul3A_1701 : vector<16xf32>
        %swap3A_1703 = arith.index_cast %add3A_1681 : i32 to index
        %swap3A_1704 = arith.constant 16 : index
        %swap3A_1705 = tpu.vector_load %arg14[%swap3A_1703, %swap3A_1704] {strides = array<i32>} : memref<128x128xf32, #tpu.memory_space<vmem>>, vector<1x16xf32>,
        %swap3A_1706 = vector.shape_cast %swap3A_1705 : vector<1x16xf32> to vector<16xf32>
        %swap3A_1707 = vector.shape_cast %add3A_1702 : vector<16xf32> to vector<1x16xf32>
        tpu.vector_store %arg14[%swap3A_1703, %swap3A_1704], %swap3A_1707 {strides = array<i32>} : memref<128x128xf32, #tpu.memory_space<vmem>>, vector<1x16xf32>,
        %get3A_1708 = arith.index_cast %add3A_1681 : i32 to index
        %get3A_1709 = arith.constant 32 : index
        %get3A_1710 = tpu.vector_load %arg16[%get3A_1708, %get3A_1709] {strides = array<i32>} : memref<128x128xf32, #tpu.memory_space<vmem>>, vector<1x16xf32>,
        %get3A_1711 = vector.shape_cast %get3A_1710 : vector<1x16xf32> to vector<16xf32>
        %mul3A_1712 = arith.mulf %gather3A_1673, %get3A_12 : vector<16xf32>
        %add3A_1713 = arith.addf %get3A_1711, %mul3A_1712 : vector<16xf32>
        %mul3A_1714 = arith.mulf %gather3A_1677, %get3A_36 : vector<16xf32>
        %add3A_1715 = arith.addf %add3A_1713, %mul3A_1714 : vector<16xf32>
        %swap3A_1716 = arith.index_cast %add3A_1681 : i32 to index
        %swap3A_1717 = arith.constant 32 : index
        %swap3A_1718 = tpu.vector_load %arg14[%swap3A_1716, %swap3A_1717] {strides = array<i32>} : memref<128x128xf32, #tpu.memory_space<vmem>>, vector<1x16xf32>,
        %swap3A_1719 = vector.shape_cast %swap3A_1718 : vector<1x16xf32> to vector<16xf32>
        %swap3A_1720 = vector.shape_cast %add3A_1715 : vector<16xf32> to vector<1x16xf32>
        tpu.vector_store %arg14[%swap3A_1716, %swap3A_1717], %swap3A_1720 {strides = array<i32>} : memref<128x128xf32, #tpu.memory_space<vmem>>, vector<1x16xf32>,
        %get3A_1721 = arith.index_cast %add3A_1681 : i32 to index
        %get3A_1722 = arith.constant 48 : index
        %get3A_1723 = tpu.vector_load %arg16[%get3A_1721, %get3A_1722] {strides = array<i32>} : memref<128x128xf32, #tpu.memory_space<vmem>>, vector<1x16xf32>,
        %get3A_1724 = vector.shape_cast %get3A_1723 : vector<1x16xf32> to vector<16xf32>
        %mul3A_1725 = arith.mulf %gather3A_1673, %get3A_15 : vector<16xf32>
        %add3A_1726 = arith.addf %get3A_1724, %mul3A_1725 : vector<16xf32>
        %mul3A_1727 = arith.mulf %gather3A_1677, %get3A_39 : vector<16xf32>
        %add3A_1728 = arith.addf %add3A_1726, %mul3A_1727 : vector<16xf32>
        %swap3A_1729 = arith.index_cast %add3A_1681 : i32 to index
        %swap3A_1730 = arith.constant 48 : index
        %swap3A_1731 = tpu.vector_load %arg14[%swap3A_1729, %swap3A_1730] {strides = array<i32>} : memref<128x128xf32, #tpu.memory_space<vmem>>, vector<1x16xf32>,
        %swap3A_1732 = vector.shape_cast %swap3A_1731 : vector<1x16xf32> to vector<16xf32>
        %swap3A_1733 = vector.shape_cast %add3A_1728 : vector<16xf32> to vector<1x16xf32>
        tpu.vector_store %arg14[%swap3A_1729, %swap3A_1730], %swap3A_1733 {strides = array<i32>} : memref<128x128xf32, #tpu.memory_space<vmem>>, vector<1x16xf32>,
        %get3A_1734 = arith.index_cast %add3A_1681 : i32 to index
        %get3A_1735 = arith.constant 64 : index
        %get3A_1736 = tpu.vector_load %arg16[%get3A_1734, %get3A_1735] {strides = array<i32>} : memref<128x128xf32, #tpu.memory_space<vmem>>, vector<1x16xf32>,
        %get3A_1737 = vector.shape_cast %get3A_1736 : vector<1x16xf32> to vector<16xf32>
        %mul3A_1738 = arith.mulf %gather3A_1673, %get3A_18 : vector<16xf32>
        %add3A_1739 = arith.addf %get3A_1737, %mul3A_1738 : vector<16xf32>
        %mul3A_1740 = arith.mulf %gather3A_1677, %get3A_42 : vector<16xf32>
        %add3A_1741 = arith.addf %add3A_1739, %mul3A_1740 : vector<16xf32>
        %swap3A_1742 = arith.index_cast %add3A_1681 : i32 to index
        %swap3A_1743 = arith.constant 64 : index
        %swap3A_1744 = tpu.vector_load %arg14[%swap3A_1742, %swap3A_1743] {strides = array<i32>} : memref<128x128xf32, #tpu.memory_space<vmem>>, vector<1x16xf32>,
        %swap3A_1745 = vector.shape_cast %swap3A_1744 : vector<1x16xf32> to vector<16xf32>
        %swap3A_1746 = vector.shape_cast %add3A_1741 : vector<16xf32> to vector<1x16xf32>
        tpu.vector_store %arg14[%swap3A_1742, %swap3A_1743], %swap3A_1746 {strides = array<i32>} : memref<128x128xf32, #tpu.memory_space<vmem>>, vector<1x16xf32>,
        %get3A_1747 = arith.index_cast %add3A_1681 : i32 to index
        %get3A_1748 = arith.constant 80 : index
        %get3A_1749 = tpu.vector_load %arg16[%get3A_1747, %get3A_1748] {strides = array<i32>} : memref<128x128xf32, #tpu.memory_space<vmem>>, vector<1x16xf32>,
        %get3A_1750 = vector.shape_cast %get3A_1749 : vector<1x16xf32> to vector<16xf32>
        %mul3A_1751 = arith.mulf %gather3A_1673, %get3A_21 : vector<16xf32>
        %add3A_1752 = arith.addf %get3A_1750, %mul3A_1751 : vector<16xf32>
        %mul3A_1753 = arith.mulf %gather3A_1677, %get3A_45 : vector<16xf32>
        %add3A_1754 = arith.addf %add3A_1752, %mul3A_1753 : vector<16xf32>
        %swap3A_1755 = arith.index_cast %add3A_1681 : i32 to index
        %swap3A_1756 = arith.constant 80 : index
        %swap3A_1757 = tpu.vector_load %arg14[%swap3A_1755, %swap3A_1756] {strides = array<i32>} : memref<128x128xf32, #tpu.memory_space<vmem>>, vector<1x16xf32>,
        %swap3A_1758 = vector.shape_cast %swap3A_1757 : vector<1x16xf32> to vector<16xf32>
        %swap3A_1759 = vector.shape_cast %add3A_1754 : vector<16xf32> to vector<1x16xf32>
        tpu.vector_store %arg14[%swap3A_1755, %swap3A_1756], %swap3A_1759 {strides = array<i32>} : memref<128x128xf32, #tpu.memory_space<vmem>>, vector<1x16xf32>,
        %get3A_1760 = arith.index_cast %add3A_1681 : i32 to index
        %get3A_1761 = arith.constant 96 : index
        %get3A_1762 = tpu.vector_load %arg16[%get3A_1760, %get3A_1761] {strides = array<i32>} : memref<128x128xf32, #tpu.memory_space<vmem>>, vector<1x16xf32>,
        %get3A_1763 = vector.shape_cast %get3A_1762 : vector<1x16xf32> to vector<16xf32>
        %mul3A_1764 = arith.mulf %gather3A_1673, %get3A_24 : vector<16xf32>
        %add3A_1765 = arith.addf %get3A_1763, %mul3A_1764 : vector<16xf32>
        %mul3A_1766 = arith.mulf %gather3A_1677, %get3A_48 : vector<16xf32>
        %add3A_1767 = arith.addf %add3A_1765, %mul3A_1766 : vector<16xf32>
        %swap3A_1768 = arith.index_cast %add3A_1681 : i32 to index
        %swap3A_1769 = arith.constant 96 : index
        %swap3A_1770 = tpu.vector_load %arg14[%swap3A_1768, %swap3A_1769] {strides = array<i32>} : memref<128x128xf32, #tpu.memory_space<vmem>>, vector<1x16xf32>,
        %swap3A_1771 = vector.shape_cast %swap3A_1770 : vector<1x16xf32> to vector<16xf32>
        %swap3A_1772 = vector.shape_cast %add3A_1767 : vector<16xf32> to vector<1x16xf32>
        tpu.vector_store %arg14[%swap3A_1768, %swap3A_1769], %swap3A_1772 {strides = array<i32>} : memref<128x128xf32, #tpu.memory_space<vmem>>, vector<1x16xf32>,
        %get3A_1773 = arith.index_cast %add3A_1681 : i32 to index
        %get3A_1774 = arith.constant 112 : index
        %get3A_1775 = tpu.vector_load %arg16[%get3A_1773, %get3A_1774] {strides = array<i32>} : memref<128x128xf32, #tpu.memory_space<vmem>>, vector<1x16xf32>,
        %get3A_1776 = vector.shape_cast %get3A_1775 : vector<1x16xf32> to vector<16xf32>
        %mul3A_1777 = arith.mulf %gather3A_1673, %get3A_27 : vector<16xf32>
        %add3A_1778 = arith.addf %get3A_1776, %mul3A_1777 : vector<16xf32>
        %mul3A_1779 = arith.mulf %gather3A_1677, %get3A_51 : vector<16xf32>
        %add3A_1780 = arith.addf %add3A_1778, %mul3A_1779 : vector<16xf32>
        %swap3A_1781 = arith.index_cast %add3A_1681 : i32 to index
        %swap3A_1782 = arith.constant 112 : index
        %swap3A_1783 = tpu.vector_load %arg14[%swap3A_1781, %swap3A_1782] {strides = array<i32>} : memref<128x128xf32, #tpu.memory_space<vmem>>, vector<1x16xf32>,
        %swap3A_1784 = vector.shape_cast %swap3A_1783 : vector<1x16xf32> to vector<16xf32>
        %swap3A_1785 = vector.shape_cast %add3A_1780 : vector<16xf32> to vector<1x16xf32>
        tpu.vector_store %arg14[%swap3A_1781, %swap3A_1782], %swap3A_1785 {strides = array<i32>} : memref<128x128xf32, #tpu.memory_space<vmem>>, vector<1x16xf32>,
        %broadcast_in_dim3A_1786 = arith.constant 14 : i32
        %broadcast_in_dim3A_1787 = vector.broadcast %broadcast_in_dim3A_1786 : i32 to vector<16x1xi32>
        %gather3A_1788 = vector.shape_cast %broadcast_in_dim3A_1787 : vector<16x1xi32> to vector<16xi32>
        %gather3A_1789 = tpu.dynamic_gather %get3A_161[%gather3A_1788] in [0] : vector<16xf32>, vector<16xi32> -> vector<16xf32>
        %broadcast_in_dim3A_1790 = arith.constant 14 : i32
        %broadcast_in_dim3A_1791 = vector.broadcast %broadcast_in_dim3A_1790 : i32 to vector<16x1xi32>
        %gather3A_1792 = vector.shape_cast %broadcast_in_dim3A_1791 : vector<16x1xi32> to vector<16xi32>
        %gather3A_1793 = tpu.dynamic_gather %get3A_164[%gather3A_1792] in [0] : vector<16xf32>, vector<16xi32> -> vector<16xf32>
        %mul3A_1794 = arith.constant 16 : i32
        %mul3A_1795 = arith.muli %scan3A_153, %mul3A_1794 : i32
        %add3A_1796 = arith.constant 14 : i32
        %add3A_1797 = arith.addi %mul3A_1795, %add3A_1796 : i32
        %get3A_1798 = arith.index_cast %add3A_1797 : i32 to index
        %get3A_1799 = arith.constant 0 : index
        %get3A_1800 = tpu.vector_load %arg16[%get3A_1798, %get3A_1799] {strides = array<i32>} : memref<128x128xf32, #tpu.memory_space<vmem>>, vector<1x16xf32>,
        %get3A_1801 = vector.shape_cast %get3A_1800 : vector<1x16xf32> to vector<16xf32>
        %mul3A_1802 = arith.mulf %gather3A_1789, %get3A_6 : vector<16xf32>
        %add3A_1803 = arith.addf %get3A_1801, %mul3A_1802 : vector<16xf32>
        %mul3A_1804 = arith.mulf %gather3A_1793, %get3A_30 : vector<16xf32>
        %add3A_1805 = arith.addf %add3A_1803, %mul3A_1804 : vector<16xf32>
        %swap3A_1806 = arith.index_cast %add3A_1797 : i32 to index
        %swap3A_1807 = arith.constant 0 : index
        %swap3A_1808 = tpu.vector_load %arg14[%swap3A_1806, %swap3A_1807] {strides = array<i32>} : memref<128x128xf32, #tpu.memory_space<vmem>>, vector<1x16xf32>,
        %swap3A_1809 = vector.shape_cast %swap3A_1808 : vector<1x16xf32> to vector<16xf32>
        %swap3A_1810 = vector.shape_cast %add3A_1805 : vector<16xf32> to vector<1x16xf32>
        tpu.vector_store %arg14[%swap3A_1806, %swap3A_1807], %swap3A_1810 {strides = array<i32>} : memref<128x128xf32, #tpu.memory_space<vmem>>, vector<1x16xf32>,
        %get3A_1811 = arith.index_cast %add3A_1797 : i32 to index
        %get3A_1812 = arith.constant 16 : index
        %get3A_1813 = tpu.vector_load %arg16[%get3A_1811, %get3A_1812] {strides = array<i32>} : memref<128x128xf32, #tpu.memory_space<vmem>>, vector<1x16xf32>,
        %get3A_1814 = vector.shape_cast %get3A_1813 : vector<1x16xf32> to vector<16xf32>
        %mul3A_1815 = arith.mulf %gather3A_1789, %get3A_9 : vector<16xf32>
        %add3A_1816 = arith.addf %get3A_1814, %mul3A_1815 : vector<16xf32>
        %mul3A_1817 = arith.mulf %gather3A_1793, %get3A_33 : vector<16xf32>
        %add3A_1818 = arith.addf %add3A_1816, %mul3A_1817 : vector<16xf32>
        %swap3A_1819 = arith.index_cast %add3A_1797 : i32 to index
        %swap3A_1820 = arith.constant 16 : index
        %swap3A_1821 = tpu.vector_load %arg14[%swap3A_1819, %swap3A_1820] {strides = array<i32>} : memref<128x128xf32, #tpu.memory_space<vmem>>, vector<1x16xf32>,
        %swap3A_1822 = vector.shape_cast %swap3A_1821 : vector<1x16xf32> to vector<16xf32>
        %swap3A_1823 = vector.shape_cast %add3A_1818 : vector<16xf32> to vector<1x16xf32>
        tpu.vector_store %arg14[%swap3A_1819, %swap3A_1820], %swap3A_1823 {strides = array<i32>} : memref<128x128xf32, #tpu.memory_space<vmem>>, vector<1x16xf32>,
        %get3A_1824 = arith.index_cast %add3A_1797 : i32 to index
        %get3A_1825 = arith.constant 32 : index
        %get3A_1826 = tpu.vector_load %arg16[%get3A_1824, %get3A_1825] {strides = array<i32>} : memref<128x128xf32, #tpu.memory_space<vmem>>, vector<1x16xf32>,
        %get3A_1827 = vector.shape_cast %get3A_1826 : vector<1x16xf32> to vector<16xf32>
        %mul3A_1828 = arith.mulf %gather3A_1789, %get3A_12 : vector<16xf32>
        %add3A_1829 = arith.addf %get3A_1827, %mul3A_1828 : vector<16xf32>
        %mul3A_1830 = arith.mulf %gather3A_1793, %get3A_36 : vector<16xf32>
        %add3A_1831 = arith.addf %add3A_1829, %mul3A_1830 : vector<16xf32>
        %swap3A_1832 = arith.index_cast %add3A_1797 : i32 to index
        %swap3A_1833 = arith.constant 32 : index
        %swap3A_1834 = tpu.vector_load %arg14[%swap3A_1832, %swap3A_1833] {strides = array<i32>} : memref<128x128xf32, #tpu.memory_space<vmem>>, vector<1x16xf32>,
        %swap3A_1835 = vector.shape_cast %swap3A_1834 : vector<1x16xf32> to vector<16xf32>
        %swap3A_1836 = vector.shape_cast %add3A_1831 : vector<16xf32> to vector<1x16xf32>
        tpu.vector_store %arg14[%swap3A_1832, %swap3A_1833], %swap3A_1836 {strides = array<i32>} : memref<128x128xf32, #tpu.memory_space<vmem>>, vector<1x16xf32>,
        %get3A_1837 = arith.index_cast %add3A_1797 : i32 to index
        %get3A_1838 = arith.constant 48 : index
        %get3A_1839 = tpu.vector_load %arg16[%get3A_1837, %get3A_1838] {strides = array<i32>} : memref<128x128xf32, #tpu.memory_space<vmem>>, vector<1x16xf32>,
        %get3A_1840 = vector.shape_cast %get3A_1839 : vector<1x16xf32> to vector<16xf32>
        %mul3A_1841 = arith.mulf %gather3A_1789, %get3A_15 : vector<16xf32>
        %add3A_1842 = arith.addf %get3A_1840, %mul3A_1841 : vector<16xf32>
        %mul3A_1843 = arith.mulf %gather3A_1793, %get3A_39 : vector<16xf32>
        %add3A_1844 = arith.addf %add3A_1842, %mul3A_1843 : vector<16xf32>
        %swap3A_1845 = arith.index_cast %add3A_1797 : i32 to index
        %swap3A_1846 = arith.constant 48 : index
        %swap3A_1847 = tpu.vector_load %arg14[%swap3A_1845, %swap3A_1846] {strides = array<i32>} : memref<128x128xf32, #tpu.memory_space<vmem>>, vector<1x16xf32>,
        %swap3A_1848 = vector.shape_cast %swap3A_1847 : vector<1x16xf32> to vector<16xf32>
        %swap3A_1849 = vector.shape_cast %add3A_1844 : vector<16xf32> to vector<1x16xf32>
        tpu.vector_store %arg14[%swap3A_1845, %swap3A_1846], %swap3A_1849 {strides = array<i32>} : memref<128x128xf32, #tpu.memory_space<vmem>>, vector<1x16xf32>,
        %get3A_1850 = arith.index_cast %add3A_1797 : i32 to index
        %get3A_1851 = arith.constant 64 : index
        %get3A_1852 = tpu.vector_load %arg16[%get3A_1850, %get3A_1851] {strides = array<i32>} : memref<128x128xf32, #tpu.memory_space<vmem>>, vector<1x16xf32>,
        %get3A_1853 = vector.shape_cast %get3A_1852 : vector<1x16xf32> to vector<16xf32>
        %mul3A_1854 = arith.mulf %gather3A_1789, %get3A_18 : vector<16xf32>
        %add3A_1855 = arith.addf %get3A_1853, %mul3A_1854 : vector<16xf32>
        %mul3A_1856 = arith.mulf %gather3A_1793, %get3A_42 : vector<16xf32>
        %add3A_1857 = arith.addf %add3A_1855, %mul3A_1856 : vector<16xf32>
        %swap3A_1858 = arith.index_cast %add3A_1797 : i32 to index
        %swap3A_1859 = arith.constant 64 : index
        %swap3A_1860 = tpu.vector_load %arg14[%swap3A_1858, %swap3A_1859] {strides = array<i32>} : memref<128x128xf32, #tpu.memory_space<vmem>>, vector<1x16xf32>,
        %swap3A_1861 = vector.shape_cast %swap3A_1860 : vector<1x16xf32> to vector<16xf32>
        %swap3A_1862 = vector.shape_cast %add3A_1857 : vector<16xf32> to vector<1x16xf32>
        tpu.vector_store %arg14[%swap3A_1858, %swap3A_1859], %swap3A_1862 {strides = array<i32>} : memref<128x128xf32, #tpu.memory_space<vmem>>, vector<1x16xf32>,
        %get3A_1863 = arith.index_cast %add3A_1797 : i32 to index
        %get3A_1864 = arith.constant 80 : index
        %get3A_1865 = tpu.vector_load %arg16[%get3A_1863, %get3A_1864] {strides = array<i32>} : memref<128x128xf32, #tpu.memory_space<vmem>>, vector<1x16xf32>,
        %get3A_1866 = vector.shape_cast %get3A_1865 : vector<1x16xf32> to vector<16xf32>
        %mul3A_1867 = arith.mulf %gather3A_1789, %get3A_21 : vector<16xf32>
        %add3A_1868 = arith.addf %get3A_1866, %mul3A_1867 : vector<16xf32>
        %mul3A_1869 = arith.mulf %gather3A_1793, %get3A_45 : vector<16xf32>
        %add3A_1870 = arith.addf %add3A_1868, %mul3A_1869 : vector<16xf32>
        %swap3A_1871 = arith.index_cast %add3A_1797 : i32 to index
        %swap3A_1872 = arith.constant 80 : index
        %swap3A_1873 = tpu.vector_load %arg14[%swap3A_1871, %swap3A_1872] {strides = array<i32>} : memref<128x128xf32, #tpu.memory_space<vmem>>, vector<1x16xf32>,
        %swap3A_1874 = vector.shape_cast %swap3A_1873 : vector<1x16xf32> to vector<16xf32>
        %swap3A_1875 = vector.shape_cast %add3A_1870 : vector<16xf32> to vector<1x16xf32>
        tpu.vector_store %arg14[%swap3A_1871, %swap3A_1872], %swap3A_1875 {strides = array<i32>} : memref<128x128xf32, #tpu.memory_space<vmem>>, vector<1x16xf32>,
        %get3A_1876 = arith.index_cast %add3A_1797 : i32 to index
        %get3A_1877 = arith.constant 96 : index
        %get3A_1878 = tpu.vector_load %arg16[%get3A_1876, %get3A_1877] {strides = array<i32>} : memref<128x128xf32, #tpu.memory_space<vmem>>, vector<1x16xf32>,
        %get3A_1879 = vector.shape_cast %get3A_1878 : vector<1x16xf32> to vector<16xf32>
        %mul3A_1880 = arith.mulf %gather3A_1789, %get3A_24 : vector<16xf32>
        %add3A_1881 = arith.addf %get3A_1879, %mul3A_1880 : vector<16xf32>
        %mul3A_1882 = arith.mulf %gather3A_1793, %get3A_48 : vector<16xf32>
        %add3A_1883 = arith.addf %add3A_1881, %mul3A_1882 : vector<16xf32>
        %swap3A_1884 = arith.index_cast %add3A_1797 : i32 to index
        %swap3A_1885 = arith.constant 96 : index
        %swap3A_1886 = tpu.vector_load %arg14[%swap3A_1884, %swap3A_1885] {strides = array<i32>} : memref<128x128xf32, #tpu.memory_space<vmem>>, vector<1x16xf32>,
        %swap3A_1887 = vector.shape_cast %swap3A_1886 : vector<1x16xf32> to vector<16xf32>
        %swap3A_1888 = vector.shape_cast %add3A_1883 : vector<16xf32> to vector<1x16xf32>
        tpu.vector_store %arg14[%swap3A_1884, %swap3A_1885], %swap3A_1888 {strides = array<i32>} : memref<128x128xf32, #tpu.memory_space<vmem>>, vector<1x16xf32>,
        %get3A_1889 = arith.index_cast %add3A_1797 : i32 to index
        %get3A_1890 = arith.constant 112 : index
        %get3A_1891 = tpu.vector_load %arg16[%get3A_1889, %get3A_1890] {strides = array<i32>} : memref<128x128xf32, #tpu.memory_space<vmem>>, vector<1x16xf32>,
        %get3A_1892 = vector.shape_cast %get3A_1891 : vector<1x16xf32> to vector<16xf32>
        %mul3A_1893 = arith.mulf %gather3A_1789, %get3A_27 : vector<16xf32>
        %add3A_1894 = arith.addf %get3A_1892, %mul3A_1893 : vector<16xf32>
        %mul3A_1895 = arith.mulf %gather3A_1793, %get3A_51 : vector<16xf32>
        %add3A_1896 = arith.addf %add3A_1894, %mul3A_1895 : vector<16xf32>
        %swap3A_1897 = arith.index_cast %add3A_1797 : i32 to index
        %swap3A_1898 = arith.constant 112 : index
        %swap3A_1899 = tpu.vector_load %arg14[%swap3A_1897, %swap3A_1898] {strides = array<i32>} : memref<128x128xf32, #tpu.memory_space<vmem>>, vector<1x16xf32>,
        %swap3A_1900 = vector.shape_cast %swap3A_1899 : vector<1x16xf32> to vector<16xf32>
        %swap3A_1901 = vector.shape_cast %add3A_1896 : vector<16xf32> to vector<1x16xf32>
        tpu.vector_store %arg14[%swap3A_1897, %swap3A_1898], %swap3A_1901 {strides = array<i32>} : memref<128x128xf32, #tpu.memory_space<vmem>>, vector<1x16xf32>,
        %broadcast_in_dim3A_1902 = arith.constant 15 : i32
        %broadcast_in_dim3A_1903 = vector.broadcast %broadcast_in_dim3A_1902 : i32 to vector<16x1xi32>
        %gather3A_1904 = vector.shape_cast %broadcast_in_dim3A_1903 : vector<16x1xi32> to vector<16xi32>
        %gather3A_1905 = tpu.dynamic_gather %get3A_161[%gather3A_1904] in [0] : vector<16xf32>, vector<16xi32> -> vector<16xf32>
        %broadcast_in_dim3A_1906 = arith.constant 15 : i32
        %broadcast_in_dim3A_1907 = vector.broadcast %broadcast_in_dim3A_1906 : i32 to vector<16x1xi32>
        %gather3A_1908 = vector.shape_cast %broadcast_in_dim3A_1907 : vector<16x1xi32> to vector<16xi32>
        %gather3A_1909 = tpu.dynamic_gather %get3A_164[%gather3A_1908] in [0] : vector<16xf32>, vector<16xi32> -> vector<16xf32>
        %mul3A_1910 = arith.constant 16 : i32
        %mul3A_1911 = arith.muli %scan3A_153, %mul3A_1910 : i32
        %add3A_1912 = arith.constant 15 : i32
        %add3A_1913 = arith.addi %mul3A_1911, %add3A_1912 : i32
        %get3A_1914 = arith.index_cast %add3A_1913 : i32 to index
        %get3A_1915 = arith.constant 0 : index
        %get3A_1916 = tpu.vector_load %arg16[%get3A_1914, %get3A_1915] {strides = array<i32>} : memref<128x128xf32, #tpu.memory_space<vmem>>, vector<1x16xf32>,
        %get3A_1917 = vector.shape_cast %get3A_1916 : vector<1x16xf32> to vector<16xf32>
        %mul3A_1918 = arith.mulf %gather3A_1905, %get3A_6 : vector<16xf32>
        %add3A_1919 = arith.addf %get3A_1917, %mul3A_1918 : vector<16xf32>
        %mul3A_1920 = arith.mulf %gather3A_1909, %get3A_30 : vector<16xf32>
        %add3A_1921 = arith.addf %add3A_1919, %mul3A_1920 : vector<16xf32>
        %swap3A_1922 = arith.index_cast %add3A_1913 : i32 to index
        %swap3A_1923 = arith.constant 0 : index
        %swap3A_1924 = tpu.vector_load %arg14[%swap3A_1922, %swap3A_1923] {strides = array<i32>} : memref<128x128xf32, #tpu.memory_space<vmem>>, vector<1x16xf32>,
        %swap3A_1925 = vector.shape_cast %swap3A_1924 : vector<1x16xf32> to vector<16xf32>
        %swap3A_1926 = vector.shape_cast %add3A_1921 : vector<16xf32> to vector<1x16xf32>
        tpu.vector_store %arg14[%swap3A_1922, %swap3A_1923], %swap3A_1926 {strides = array<i32>} : memref<128x128xf32, #tpu.memory_space<vmem>>, vector<1x16xf32>,
        %get3A_1927 = arith.index_cast %add3A_1913 : i32 to index
        %get3A_1928 = arith.constant 16 : index
        %get3A_1929 = tpu.vector_load %arg16[%get3A_1927, %get3A_1928] {strides = array<i32>} : memref<128x128xf32, #tpu.memory_space<vmem>>, vector<1x16xf32>,
        %get3A_1930 = vector.shape_cast %get3A_1929 : vector<1x16xf32> to vector<16xf32>
        %mul3A_1931 = arith.mulf %gather3A_1905, %get3A_9 : vector<16xf32>
        %add3A_1932 = arith.addf %get3A_1930, %mul3A_1931 : vector<16xf32>
        %mul3A_1933 = arith.mulf %gather3A_1909, %get3A_33 : vector<16xf32>
        %add3A_1934 = arith.addf %add3A_1932, %mul3A_1933 : vector<16xf32>
        %swap3A_1935 = arith.index_cast %add3A_1913 : i32 to index
        %swap3A_1936 = arith.constant 16 : index
        %swap3A_1937 = tpu.vector_load %arg14[%swap3A_1935, %swap3A_1936] {strides = array<i32>} : memref<128x128xf32, #tpu.memory_space<vmem>>, vector<1x16xf32>,
        %swap3A_1938 = vector.shape_cast %swap3A_1937 : vector<1x16xf32> to vector<16xf32>
        %swap3A_1939 = vector.shape_cast %add3A_1934 : vector<16xf32> to vector<1x16xf32>
        tpu.vector_store %arg14[%swap3A_1935, %swap3A_1936], %swap3A_1939 {strides = array<i32>} : memref<128x128xf32, #tpu.memory_space<vmem>>, vector<1x16xf32>,
        %get3A_1940 = arith.index_cast %add3A_1913 : i32 to index
        %get3A_1941 = arith.constant 32 : index
        %get3A_1942 = tpu.vector_load %arg16[%get3A_1940, %get3A_1941] {strides = array<i32>} : memref<128x128xf32, #tpu.memory_space<vmem>>, vector<1x16xf32>,
        %get3A_1943 = vector.shape_cast %get3A_1942 : vector<1x16xf32> to vector<16xf32>
        %mul3A_1944 = arith.mulf %gather3A_1905, %get3A_12 : vector<16xf32>
        %add3A_1945 = arith.addf %get3A_1943, %mul3A_1944 : vector<16xf32>
        %mul3A_1946 = arith.mulf %gather3A_1909, %get3A_36 : vector<16xf32>
        %add3A_1947 = arith.addf %add3A_1945, %mul3A_1946 : vector<16xf32>
        %swap3A_1948 = arith.index_cast %add3A_1913 : i32 to index
        %swap3A_1949 = arith.constant 32 : index
        %swap3A_1950 = tpu.vector_load %arg14[%swap3A_1948, %swap3A_1949] {strides = array<i32>} : memref<128x128xf32, #tpu.memory_space<vmem>>, vector<1x16xf32>,
        %swap3A_1951 = vector.shape_cast %swap3A_1950 : vector<1x16xf32> to vector<16xf32>
        %swap3A_1952 = vector.shape_cast %add3A_1947 : vector<16xf32> to vector<1x16xf32>
        tpu.vector_store %arg14[%swap3A_1948, %swap3A_1949], %swap3A_1952 {strides = array<i32>} : memref<128x128xf32, #tpu.memory_space<vmem>>, vector<1x16xf32>,
        %get3A_1953 = arith.index_cast %add3A_1913 : i32 to index
        %get3A_1954 = arith.constant 48 : index
        %get3A_1955 = tpu.vector_load %arg16[%get3A_1953, %get3A_1954] {strides = array<i32>} : memref<128x128xf32, #tpu.memory_space<vmem>>, vector<1x16xf32>,
        %get3A_1956 = vector.shape_cast %get3A_1955 : vector<1x16xf32> to vector<16xf32>
        %mul3A_1957 = arith.mulf %gather3A_1905, %get3A_15 : vector<16xf32>
        %add3A_1958 = arith.addf %get3A_1956, %mul3A_1957 : vector<16xf32>
        %mul3A_1959 = arith.mulf %gather3A_1909, %get3A_39 : vector<16xf32>
        %add3A_1960 = arith.addf %add3A_1958, %mul3A_1959 : vector<16xf32>
        %swap3A_1961 = arith.index_cast %add3A_1913 : i32 to index
        %swap3A_1962 = arith.constant 48 : index
        %swap3A_1963 = tpu.vector_load %arg14[%swap3A_1961, %swap3A_1962] {strides = array<i32>} : memref<128x128xf32, #tpu.memory_space<vmem>>, vector<1x16xf32>,
        %swap3A_1964 = vector.shape_cast %swap3A_1963 : vector<1x16xf32> to vector<16xf32>
        %swap3A_1965 = vector.shape_cast %add3A_1960 : vector<16xf32> to vector<1x16xf32>
        tpu.vector_store %arg14[%swap3A_1961, %swap3A_1962], %swap3A_1965 {strides = array<i32>} : memref<128x128xf32, #tpu.memory_space<vmem>>, vector<1x16xf32>,
        %get3A_1966 = arith.index_cast %add3A_1913 : i32 to index
        %get3A_1967 = arith.constant 64 : index
        %get3A_1968 = tpu.vector_load %arg16[%get3A_1966, %get3A_1967] {strides = array<i32>} : memref<128x128xf32, #tpu.memory_space<vmem>>, vector<1x16xf32>,
        %get3A_1969 = vector.shape_cast %get3A_1968 : vector<1x16xf32> to vector<16xf32>
        %mul3A_1970 = arith.mulf %gather3A_1905, %get3A_18 : vector<16xf32>
        %add3A_1971 = arith.addf %get3A_1969, %mul3A_1970 : vector<16xf32>
        %mul3A_1972 = arith.mulf %gather3A_1909, %get3A_42 : vector<16xf32>
        %add3A_1973 = arith.addf %add3A_1971, %mul3A_1972 : vector<16xf32>
        %swap3A_1974 = arith.index_cast %add3A_1913 : i32 to index
        %swap3A_1975 = arith.constant 64 : index
        %swap3A_1976 = tpu.vector_load %arg14[%swap3A_1974, %swap3A_1975] {strides = array<i32>} : memref<128x128xf32, #tpu.memory_space<vmem>>, vector<1x16xf32>,
        %swap3A_1977 = vector.shape_cast %swap3A_1976 : vector<1x16xf32> to vector<16xf32>
        %swap3A_1978 = vector.shape_cast %add3A_1973 : vector<16xf32> to vector<1x16xf32>
        tpu.vector_store %arg14[%swap3A_1974, %swap3A_1975], %swap3A_1978 {strides = array<i32>} : memref<128x128xf32, #tpu.memory_space<vmem>>, vector<1x16xf32>,
        %get3A_1979 = arith.index_cast %add3A_1913 : i32 to index
        %get3A_1980 = arith.constant 80 : index
        %get3A_1981 = tpu.vector_load %arg16[%get3A_1979, %get3A_1980] {strides = array<i32>} : memref<128x128xf32, #tpu.memory_space<vmem>>, vector<1x16xf32>,
        %get3A_1982 = vector.shape_cast %get3A_1981 : vector<1x16xf32> to vector<16xf32>
        %mul3A_1983 = arith.mulf %gather3A_1905, %get3A_21 : vector<16xf32>
        %add3A_1984 = arith.addf %get3A_1982, %mul3A_1983 : vector<16xf32>
        %mul3A_1985 = arith.mulf %gather3A_1909, %get3A_45 : vector<16xf32>
        %add3A_1986 = arith.addf %add3A_1984, %mul3A_1985 : vector<16xf32>
        %swap3A_1987 = arith.index_cast %add3A_1913 : i32 to index
        %swap3A_1988 = arith.constant 80 : index
        %swap3A_1989 = tpu.vector_load %arg14[%swap3A_1987, %swap3A_1988] {strides = array<i32>} : memref<128x128xf32, #tpu.memory_space<vmem>>, vector<1x16xf32>,
        %swap3A_1990 = vector.shape_cast %swap3A_1989 : vector<1x16xf32> to vector<16xf32>
        %swap3A_1991 = vector.shape_cast %add3A_1986 : vector<16xf32> to vector<1x16xf32>
        tpu.vector_store %arg14[%swap3A_1987, %swap3A_1988], %swap3A_1991 {strides = array<i32>} : memref<128x128xf32, #tpu.memory_space<vmem>>, vector<1x16xf32>,
        %get3A_1992 = arith.index_cast %add3A_1913 : i32 to index
        %get3A_1993 = arith.constant 96 : index
        %get3A_1994 = tpu.vector_load %arg16[%get3A_1992, %get3A_1993] {strides = array<i32>} : memref<128x128xf32, #tpu.memory_space<vmem>>, vector<1x16xf32>,
        %get3A_1995 = vector.shape_cast %get3A_1994 : vector<1x16xf32> to vector<16xf32>
        %mul3A_1996 = arith.mulf %gather3A_1905, %get3A_24 : vector<16xf32>
        %add3A_1997 = arith.addf %get3A_1995, %mul3A_1996 : vector<16xf32>
        %mul3A_1998 = arith.mulf %gather3A_1909, %get3A_48 : vector<16xf32>
        %add3A_1999 = arith.addf %add3A_1997, %mul3A_1998 : vector<16xf32>
        %swap3A_2000 = arith.index_cast %add3A_1913 : i32 to index
        %swap3A_2001 = arith.constant 96 : index
        %swap3A_2002 = tpu.vector_load %arg14[%swap3A_2000, %swap3A_2001] {strides = array<i32>} : memref<128x128xf32, #tpu.memory_space<vmem>>, vector<1x16xf32>,
        %swap3A_2003 = vector.shape_cast %swap3A_2002 : vector<1x16xf32> to vector<16xf32>
        %swap3A_2004 = vector.shape_cast %add3A_1999 : vector<16xf32> to vector<1x16xf32>
        tpu.vector_store %arg14[%swap3A_2000, %swap3A_2001], %swap3A_2004 {strides = array<i32>} : memref<128x128xf32, #tpu.memory_space<vmem>>, vector<1x16xf32>,
        %get3A_2005 = arith.index_cast %add3A_1913 : i32 to index
        %get3A_2006 = arith.constant 112 : index
        %get3A_2007 = tpu.vector_load %arg16[%get3A_2005, %get3A_2006] {strides = array<i32>} : memref<128x128xf32, #tpu.memory_space<vmem>>, vector<1x16xf32>,
        %get3A_2008 = vector.shape_cast %get3A_2007 : vector<1x16xf32> to vector<16xf32>
        %mul3A_2009 = arith.mulf %gather3A_1905, %get3A_27 : vector<16xf32>
        %add3A_2010 = arith.addf %get3A_2008, %mul3A_2009 : vector<16xf32>
        %mul3A_2011 = arith.mulf %gather3A_1909, %get3A_51 : vector<16xf32>
        %add3A_2012 = arith.addf %add3A_2010, %mul3A_2011 : vector<16xf32>
        %swap3A_2013 = arith.index_cast %add3A_1913 : i32 to index
        %swap3A_2014 = arith.constant 112 : index
        %swap3A_2015 = tpu.vector_load %arg14[%swap3A_2013, %swap3A_2014] {strides = array<i32>} : memref<128x128xf32, #tpu.memory_space<vmem>>, vector<1x16xf32>,
        %swap3A_2016 = vector.shape_cast %swap3A_2015 : vector<1x16xf32> to vector<16xf32>
        %swap3A_2017 = vector.shape_cast %add3A_2012 : vector<16xf32> to vector<1x16xf32>
        tpu.vector_store %arg14[%swap3A_2013, %swap3A_2014], %swap3A_2017 {strides = array<i32>} : memref<128x128xf32, #tpu.memory_space<vmem>>, vector<1x16xf32>,
      }
      %scan3A_143 = arith.constant 8 : i32
      %add3A_144 = arith.constant 1 : i32
      %add3A_145 = arith.addi %add3A_78, %add3A_144 : i32
      %mul3A_146 = arith.constant 128 : i32
      %mul3A_147 = arith.muli %add3A_145, %mul3A_146 : i32
      %add3A_148 = arith.addi %mul3A_2, %mul3A_147 : i32
      %dma_start3A_149 = arith.constant 0 : i32
      %dma_start3A_150 = tpu.memref_slice %arg8[%add3A_148, %dma_start3A_149] : memref<204800x128xf32, #tpu.memory_space<hbm>> -> memref<128x128xf32, #tpu.memory_space<hbm>>
      %dma_start3A_151 = arith.constant 0 : i32
      %dma_start3A_152 = tpu.memref_slice %arg8[%add3A_148, %dma_start3A_151] : memref<204800x128xf32, #tpu.memory_space<hbm>> -> memref<128x128xf32, #tpu.memory_space<hbm>>
      tpu.enqueue_dma source(%arg14 : memref<128x128xf32, #tpu.memory_space<vmem>>) target(%dma_start3A_152 : memref<128x128xf32, #tpu.memory_space<hbm>>) target_semaphore(%arg22 : memref<!tpu.dma_semaphore, #tpu.memory_space<semaphore_mem>>)
    }
    %scan3A_62 = arith.constant 25 : i32
    %dma_wait3A = arith.constant 0 : i32
    %dma_wait3A_63 = arith.constant 0 : i32
    %dma_wait3A_64 = tpu.memref_slice %arg8[%dma_wait3A, %dma_wait3A_63] : memref<204800x128xf32, #tpu.memory_space<hbm>> -> memref<128x128xf32, #tpu.memory_space<hbm>>
    %dma_wait3A_65 = arith.constant 0 : i32
    %dma_wait3A_66 = arith.constant 0 : i32
    %dma_wait3A_67 = tpu.memref_slice %arg8[%dma_wait3A_65, %dma_wait3A_66] : memref<204800x128xf32, #tpu.memory_space<hbm>> -> memref<128x128xf32, #tpu.memory_space<hbm>>
    tpu.wait_dma2 semaphore(%arg21 : memref<!tpu.dma_semaphore, #tpu.memory_space<semaphore_mem>>) src(%arg13 : memref<128x128xf32, #tpu.memory_space<vmem>>) dst(%dma_wait3A_67 : memref<128x128xf32, #tpu.memory_space<hbm>>)
    %dma_wait3A_68 = arith.constant 0 : i32
    %dma_wait3A_69 = arith.constant 0 : i32
    %dma_wait3A_70 = tpu.memref_slice %arg8[%dma_wait3A_68, %dma_wait3A_69] : memref<204800x128xf32, #tpu.memory_space<hbm>> -> memref<128x128xf32, #tpu.memory_space<hbm>>
    %dma_wait3A_71 = arith.constant 0 : i32
    %dma_wait3A_72 = arith.constant 0 : i32
    %dma_wait3A_73 = tpu.memref_slice %arg8[%dma_wait3A_71, %dma_wait3A_72] : memref<204800x128xf32, #tpu.memory_space<hbm>> -> memref<128x128xf32, #tpu.memory_space<hbm>>
    tpu.wait_dma2 semaphore(%arg22 : memref<!tpu.dma_semaphore, #tpu.memory_space<semaphore_mem>>) src(%arg14 : memref<128x128xf32, #tpu.memory_space<vmem>>) dst(%dma_wait3A_73 : memref<128x128xf32, #tpu.memory_space<hbm>>)
    return
  }
}

module attributes {stable_mosaic.version = 14 : i64} {
  func.func @_project_body(%arg0: memref<3072x8xf32, #tpu.memory_space<vmem>>, %arg1: memref<128x10xf32, #tpu.memory_space<vmem>>, %arg2: memref<1x128xf32, #tpu.memory_space<vmem>>, %arg3: memref<3072x128xf32, #tpu.memory_space<vmem>>) attributes {dimension_semantics = [], scalar_prefetch = 0 : i64, scratch_operands = 0 : i64, tpu.core_type = #tpu.core_type<tc>} {
    %get3A = arith.constant 0 : index
    %get3A_0 = arith.constant 0 : index
    %get3A_1 = vector.load %arg1[%get3A, %get3A_0] : memref<128x10xf32, #tpu.memory_space<vmem>>, vector<128x8xf32>
    %get3A_2 = arith.constant 0 : index
    %get3A_3 = arith.constant 0 : index
    %get3A_4 = vector.load %arg0[%get3A_2, %get3A_3] : memref<3072x8xf32, #tpu.memory_space<vmem>>, vector<3072x8xf32>
    %dot_general3A = arith.constant dense<0.000000e+00> : vector<3072x128xf32>
    %dot_general3A_5 = tpu.matmul %get3A_4, %get3A_1, %dot_general3A {dimension_numbers = #tpu.dot_dimension_numbers<[1], [1], [0], [0], [0, 0, 1, 0], [], []>, transpose_lhs_hint = false} : vector<3072x8xf32>, vector<128x8xf32>, vector<3072x128xf32> -> vector<3072x128xf32>
    %get3A_6 = arith.constant 0 : index
    %get3A_7 = arith.constant 0 : index
    %get3A_8 = vector.load %arg2[%get3A_6, %get3A_7] : memref<1x128xf32, #tpu.memory_space<vmem>>, vector<1x128xf32>
    %add3A = vector.broadcast %get3A_8 : vector<1x128xf32> to vector<3072x128xf32>
    %add3A_9 = arith.addf %dot_general3A_5, %add3A : vector<3072x128xf32>
    %swap3A = arith.constant 0 : index
    %swap3A_10 = arith.constant 0 : index
    %swap3A_11 = vector.load %arg3[%swap3A, %swap3A_10] : memref<3072x128xf32, #tpu.memory_space<vmem>>, vector<3072x128xf32>
    tpu.vector_store %arg3[%swap3A, %swap3A_10], %add3A_9 {strides = array<i32>} : memref<3072x128xf32, #tpu.memory_space<vmem>>, vector<3072x128xf32>,
    return
  }
}

</mosaic_0001>

<sc_bundles>
// kernel: kernel.4.cloned.1.call-start
scs
__scs_entry_jumppad:
0x0: {  	(pc) =	sbr.rel $0x88, $3  }
0x1: {  	(tag) =	ssettag $0x0;
	lr =	simm.s32 $0x1  }
0x2: {  	[smem:$0x3F9B] =	sst lr;
	_ =	strace $0xD0000000  }
0x3: {  	_ = 	snop  }
0x4: {  	_ = 	snop  }
0x5: {  	_ = 	snop  }
0x6: {  	_ = 	snop  }
0x7: {  	_ = 	snop  }
__scs_overlays_trampoline_lowered:
0x8: {  	[smem:$0x3FAA] =	sst s0  }
0x9: {  	[smem:$0x3FAB] =	sst s1  }
0xa: {  	[smem:$0x3FAC] =	sst s2  }
0xb: {  	[smem:$0x3FAD] =	sst s3  }
0xc: {  	[smem:$0x3FAE] =	sst s4  }
0xd: {  	[smem:$0x3FAF] =	sst s5  }
0xe: {  	[smem:$0x3FB0] =	sst s6  }
0xf: {  	[smem:$0x3FB1] =	sst s7  }
0x10: {  	[smem:$0x3FB2] =	sst s8  }
0x11: {  	[smem:$0x3FB3] =	sst s9;
	s0 =	simm.s32 @!p0 $0x0  }
0x12: {  	s1 =	sld [smem:$0x3F99];
	s0 =	simm.s32 @p0 $0x1  }
0x13: {  	[smem:$0x3FB4] =	sst s0;
	s0 =	simm.s32 @!p1 $0x0  }
0x14: {  	s2 =	sld [smem:$0x3F98];
	s0 =	simm.s32 @p1 $0x1  }
0x15: {  	[smem:$0x3FB5] =	sst s0;
	s0 =	simm.s32 @!p2 $0x0  }
0x16: {  	s3 =	sld [smem:$0x3FDB];
	s0 =	simm.s32 @p2 $0x1  }
0x17: {  	s4 =	simm.s32 $0x1BF5;
	[smem:$0x3FB7] =	sst s0  }
0x18: {  	s0 =	sld [smem:$0x3F9A];
	_ =	swait.ge [sflag:s4], $0x0  }
0x19: {  	s7 =	sld [smem:$0x3F9B]  }
0x1a: {  	s8 =	sadd.s32 $0xFFFFE003, lr  }
0x1b: {  	s9 =	sadd.s32 $0xFFFFFEF7, lr;
	s5 =	simm.s32 $0xFFFFFFFF;
	p2 =	slt.u32 s8, $0xFFFFF086  }
0x1c: {  	p1 =	slt.u32 s9, $0xF7A;
	s5 =	simm.s32 @!p2 $0x0  }
0x1d: {  	s5 =	simm.s32 @p1 $0x1;
	p0 =	seq.s32 s7, s2  }
0x1e: {  	s7 =	smul.u32 @!p0 $0xF7A, s2;
	p2 =	seq.s32 @!p0 s5, $0x0  }
0x1f: {  	s9 =	smul.u32 $0xF7A, s1;
	s8 =	simm.s32 @!p0 $0x1BF5;
	p2 =	por !p2, p0  }
0x20: {  	[sflag:s8] =	ssyncset.s32 @!p0 $0xFFFFF086;
	s6 =	sadd.s32 @!p0 s3, s7;
	s7 =	simm.s32 @!p0 $0x108  }
0x21: {  	s3 =	sadd.s32 s3, s9;
	s6 =	sadd.s32 @!p0 $0x88, s6;
	s7 =	simm.s32 @p2 $0x1082  }
0x22: {  	[simem:s7], [sflag:s8] =	dma.local @!p0 [hbm:s6], $0xF7A  }
0x23: {  	s9 =	sor.u32 $0xD0000000, s2;
	s6 =	simm.s32 $0x108;
	_ =	swait.ge @!p0 [sflag:s8], $0x0  }
0x24: {  	s3 =	sadd.s32 $0x88, s3;
	s6 =	simm.s32 @!p1 $0x1082;
	[sflag:s4] =	ssyncset.s32 $0xFFFFF086  }
0x25: {  	[simem:s6], [sflag:s4] =	dma.local [hbm:s3], $0xF7A  }
0x26: {  	[smem:$0x3F9B] =	sst s1;
	(tag) =	ssettag s2;
	_ =	strace s9  }
0x27: {  	s1 =	sld [smem:$0x3FAB]  }
0x28: {  	s2 =	sld [smem:$0x3FAC]  }
0x29: {  	s4 =	sld [smem:$0x3FAE]  }
0x2a: {  	p0 =	seq.s32 s5, $0x0;
	s5 =	sld [smem:$0x3FAF]  }
0x2b: {  	s6 =	sld [smem:$0x3FB0]  }
0x2c: {  	s7 =	sld [smem:$0x3FB1]  }
0x2d: {  	s3 =	simm.s32 $0x108;
	s8 =	sld [smem:$0x3FB2]  }
0x2e: {  	s3 =	simm.s32 @!p0 $0x1082;
	s9 =	sld [smem:$0x3FB3]  }
0x2f: {  	lr =	sadd.s32 s0, s3;
	s0 =	sld [smem:$0x3FAA]  }
0x30: {  	s3 =	sld [smem:$0x3FAD]  }
0x31: {  	[smem:$0x3FB6] =	sst s10  }
0x32: {  	s10 =	sld [smem:$0x3FB4];
	_ =	sdelay $0x3  }
0x33: {  	p0 =	seq.s32 s10, $0x1;
	s10 =	sld [smem:$0x3FB6];
	_ =	sdelay $0x3  }
0x34: {  	[smem:$0x3FB6] =	sst s10  }
0x35: {  	s10 =	sld [smem:$0x3FB5];
	_ =	sdelay $0x3  }
0x36: {  	p1 =	seq.s32 s10, $0x1;
	s10 =	sld [smem:$0x3FB6];
	_ =	sdelay $0x3  }
0x37: {  	[smem:$0x3FB6] =	sst s10  }
0x38: {  	s10 =	sld [smem:$0x3FB7]  }
0x39: {  	_ = 	snop;
	(pc) =	sbr.ind lr, $3  }
0x3a: {  	_ = 	snop  }
0x3b: {  	_ = 	snop  }
0x3c: {  	p2 =	seq.s32 s10, $0x1;
	s10 =	sld [smem:$0x3FB6]  }
0x3d: {  	_ =	shalt  }
0x3e: {  	_ =	shalt  }
0x3f: {  	_ =	shalt  }
0x40: {  	_ =	shalt  }
0x41: {  	_ =	shalt  }
0x42: {  	_ =	shalt  }
0x43: {  	_ =	shalt  }
0x44: {  	_ =	shalt  }
0x45: {  	_ =	shalt  }
0x46: {  	_ =	shalt  }
0x47: {  	_ =	shalt  }
0x48: {  	_ =	shalt  }
0x49: {  	_ =	shalt  }
0x4a: {  	_ =	shalt  }
0x4b: {  	_ =	shalt  }
0x4c: {  	_ =	shalt  }
0x4d: {  	_ =	shalt  }
0x4e: {  	_ =	shalt  }
0x4f: {  	_ =	shalt  }
0x50: {  	_ =	shalt  }
0x51: {  	_ =	shalt  }
0x52: {  	_ =	shalt  }
0x53: {  	_ =	shalt  }
0x54: {  	_ =	shalt  }
0x55: {  	_ =	shalt  }
0x56: {  	_ =	shalt  }
0x57: {  	_ =	shalt  }
0x58: {  	_ =	shalt  }
0x59: {  	_ =	shalt  }
0x5a: {  	_ =	shalt  }
0x5b: {  	_ =	shalt  }
0x5c: {  	_ =	shalt  }
0x5d: {  	_ =	shalt  }
0x5e: {  	_ =	shalt  }
0x5f: {  	_ =	shalt  }
0x60: {  	_ =	shalt  }
0x61: {  	_ =	shalt  }
0x62: {  	_ =	shalt  }
0x63: {  	_ =	shalt  }
0x64: {  	_ =	shalt  }
0x65: {  	_ =	shalt  }
0x66: {  	_ =	shalt  }
0x67: {  	_ =	shalt  }
0x68: {  	_ =	shalt  }
0x69: {  	_ =	shalt  }
0x6a: {  	_ =	shalt  }
0x6b: {  	_ =	shalt  }
0x6c: {  	_ =	shalt  }
0x6d: {  	_ =	shalt  }
0x6e: {  	_ =	shalt  }
0x6f: {  	_ =	shalt  }
0x70: {  	_ =	shalt  }
0x71: {  	_ =	shalt  }
0x72: {  	_ =	shalt  }
0x73: {  	_ =	shalt  }
0x74: {  	_ =	shalt  }
0x75: {  	_ =	shalt  }
0x76: {  	_ =	shalt  }
0x77: {  	_ =	shalt  }
0x78: {  	_ =	shalt  }
0x79: {  	_ =	shalt  }
0x7a: {  	_ =	shalt  }
0x7b: {  	_ =	shalt  }
0x7c: {  	_ =	shalt  }
0x7d: {  	_ =	shalt  }
0x7e: {  	_ =	shalt  }
0x7f: {  	_ =	shalt  }
0x80: {  	_ =	shalt  }
0x81: {  	_ =	shalt  }
0x82: {  	_ =	shalt  }
0x83: {  	_ =	shalt  }
0x84: {  	_ =	shalt  }
0x85: {  	_ =	shalt  }
0x86: {  	_ =	shalt  }
0x87: {  	_ =	shalt  }
.Lfunc_end0:
.L_simem_size_0:
called_computation_lowered:
.L_overlay_start_0:
0x88: {  	s2 =	sld [smem:$0x3FD9]  }
0x89: {  	s3 =	sld [smem:$0x3FFE];
	_ =	sdelay $0x1  }
0x8a: {  	s1 =	srdreg.scid  }
0x8b: {  	s0 =	sand.u32 $0x1, s1  }
0x8c: {  	s17 =	sshll.u32 s0, $0xA;
	s2 =	sadd.s32 s3, s2  }
0x8d: {  	s2 =	sadd.s32 s2, s17  }
0x8e: {  	[smem:$0x3FC2] =	sst s2  }
0x8f: {  	_ = 	snop  }
0x90: {  	s2 =	sld [smem:$0x3FD0];
	(tm) =	ssettm $0x1  }
0x91: {  	s18 =	sld [smem:$0x3FFB];
	_ =	sdelay $0x3  }
0x92: {  	_ =	strace s18  }
0x93: {  	s3 =	sld [smem:$0x3FFC];
	_ =	sdelay $0x3  }
0x94: {  	_ =	strace s3  }
0x95: {  	s3 =	sld [smem:$0x3FFD];
	_ =	sdelay $0x3  }
0x96: {  	_ =	strace s3  }
0x97: {  	_ =	strace $0x8FFFFFFF  }
0x98: {  	s19 =	sld [smem:$0x3FDB];
	_ =	sdelay $0x1  }
0x99: {  	s4 =	simm.s32 $_scs_section_size  }
0x9a: {  	s5 =	simm.s32 $_size__tile_overlayer_lowered;
	s6 =	simm.s32 $_tile_overlayer_lowered  }
0x9b: {  	s22 =	simm.s32 $0x1BFF;
	s21 =	sshll.u32 s6, $0x1;
	s3 =	sadd.s32 s4, s19  }
0x9c: {  	s7 =	simm.s32 $0x0;
	s20 =	sshll.u32 s5, $0x1;
	s5 =	sadd.s32 s21, s3  }
0x9d: {  	[timem:s7], [sflag:s22] =	dma.local [hbm:s5], s20  }
0x9e: {  	_ =	swait.ge [sflag:s22], s20  }
0x9f: {  	s4 =	ssub.s32 $0x0, s20;
	[sflag:s22] =	ssyncset.done $0x0  }
0xa0: {  	[sflag:s22] =	ssyncadd.s32 s4;
	_ =	sdelay $0x1  }
0xa1: {  	s23 =	simm.s32 $0x1B8B  }
0xa2: {  	_ =	swait.ge [sflag:s23], $0x1  }
0xa3: {  	[sflag:s23] =	ssyncset.done $0x0  }
0xa4: {  	s25 =	simm.s32 $0x1B8E;
	s24 =	sld [smem:$0x3FFE];
	[sflag:s23] =	ssyncadd.s32 $0xFFFFFFFF  }
0xa5: {  	s26 =	simm.s32 $execute0_lowered;
	[smem:$0x3FD2] =	sst s25  }
0xa6: {  	s5 =	sshll.u32 s26, $0x1;
	_ =	strace $0x80000046;
	[dreg:$0x1] =	wrdreg $0xFFFFFFFF  }
0xa7: {  	s28 =	simm.s32 $_size_execute0_lowered;
	s3 =	sadd.s32 s3, s5;
	[dreg:$0x0] =	wrdreg $0x0  }
0xa8: {  	s5 =	sshll.u32 s28, $0x1;
	[dreg:$0x2] =	wrdreg s3  }
0xa9: {  	[dreg:$0x3] =	wrdreg s5  }
0xaa: {  	[dreg:$0x4] =	wrdreg $0xC0  }
0xab: {  	_ =	task [dreg:s7], $0x5FFFF  }
0xac: {  	[dreg:$0x1] =	wrdreg $0xFFFFFFFF  }
0xad: {  	[dreg:$0x0] =	wrdreg $0x60  }
0xae: {  	[dreg:$0x2] =	wrdreg s24  }
0xaf: {  	[dreg:$0x3] =	wrdreg s2  }
0xb0: {  	[dreg:$0x4] =	wrdreg $0x0  }
0xb1: {  	[dreg:$0x5] =	wrdreg $0x9  }
0xb2: {  	_ =	task.clear_ibuf [dreg:s7], $0x6FFFF;
	_ =	strace $0x90000046  }
0xb3: {  	s29 =	simm.s32 $0x9;
	_ =	strace $0x80000048  }
0xb4: {  	_ =	swait.ge [sflag:s29], $0x1  }
0xb5: {  	[sflag:s29] =	ssyncadd.s32 $0xFFFFFFFF  }
0xb6: {  	_ =	strace $0x90000048  }
0xb7: {  	_ =	sfence  }
0xb8: {  	s30 =	sld [smem:$0x0];
	_ =	sdelay $0x2  }
0xb9: {  	s31 =	sshll.u32 s1, $0xD;
	s1 =	sshrl.u32 s1, $0x2  }
0xba: {  	s3 =	sand.u32 $0x4000, s31;
	s1 =	sadd.s32 s1, s30  }
0xbb: {  	s0 =	sor.u32 s3, s0;
	s1 =	sshll.u32 s1, $0x11  }
0xbc: {  	s0 =	sor.u32 s1, s0  }
0xbd: {  	s0 =	sadd.s32 $0x8F2B, s0  }
0xbe: {  	[sflag:s0] =	ssyncadd.remote.s32 $0x1  }
0xbf: {  	_ =	sfence.sel $0xFFFF  }
0xc0: {  	[dreg:$0x0] =	wrdreg $0xFFFFFFFF;
	(pc) =	sbr.abs _section_cstart, $3  }
0xc1: {  	[dreg:$0x1] =	wrdreg $0xFFFFFFFF  }
0xc2: {  	_ =	task.clear_ibuf [dreg:s7], $0x2FFFF;
	_ =	strace $0x9FFFFFFF  }
0xc3: {  	(tm) =	ssettm $0x7FFFFFFF  }
tec
execute0_lowered:
.L_overlay_start_1:
0x0: {  	(tag) =	ssettag $0x1  }
0x1: {  	s0 =	rddreg [dreg:$0x0];
	s2 =	srdreg.scid  }
0x2: {  	s12 =	stileid.u32;
	s1 =	rddreg [dreg:$0x1];
	s15 =	simm.s32 $0x5  }
0x3: {  	s20 =	simm.s32 $0x80;
	s21 =	simm.s32 $0x12B00;
	s22 =	simm.s32 $0x16B00  }
0x4: {  	s23 =	simm.s32 $0x1;
	s24 =	simm.s32 $0xAB00;
	s25 =	simm.s32 $0x2  }
0x5: {  	s26 =	simm.s32 $0x4;
	s28 =	simm.s32 $0xEB00;
	s29 =	simm.s32 $0x3  }
0x6: {  	s30 =	simm.s32 $0x0;
	s6 =	sand.u32 $0x1, s2;
	s3 =	sshll.u32 s12, $0x1  }
0x7: {  	s2 =	rddreg [dreg:$0x2];
	s5 =	sadd.s32 $0x14000, s0;
	s11 =	sor.u32 s6, s3  }
0x8: {  	v0 =	vimm.s32 $0x0;
	p0 =	sne.s32 s12, $0x0;
	s3 =	simm.s32 $0x0;
	s4 =	smul.u32 $0x1900, s11  }
0x9: {  	v1 =	vimm.s32 $0x1;
	v2 =	vimm.s32 $0x2;
	v3 =	vimm.s32 $0x3;
	s8 =	ssub.s32 $0x2, s6;
	s6 =	sadd.s32 $0x1200, s0;
	s13 =	sshrl.u32 @!p0 s2, $0x3  }
0xa: {  	v4 =	vimm.s32 $0x4;
	v5 =	vimm.s32 $0x5;
	v6 =	vimm.s32 $0x6;
	[smem:$0x7FF] =	sst s3;
	s31 =	sshrl.u32 s8, $0x1;
	s7 =	sshrl.u32 s4, $0x3  }
0xb: {  	v7 =	vimm.s32 $0x7;
	v8 =	vimm.s32 $0x8;
	v9 =	vimm.s32 $0x9;
	s11 =	smul.u32 $0xC8000, s11;
	_ =	strace $0x80000047;
	s10 =	sadd.s32 s7, s0  }
0xc: {  	v10 =	vimm.s32 $0xA;
	v11 =	vimm.s32 $0xB;
	v12 =	vimm.s32 $0xC;
	s7 =	sadd.s32 $0x1000, s0;
	s0 =	ssub.s32 s8, s31;
	s8 =	sadd.s32 $0x1400, s10  }
0xd: {  	v13 =	vimm.s32 $0xD;
	v14 =	vimm.s32 $0xE;
	v15 =	vimm.s32 $0xF;
	s9 =	sadd.s32 $0x7800, s10;
	s10 =	sadd.s32 $0xDC00, s10;
	s12 =	smax.u32 s0, $0x1  }
.LBB2_1:
0xe: {  	s0 =	simm.s32 @!p0 $0x1C05  }
0xf: {  	[spmem:s13], [sflag:s0] =	dma.local @!p0 [hbm:s5], $0xC000  }
0x10: {  	s0 =	simm.s32 @!p0 $0x5  }
0x11: {  	_ =	swait.ge @!p0 [sflag:s0], $0xC000  }
0x12: {  	[sflag:s0] =	ssyncset.done @!p0 $0x0  }
0x13: {  	s16 =	simm.s32 $0x1AB00;
	[sflag:s0] =	ssyncadd.s32 @!p0 $0xFFFF4000  }
0x14: {  	[tilespmem:s16], [sflag:$0x5] =	stream.linear.gather [hbm4b:s6+s3], $0x80, $0x38;
	[tilespmem:$0x1AC00] =	vst v63  }
0x15: {  	_ =	swait.ge [sflag:s15], $0x80  }
0x16: {  	[sflag:s15] =	ssyncset.done $0x0  }
0x17: {  	s17 =	simm.s32 $0x1AB80;
	[sflag:s15] =	ssyncadd.s32 $0xFFFFFF80  }
0x18: {  	[tilespmem:s17], [sflag:$0x5] =	stream.linear.gather [hbm4b:s7+s3], $0x80, $0x38;
	[tilespmem:$0x1AC00] =	vst v63  }
0x19: {  	_ =	swait.ge [sflag:s15], $0x80  }
0x1a: {  	[sflag:s15] =	ssyncset.done $0x0  }
0x1b: {  	[sflag:s15] =	ssyncadd.s32 $0xFFFFFF80  }
0x1c: {  	v16 =	vld [tilespmem:$0x1AB00]  }
0x1d: {  	v17 =	vld [tilespmem:$0x1AB10]  }
0x1e: {  	v18 =	vld [tilespmem:$0x1AB20]  }
0x1f: {  	v19 =	vld [tilespmem:$0x1AB30]  }
0x20: {  	v20 =	vld [tilespmem:$0x1AB40]  }
0x21: {  	v21 =	vld [tilespmem:$0x1AB50]  }
0x22: {  	v22 =	vld [tilespmem:$0x1AB60]  }
0x23: {  	v23 =	vld [tilespmem:$0x1AB70]  }
0x24: {  	v24 =	vld [tilespmem:$0x1AB80]  }
0x25: {  	v25 =	vld [tilespmem:$0x1AB90]  }
0x26: {  	v26 =	vld [tilespmem:$0x1ABA0]  }
0x27: {  	v27 =	vld [tilespmem:$0x1ABB0]  }
0x28: {  	v28 =	vld [tilespmem:$0x1ABC0]  }
0x29: {  	v29 =	vld [tilespmem:$0x1ABD0]  }
0x2a: {  	s18 =	simm.s32 $0x6000;
	v30 =	vld [tilespmem:$0x1ABE0]  }
0x2b: {  	v31 =	vld [tilespmem:$0x1ABF0];
	[tilespmem:s18], [sflag:$0x5] =	stream.linear.gather [hbm4b:s8+s3], $0x1900, $0x38  }
0x2c: {  	_ =	swait.ge [sflag:s15], $0x1900  }
0x2d: {  	[sflag:s15] =	ssyncset.done $0x0  }
0x2e: {  	s14 =	simm.s32 $0x7900;
	[sflag:s15] =	ssyncadd.s32 $0xFFFFE700  }
0x2f: {  	[tilespmem:s14], [sflag:$0x5] =	stream.linear.gather [hbm4b:s9+s3], $0x1900, $0x38;
	[tilespmem:$0x1AC00] =	vst v63  }
0x30: {  	_ =	swait.ge [sflag:s15], $0x1900  }
0x31: {  	[sflag:s15] =	ssyncset.done $0x0  }
0x32: {  	s19 =	simm.s32 $0x9200;
	[sflag:s15] =	ssyncadd.s32 $0xFFFFE700  }
0x33: {  	[tilespmem:s19], [sflag:$0x5] =	stream.linear.gather [hbm4b:s10+s3], $0x1900, $0x38;
	[tilespmem:$0x1AC00] =	vst v63  }
0x34: {  	_ =	swait.ge [sflag:s15], $0x1900  }
0x35: {  	[sflag:s15] =	ssyncset.done $0x0  }
0x36: {  	[sflag:s15] =	ssyncadd.s32 $0xFFFFE700  }
0x37: {  	s31 =	simm.s32 $0x0;
	[bflag:$0x0] =	sbarrier.arrive $0xFFFF  }
0x38: {  	[tilespmem:s21], [sflag:$0x1] =	stream.indirect.gather [spmem:s2], $0x80, s18, s20, $0xb8;
	[tilespmem:$0x1AC00] =	vst v63  }
.LBB2_2:
0x39: {  	s14 =	sshll.u32 s31, $0x8  }
0x3a: {  	s0 =	sadd.s32 $0x6080, s14  }
0x3b: {  	[tilespmem:s22], [sflag:$0x2] =	stream.indirect.gather [spmem:s2], $0x80, s0, s20, $0xb8;
	[tilespmem:$0x1AC00] =	vst v63  }
0x3c: {  	_ =	swait.ge [sflag:s23], $0x4000  }
0x3d: {  	p1 =	seq.s32 s31, $0x0;
	v32 =	vmov s14;
	[sflag:s23] =	ssyncset.done $0x0  }
0x3e: {  	s16 =	simm.s32 @!p1 $0x3;
	[sflag:s23] =	ssyncadd.s32 $0xFFFFC000  }
0x3f: {  	_ =	swait.ge @!p1 [sflag:s16], $0x4000  }
0x40: {  	s17 =	simm.s32 $0x0;
	s18 =	simm.s32 $0x1;
	[sflag:s16] =	ssyncset.done @!p1 $0x0  }
0x41: {  	s0 =	sor.u32 $0x80, s14;
	[sflag:s16] =	ssyncadd.s32 @!p1 $0xFFFFC000;
	s16 =	simm.s32 $0x0  }
.LBB2_3:
0x42: {  	p2 =	sne.s32 s18, $0x7;
	v38 =	vld.idx.msk [tilespmem:v32+s17+$0x7900 ss:$0x1], $0xffff;
	_ =	sdelay $0x1  }
0x43: {  	v37 =	vld.idx.msk [tilespmem:v32+s17+$0x9200 ss:$0x1], $0xffff;
	_ =	sdelay $0x1  }
0x44: {  	s19 =	sshll.u32 s16, $0xB;
	s16 =	smov.u32 s18  }
0x45: {  	v40 =	vld [tilespmem:s19+$0x132E0]  }
0x46: {  	v35 =	vperm.xlane v38, v0;
	v33 =	vperm.xlane v38, v15;
	v41 =	vld [tilespmem:s19+$0x12B30]  }
0x47: {  	v39 =	vperm.xlane v38, v13;
	v43 =	vperm.xlane v38, v14;
	v42 =	vld [tilespmem:s19+$0x12B20]  }
0x48: {  	v34 =	vperm.xlane v37, v15;
	v44 =	vmul.f32 v33, v22  }
0x49: {  	v36 =	vperm.xlane v37, v0;
	v46 =	vmul.f32 v35, v19;
	v45 =	vld [tilespmem:s19+$0x12B10]  }
0x4a: {  	v47 =	vmul.f32 v35, v18;
	v48 =	vld [tilespmem:s19+$0x13270];
	v40 =	vadd.f32 v40, v44;
	v44 =	vmul.f32 v34, v30  }
0x4b: {  	v49 =	vmul.f32 v36, v26;
	v41 =	vadd.f32 v41, v46;
	v46 =	vmul.f32 v36, v27;
	v50 =	vld [tilespmem:s19+$0x132F0]  }
0x4c: {  	v51 =	vmul.f32 v35, v17;
	v42 =	vadd.f32 v42, v47;
	v40 =	vadd.f32 v40, v44  }
0x4d: {  	v44 =	vmul.f32 v36, v25;
	v47 =	vmul.f32 v43, v23;
	v41 =	vadd.f32 v41, v46;
	v46 =	vld [tilespmem:s19+$0x13260]  }
0x4e: {  	v45 =	vadd.f32 v45, v51;
	v42 =	vadd.f32 v42, v49;
	[tilespmem:s19+$0xB2E0] =	vst v40;
	v40 =	vmul.f32 v33, v23  }
0x4f: {  	[tilespmem:s19+$0xAB30] =	vst v41;
	v41 =	vperm.xlane v37, v14;
	v49 =	vld [tilespmem:s19+$0x13250];
	v47 =	vadd.f32 v48, v47;
	v48 =	vmul.f32 v34, v31  }
0x50: {  	v44 =	vadd.f32 v45, v44;
	[tilespmem:s19+$0xAB20] =	vst v42;
	v42 =	vld [tilespmem:s19+$0x13240];
	v45 =	vmul.f32 v43, v22;
	v40 =	vadd.f32 v50, v40  }
0x51: {  	v50 =	vmul.f32 v41, v30;
	v51 =	vmul.f32 v41, v31  }
0x52: {  	v52 =	vmul.f32 v43, v21;
	[tilespmem:s19+$0xAB10] =	vst v44;
	v44 =	vld [tilespmem:s19+$0x13230];
	v45 =	vadd.f32 v46, v45;
	v40 =	vadd.f32 v40, v48  }
0x53: {  	v53 =	vmul.f32 v41, v29;
	v48 =	vmul.f32 v43, v20;
	v46 =	vld [tilespmem:s19+$0x13220];
	v47 =	vadd.f32 v47, v51  }
0x54: {  	v54 =	vmul.f32 v41, v28;
	v51 =	vld [tilespmem:s19+$0x13210];
	v49 =	vadd.f32 v49, v52;
	v45 =	vadd.f32 v45, v50;
	[tilespmem:s19+$0xB2F0] =	vst v40  }
0x55: {  	v50 =	vmul.f32 v43, v19;
	v52 =	vmul.f32 v41, v27;
	v40 =	vld [tilespmem:s19+$0x13200];
	v42 =	vadd.f32 v42, v48;
	[tilespmem:s19+$0xB270] =	vst v47  }
0x56: {  	v47 =	vmul.f32 v43, v18;
	v48 =	vmul.f32 v41, v26;
	v49 =	vadd.f32 v49, v53;
	[tilespmem:s19+$0xB260] =	vst v45  }
0x57: {  	v53 =	vmul.f32 v43, v17;
	v45 =	vld [tilespmem:s19+$0x131F0];
	v44 =	vadd.f32 v44, v50;
	v42 =	vadd.f32 v42, v54  }
0x58: {  	v43 =	vmul.f32 v43, v16;
	v54 =	vmul.f32 v41, v25;
	v50 =	vld [tilespmem:s19+$0x131E0];
	v46 =	vadd.f32 v46, v47;
	[tilespmem:s19+$0xB250] =	vst v49  }
0x59: {  	v41 =	vmul.f32 v41, v24;
	v47 =	vld [tilespmem:s19+$0x131D0];
	v49 =	vadd.f32 v51, v53;
	v44 =	vadd.f32 v44, v52;
	[tilespmem:s19+$0xB240] =	vst v42  }
0x5a: {  	v42 =	vmul.f32 v39, v23;
	v40 =	vadd.f32 v40, v43;
	v43 =	vadd.f32 v46, v48  }
0x5b: {  	v51 =	vmul.f32 v39, v22;
	v46 =	vperm.xlane v37, v13;
	v48 =	vld [tilespmem:s19+$0x131C0];
	v49 =	vadd.f32 v49, v54;
	[tilespmem:s19+$0xB230] =	vst v44  }
0x5c: {  	v44 =	vmul.f32 v39, v21;
	v42 =	vadd.f32 v45, v42;
	v40 =	vadd.f32 v40, v41;
	[tilespmem:s19+$0xB220] =	vst v43  }
0x5d: {  	v45 =	vmul.f32 v46, v30;
	v41 =	vld [tilespmem:s19+$0x131B0];
	v43 =	vadd.f32 v50, v51;
	v50 =	vmul.f32 v46, v31;
	[tilespmem:s19+$0xB210] =	vst v49  }
0x5e: {  	v51 =	vmul.f32 v39, v20;
	v49 =	vld [tilespmem:s19+$0x131A0];
	v44 =	vadd.f32 v47, v44;
	v47 =	vmul.f32 v46, v29;
	[tilespmem:s19+$0xB200] =	vst v40  }
0x5f: {  	v40 =	vmul.f32 v46, v28;
	v43 =	vadd.f32 v43, v45;
	v42 =	vadd.f32 v42, v50  }
0x60: {  	v50 =	vmul.f32 v39, v19;
	v45 =	vld [tilespmem:s19+$0x13190];
	v48 =	vadd.f32 v48, v51;
	v44 =	vadd.f32 v44, v47  }
0x61: {  	v52 =	vmul.f32 v46, v27;
	v51 =	vmul.f32 v39, v18;
	v47 =	vld [tilespmem:s19+$0x13180];
	[tilespmem:s19+$0xB1F0] =	vst v42  }
0x62: {  	v42 =	vmul.f32 v46, v26;
	v41 =	vadd.f32 v41, v50;
	v40 =	vadd.f32 v48, v40;
	[tilespmem:s19+$0xB1E0] =	vst v43  }
0x63: {  	v48 =	vmul.f32 v39, v17;
	v50 =	vmul.f32 v46, v25;
	v43 =	vld [tilespmem:s19+$0x13160];
	v49 =	vadd.f32 v49, v51;
	[tilespmem:s19+$0xB1D0] =	vst v44  }
0x64: {  	v39 =	vmul.f32 v39, v16;
	v46 =	vmul.f32 v46, v24;
	v44 =	vld [tilespmem:s19+$0x13170];
	v41 =	vadd.f32 v41, v52;
	[tilespmem:s19+$0xB1C0] =	vst v40  }
0x65: {  	v40 =	vperm.xlane v38, v12;
	v45 =	vadd.f32 v45, v48;
	v42 =	vadd.f32 v49, v42  }
0x66: {  	v48 =	vperm.xlane v38, v11;
	v49 =	vperm.xlane v37, v12;
	v51 =	vld [tilespmem:s19+$0x13140];
	v39 =	vadd.f32 v47, v39;
	[tilespmem:s19+$0xB1B0] =	vst v41  }
0x67: {  	v47 =	vmul.f32 v40, v22;
	v52 =	vmul.f32 v40, v23;
	v41 =	vld [tilespmem:s19+$0x13150];
	v45 =	vadd.f32 v45, v50;
	[tilespmem:s19+$0xB1A0] =	vst v42  }
0x68: {  	v42 =	vmul.f32 v49, v30;
	v50 =	vmul.f32 v49, v31;
	v39 =	vadd.f32 v39, v46  }
0x69: {  	v53 =	vmul.f32 v40, v21;
	v43 =	vadd.f32 v43, v47;
	v46 =	vld [tilespmem:s19+$0x13120];
	v44 =	vadd.f32 v44, v52;
	[tilespmem:s19+$0xB190] =	vst v45  }
0x6a: {  	v47 =	vmul.f32 v40, v20;
	v52 =	vmul.f32 v49, v29;
	v45 =	vld [tilespmem:s19+$0x13130];
	[tilespmem:s19+$0xB180] =	vst v39  }
0x6b: {  	v39 =	vmul.f32 v49, v28;
	v42 =	vadd.f32 v43, v42;
	v43 =	vadd.f32 v44, v50  }
0x6c: {  	v50 =	vmul.f32 v40, v19;
	v47 =	vadd.f32 v51, v47;
	v44 =	vld [tilespmem:s19+$0x13100];
	v41 =	vadd.f32 v41, v53  }
0x6d: {  	v54 =	vmul.f32 v49, v27;
	v53 =	vmul.f32 v40, v18;
	v51 =	vld [tilespmem:s19+$0x13110];
	[tilespmem:s19+$0xB170] =	vst v43  }
0x6e: {  	v43 =	vmul.f32 v49, v26;
	v39 =	vadd.f32 v47, v39;
	v41 =	vadd.f32 v41, v52;
	[tilespmem:s19+$0xB160] =	vst v42  }
0x6f: {  	v47 =	vmul.f32 v40, v17;
	v46 =	vadd.f32 v46, v53;
	v42 =	vld [tilespmem:s19+$0x130E0];
	v45 =	vadd.f32 v45, v50  }
0x70: {  	v40 =	vmul.f32 v40, v16;
	v52 =	vmul.f32 v49, v25;
	v50 =	vld [tilespmem:s19+$0x130F0];
	[tilespmem:s19+$0xB150] =	vst v41  }
0x71: {  	v49 =	vmul.f32 v49, v24;
	v43 =	vadd.f32 v46, v43;
	v41 =	vld [tilespmem:s19+$0x130D0];
	v45 =	vadd.f32 v45, v54;
	[tilespmem:s19+$0xB140] =	vst v39  }
0x72: {  	v39 =	vmul.f32 v48, v23;
	v40 =	vadd.f32 v44, v40;
	v44 =	vadd.f32 v51, v47  }
0x73: {  	v46 =	vperm.xlane v37, v11;
	v47 =	vmul.f32 v48, v22;
	[tilespmem:s19+$0xB130] =	vst v45  }
0x74: {  	v51 =	vmul.f32 v48, v21;
	v40 =	vadd.f32 v40, v49;
	v45 =	vld [tilespmem:s19+$0x130C0];
	v44 =	vadd.f32 v44, v52;
	[tilespmem:s19+$0xB120] =	vst v43  }
0x75: {  	v42 =	vadd.f32 v42, v47;
	v47 =	vmul.f32 v46, v31;
	v43 =	vld [tilespmem:s19+$0x130B0];
	v39 =	vadd.f32 v50, v39  }
0x76: {  	v50 =	vmul.f32 v46, v29;
	v49 =	vld [tilespmem:s19+$0x130A0];
	v41 =	vadd.f32 v41, v51;
	v51 =	vmul.f32 v46, v30;
	[tilespmem:s19+$0xB110] =	vst v44  }
0x77: {  	v53 =	vmul.f32 v46, v28;
	v52 =	vmul.f32 v48, v20;
	v44 =	vld [tilespmem:s19+$0x13090];
	v39 =	vadd.f32 v39, v47;
	[tilespmem:s19+$0xB100] =	vst v40  }
0x78: {  	v40 =	vmul.f32 v48, v19;
	v41 =	vadd.f32 v41, v50;
	v42 =	vadd.f32 v42, v51  }
0x79: {  	v50 =	vmul.f32 v48, v18;
	v51 =	vmul.f32 v46, v27;
	v47 =	vld [tilespmem:s19+$0x13080];
	v45 =	vadd.f32 v45, v52;
	[tilespmem:s19+$0xB0F0] =	vst v39  }
0x7a: {  	v39 =	vmul.f32 v48, v17;
	v52 =	vmul.f32 v46, v26;
	v40 =	vadd.f32 v43, v40;
	[tilespmem:s19+$0xB0E0] =	vst v42  }
0x7b: {  	v43 =	vmul.f32 v46, v25;
	v42 =	vld [tilespmem:s19+$0x13060];
	v49 =	vadd.f32 v49, v50;
	v45 =	vadd.f32 v45, v53;
	[tilespmem:s19+$0xB0D0] =	vst v41  }
0x7c: {  	v48 =	vmul.f32 v48, v16;
	v41 =	vld [tilespmem:s19+$0x13070];
	v39 =	vadd.f32 v44, v39;
	v40 =	vadd.f32 v40, v51  }
0x7d: {  	v46 =	vmul.f32 v46, v24;
	v44 =	vperm.xlane v38, v10;
	v49 =	vadd.f32 v49, v52;
	[tilespmem:s19+$0xB0C0] =	vst v45  }
0x7e: {  	v45 =	vperm.xlane v37, v10;
	v50 =	vld [tilespmem:s19+$0x13040];
	v47 =	vadd.f32 v47, v48;
	v39 =	vadd.f32 v39, v43;
	[tilespmem:s19+$0xB0B0] =	vst v40  }
0x7f: {  	v43 =	vmul.f32 v44, v22;
	v48 =	vmul.f32 v44, v23;
	v40 =	vld [tilespmem:s19+$0x13050];
	[tilespmem:s19+$0xB0A0] =	vst v49  }
0x80: {  	v49 =	vmul.f32 v45, v30;
	v51 =	vmul.f32 v45, v31;
	v46 =	vadd.f32 v47, v46;
	[tilespmem:s19+$0xB090] =	vst v39  }
0x81: {  	v47 =	vmul.f32 v44, v21;
	v42 =	vadd.f32 v42, v43;
	v39 =	vld [tilespmem:s19+$0x13020];
	v41 =	vadd.f32 v41, v48  }
0x82: {  	v52 =	vmul.f32 v45, v29;
	v48 =	vmul.f32 v44, v20;
	v43 =	vld [tilespmem:s19+$0x13030];
	[tilespmem:s19+$0xB080] =	vst v46  }
0x83: {  	v46 =	vmul.f32 v45, v28;
	v42 =	vadd.f32 v42, v49;
	v41 =	vadd.f32 v41, v51  }
0x84: {  	v51 =	vmul.f32 v44, v19;
	v48 =	vadd.f32 v50, v48;
	v49 =	vld [tilespmem:s19+$0x13000];
	v40 =	vadd.f32 v40, v47  }
0x85: {  	v53 =	vmul.f32 v45, v27;
	v50 =	vmul.f32 v44, v18;
	v47 =	vld [tilespmem:s19+$0x13010];
	[tilespmem:s19+$0xB070] =	vst v41  }
0x86: {  	v41 =	vmul.f32 v45, v26;
	v46 =	vadd.f32 v48, v46;
	v40 =	vadd.f32 v40, v52;
	[tilespmem:s19+$0xB060] =	vst v42  }
0x87: {  	v42 =	vmul.f32 v44, v17;
	v39 =	vadd.f32 v39, v50;
	v43 =	vadd.f32 v43, v51  }
0x88: {  	v48 =	vmul.f32 v45, v25;
	v44 =	vmul.f32 v44, v16;
	[tilespmem:s19+$0xB050] =	vst v40  }
0x89: {  	v45 =	vmul.f32 v45, v24;
	v39 =	vadd.f32 v39, v41;
	v40 =	vld [tilespmem:s19+$0x12FF0];
	v41 =	vadd.f32 v43, v53;
	[tilespmem:s19+$0xB040] =	vst v46  }
0x8a: {  	v43 =	vperm.xlane v38, v9;
	v44 =	vadd.f32 v49, v44;
	v46 =	vld [tilespmem:s19+$0x12FE0];
	v42 =	vadd.f32 v47, v42  }
0x8b: {  	v49 =	vperm.xlane v37, v9;
	v47 =	vperm.xlane v38, v8;
	v50 =	vld [tilespmem:s19+$0x12FD0];
	[tilespmem:s19+$0xB030] =	vst v41  }
0x8c: {  	v51 =	vmul.f32 v43, v23;
	v44 =	vadd.f32 v44, v45;
	v41 =	vld [tilespmem:s19+$0x12FC0];
	v42 =	vadd.f32 v42, v48;
	[tilespmem:s19+$0xB020] =	vst v39  }
0x8d: {  	v45 =	vmul.f32 v49, v31;
	v39 =	vmul.f32 v43, v22  }
0x8e: {  	v52 =	vmul.f32 v43, v21;
	v53 =	vmul.f32 v49, v30;
	v48 =	vld [tilespmem:s19+$0x12FB0];
	v40 =	vadd.f32 v40, v51;
	[tilespmem:s19+$0xB010] =	vst v42  }
0x8f: {  	v54 =	vmul.f32 v49, v29;
	v51 =	vmul.f32 v43, v20;
	v42 =	vld [tilespmem:s19+$0x12FA0];
	v39 =	vadd.f32 v46, v39;
	[tilespmem:s19+$0xB000] =	vst v44  }
0x90: {  	v44 =	vmul.f32 v49, v28;
	v46 =	vadd.f32 v50, v52;
	v40 =	vadd.f32 v40, v45  }
0x91: {  	v50 =	vmul.f32 v43, v19;
	v45 =	vld [tilespmem:s19+$0x12F90];
	v41 =	vadd.f32 v41, v51;
	v39 =	vadd.f32 v39, v53  }
0x92: {  	v52 =	vmul.f32 v43, v18;
	v53 =	vmul.f32 v49, v27;
	v51 =	vld [tilespmem:s19+$0x12F80];
	v46 =	vadd.f32 v46, v54;
	[tilespmem:s19+$0xAFF0] =	vst v40  }
0x93: {  	v54 =	vmul.f32 v49, v26;
	v40 =	vld [tilespmem:s19+$0x12F70];
	v48 =	vadd.f32 v48, v50;
	v41 =	vadd.f32 v41, v44;
	[tilespmem:s19+$0xAFE0] =	vst v39  }
0x94: {  	v44 =	vmul.f32 v43, v17;
	v50 =	vmul.f32 v49, v25;
	v39 =	vld [tilespmem:s19+$0x12F60];
	v42 =	vadd.f32 v42, v52;
	[tilespmem:s19+$0xAFD0] =	vst v46  }
0x95: {  	v43 =	vmul.f32 v43, v16;
	v49 =	vmul.f32 v49, v24;
	v46 =	vld [tilespmem:s19+$0x12F50];
	v48 =	vadd.f32 v48, v53;
	[tilespmem:s19+$0xAFC0] =	vst v41  }
0x96: {  	v41 =	vmul.f32 v47, v23;
	v44 =	vadd.f32 v45, v44;
	v42 =	vadd.f32 v42, v54  }
0x97: {  	v52 =	vmul.f32 v47, v22;
	v45 =	vperm.xlane v37, v8;
	v43 =	vadd.f32 v51, v43;
	[tilespmem:s19+$0xAFB0] =	vst v48  }
0x98: {  	v51 =	vmul.f32 v47, v21;
	v48 =	vld [tilespmem:s19+$0x12F40];
	v40 =	vadd.f32 v40, v41;
	v41 =	vadd.f32 v44, v50;
	[tilespmem:s19+$0xAFA0] =	vst v42  }
0x99: {  	v44 =	vmul.f32 v45, v31;
	v42 =	vld [tilespmem:s19+$0x12F30];
	v39 =	vadd.f32 v39, v52;
	v43 =	vadd.f32 v43, v49  }
0x9a: {  	v50 =	vmul.f32 v45, v29;
	v49 =	vld [tilespmem:s19+$0x12F20];
	v46 =	vadd.f32 v46, v51;
	v51 =	vmul.f32 v45, v30;
	[tilespmem:s19+$0xAF90] =	vst v41  }
0x9b: {  	v53 =	vmul.f32 v45, v28;
	v52 =	vmul.f32 v47, v20;
	v40 =	vadd.f32 v40, v44;
	v41 =	vld [tilespmem:s19+$0x12F10];
	[tilespmem:s19+$0xAF80] =	vst v43  }
0x9c: {  	v43 =	vmul.f32 v47, v19;
	v44 =	vadd.f32 v46, v50;
	v39 =	vadd.f32 v39, v51  }
0x9d: {  	v50 =	vmul.f32 v47, v18;
	v51 =	vmul.f32 v45, v27;
	v46 =	vld [tilespmem:s19+$0x12F00];
	v48 =	vadd.f32 v48, v52;
	[tilespmem:s19+$0xAF70] =	vst v40  }
0x9e: {  	v40 =	vmul.f32 v47, v17;
	v52 =	vmul.f32 v45, v26;
	v42 =	vadd.f32 v42, v43;
	[tilespmem:s19+$0xAF60] =	vst v39  }
0x9f: {  	v43 =	vmul.f32 v45, v25;
	v39 =	vld [tilespmem:s19+$0x12EE0];
	v49 =	vadd.f32 v49, v50;
	v48 =	vadd.f32 v48, v53;
	[tilespmem:s19+$0xAF50] =	vst v44  }
0xa0: {  	v47 =	vmul.f32 v47, v16;
	v44 =	vld [tilespmem:s19+$0x12EF0];
	v40 =	vadd.f32 v41, v40;
	v41 =	vadd.f32 v42, v51  }
0xa1: {  	v45 =	vmul.f32 v45, v24;
	v42 =	vperm.xlane v38, v7;
	v49 =	vadd.f32 v49, v52;
	[tilespmem:s19+$0xAF40] =	vst v48  }
0xa2: {  	v48 =	vperm.xlane v37, v7;
	v50 =	vld [tilespmem:s19+$0x12EC0];
	v46 =	vadd.f32 v46, v47;
	v40 =	vadd.f32 v40, v43;
	[tilespmem:s19+$0xAF30] =	vst v41  }
0xa3: {  	v43 =	vmul.f32 v42, v22;
	v47 =	vmul.f32 v42, v23;
	v41 =	vld [tilespmem:s19+$0x12ED0];
	[tilespmem:s19+$0xAF20] =	vst v49  }
0xa4: {  	v49 =	vmul.f32 v48, v30;
	v51 =	vmul.f32 v48, v31;
	v45 =	vadd.f32 v46, v45;
	[tilespmem:s19+$0xAF10] =	vst v40  }
0xa5: {  	v46 =	vmul.f32 v42, v21;
	v39 =	vadd.f32 v39, v43;
	v40 =	vld [tilespmem:s19+$0x12EA0];
	v43 =	vadd.f32 v44, v47  }
0xa6: {  	v52 =	vmul.f32 v48, v29;
	v47 =	vmul.f32 v42, v20;
	v44 =	vld [tilespmem:s19+$0x12EB0];
	[tilespmem:s19+$0xAF00] =	vst v45  }
0xa7: {  	v45 =	vmul.f32 v48, v28;
	v39 =	vadd.f32 v39, v49;
	v43 =	vadd.f32 v43, v51  }
0xa8: {  	v51 =	vmul.f32 v42, v19;
	v47 =	vadd.f32 v50, v47;
	v49 =	vld [tilespmem:s19+$0x12E80];
	v41 =	vadd.f32 v41, v46  }
0xa9: {  	v53 =	vmul.f32 v48, v27;
	v50 =	vmul.f32 v42, v18;
	v46 =	vld [tilespmem:s19+$0x12E90];
	[tilespmem:s19+$0xAEF0] =	vst v43  }
0xaa: {  	v43 =	vmul.f32 v48, v26;
	v45 =	vadd.f32 v47, v45;
	v41 =	vadd.f32 v41, v52;
	[tilespmem:s19+$0xAEE0] =	vst v39  }
0xab: {  	v39 =	vmul.f32 v42, v17;
	v40 =	vadd.f32 v40, v50;
	v44 =	vadd.f32 v44, v51  }
0xac: {  	v47 =	vmul.f32 v48, v25;
	v42 =	vmul.f32 v42, v16;
	[tilespmem:s19+$0xAED0] =	vst v41  }
0xad: {  	v48 =	vmul.f32 v48, v24;
	v40 =	vadd.f32 v40, v43;
	v41 =	vld [tilespmem:s19+$0x12E70];
	v43 =	vadd.f32 v44, v53;
	[tilespmem:s19+$0xAEC0] =	vst v45  }
0xae: {  	v44 =	vperm.xlane v38, v6;
	v42 =	vadd.f32 v49, v42;
	v45 =	vld [tilespmem:s19+$0x12E60];
	v39 =	vadd.f32 v46, v39  }
0xaf: {  	v49 =	vperm.xlane v37, v6;
	v46 =	vperm.xlane v38, v5;
	v50 =	vld [tilespmem:s19+$0x12E50];
	[tilespmem:s19+$0xAEB0] =	vst v43  }
0xb0: {  	v51 =	vmul.f32 v44, v23;
	v42 =	vadd.f32 v42, v48;
	v43 =	vld [tilespmem:s19+$0x12E40];
	v39 =	vadd.f32 v39, v47;
	[tilespmem:s19+$0xAEA0] =	vst v40  }
0xb1: {  	v40 =	vmul.f32 v44, v22;
	v47 =	vmul.f32 v49, v31  }
0xb2: {  	v52 =	vmul.f32 v44, v21;
	v53 =	vmul.f32 v49, v30;
	v48 =	vld [tilespmem:s19+$0x12E30];
	v41 =	vadd.f32 v41, v51;
	[tilespmem:s19+$0xAE90] =	vst v39  }
0xb3: {  	v54 =	vmul.f32 v49, v29;
	v51 =	vmul.f32 v44, v20;
	v39 =	vld [tilespmem:s19+$0x12E20];
	v40 =	vadd.f32 v45, v40;
	[tilespmem:s19+$0xAE80] =	vst v42  }
0xb4: {  	v42 =	vmul.f32 v49, v28;
	v45 =	vadd.f32 v50, v52;
	v41 =	vadd.f32 v41, v47  }
0xb5: {  	v50 =	vmul.f32 v44, v19;
	v47 =	vld [tilespmem:s19+$0x12E10];
	v43 =	vadd.f32 v43, v51;
	v40 =	vadd.f32 v40, v53  }
0xb6: {  	v52 =	vmul.f32 v44, v18;
	v53 =	vmul.f32 v49, v27;
	v51 =	vld [tilespmem:s19+$0x12E00];
	v45 =	vadd.f32 v45, v54;
	[tilespmem:s19+$0xAE70] =	vst v41  }
0xb7: {  	v54 =	vmul.f32 v49, v26;
	v41 =	vld [tilespmem:s19+$0x12DF0];
	v48 =	vadd.f32 v48, v50;
	v42 =	vadd.f32 v43, v42;
	[tilespmem:s19+$0xAE60] =	vst v40  }
0xb8: {  	v43 =	vmul.f32 v44, v17;
	v50 =	vmul.f32 v49, v25;
	v40 =	vld [tilespmem:s19+$0x12DE0];
	v39 =	vadd.f32 v39, v52;
	[tilespmem:s19+$0xAE50] =	vst v45  }
0xb9: {  	v44 =	vmul.f32 v44, v16;
	v49 =	vmul.f32 v49, v24;
	v45 =	vld [tilespmem:s19+$0x12DD0];
	v48 =	vadd.f32 v48, v53;
	[tilespmem:s19+$0xAE40] =	vst v42  }
0xba: {  	v42 =	vmul.f32 v46, v23;
	v43 =	vadd.f32 v47, v43;
	v39 =	vadd.f32 v39, v54  }
0xbb: {  	v52 =	vmul.f32 v46, v22;
	v47 =	vperm.xlane v37, v5;
	v44 =	vadd.f32 v51, v44;
	[tilespmem:s19+$0xAE30] =	vst v48  }
0xbc: {  	v51 =	vmul.f32 v46, v21;
	v48 =	vld [tilespmem:s19+$0x12DC0];
	v41 =	vadd.f32 v41, v42;
	v42 =	vadd.f32 v43, v50;
	[tilespmem:s19+$0xAE20] =	vst v39  }
0xbd: {  	v43 =	vmul.f32 v47, v31;
	v39 =	vld [tilespmem:s19+$0x12DB0];
	v40 =	vadd.f32 v40, v52;
	v44 =	vadd.f32 v44, v49  }
0xbe: {  	v50 =	vmul.f32 v47, v29;
	v49 =	vld [tilespmem:s19+$0x12DA0];
	v45 =	vadd.f32 v45, v51;
	v51 =	vmul.f32 v47, v30;
	[tilespmem:s19+$0xAE10] =	vst v42  }
0xbf: {  	v53 =	vmul.f32 v47, v28;
	v52 =	vmul.f32 v46, v20;
	v41 =	vadd.f32 v41, v43;
	v42 =	vld [tilespmem:s19+$0x12D90];
	[tilespmem:s19+$0xAE00] =	vst v44  }
0xc0: {  	v43 =	vmul.f32 v46, v19;
	v44 =	vadd.f32 v45, v50;
	v40 =	vadd.f32 v40, v51  }
0xc1: {  	v50 =	vmul.f32 v46, v18;
	v51 =	vmul.f32 v47, v27;
	v45 =	vld [tilespmem:s19+$0x12D80];
	v48 =	vadd.f32 v48, v52;
	[tilespmem:s19+$0xADF0] =	vst v41  }
0xc2: {  	v41 =	vmul.f32 v46, v17;
	v52 =	vmul.f32 v47, v26;
	v39 =	vadd.f32 v39, v43;
	[tilespmem:s19+$0xADE0] =	vst v40  }
0xc3: {  	v43 =	vmul.f32 v47, v25;
	v40 =	vld [tilespmem:s19+$0x12D60];
	v49 =	vadd.f32 v49, v50;
	v48 =	vadd.f32 v48, v53;
	[tilespmem:s19+$0xADD0] =	vst v44  }
0xc4: {  	v46 =	vmul.f32 v46, v16;
	v44 =	vld [tilespmem:s19+$0x12D70];
	v41 =	vadd.f32 v42, v41;
	v39 =	vadd.f32 v39, v51  }
0xc5: {  	v47 =	vmul.f32 v47, v24;
	v42 =	vperm.xlane v38, v4;
	v49 =	vadd.f32 v49, v52;
	[tilespmem:s19+$0xADC0] =	vst v48  }
0xc6: {  	v48 =	vperm.xlane v37, v4;
	v50 =	vld [tilespmem:s19+$0x12D40];
	v45 =	vadd.f32 v45, v46;
	v41 =	vadd.f32 v41, v43;
	[tilespmem:s19+$0xADB0] =	vst v39  }
0xc7: {  	v43 =	vmul.f32 v42, v22;
	v46 =	vmul.f32 v42, v23;
	v39 =	vld [tilespmem:s19+$0x12D50];
	[tilespmem:s19+$0xADA0] =	vst v49  }
0xc8: {  	v49 =	vmul.f32 v48, v30;
	v51 =	vmul.f32 v48, v31;
	v45 =	vadd.f32 v45, v47;
	[tilespmem:s19+$0xAD90] =	vst v41  }
0xc9: {  	v47 =	vmul.f32 v42, v21;
	v40 =	vadd.f32 v40, v43;
	v41 =	vld [tilespmem:s19+$0x12D20];
	v43 =	vadd.f32 v44, v46  }
0xca: {  	v52 =	vmul.f32 v48, v29;
	v46 =	vmul.f32 v42, v20;
	v44 =	vld [tilespmem:s19+$0x12D30];
	[tilespmem:s19+$0xAD80] =	vst v45  }
0xcb: {  	v45 =	vmul.f32 v48, v28;
	v40 =	vadd.f32 v40, v49;
	v43 =	vadd.f32 v43, v51  }
0xcc: {  	v51 =	vmul.f32 v42, v19;
	v46 =	vadd.f32 v50, v46;
	v49 =	vld [tilespmem:s19+$0x12D00];
	v39 =	vadd.f32 v39, v47  }
0xcd: {  	v53 =	vmul.f32 v48, v27;
	v50 =	vmul.f32 v42, v18;
	v47 =	vld [tilespmem:s19+$0x12D10];
	[tilespmem:s19+$0xAD70] =	vst v43  }
0xce: {  	v43 =	vmul.f32 v48, v26;
	v45 =	vadd.f32 v46, v45;
	v39 =	vadd.f32 v39, v52;
	[tilespmem:s19+$0xAD60] =	vst v40  }
0xcf: {  	v40 =	vmul.f32 v42, v17;
	v41 =	vadd.f32 v41, v50;
	v44 =	vadd.f32 v44, v51  }
0xd0: {  	v46 =	vmul.f32 v48, v25;
	v42 =	vmul.f32 v42, v16;
	[tilespmem:s19+$0xAD50] =	vst v39  }
0xd1: {  	v48 =	vmul.f32 v48, v24;
	v41 =	vadd.f32 v41, v43;
	v39 =	vld [tilespmem:s19+$0x12CF0];
	v43 =	vadd.f32 v44, v53;
	[tilespmem:s19+$0xAD40] =	vst v45  }
0xd2: {  	v44 =	vperm.xlane v38, v3;
	v42 =	vadd.f32 v49, v42;
	v45 =	vld [tilespmem:s19+$0x12CE0];
	v40 =	vadd.f32 v47, v40  }
0xd3: {  	v49 =	vperm.xlane v37, v3;
	v47 =	vperm.xlane v38, v2;
	v50 =	vld [tilespmem:s19+$0x12CD0];
	[tilespmem:s19+$0xAD30] =	vst v43  }
0xd4: {  	v51 =	vmul.f32 v44, v23;
	v42 =	vadd.f32 v42, v48;
	v43 =	vld [tilespmem:s19+$0x12CC0];
	v40 =	vadd.f32 v40, v46;
	[tilespmem:s19+$0xAD20] =	vst v41  }
0xd5: {  	v41 =	vmul.f32 v44, v22;
	v46 =	vmul.f32 v49, v31  }
0xd6: {  	v52 =	vmul.f32 v44, v21;
	v53 =	vmul.f32 v49, v30;
	v48 =	vld [tilespmem:s19+$0x12CB0];
	v39 =	vadd.f32 v39, v51;
	[tilespmem:s19+$0xAD10] =	vst v40  }
0xd7: {  	v54 =	vmul.f32 v49, v29;
	v51 =	vmul.f32 v44, v20;
	v40 =	vld [tilespmem:s19+$0x12CA0];
	v41 =	vadd.f32 v45, v41;
	[tilespmem:s19+$0xAD00] =	vst v42  }
0xd8: {  	v42 =	vmul.f32 v49, v28;
	v45 =	vadd.f32 v50, v52;
	v39 =	vadd.f32 v39, v46  }
0xd9: {  	v50 =	vmul.f32 v44, v19;
	v46 =	vld [tilespmem:s19+$0x12C90];
	v43 =	vadd.f32 v43, v51;
	v41 =	vadd.f32 v41, v53  }
0xda: {  	v52 =	vmul.f32 v44, v18;
	v53 =	vmul.f32 v49, v27;
	v51 =	vld [tilespmem:s19+$0x12C80];
	v45 =	vadd.f32 v45, v54;
	[tilespmem:s19+$0xACF0] =	vst v39  }
0xdb: {  	v54 =	vmul.f32 v49, v26;
	v39 =	vld [tilespmem:s19+$0x12C70];
	v48 =	vadd.f32 v48, v50;
	v42 =	vadd.f32 v43, v42;
	[tilespmem:s19+$0xACE0] =	vst v41  }
0xdc: {  	v43 =	vmul.f32 v44, v17;
	v50 =	vmul.f32 v49, v25;
	v41 =	vld [tilespmem:s19+$0x12C60];
	v40 =	vadd.f32 v40, v52;
	[tilespmem:s19+$0xACD0] =	vst v45  }
0xdd: {  	v44 =	vmul.f32 v44, v16;
	v49 =	vmul.f32 v49, v24;
	v45 =	vld [tilespmem:s19+$0x12C50];
	v48 =	vadd.f32 v48, v53;
	[tilespmem:s19+$0xACC0] =	vst v42  }
0xde: {  	v42 =	vmul.f32 v47, v23;
	v43 =	vadd.f32 v46, v43;
	v40 =	vadd.f32 v40, v54  }
0xdf: {  	v52 =	vmul.f32 v47, v22;
	v46 =	vperm.xlane v37, v2;
	v44 =	vadd.f32 v51, v44;
	[tilespmem:s19+$0xACB0] =	vst v48  }
0xe0: {  	v51 =	vmul.f32 v47, v21;
	v48 =	vld [tilespmem:s19+$0x12C40];
	v39 =	vadd.f32 v39, v42;
	v42 =	vadd.f32 v43, v50;
	[tilespmem:s19+$0xACA0] =	vst v40  }
0xe1: {  	v43 =	vmul.f32 v46, v31;
	v40 =	vld [tilespmem:s19+$0x12C30];
	v41 =	vadd.f32 v41, v52;
	v44 =	vadd.f32 v44, v49  }
0xe2: {  	v50 =	vmul.f32 v46, v29;
	v49 =	vld [tilespmem:s19+$0x12C20];
	v45 =	vadd.f32 v45, v51;
	v51 =	vmul.f32 v46, v30;
	[tilespmem:s19+$0xAC90] =	vst v42  }
0xe3: {  	v53 =	vmul.f32 v46, v28;
	v52 =	vmul.f32 v47, v20;
	v39 =	vadd.f32 v39, v43;
	v42 =	vld [tilespmem:s19+$0x12C10];
	[tilespmem:s19+$0xAC80] =	vst v44  }
0xe4: {  	v43 =	vmul.f32 v47, v19;
	v44 =	vadd.f32 v45, v50;
	v41 =	vadd.f32 v41, v51  }
0xe5: {  	v50 =	vmul.f32 v47, v18;
	v51 =	vmul.f32 v46, v27;
	v45 =	vld [tilespmem:s19+$0x12C00];
	v48 =	vadd.f32 v48, v52;
	[tilespmem:s19+$0xAC70] =	vst v39  }
0xe6: {  	v39 =	vmul.f32 v47, v17;
	v52 =	vmul.f32 v46, v26;
	v40 =	vadd.f32 v40, v43;
	[tilespmem:s19+$0xAC60] =	vst v41  }
0xe7: {  	v43 =	vmul.f32 v46, v25;
	v41 =	vld [tilespmem:s19+$0x12BE0];
	v49 =	vadd.f32 v49, v50;
	v48 =	vadd.f32 v48, v53;
	[tilespmem:s19+$0xAC50] =	vst v44  }
0xe8: {  	v47 =	vmul.f32 v47, v16;
	v44 =	vld [tilespmem:s19+$0x12BF0];
	v39 =	vadd.f32 v42, v39;
	v40 =	vadd.f32 v40, v51  }
0xe9: {  	v38 =	vperm.xlane v38, v1;
	v42 =	vmul.f32 v46, v24;
	v46 =	vadd.f32 v49, v52;
	[tilespmem:s19+$0xAC40] =	vst v48  }
0xea: {  	v37 =	vperm.xlane v37, v1;
	v48 =	vld [tilespmem:s19+$0x12BC0];
	v45 =	vadd.f32 v45, v47;
	v39 =	vadd.f32 v39, v43;
	[tilespmem:s19+$0xAC30] =	vst v40  }
0xeb: {  	v43 =	vmul.f32 v38, v22;
	v47 =	vmul.f32 v38, v23;
	v40 =	vld [tilespmem:s19+$0x12BD0];
	[tilespmem:s19+$0xAC20] =	vst v46  }
0xec: {  	v49 =	vmul.f32 v37, v31;
	v46 =	vmul.f32 v37, v30;
	v42 =	vadd.f32 v45, v42;
	[tilespmem:s19+$0xAC10] =	vst v39  }
0xed: {  	v45 =	vmul.f32 v38, v21;
	v41 =	vadd.f32 v41, v43;
	v39 =	vld [tilespmem:s19+$0x12BA0];
	v43 =	vadd.f32 v44, v47  }
0xee: {  	v50 =	vmul.f32 v37, v29;
	v47 =	vmul.f32 v38, v20;
	v44 =	vld [tilespmem:s19+$0x12BB0];
	[tilespmem:s19+$0xAC00] =	vst v42  }
0xef: {  	v42 =	vmul.f32 v37, v28;
	v41 =	vadd.f32 v41, v46;
	v43 =	vadd.f32 v43, v49  }
0xf0: {  	v49 =	vmul.f32 v38, v19;
	v47 =	vadd.f32 v48, v47;
	v46 =	vld [tilespmem:s19+$0x12B80];
	v40 =	vadd.f32 v40, v45  }
0xf1: {  	v51 =	vmul.f32 v37, v27;
	v48 =	vmul.f32 v38, v18;
	v45 =	vld [tilespmem:s19+$0x12B90];
	[tilespmem:s19+$0xABF0] =	vst v43  }
0xf2: {  	v43 =	vmul.f32 v37, v26;
	v42 =	vadd.f32 v47, v42;
	v40 =	vadd.f32 v40, v50;
	[tilespmem:s19+$0xABE0] =	vst v41  }
0xf3: {  	v47 =	vmul.f32 v38, v17;
	v39 =	vadd.f32 v39, v48;
	v41 =	vld [tilespmem:s19+$0x12B60];
	v44 =	vadd.f32 v44, v49  }
0xf4: {  	v38 =	vmul.f32 v38, v16;
	v49 =	vmul.f32 v37, v25;
	v48 =	vld [tilespmem:s19+$0x12B70];
	[tilespmem:s19+$0xABD0] =	vst v40  }
0xf5: {  	v37 =	vmul.f32 v37, v24;
	v39 =	vadd.f32 v39, v43;
	v40 =	vadd.f32 v44, v51;
	[tilespmem:s19+$0xABC0] =	vst v42  }
0xf6: {  	v43 =	vmul.f32 v35, v23;
	v38 =	vadd.f32 v46, v38;
	v42 =	vld [tilespmem:s19+$0x12B40];
	v44 =	vadd.f32 v45, v47  }
0xf7: {  	v46 =	vmul.f32 v35, v22;
	v47 =	vmul.f32 v36, v31;
	v45 =	vld [tilespmem:s19+$0x12B50];
	[tilespmem:s19+$0xABB0] =	vst v40  }
0xf8: {  	v40 =	vmul.f32 v36, v30;
	v37 =	vadd.f32 v38, v37;
	v38 =	vadd.f32 v44, v49;
	[tilespmem:s19+$0xABA0] =	vst v39  }
0xf9: {  	v44 =	vmul.f32 v35, v21;
	v41 =	vadd.f32 v41, v46;
	v39 =	vld [tilespmem:s19+$0x12B00];
	v43 =	vadd.f32 v48, v43  }
0xfa: {  	v46 =	vmul.f32 v35, v20;
	v48 =	vmul.f32 v36, v29;
	[tilespmem:s19+$0xAB90] =	vst v38;
	v38 =	vld [tilespmem:s19+$0x132D0]  }
0xfb: {  	v49 =	vmul.f32 v36, v28;
	v40 =	vadd.f32 v41, v40;
	v41 =	vadd.f32 v43, v47;
	[tilespmem:s19+$0xAB80] =	vst v37  }
0xfc: {  	v35 =	vmul.f32 v35, v16;
	v37 =	vadd.f32 v42, v46;
	v42 =	vadd.f32 v45, v44;
	v43 =	vld [tilespmem:s19+$0x132B0]  }
0xfd: {  	v36 =	vmul.f32 v36, v24;
	v44 =	vmul.f32 v33, v21;
	[tilespmem:s19+$0xAB70] =	vst v41;
	v41 =	vld [tilespmem:s19+$0x132C0]  }
0xfe: {  	v37 =	vadd.f32 v37, v49;
	v42 =	vadd.f32 v42, v48;
	[tilespmem:s19+$0xAB60] =	vst v40;
	v40 =	vmul.f32 v34, v29  }
0xff: {  	v45 =	vmul.f32 v33, v20;
	v35 =	vadd.f32 v39, v35;
	v39 =	vld [tilespmem:s19+$0x13290];
	v38 =	vadd.f32 v38, v44  }
0x100: {  	v46 =	vmul.f32 v34, v28;
	v44 =	vmul.f32 v33, v19;
	[tilespmem:s19+$0xAB50] =	vst v42;
	v42 =	vld [tilespmem:s19+$0x132A0]  }
0x101: {  	v35 =	vadd.f32 v35, v36;
	v36 =	vmul.f32 v34, v27;
	[tilespmem:s19+$0xAB40] =	vst v37;
	v37 =	vadd.f32 v38, v40  }
0x102: {  	v38 =	vmul.f32 v33, v18;
	v40 =	vadd.f32 v43, v44;
	v41 =	vadd.f32 v41, v45  }
0x103: {  	v43 =	vmul.f32 v33, v17;
	v44 =	vmul.f32 v34, v26;
	[tilespmem:s19+$0xAB00] =	vst v35;
	v35 =	vld [tilespmem:s19+$0x13280]  }
0x104: {  	v45 =	vmul.f32 v34, v25;
	v36 =	vadd.f32 v40, v36;
	v40 =	vadd.f32 v41, v46;
	[tilespmem:s19+$0xB2D0] =	vst v37  }
0x105: {  	v33 =	vmul.f32 v33, v16;
	v37 =	vadd.f32 v39, v43;
	v38 =	vadd.f32 v42, v38  }
0x106: {  	v34 =	vmul.f32 v34, v24;
	[tilespmem:s19+$0xB2C0] =	vst v40  }
0x107: {  	v37 =	vadd.f32 v37, v45;
	v38 =	vadd.f32 v38, v44;
	[tilespmem:s19+$0xB2B0] =	vst v36  }
.Ltmp0:
0x108: {  	v33 =	vadd.f32 v35, v33;
	(pc) =	sbr.rel @p2 .LBB2_3-.Ltmp0, $3  }
0x109: {  	[tilespmem:s19+$0xB2A0] =	vst v38  }
0x10a: {  	v33 =	vadd.f32 v33, v34;
	[tilespmem:s19+$0xB290] =	vst v37;
	_ =	sdelay $0x1  }
0x10b: {  	s18 =	sadd.s32 $0x1, s18;
	s17 =	sshll.u32 s16, $0x4;
	[tilespmem:s19+$0xB280] =	vst v33  }
0x10c: {  	_ =	sdelay $0x3  }
0x10d: {  	v46 =	vld.idx.msk [tilespmem:v32+s17+$0x7900 ss:$0x1], $0xffff;
	_ =	sdelay $0x1  }
0x10e: {  	v47 =	vld.idx.msk [tilespmem:v32+s17+$0x9200 ss:$0x1], $0xffff;
	_ =	sdelay $0x1  }
0x10f: {  	s16 =	sshll.u32 s16, $0xB  }
0x110: {  	v55 =	vld [tilespmem:s16+$0x132E0];
	v39 =	vperm.xlane v46, v0;
	v37 =	vperm.xlane v46, v15  }
0x111: {  	v33 =	vld [tilespmem:s16+$0x12B30];
	v35 =	vperm.xlane v46, v13;
	v38 =	vperm.xlane v46, v14  }
0x112: {  	v34 =	vld [tilespmem:s16+$0x12B20];
	v36 =	vperm.xlane v47, v15;
	v40 =	vperm.xlane v47, v0  }
0x113: {  	v42 =	vld [tilespmem:s16+$0x12B10];
	v41 =	vmul.f32 v37, v22;
	v43 =	vmul.f32 v39, v19  }
0x114: {  	v45 =	vld [tilespmem:s16+$0x13270];
	v44 =	vmul.f32 v39, v18;
	v56 =	vmul.f32 v36, v30  }
0x115: {  	v49 =	vld [tilespmem:s16+$0x132F0];
	v48 =	vmul.f32 v40, v26;
	v57 =	vmul.f32 v40, v27  }
0x116: {  	v50 =	vmul.f32 v39, v17;
	v58 =	vmul.f32 v40, v25  }
0x117: {  	v60 =	vmul.f32 v38, v23;
	v61 =	vmul.f32 v37, v23  }
0x118: {  	v59 =	vld [tilespmem:s16+$0x13260];
	v62 =	vmul.f32 v36, v31;
	v32 =	vadd.f32 v55, v41;
	v33 =	vadd.f32 v33, v43  }
0x119: {  	v63 =	vmul.f32 v38, v22;
	v34 =	vadd.f32 v34, v44;
	v42 =	vadd.f32 v42, v50  }
0x11a: {  	[tilespmem:$0x1FFC0] =	vst v39;
	v44 =	vperm.xlane v47, v14;
	v41 =	vadd.f32 v45, v60;
	v43 =	vadd.f32 v49, v61  }
0x11b: {  	[tilespmem:$0x1FFE0] =	vst v37;
	v55 =	vmul.f32 v38, v21;
	v53 =	vadd.f32 v32, v56;
	v37 =	vadd.f32 v34, v48;
	v34 =	vld [tilespmem:s16+$0x13250]  }
0x11c: {  	[tilespmem:$0x1FFF0] =	vst v36;
	v39 =	vadd.f32 v33, v57;
	v48 =	vld [tilespmem:s16+$0x13240];
	v49 =	vmul.f32 v44, v30;
	v36 =	vadd.f32 v42, v58  }
0x11d: {  	v51 =	vld [tilespmem:s16+$0x13230];
	v54 =	vmul.f32 v44, v31;
	v33 =	vadd.f32 v59, v63;
	v57 =	vmul.f32 v38, v20  }
0x11e: {  	v45 =	vld [tilespmem:s16+$0x13220];
	v58 =	vadd.f32 v43, v62;
	v59 =	vmul.f32 v44, v29;
	v62 =	vmul.f32 v44, v28  }
0x11f: {  	v63 =	vmul.f32 v38, v19;
	v42 =	vld [tilespmem:s16+$0x13200];
	v52 =	vmul.f32 v44, v26;
	v61 =	vadd.f32 v41, v54  }
0x120: {  	[tilespmem:$0x1FFD0] =	vst v40;
	v56 =	vmul.f32 v38, v17;
	v41 =	vld [tilespmem:s16+$0x13210];
	v40 =	vadd.f32 v33, v49;
	v34 =	vadd.f32 v34, v55  }
0x121: {  	v49 =	vmul.f32 v44, v27;
	v43 =	vadd.f32 v48, v57;
	v48 =	vmul.f32 v38, v18;
	v57 =	vld [tilespmem:s16+$0x131F0]  }
0x122: {  	v33 =	vadd.f32 v51, v63;
	v34 =	vadd.f32 v34, v59;
	v59 =	vmul.f32 v38, v16  }
0x123: {  	v60 =	vmul.f32 v44, v25;
	v44 =	vmul.f32 v44, v24;
	v38 =	vld [tilespmem:s16+$0x131E0];
	v45 =	vadd.f32 v45, v48  }
0x124: {  	v63 =	vld [tilespmem:s16+$0x131D0];
	v33 =	vadd.f32 v33, v49;
	v49 =	vmul.f32 v35, v23;
	v32 =	vadd.f32 v42, v59  }
0x125: {  	[tilespmem:$0x1FD40] =	vst v34;
	v34 =	vadd.f32 v41, v56;
	v51 =	vadd.f32 v45, v52;
	v41 =	vperm.xlane v47, v13  }
0x126: {  	[tilespmem:$0x1FD50] =	vst v33;
	v52 =	vmul.f32 v35, v22;
	v33 =	vadd.f32 v57, v49;
	v57 =	vadd.f32 v32, v44;
	v32 =	vld [tilespmem:s16+$0x131B0]  }
0x127: {  	v54 =	vmul.f32 v35, v21;
	v62 =	vadd.f32 v43, v62;
	v42 =	vld [tilespmem:s16+$0x131C0];
	v34 =	vadd.f32 v34, v60  }
0x128: {  	[tilespmem:$0x1FD60] =	vst v51;
	v55 =	vmul.f32 v41, v30;
	v56 =	vmul.f32 v41, v31;
	v38 =	vadd.f32 v38, v52  }
0x129: {  	v49 =	vld [tilespmem:s16+$0x131A0];
	v60 =	vmul.f32 v41, v29;
	v51 =	vmul.f32 v35, v19;
	[tilespmem:$0x1FD70] =	vst v34;
	v34 =	vadd.f32 v63, v54  }
0x12a: {  	v59 =	vmul.f32 v35, v20;
	v38 =	vadd.f32 v38, v55;
	v55 =	vadd.f32 v33, v56;
	v33 =	vld [tilespmem:s16+$0x13190]  }
0x12b: {  	v43 =	vld [tilespmem:s16+$0x13180];
	v52 =	vmul.f32 v41, v27;
	v34 =	vadd.f32 v34, v60;
	v32 =	vadd.f32 v32, v51  }
0x12c: {  	v63 =	vmul.f32 v41, v28;
	v54 =	vmul.f32 v41, v26;
	v42 =	vadd.f32 v42, v59  }
0x12d: {  	v44 =	vld [tilespmem:s16+$0x13140];
	v59 =	vmul.f32 v35, v17;
	[tilespmem:$0x1FD90] =	vst v34;
	v34 =	vmul.f32 v35, v18;
	v32 =	vadd.f32 v32, v52  }
0x12e: {  	v60 =	vmul.f32 v41, v25;
	v56 =	vadd.f32 v42, v63;
	v63 =	vld [tilespmem:s16+$0x13160];
	v35 =	vmul.f32 v35, v16  }
0x12f: {  	v34 =	vadd.f32 v49, v34;
	v49 =	vld [tilespmem:s16+$0x13170];
	v33 =	vadd.f32 v33, v59;
	[tilespmem:$0x1FDB0] =	vst v32;
	v32 =	vperm.xlane v46, v12  }
0x130: {  	v41 =	vmul.f32 v41, v24;
	[tilespmem:$0x1FD80] =	vst v38;
	v38 =	vperm.xlane v47, v12;
	v35 =	vadd.f32 v43, v35;
	v43 =	vld [tilespmem:s16+$0x13150]  }
0x131: {  	v34 =	vadd.f32 v34, v54;
	v33 =	vadd.f32 v33, v60;
	v52 =	vmul.f32 v32, v22  }
0x132: {  	[tilespmem:$0x1FDA0] =	vst v56;
	v35 =	vadd.f32 v35, v41;
	v54 =	vmul.f32 v32, v23;
	v56 =	vmul.f32 v32, v20  }
0x133: {  	v59 =	vmul.f32 v32, v21;
	[tilespmem:$0x1FDD0] =	vst v33;
	v33 =	vmul.f32 v38, v30;
	v63 =	vadd.f32 v63, v52  }
0x134: {  	v51 =	vmul.f32 v38, v29;
	[tilespmem:$0x1FDE0] =	vst v35;
	v35 =	vld [tilespmem:s16+$0x13120];
	v49 =	vadd.f32 v49, v54;
	v54 =	vadd.f32 v44, v56  }
0x135: {  	v50 =	vld [tilespmem:s16+$0x13130];
	v48 =	vmul.f32 v38, v27;
	v56 =	vadd.f32 v43, v59;
	v33 =	vadd.f32 v63, v33  }
0x136: {  	v60 =	vmul.f32 v38, v31;
	v41 =	vperm.xlane v47, v11  }
0x137: {  	v52 =	vmul.f32 v38, v28;
	v59 =	vmul.f32 v32, v18;
	v42 =	vadd.f32 v56, v51;
	[tilespmem:$0x1FDF0] =	vst v33;
	v33 =	vld [tilespmem:s16+$0x13100]  }
0x138: {  	[tilespmem:$0x1FDC0] =	vst v34;
	v34 =	vperm.xlane v46, v11;
	v43 =	vld [tilespmem:s16+$0x13110];
	v60 =	vadd.f32 v49, v60;
	v63 =	vmul.f32 v32, v19  }
0x139: {  	v52 =	vadd.f32 v54, v52;
	v54 =	vmul.f32 v38, v26;
	[tilespmem:$0x1FE00] =	vst v42;
	v42 =	vld [tilespmem:s16+$0x130E0];
	v35 =	vadd.f32 v35, v59  }
0x13a: {  	v56 =	vmul.f32 v32, v17;
	v32 =	vmul.f32 v32, v16;
	v45 =	vadd.f32 v50, v63  }
0x13b: {  	v51 =	vld [tilespmem:s16+$0x130D0];
	v50 =	vmul.f32 v38, v25;
	v38 =	vmul.f32 v38, v24;
	v35 =	vadd.f32 v35, v54  }
0x13c: {  	v49 =	vld [tilespmem:s16+$0x130F0];
	v54 =	vadd.f32 v45, v48;
	v48 =	vmul.f32 v34, v22;
	v32 =	vadd.f32 v33, v32  }
0x13d: {  	v44 =	vld [tilespmem:s16+$0x130C0];
	v63 =	vadd.f32 v43, v56;
	v56 =	vmul.f32 v34, v21  }
0x13e: {  	v33 =	vadd.f32 v42, v48;
	v48 =	vmul.f32 v41, v30;
	v32 =	vadd.f32 v32, v38  }
0x13f: {  	v59 =	vmul.f32 v34, v23;
	v45 =	vmul.f32 v41, v29;
	v63 =	vadd.f32 v63, v50;
	v42 =	vld [tilespmem:s16+$0x130A0]  }
0x140: {  	v43 =	vadd.f32 v51, v56;
	v50 =	vmul.f32 v34, v20;
	v33 =	vadd.f32 v33, v48;
	[tilespmem:$0x1FE20] =	vst v32;
	v32 =	vld [tilespmem:s16+$0x130B0]  }
0x141: {  	v51 =	vmul.f32 v41, v28;
	[tilespmem:$0x1FE10] =	vst v35;
	v35 =	vadd.f32 v49, v59;
	v59 =	vmul.f32 v41, v31;
	v49 =	vld [tilespmem:s16+$0x13090]  }
0x142: {  	v56 =	vmul.f32 v41, v26;
	v45 =	vadd.f32 v43, v45;
	v44 =	vadd.f32 v44, v50;
	[tilespmem:$0x1FE30] =	vst v33;
	v33 =	vld [tilespmem:s16+$0x13080]  }
0x143: {  	v59 =	vadd.f32 v35, v59;
	v35 =	vmul.f32 v34, v19;
	v38 =	vmul.f32 v34, v18  }
0x144: {  	v43 =	vmul.f32 v41, v27;
	[tilespmem:$0x1FE40] =	vst v45;
	v45 =	vmul.f32 v34, v17;
	v51 =	vadd.f32 v44, v51  }
0x145: {  	[tilespmem:s16+$0xB2E0] =	vst v53;
	v34 =	vmul.f32 v34, v16;
	v38 =	vadd.f32 v42, v38;
	v42 =	vld [tilespmem:s16+$0x13070];
	v32 =	vadd.f32 v32, v35  }
0x146: {  	[tilespmem:s16+$0xAB30] =	vst v39;
	v50 =	vmul.f32 v41, v25;
	v44 =	vadd.f32 v49, v45;
	v45 =	vperm.xlane v46, v10;
	v35 =	vld [tilespmem:s16+$0x13060]  }
0x147: {  	[tilespmem:$0x1FE50] =	vst v51;
	v33 =	vadd.f32 v33, v34;
	v34 =	vld [tilespmem:s16+$0x13050];
	v51 =	vadd.f32 v32, v43;
	v32 =	vmul.f32 v41, v24  }
0x148: {  	[tilespmem:s16+$0xAB20] =	vst v37;
	v50 =	vadd.f32 v44, v50;
	v44 =	vmul.f32 v45, v23;
	v41 =	vperm.xlane v47, v10;
	v43 =	vld [tilespmem:s16+$0x13040]  }
0x149: {  	[tilespmem:s16+$0xAB10] =	vst v36;
	v56 =	vadd.f32 v38, v56;
	v38 =	vmul.f32 v45, v22;
	v32 =	vadd.f32 v33, v32  }
0x14a: {  	[tilespmem:s16+$0xB2F0] =	vst v58;
	v49 =	vmul.f32 v41, v31;
	v33 =	vadd.f32 v42, v44;
	v42 =	vmul.f32 v45, v21  }
0x14b: {  	v48 =	vmul.f32 v41, v30;
	v35 =	vadd.f32 v35, v38;
	v38 =	vmul.f32 v45, v20;
	[tilespmem:$0x1FE60] =	vst v32;
	v32 =	vld [tilespmem:s16+$0x13020]  }
0x14c: {  	[tilespmem:s16+$0xB270] =	vst v61;
	v53 =	vmul.f32 v41, v28;
	v33 =	vadd.f32 v33, v49;
	v34 =	vadd.f32 v34, v42;
	v49 =	vld [tilespmem:s16+$0x13010]  }
0x14d: {  	[tilespmem:s16+$0xB260] =	vst v40;
	v44 =	vmul.f32 v41, v29;
	v48 =	vadd.f32 v35, v48;
	v35 =	vld [tilespmem:s16+$0x13030];
	v38 =	vadd.f32 v43, v38  }
0x14e: {  	v58 =	vmul.f32 v45, v16;
	[tilespmem:$0x1FE70] =	vst v33;
	v33 =	vld [tilespmem:s16+$0x13000]  }
0x14f: {  	[tilespmem:s16+$0xB240] =	vst v62;
	v34 =	vadd.f32 v34, v44;
	v53 =	vadd.f32 v38, v53;
	v38 =	vmul.f32 v45, v18  }
0x150: {  	[tilespmem:s16+$0xB200] =	vst v57;
	v42 =	vmul.f32 v45, v19;
	v44 =	vmul.f32 v45, v17  }
0x151: {  	v40 =	vld [tilespmem:s16+$0x12FE0];
	v43 =	vmul.f32 v41, v27;
	[tilespmem:$0x1FE80] =	vst v34;
	v34 =	vmul.f32 v41, v26;
	v32 =	vadd.f32 v32, v38  }
0x152: {  	[tilespmem:s16+$0xB1F0] =	vst v55;
	v38 =	vld [tilespmem:$0x1FD40];
	v61 =	vadd.f32 v49, v44;
	v35 =	vadd.f32 v35, v42;
	v42 =	vmul.f32 v41, v25  }
0x153: {  	[tilespmem:s16+$0xB170] =	vst v60;
	v45 =	vld [tilespmem:s16+$0x12FF0];
	v41 =	vmul.f32 v41, v24;
	v32 =	vadd.f32 v32, v34;
	v39 =	vadd.f32 v33, v58  }
0x154: {  	[tilespmem:s16+$0xB140] =	vst v52;
	v58 =	vadd.f32 v35, v43;
	v35 =	vadd.f32 v61, v42;
	v61 =	vld [tilespmem:$0x1FD70]  }
0x155: {  	[tilespmem:$0x1FEA0] =	vst v32;
	v32 =	vperm.xlane v46, v9;
	v49 =	vadd.f32 v39, v41;
	v41 =	vld [tilespmem:$0x1FD50]  }
0x156: {  	[tilespmem:s16+$0xB130] =	vst v54;
	v44 =	vld [tilespmem:s16+$0x12FC0]  }
0x157: {  	v42 =	vld [tilespmem:$0x1FD60];
	[tilespmem:s16+$0xB250] =	vst v38;
	v38 =	vperm.xlane v47, v9;
	v62 =	vmul.f32 v32, v23  }
0x158: {  	v43 =	vld [tilespmem:s16+$0x12FD0];
	[tilespmem:$0x1FE90] =	vst v58  }
0x159: {  	v39 =	vmul.f32 v38, v31;
	v34 =	vadd.f32 v45, v62;
	[tilespmem:s16+$0xB210] =	vst v61;
	v61 =	vld [tilespmem:$0x1FD80]  }
0x15a: {  	v36 =	vmul.f32 v32, v22;
	v62 =	vmul.f32 v32, v20;
	[tilespmem:s16+$0xB230] =	vst v41;
	v41 =	vld [tilespmem:s16+$0x12FB0]  }
0x15b: {  	[tilespmem:$0x1FEB0] =	vst v35;
	v58 =	vmul.f32 v32, v21;
	v45 =	vld [tilespmem:s16+$0x12FA0];
	v34 =	vadd.f32 v34, v39  }
0x15c: {  	v37 =	vmul.f32 v38, v30;
	[tilespmem:s16+$0xB220] =	vst v42;
	v40 =	vadd.f32 v40, v36;
	v35 =	vadd.f32 v44, v62;
	v44 =	vld [tilespmem:s16+$0x12F80]  }
0x15d: {  	v57 =	vmul.f32 v32, v19;
	v36 =	vmul.f32 v38, v29;
	v42 =	vadd.f32 v43, v58;
	[tilespmem:$0x1FEC0] =	vst v34;
	v34 =	vld [tilespmem:s16+$0x12F90]  }
0x15e: {  	v55 =	vmul.f32 v38, v27;
	v58 =	vmul.f32 v38, v28;
	v37 =	vadd.f32 v40, v37;
	[tilespmem:s16+$0xB1E0] =	vst v61;
	v61 =	vld [tilespmem:$0x1FDA0]  }
0x15f: {  	[tilespmem:s16+$0xB110] =	vst v63;
	v62 =	vmul.f32 v32, v18;
	v36 =	vadd.f32 v42, v36;
	v39 =	vadd.f32 v41, v57;
	v57 =	vld [tilespmem:$0x1FD90]  }
0x160: {  	[tilespmem:$0x1FED0] =	vst v37;
	v37 =	vld [tilespmem:s16+$0x12F70];
	v35 =	vadd.f32 v35, v58;
	v58 =	vmul.f32 v32, v17  }
0x161: {  	[tilespmem:$0x1FEE0] =	vst v36;
	v40 =	vadd.f32 v45, v62;
	v62 =	vmul.f32 v38, v26;
	v43 =	vadd.f32 v39, v55;
	v55 =	vld [tilespmem:$0x1FDB0]  }
0x162: {  	[tilespmem:$0x1FEF0] =	vst v35;
	v35 =	vadd.f32 v34, v58;
	v58 =	vld [tilespmem:$0x1FDC0]  }
0x163: {  	v36 =	vld [tilespmem:s16+$0x12F50];
	[tilespmem:s16+$0xB1C0] =	vst v61;
	v61 =	vadd.f32 v40, v62  }
0x164: {  	v33 =	vperm.xlane v46, v8;
	v39 =	vld [tilespmem:s16+$0x12F60];
	[tilespmem:s16+$0xB1D0] =	vst v57;
	v57 =	vmul.f32 v32, v16  }
0x165: {  	v60 =	vld [tilespmem:s16+$0x12F30];
	v41 =	vmul.f32 v38, v25;
	v38 =	vmul.f32 v38, v24;
	[tilespmem:$0x1FF10] =	vst v61  }
0x166: {  	v62 =	vmul.f32 v33, v23;
	v32 =	vperm.xlane v47, v8;
	[tilespmem:s16+$0xB1B0] =	vst v55;
	v34 =	vadd.f32 v44, v57;
	v57 =	vld [tilespmem:$0x1FDE0]  }
0x167: {  	v35 =	vadd.f32 v35, v41;
	v61 =	vld [tilespmem:$0x1FDF0];
	v55 =	vmul.f32 v33, v22;
	[tilespmem:s16+$0xB1A0] =	vst v58;
	v58 =	vmul.f32 v33, v21  }
0x168: {  	v42 =	vld [tilespmem:s16+$0x12F40];
	[tilespmem:$0x1FF00] =	vst v43;
	v45 =	vadd.f32 v37, v62;
	v34 =	vadd.f32 v34, v38  }
0x169: {  	v40 =	vld [tilespmem:s16+$0x12F10];
	[tilespmem:$0x1FF20] =	vst v35;
	v44 =	vadd.f32 v39, v55;
	v55 =	vmul.f32 v32, v29;
	v62 =	vadd.f32 v36, v58  }
0x16a: {  	v35 =	vmul.f32 v32, v31;
	v39 =	vld [tilespmem:s16+$0x12F20];
	[tilespmem:$0x1FF30] =	vst v34  }
0x16b: {  	[tilespmem:s16+$0xB180] =	vst v57;
	v57 =	vmul.f32 v32, v30;
	v34 =	vadd.f32 v62, v55;
	v55 =	vld [tilespmem:$0x1FE10]  }
0x16c: {  	v54 =	vmul.f32 v33, v18;
	v43 =	vld [tilespmem:$0x1FDD0];
	v35 =	vadd.f32 v45, v35;
	[tilespmem:s16+$0xB160] =	vst v61;
	v61 =	vmul.f32 v33, v20  }
0x16d: {  	[tilespmem:s16+$0xB0F0] =	vst v59;
	v45 =	vmul.f32 v32, v28;
	v62 =	vmul.f32 v33, v19;
	v52 =	vadd.f32 v44, v57;
	v44 =	vld [tilespmem:s16+$0x12F00]  }
0x16e: {  	v63 =	vld [tilespmem:s16+$0x12EC0];
	[tilespmem:$0x1FF40] =	vst v35;
	v38 =	vadd.f32 v42, v61;
	v42 =	vmul.f32 v32, v27;
	v57 =	vmul.f32 v33, v17  }
0x16f: {  	v36 =	vld [tilespmem:s16+$0x12EE0];
	[tilespmem:$0x1FF60] =	vst v34;
	v34 =	vadd.f32 v60, v62;
	v39 =	vadd.f32 v39, v54;
	v54 =	vmul.f32 v32, v25  }
0x170: {  	v33 =	vmul.f32 v33, v16;
	v35 =	vadd.f32 v40, v57;
	v40 =	vperm.xlane v46, v7;
	[tilespmem:s16+$0xB120] =	vst v55;
	v55 =	vld [tilespmem:$0x1FE20]  }
0x171: {  	[tilespmem:$0x1FF50] =	vst v52;
	v52 =	vadd.f32 v38, v45;
	v45 =	vld [tilespmem:s16+$0x12EF0];
	v34 =	vadd.f32 v34, v42;
	v42 =	vperm.xlane v47, v7  }
0x172: {  	[tilespmem:s16+$0xB190] =	vst v43;
	v59 =	vmul.f32 v40, v22;
	v41 =	vadd.f32 v35, v54;
	v33 =	vadd.f32 v44, v33;
	v44 =	vld [tilespmem:s16+$0x12ED0]  }
0x173: {  	[tilespmem:$0x1FF70] =	vst v52  }
0x174: {  	v58 =	vld [tilespmem:$0x1FE00];
	v43 =	vmul.f32 v40, v23;
	v52 =	vmul.f32 v42, v30;
	[tilespmem:$0x1FFA0] =	vst v41;
	v36 =	vadd.f32 v36, v59  }
0x175: {  	v41 =	vmul.f32 v40, v21;
	[tilespmem:s16+$0xB100] =	vst v55;
	v55 =	vmul.f32 v40, v20  }
0x176: {  	v57 =	vld [tilespmem:$0x1FE30];
	v35 =	vadd.f32 v45, v43;
	v43 =	vadd.f32 v36, v52  }
0x177: {  	[tilespmem:s16+$0xB0B0] =	vst v51;
	v52 =	vmul.f32 v42, v28;
	v51 =	vadd.f32 v63, v55;
	v44 =	vadd.f32 v44, v41;
	v41 =	vld [tilespmem:$0x1FE60]  }
0x178: {  	v63 =	vld [tilespmem:s16+$0x12E90]  }
0x179: {  	[tilespmem:s16+$0xB150] =	vst v58;
	v58 =	vmul.f32 v32, v26;
	v61 =	vadd.f32 v51, v52;
	v51 =	vld [tilespmem:$0x1FE70]  }
0x17a: {  	v38 =	vld [tilespmem:s16+$0x12E50];
	[tilespmem:$0x1FF80] =	vst v34;
	v34 =	vmul.f32 v32, v24;
	v32 =	vmul.f32 v42, v31  }
0x17b: {  	[tilespmem:s16+$0xB090] =	vst v50;
	v58 =	vadd.f32 v39, v58;
	v39 =	vld [tilespmem:$0x1FE40]  }
0x17c: {  	v54 =	vld [tilespmem:$0x1FE50];
	[tilespmem:s16+$0xB0E0] =	vst v57;
	v57 =	vadd.f32 v35, v32;
	v32 =	vmul.f32 v40, v17  }
0x17d: {  	v60 =	vperm.xlane v46, v6;
	[tilespmem:s16+$0xB080] =	vst v41;
	v41 =	vld [tilespmem:s16+$0x12E60]  }
0x17e: {  	v59 =	vadd.f32 v33, v34;
	v34 =	vld [tilespmem:s16+$0x12EA0];
	v32 =	vadd.f32 v63, v32;
	[tilespmem:s16+$0xB070] =	vst v51;
	v51 =	vmul.f32 v42, v25  }
0x17f: {  	[tilespmem:s16+$0xB0A0] =	vst v56;
	v45 =	vld [tilespmem:s16+$0x12E70]  }
0x180: {  	[tilespmem:s16+$0xB040] =	vst v53;
	v36 =	vld [tilespmem:s16+$0x12EB0];
	v53 =	vadd.f32 v32, v51;
	v51 =	vmul.f32 v60, v22  }
0x181: {  	[tilespmem:s16+$0xB060] =	vst v48;
	v50 =	vmul.f32 v40, v18;
	v35 =	vld [tilespmem:s16+$0x12E80]  }
0x182: {  	v48 =	vmul.f32 v40, v16;
	[tilespmem:$0x1FFB0] =	vst v43;
	v43 =	vmul.f32 v40, v19;
	v40 =	vadd.f32 v41, v51;
	v51 =	vld [tilespmem:$0x1FEE0]  }
0x183: {  	[tilespmem:s16+$0xB000] =	vst v49;
	v55 =	vmul.f32 v42, v29;
	v34 =	vadd.f32 v34, v50;
	v50 =	vld [tilespmem:$0x1FE80]  }
0x184: {  	[tilespmem:s16+$0xB0D0] =	vst v39;
	v39 =	vld [tilespmem:s16+$0x12E40]  }
0x185: {  	v62 =	vmul.f32 v60, v21;
	[tilespmem:$0x1FF90] =	vst v58;
	v56 =	vadd.f32 v44, v55;
	v44 =	vld [tilespmem:$0x1FEA0]  }
0x186: {  	v58 =	vmul.f32 v42, v26;
	[tilespmem:s16+$0xB0C0] =	vst v54;
	v52 =	vmul.f32 v42, v27;
	v36 =	vadd.f32 v36, v43;
	v43 =	vld [tilespmem:$0x1FE90]  }
0x187: {  	v49 =	vmul.f32 v60, v20;
	v35 =	vadd.f32 v35, v48;
	v42 =	vmul.f32 v42, v24;
	[tilespmem:s16+$0xAFD0] =	vst v51;
	v51 =	vld [tilespmem:$0x1FF00]  }
0x188: {  	v58 =	vadd.f32 v34, v58;
	v54 =	vadd.f32 v36, v52;
	v36 =	vperm.xlane v47, v6;
	[tilespmem:s16+$0xB050] =	vst v50;
	v50 =	vld [tilespmem:$0x1FEB0]  }
0x189: {  	v55 =	vadd.f32 v35, v42;
	v35 =	vadd.f32 v38, v62;
	v38 =	vld [tilespmem:s16+$0x12E10]  }
0x18a: {  	v48 =	vmul.f32 v60, v23;
	v34 =	vadd.f32 v39, v49;
	v49 =	vld [tilespmem:$0x1FEF0];
	v62 =	vmul.f32 v36, v28  }
0x18b: {  	v39 =	vld [tilespmem:s16+$0x12DD0]  }
0x18c: {  	v33 =	vadd.f32 v45, v48;
	v48 =	vld [tilespmem:$0x1FEC0];
	[tilespmem:s16+$0xAFB0] =	vst v51;
	v51 =	vadd.f32 v34, v62;
	v62 =	vmul.f32 v60, v17  }
0x18d: {  	[tilespmem:s16+$0xB010] =	vst v50;
	v50 =	vld [tilespmem:$0x1FED0]  }
0x18e: {  	v38 =	vadd.f32 v38, v62;
	v62 =	vld [tilespmem:$0x1FF40]  }
0x18f: {  	[tilespmem:s16+$0xB030] =	vst v43;
	v43 =	vld [tilespmem:s16+$0x12E30]  }
0x190: {  	v45 =	vld [tilespmem:s16+$0x12E20];
	v37 =	vmul.f32 v36, v30  }
0x191: {  	[tilespmem:s16+$0xB020] =	vst v44;
	v44 =	vld [tilespmem:$0x1FF30]  }
0x192: {  	v42 =	vmul.f32 v60, v19;
	[tilespmem:s16+$0xAFE0] =	vst v50;
	v50 =	vadd.f32 v40, v37;
	v40 =	vld [tilespmem:s16+$0x12E00]  }
0x193: {  	v41 =	vmul.f32 v36, v29;
	[tilespmem:s16+$0xAF70] =	vst v62;
	v62 =	vld [tilespmem:$0x1FF80]  }
0x194: {  	[tilespmem:s16+$0xAF00] =	vst v59;
	v42 =	vadd.f32 v43, v42;
	v43 =	vmul.f32 v36, v27;
	v37 =	vld [tilespmem:$0x1FF10]  }
0x195: {  	v52 =	vmul.f32 v36, v31;
	v32 =	vmul.f32 v60, v18;
	[tilespmem:s16+$0xAFF0] =	vst v48;
	v48 =	vadd.f32 v35, v41;
	v41 =	vld [tilespmem:s16+$0x12DF0]  }
0x196: {  	[tilespmem:s16+$0xAFC0] =	vst v49;
	v49 =	vadd.f32 v42, v43;
	v42 =	vld [tilespmem:$0x1FF20];
	v60 =	vmul.f32 v60, v16  }
0x197: {  	[tilespmem:s16+$0xAEF0] =	vst v57;
	v52 =	vadd.f32 v33, v52;
	v33 =	vmul.f32 v36, v25;
	v32 =	vadd.f32 v45, v32;
	v35 =	vld [tilespmem:s16+$0x12D90]  }
0x198: {  	v45 =	vmul.f32 v36, v26;
	v36 =	vmul.f32 v36, v24;
	v40 =	vadd.f32 v40, v60;
	[tilespmem:s16+$0xAF30] =	vst v62;
	v62 =	vld [tilespmem:$0x1FF90]  }
0x199: {  	[tilespmem:s16+$0xAFA0] =	vst v37;
	v37 =	vld [tilespmem:$0x1FF50]  }
0x19a: {  	v63 =	vperm.xlane v46, v5;
	[tilespmem:s16+$0xAF80] =	vst v44;
	v44 =	vadd.f32 v32, v45;
	v36 =	vadd.f32 v40, v36;
	v40 =	vld [tilespmem:$0x1FF70]  }
0x19b: {  	[tilespmem:s16+$0xAF90] =	vst v42;
	v42 =	vadd.f32 v38, v33;
	v38 =	vld [tilespmem:$0x1FF60]  }
0x19c: {  	v45 =	vmul.f32 v63, v23;
	v43 =	vld [tilespmem:s16+$0x12DE0];
	[tilespmem:s16+$0xAE20] =	vst v44  }
0x19d: {  	v59 =	vmul.f32 v63, v17;
	[tilespmem:s16+$0xAF20] =	vst v62;
	v62 =	vld [tilespmem:$0x1FFA0]  }
0x19e: {  	v32 =	vperm.xlane v47, v5;
	v41 =	vadd.f32 v41, v45;
	v45 =	vmul.f32 v63, v21;
	[tilespmem:s16+$0xAF60] =	vst v37;
	v37 =	vld [tilespmem:s16+$0x12DC0]  }
0x19f: {  	v44 =	vperm.xlane v46, v3;
	v60 =	vmul.f32 v63, v22;
	[tilespmem:s16+$0xAF40] =	vst v40;
	v40 =	vld [tilespmem:s16+$0x12DA0]  }
0x1a0: {  	v35 =	vadd.f32 v35, v59;
	v39 =	vadd.f32 v39, v45;
	v45 =	vmul.f32 v32, v29;
	[tilespmem:s16+$0xAF50] =	vst v38;
	v38 =	vld [tilespmem:s16+$0x12DB0]  }
0x1a1: {  	[tilespmem:s16+$0xAED0] =	vst v56;
	v59 =	vperm.xlane v46, v4;
	v43 =	vadd.f32 v43, v60;
	v60 =	vmul.f32 v32, v31  }
0x1a2: {  	v34 =	vmul.f32 v63, v20;
	v39 =	vadd.f32 v39, v45;
	[tilespmem:s16+$0xAF10] =	vst v62;
	v62 =	vmul.f32 v63, v18  }
0x1a3: {  	v57 =	vld [tilespmem:s16+$0x12D60];
	[tilespmem:s16+$0xAEC0] =	vst v61;
	v45 =	vmul.f32 v63, v19;
	v33 =	vmul.f32 v32, v30;
	v41 =	vadd.f32 v41, v60  }
0x1a4: {  	[tilespmem:s16+$0xAEA0] =	vst v58;
	v60 =	vmul.f32 v32, v28;
	v34 =	vadd.f32 v37, v34;
	v40 =	vadd.f32 v40, v62;
	v62 =	vld [tilespmem:$0x1FFB0]  }
0x1a5: {  	v56 =	vld [tilespmem:s16+$0x12D40];
	[tilespmem:s16+$0xAE30] =	vst v49;
	v49 =	vperm.xlane v47, v3;
	v37 =	vmul.f32 v32, v27;
	v38 =	vadd.f32 v38, v45  }
0x1a6: {  	[tilespmem:s16+$0xAEB0] =	vst v54;
	v61 =	vmul.f32 v59, v22;
	v33 =	vadd.f32 v43, v33;
	v43 =	vld [tilespmem:s16+$0x12D80];
	v34 =	vadd.f32 v34, v60  }
0x1a7: {  	[tilespmem:s16+$0xAE90] =	vst v53;
	v60 =	vmul.f32 v32, v25;
	v37 =	vadd.f32 v38, v37;
	v38 =	vperm.xlane v47, v4  }
0x1a8: {  	[tilespmem:s16+$0xAE60] =	vst v50;
	v54 =	vmul.f32 v59, v23;
	v57 =	vadd.f32 v57, v61;
	v61 =	vmul.f32 v59, v20  }
0x1a9: {  	v35 =	vadd.f32 v35, v60;
	v60 =	vmul.f32 v38, v30;
	v63 =	vmul.f32 v63, v16;
	[tilespmem:s16+$0xAEE0] =	vst v62;
	v62 =	vld [tilespmem:s16+$0x12D70]  }
0x1aa: {  	v50 =	vmul.f32 v59, v19;
	[tilespmem:s16+$0xAE40] =	vst v51;
	v51 =	vld [tilespmem:s16+$0x12CD0];
	v56 =	vadd.f32 v56, v61;
	v45 =	vmul.f32 v32, v26  }
0x1ab: {  	[tilespmem:s16+$0xAE80] =	vst v55;
	v32 =	vmul.f32 v32, v24;
	v55 =	vadd.f32 v57, v60;
	v57 =	vld [tilespmem:s16+$0x12D30];
	v43 =	vadd.f32 v43, v63  }
0x1ac: {  	[tilespmem:s16+$0xAE00] =	vst v36;
	v36 =	vperm.xlane v46, v2;
	v46 =	vperm.xlane v46, v1;
	v40 =	vadd.f32 v40, v45;
	v45 =	vld [tilespmem:s16+$0x12D50]  }
0x1ad: {  	[tilespmem:s16+$0xADE0] =	vst v33;
	v33 =	vmul.f32 v44, v21;
	v58 =	vmul.f32 v38, v31;
	v32 =	vadd.f32 v43, v32;
	v43 =	vld [tilespmem:s16+$0x12D20]  }
0x1ae: {  	[tilespmem:s16+$0xAE70] =	vst v52;
	v52 =	vmul.f32 v38, v29;
	v60 =	vmul.f32 v38, v28;
	v53 =	vadd.f32 v62, v54  }
0x1af: {  	[tilespmem:s16+$0xAE50] =	vst v48;
	v33 =	vadd.f32 v51, v33;
	v48 =	vmul.f32 v38, v27;
	v54 =	vmul.f32 v59, v21  }
0x1b0: {  	v56 =	vadd.f32 v56, v60;
	v60 =	vmul.f32 v59, v18;
	v53 =	vadd.f32 v53, v58;
	v58 =	vld [tilespmem:s16+$0x12D00]  }
0x1b1: {  	v61 =	vmul.f32 v38, v25;
	v63 =	vmul.f32 v59, v17;
	v45 =	vadd.f32 v45, v54;
	v54 =	vld [tilespmem:s16+$0x12D10]  }
0x1b2: {  	v43 =	vadd.f32 v43, v60;
	v60 =	vadd.f32 v57, v50;
	v57 =	vld [tilespmem:s16+$0x12CF0];
	v50 =	vmul.f32 v49, v31  }
0x1b3: {  	v62 =	vmul.f32 v38, v26;
	v59 =	vmul.f32 v59, v16;
	v45 =	vadd.f32 v45, v52;
	v52 =	vld [tilespmem:s16+$0x12CE0]  }
0x1b4: {  	[tilespmem:s16+$0xAE10] =	vst v42;
	v42 =	vadd.f32 v60, v48;
	v48 =	vmul.f32 v44, v22;
	v60 =	vmul.f32 v49, v30  }
0x1b5: {  	v38 =	vmul.f32 v38, v24;
	v43 =	vadd.f32 v43, v62;
	v58 =	vadd.f32 v58, v59  }
0x1b6: {  	[tilespmem:s16+$0xAD50] =	vst v45;
	v45 =	vperm.xlane v47, v2;
	v62 =	vadd.f32 v54, v63;
	v54 =	vld [tilespmem:s16+$0x12CC0];
	v59 =	vmul.f32 v44, v23  }
0x1b7: {  	[tilespmem:s16+$0xADD0] =	vst v39;
	v47 =	vperm.xlane v47, v1;
	v63 =	vmul.f32 v44, v20;
	v38 =	vadd.f32 v58, v38  }
0x1b8: {  	[tilespmem:s16+$0xAD70] =	vst v53;
	v53 =	vmul.f32 v45, v28;
	v58 =	vld [tilespmem:s16+$0x12CB0];
	v57 =	vadd.f32 v57, v59;
	v48 =	vadd.f32 v52, v48  }
0x1b9: {  	v39 =	vld [tilespmem:s16+$0x12CA0];
	[tilespmem:s16+$0xADF0] =	vst v41;
	v41 =	vadd.f32 v62, v61;
	v52 =	vmul.f32 v49, v29;
	v61 =	vmul.f32 v44, v19  }
0x1ba: {  	[tilespmem:s16+$0xADC0] =	vst v34;
	v34 =	vadd.f32 v57, v50;
	v48 =	vadd.f32 v48, v60;
	v60 =	vmul.f32 v44, v18  }
0x1bb: {  	[tilespmem:s16+$0xAD90] =	vst v35;
	v50 =	vld [tilespmem:s16+$0x12C90];
	v57 =	vmul.f32 v49, v26;
	v62 =	vadd.f32 v54, v63;
	v63 =	vmul.f32 v49, v28  }
0x1bc: {  	[tilespmem:s16+$0xADA0] =	vst v40;
	v40 =	vld [tilespmem:s16+$0x12C80];
	v33 =	vadd.f32 v33, v52;
	v52 =	vmul.f32 v46, v20;
	v54 =	vmul.f32 v47, v28  }
0x1bd: {  	v35 =	vld [tilespmem:s16+$0x12C70];
	[tilespmem:s16+$0xADB0] =	vst v37;
	v51 =	vadd.f32 v58, v61;
	v61 =	vmul.f32 v49, v27;
	v37 =	vadd.f32 v62, v63  }
0x1be: {  	v59 =	vld [tilespmem:s16+$0x12C60];
	v62 =	vmul.f32 v44, v17;
	v63 =	vadd.f32 v39, v60;
	v60 =	vmul.f32 v49, v25  }
0x1bf: {  	[tilespmem:s16+$0xAD60] =	vst v55;
	v44 =	vmul.f32 v44, v16;
	v49 =	vmul.f32 v49, v24;
	v51 =	vadd.f32 v51, v61;
	v61 =	vld [tilespmem:s16+$0x12C50]  }
0x1c0: {  	v55 =	vld [tilespmem:s16+$0x12C40];
	[tilespmem:s16+$0xAD80] =	vst v32;
	v58 =	vmul.f32 v45, v31;
	v50 =	vadd.f32 v50, v62;
	v62 =	vmul.f32 v36, v23  }
0x1c1: {  	[tilespmem:s16+$0xAD30] =	vst v42;
	v42 =	vld [tilespmem:s16+$0x12C30];
	v32 =	vadd.f32 v63, v57;
	v40 =	vadd.f32 v40, v44;
	v63 =	vmul.f32 v36, v22  }
0x1c2: {  	[tilespmem:s16+$0xAD20] =	vst v43;
	v43 =	vld [tilespmem:s16+$0x12C20];
	v57 =	vmul.f32 v36, v21;
	v35 =	vadd.f32 v35, v62;
	v50 =	vadd.f32 v50, v60  }
0x1c3: {  	[tilespmem:s16+$0xAD10] =	vst v41;
	v41 =	vld [tilespmem:s16+$0x12C10];
	v44 =	vadd.f32 v59, v63;
	v59 =	vmul.f32 v45, v29;
	v60 =	vmul.f32 v45, v30  }
0x1c4: {  	[tilespmem:s16+$0xAD40] =	vst v56;
	v62 =	vmul.f32 v36, v19;
	v63 =	vmul.f32 v36, v18;
	v39 =	vadd.f32 v61, v57  }
0x1c5: {  	[tilespmem:s16+$0xAD00] =	vst v38;
	v35 =	vadd.f32 v35, v58;
	v44 =	vadd.f32 v44, v60;
	v61 =	vmul.f32 v36, v20  }
0x1c6: {  	[tilespmem:s16+$0xACF0] =	vst v34;
	v34 =	vld [tilespmem:s16+$0x12C00];
	v58 =	vmul.f32 v45, v27;
	v38 =	vadd.f32 v39, v59;
	v59 =	vmul.f32 v36, v17  }
0x1c7: {  	v56 =	vld [tilespmem:s16+$0x12BF0];
	[tilespmem:s16+$0xACE0] =	vst v48;
	v60 =	vmul.f32 v45, v26;
	v57 =	vadd.f32 v55, v61;
	v39 =	vadd.f32 v42, v62  }
0x1c8: {  	[tilespmem:s16+$0xACD0] =	vst v33;
	v61 =	vadd.f32 v43, v63;
	v62 =	vld [tilespmem:s16+$0x12BE0];
	v63 =	vmul.f32 v45, v25;
	v55 =	vadd.f32 v41, v59  }
0x1c9: {  	[tilespmem:s16+$0xACC0] =	vst v37;
	v40 =	vadd.f32 v40, v49;
	v36 =	vmul.f32 v36, v16;
	v45 =	vmul.f32 v45, v24;
	v42 =	vld [tilespmem:s16+$0x12BD0]  }
0x1ca: {  	[tilespmem:s16+$0xACB0] =	vst v51;
	v49 =	vadd.f32 v57, v53;
	v59 =	vmul.f32 v46, v23;
	v37 =	vadd.f32 v55, v63;
	v63 =	vld [tilespmem:s16+$0x12BB0]  }
0x1cb: {  	[tilespmem:s16+$0xACA0] =	vst v32;
	v39 =	vadd.f32 v39, v58;
	v57 =	vld [tilespmem:s16+$0x12BC0];
	v34 =	vadd.f32 v34, v36;
	v58 =	vmul.f32 v46, v22  }
0x1cc: {  	[tilespmem:s16+$0xAC90] =	vst v50;
	v32 =	vadd.f32 v61, v60;
	v61 =	vmul.f32 v47, v31;
	v41 =	vadd.f32 v56, v59;
	v59 =	vld [tilespmem:s16+$0x12B90]  }
0x1cd: {  	[tilespmem:s16+$0xAC80] =	vst v40;
	v34 =	vadd.f32 v34, v45;
	v45 =	vld [tilespmem:s16+$0x12BA0];
	v36 =	vadd.f32 v62, v58;
	v58 =	vmul.f32 v46, v19  }
0x1ce: {  	[tilespmem:s16+$0xAC70] =	vst v35;
	v60 =	vmul.f32 v47, v30;
	v62 =	vmul.f32 v46, v21;
	v55 =	vadd.f32 v41, v61  }
0x1cf: {  	[tilespmem:s16+$0xAC60] =	vst v44;
	v53 =	vmul.f32 v47, v29;
	v56 =	vld [tilespmem:s16+$0x12B80];
	v43 =	vadd.f32 v63, v58;
	v63 =	vmul.f32 v46, v17  }
0x1d0: {  	v33 =	vadd.f32 v57, v52;
	v57 =	vmul.f32 v46, v18;
	v35 =	vadd.f32 v42, v62;
	[tilespmem:s16+$0xABF0] =	vst v55;
	v55 =	vld [tilespmem:$0x1FFC0]  }
0x1d1: {  	v61 =	vmul.f32 v47, v26;
	[tilespmem:s16+$0xAC10] =	vst v37;
	v36 =	vadd.f32 v36, v60;
	v37 =	vadd.f32 v59, v63;
	v59 =	vld [tilespmem:$0x1FFD0]  }
0x1d2: {  	[tilespmem:s16+$0xAC20] =	vst v32;
	v62 =	vmul.f32 v46, v16;
	v41 =	vadd.f32 v45, v57;
	v32 =	vadd.f32 v35, v53;
	v35 =	vld [tilespmem:s16+$0x12B60]  }
0x1d3: {  	[tilespmem:s16+$0xAC50] =	vst v38;
	v60 =	vmul.f32 v47, v27;
	v52 =	vmul.f32 v47, v25;
	v33 =	vadd.f32 v33, v54;
	v45 =	vld [tilespmem:s16+$0x12B70]  }
0x1d4: {  	[tilespmem:s16+$0xAC30] =	vst v39;
	v53 =	vmul.f32 v47, v24;
	v40 =	vadd.f32 v56, v62;
	v57 =	vld [tilespmem:s16+$0x12B50];
	v39 =	vadd.f32 v41, v61  }
0x1d5: {  	[tilespmem:s16+$0xAC40] =	vst v49;
	v54 =	vadd.f32 v43, v60;
	v43 =	vld [tilespmem:s16+$0x12B40];
	v56 =	vmul.f32 v55, v23;
	v58 =	vmul.f32 v55, v22  }
0x1d6: {  	[tilespmem:s16+$0xAC00] =	vst v34;
	v34 =	vadd.f32 v40, v53;
	v63 =	vld [tilespmem:s16+$0x12B00];
	v50 =	vmul.f32 v55, v20;
	v60 =	vmul.f32 v59, v31  }
0x1d7: {  	[tilespmem:s16+$0xABE0] =	vst v36;
	v62 =	vadd.f32 v37, v52;
	v61 =	vmul.f32 v59, v30;
	v52 =	vmul.f32 v59, v29  }
0x1d8: {  	[tilespmem:s16+$0xABB0] =	vst v54;
	v35 =	vadd.f32 v35, v58;
	v54 =	vmul.f32 v59, v28;
	v58 =	vmul.f32 v59, v24;
	v59 =	vld [tilespmem:$0x1FFE0]  }
0x1d9: {  	[tilespmem:s16+$0xABD0] =	vst v32;
	v53 =	vld [tilespmem:s16+$0x132D0];
	v51 =	vmul.f32 v55, v21;
	v55 =	vmul.f32 v55, v16;
	v38 =	vadd.f32 v45, v56  }
0x1da: {  	[tilespmem:s16+$0xABC0] =	vst v33;
	v40 =	vadd.f32 v43, v50;
	v35 =	vadd.f32 v35, v61;
	v61 =	vld [tilespmem:$0x1FFF0]  }
0x1db: {  	[tilespmem:s16+$0xABA0] =	vst v39;
	v33 =	vadd.f32 v57, v51;
	v56 =	vld [tilespmem:s16+$0x132C0];
	v37 =	vadd.f32 v63, v55  }
0x1dc: {  	[tilespmem:s16+$0xAB80] =	vst v34;
	v57 =	vld [tilespmem:s16+$0x132B0];
	v36 =	vadd.f32 v38, v60;
	v40 =	vadd.f32 v40, v54  }
0x1dd: {  	[tilespmem:s16+$0xAB90] =	vst v62;
	v63 =	vld [tilespmem:s16+$0x132A0];
	v33 =	vadd.f32 v33, v52;
	v60 =	vmul.f32 v59, v21;
	v49 =	vmul.f32 v59, v20  }
0x1de: {  	v48 =	vld [tilespmem:s16+$0x13290];
	v37 =	vadd.f32 v37, v58;
	[tilespmem:s16+$0xAB70] =	vst v36;
	v50 =	vmul.f32 v59, v19;
	v55 =	vmul.f32 v59, v18  }
0x1df: {  	[tilespmem:s16+$0xAB60] =	vst v35;
	v58 =	vmul.f32 v59, v16;
	v62 =	vmul.f32 v61, v29;
	v43 =	vadd.f32 v53, v60;
	v53 =	vld [tilespmem:s16+$0x13280]  }
0x1e0: {  	[tilespmem:s16+$0xAB50] =	vst v33;
	v51 =	vmul.f32 v61, v28;
	v52 =	vmul.f32 v61, v27;
	v39 =	vadd.f32 v56, v49  }
0x1e1: {  	[tilespmem:s16+$0xAB40] =	vst v40;
	v32 =	vadd.f32 v57, v50;
	v56 =	vmul.f32 v59, v17;
	v54 =	vadd.f32 v43, v62  }
0x1e2: {  	[tilespmem:s16+$0xAB00] =	vst v37;
	v57 =	vmul.f32 v61, v26;
	v34 =	vadd.f32 v63, v55;
	v35 =	vadd.f32 v39, v51  }
0x1e3: {  	v59 =	vmul.f32 v61, v25;
	v32 =	vadd.f32 v32, v52;
	v60 =	vadd.f32 v48, v56;
	[tilespmem:s16+$0xB2D0] =	vst v54  }
0x1e4: {  	p2 =	sne.s32 s31, $0x18;
	v61 =	vmul.f32 v61, v24;
	v34 =	vadd.f32 v34, v57;
	[tilespmem:s16+$0xB2C0] =	vst v35;
	v62 =	vadd.f32 v53, v58  }
.Ltmp1:
0x1e5: {  	s18 =	sshll.u32 s31, $0xF;
	v33 =	vadd.f32 v60, v59;
	[tilespmem:s16+$0xB2B0] =	vst v32;
	(pc) =	sbr.rel @p2 .LBB2_6-.Ltmp1, $4  }
0x1e6: {  	s17 =	sadd.s32 s11, s18;
	[tilespmem:s16+$0xB2A0] =	vst v34;
	v63 =	vadd.f32 v62, v61  }
0x1e7: {  	s17 =	sshrl.u32 s17, $0x3;
	[tilespmem:s16+$0xB290] =	vst v33  }
0x1e8: {  	s19 =	sadd.s32 s1, s17;
	[tilespmem:s16+$0xB280] =	vst v63  }
0x1e9: {  	[hbm4b:s19+s3] =	stream.linear.scatter [tilespmem:s24], [sflag:$0x3], $0x4000, $0x38;
	[tilespmem:$0x1AC00] =	vst v63  }
.Ltmp2:
0x1ea: {  	(pc) =	sbr.rel .LBB2_7-.Ltmp2, $4  }
0x1eb: {  	_ = 	snop  }
0x1ec: {  	_ =	swait.ge [sflag:s25], $0x4000  }
0x1ed: {  	[sflag:s25] =	ssyncset.done $0x0  }
0x1ee: {  	[sflag:s25] =	ssyncadd.s32 $0xFFFFC000  }
.LBB2_6:
0x1ef: {  	s14 =	sand.u32 $0x3FFFFF00, s14  }
.Ltmp3:
0x1f0: {  	s14 =	sadd.s32 $0x6100, s14;
	(pc) =	sbr.rel @p1 .LBB2_8-.Ltmp3, $4  }
0x1f1: {  	[tilespmem:s21], [sflag:$0x1] =	stream.indirect.gather [spmem:s2], $0x80, s14, s20, $0xb8;
	[tilespmem:$0x1AC00] =	vst v63  }
0x1f2: {  	_ =	swait.ge [sflag:s25], $0x4000  }
0x1f3: {  	[sflag:s25] =	ssyncset.done $0x0  }
0x1f4: {  	[sflag:s25] =	ssyncadd.s32 $0xFFFFC000  }
.LBB2_7:
0x1f5: {  	_ =	swait.ge [sflag:s26], $0x4000  }
0x1f6: {  	[sflag:s26] =	ssyncset.done $0x0  }
0x1f7: {  	[sflag:s26] =	ssyncadd.s32 $0xFFFFC000  }
.LBB2_8:
0x1f8: {  	v32 =	vmov s0;
	_ =	sdelay $0x3  }
0x1f9: {  	s14 =	simm.s32 $0x0;
	s17 =	simm.s32 $0x0;
	s16 =	simm.s32 $0x1  }
.LBB2_9:
0x1fa: {  	p1 =	sne.s32 s16, $0x7;
	v38 =	vld.idx.msk [tilespmem:v32+s17+$0x7900 ss:$0x1], $0xffff;
	_ =	sdelay $0x1  }
0x1fb: {  	v37 =	vld.idx.msk [tilespmem:v32+s17+$0x9200 ss:$0x1], $0xffff;
	_ =	sdelay $0x1  }
0x1fc: {  	s18 =	sshll.u32 s14, $0xB;
	s14 =	smov.u32 s16  }
0x1fd: {  	v40 =	vld [tilespmem:s18+$0x172E0]  }
0x1fe: {  	v35 =	vperm.xlane v38, v0;
	v33 =	vperm.xlane v38, v15;
	v41 =	vld [tilespmem:s18+$0x16B30]  }
0x1ff: {  	v39 =	vperm.xlane v38, v13;
	v43 =	vperm.xlane v38, v14;
	v42 =	vld [tilespmem:s18+$0x16B20]  }
0x200: {  	v34 =	vperm.xlane v37, v15;
	v44 =	vmul.f32 v33, v22  }
0x201: {  	v36 =	vperm.xlane v37, v0;
	v46 =	vmul.f32 v35, v19;
	v45 =	vld [tilespmem:s18+$0x16B10]  }
0x202: {  	v47 =	vmul.f32 v35, v18;
	v48 =	vld [tilespmem:s18+$0x17270];
	v40 =	vadd.f32 v40, v44;
	v44 =	vmul.f32 v34, v30  }
0x203: {  	v49 =	vmul.f32 v36, v26;
	v41 =	vadd.f32 v41, v46;
	v46 =	vmul.f32 v36, v27;
	v50 =	vld [tilespmem:s18+$0x172F0]  }
0x204: {  	v51 =	vmul.f32 v35, v17;
	v42 =	vadd.f32 v42, v47;
	v40 =	vadd.f32 v40, v44  }
0x205: {  	v44 =	vmul.f32 v36, v25;
	v47 =	vmul.f32 v43, v23;
	v41 =	vadd.f32 v41, v46;
	v46 =	vld [tilespmem:s18+$0x17260]  }
0x206: {  	v45 =	vadd.f32 v45, v51;
	v42 =	vadd.f32 v42, v49;
	[tilespmem:s18+$0xF2E0] =	vst v40;
	v40 =	vmul.f32 v33, v23  }
0x207: {  	[tilespmem:s18+$0xEB30] =	vst v41;
	v41 =	vperm.xlane v37, v14;
	v49 =	vld [tilespmem:s18+$0x17250];
	v47 =	vadd.f32 v48, v47;
	v48 =	vmul.f32 v34, v31  }
0x208: {  	v44 =	vadd.f32 v45, v44;
	[tilespmem:s18+$0xEB20] =	vst v42;
	v42 =	vld [tilespmem:s18+$0x17240];
	v45 =	vmul.f32 v43, v22;
	v40 =	vadd.f32 v50, v40  }
0x209: {  	v50 =	vmul.f32 v41, v30;
	v51 =	vmul.f32 v41, v31  }
0x20a: {  	v52 =	vmul.f32 v43, v21;
	[tilespmem:s18+$0xEB10] =	vst v44;
	v44 =	vld [tilespmem:s18+$0x17230];
	v45 =	vadd.f32 v46, v45;
	v40 =	vadd.f32 v40, v48  }
0x20b: {  	v53 =	vmul.f32 v41, v29;
	v48 =	vmul.f32 v43, v20;
	v46 =	vld [tilespmem:s18+$0x17220];
	v47 =	vadd.f32 v47, v51  }
0x20c: {  	v54 =	vmul.f32 v41, v28;
	v51 =	vld [tilespmem:s18+$0x17210];
	v49 =	vadd.f32 v49, v52;
	v45 =	vadd.f32 v45, v50;
	[tilespmem:s18+$0xF2F0] =	vst v40  }
0x20d: {  	v50 =	vmul.f32 v43, v19;
	v52 =	vmul.f32 v41, v27;
	v40 =	vld [tilespmem:s18+$0x17200];
	v42 =	vadd.f32 v42, v48;
	[tilespmem:s18+$0xF270] =	vst v47  }
0x20e: {  	v47 =	vmul.f32 v43, v18;
	v48 =	vmul.f32 v41, v26;
	v49 =	vadd.f32 v49, v53;
	[tilespmem:s18+$0xF260] =	vst v45  }
0x20f: {  	v53 =	vmul.f32 v43, v17;
	v45 =	vld [tilespmem:s18+$0x171F0];
	v44 =	vadd.f32 v44, v50;
	v42 =	vadd.f32 v42, v54  }
0x210: {  	v43 =	vmul.f32 v43, v16;
	v54 =	vmul.f32 v41, v25;
	v50 =	vld [tilespmem:s18+$0x171E0];
	v46 =	vadd.f32 v46, v47;
	[tilespmem:s18+$0xF250] =	vst v49  }
0x211: {  	v41 =	vmul.f32 v41, v24;
	v47 =	vld [tilespmem:s18+$0x171D0];
	v49 =	vadd.f32 v51, v53;
	v44 =	vadd.f32 v44, v52;
	[tilespmem:s18+$0xF240] =	vst v42  }
0x212: {  	v42 =	vmul.f32 v39, v23;
	v40 =	vadd.f32 v40, v43;
	v43 =	vadd.f32 v46, v48  }
0x213: {  	v51 =	vmul.f32 v39, v22;
	v46 =	vperm.xlane v37, v13;
	v48 =	vld [tilespmem:s18+$0x171C0];
	v49 =	vadd.f32 v49, v54;
	[tilespmem:s18+$0xF230] =	vst v44  }
0x214: {  	v44 =	vmul.f32 v39, v21;
	v42 =	vadd.f32 v45, v42;
	v40 =	vadd.f32 v40, v41;
	[tilespmem:s18+$0xF220] =	vst v43  }
0x215: {  	v45 =	vmul.f32 v46, v30;
	v41 =	vld [tilespmem:s18+$0x171B0];
	v43 =	vadd.f32 v50, v51;
	v50 =	vmul.f32 v46, v31;
	[tilespmem:s18+$0xF210] =	vst v49  }
0x216: {  	v51 =	vmul.f32 v39, v20;
	v49 =	vld [tilespmem:s18+$0x171A0];
	v44 =	vadd.f32 v47, v44;
	v47 =	vmul.f32 v46, v29;
	[tilespmem:s18+$0xF200] =	vst v40  }
0x217: {  	v40 =	vmul.f32 v46, v28;
	v43 =	vadd.f32 v43, v45;
	v42 =	vadd.f32 v42, v50  }
0x218: {  	v50 =	vmul.f32 v39, v19;
	v45 =	vld [tilespmem:s18+$0x17190];
	v48 =	vadd.f32 v48, v51;
	v44 =	vadd.f32 v44, v47  }
0x219: {  	v52 =	vmul.f32 v46, v27;
	v51 =	vmul.f32 v39, v18;
	v47 =	vld [tilespmem:s18+$0x17180];
	[tilespmem:s18+$0xF1F0] =	vst v42  }
0x21a: {  	v42 =	vmul.f32 v46, v26;
	v41 =	vadd.f32 v41, v50;
	v40 =	vadd.f32 v48, v40;
	[tilespmem:s18+$0xF1E0] =	vst v43  }
0x21b: {  	v48 =	vmul.f32 v39, v17;
	v50 =	vmul.f32 v46, v25;
	v43 =	vld [tilespmem:s18+$0x17160];
	v49 =	vadd.f32 v49, v51;
	[tilespmem:s18+$0xF1D0] =	vst v44  }
0x21c: {  	v39 =	vmul.f32 v39, v16;
	v46 =	vmul.f32 v46, v24;
	v44 =	vld [tilespmem:s18+$0x17170];
	v41 =	vadd.f32 v41, v52;
	[tilespmem:s18+$0xF1C0] =	vst v40  }
0x21d: {  	v40 =	vperm.xlane v38, v12;
	v45 =	vadd.f32 v45, v48;
	v42 =	vadd.f32 v49, v42  }
0x21e: {  	v48 =	vperm.xlane v38, v11;
	v49 =	vperm.xlane v37, v12;
	v51 =	vld [tilespmem:s18+$0x17140];
	v39 =	vadd.f32 v47, v39;
	[tilespmem:s18+$0xF1B0] =	vst v41  }
0x21f: {  	v47 =	vmul.f32 v40, v22;
	v52 =	vmul.f32 v40, v23;
	v41 =	vld [tilespmem:s18+$0x17150];
	v45 =	vadd.f32 v45, v50;
	[tilespmem:s18+$0xF1A0] =	vst v42  }
0x220: {  	v42 =	vmul.f32 v49, v30;
	v50 =	vmul.f32 v49, v31;
	v39 =	vadd.f32 v39, v46  }
0x221: {  	v53 =	vmul.f32 v40, v21;
	v43 =	vadd.f32 v43, v47;
	v46 =	vld [tilespmem:s18+$0x17120];
	v44 =	vadd.f32 v44, v52;
	[tilespmem:s18+$0xF190] =	vst v45  }
0x222: {  	v47 =	vmul.f32 v40, v20;
	v52 =	vmul.f32 v49, v29;
	v45 =	vld [tilespmem:s18+$0x17130];
	[tilespmem:s18+$0xF180] =	vst v39  }
0x223: {  	v39 =	vmul.f32 v49, v28;
	v42 =	vadd.f32 v43, v42;
	v43 =	vadd.f32 v44, v50  }
0x224: {  	v50 =	vmul.f32 v40, v19;
	v47 =	vadd.f32 v51, v47;
	v44 =	vld [tilespmem:s18+$0x17100];
	v41 =	vadd.f32 v41, v53  }
0x225: {  	v54 =	vmul.f32 v49, v27;
	v53 =	vmul.f32 v40, v18;
	v51 =	vld [tilespmem:s18+$0x17110];
	[tilespmem:s18+$0xF170] =	vst v43  }
0x226: {  	v43 =	vmul.f32 v49, v26;
	v39 =	vadd.f32 v47, v39;
	v41 =	vadd.f32 v41, v52;
	[tilespmem:s18+$0xF160] =	vst v42  }
0x227: {  	v47 =	vmul.f32 v40, v17;
	v46 =	vadd.f32 v46, v53;
	v42 =	vld [tilespmem:s18+$0x170E0];
	v45 =	vadd.f32 v45, v50  }
0x228: {  	v40 =	vmul.f32 v40, v16;
	v52 =	vmul.f32 v49, v25;
	v50 =	vld [tilespmem:s18+$0x170F0];
	[tilespmem:s18+$0xF150] =	vst v41  }
0x229: {  	v49 =	vmul.f32 v49, v24;
	v43 =	vadd.f32 v46, v43;
	v41 =	vld [tilespmem:s18+$0x170D0];
	v45 =	vadd.f32 v45, v54;
	[tilespmem:s18+$0xF140] =	vst v39  }
0x22a: {  	v39 =	vmul.f32 v48, v23;
	v40 =	vadd.f32 v44, v40;
	v44 =	vadd.f32 v51, v47  }
0x22b: {  	v46 =	vperm.xlane v37, v11;
	v47 =	vmul.f32 v48, v22;
	[tilespmem:s18+$0xF130] =	vst v45  }
0x22c: {  	v51 =	vmul.f32 v48, v21;
	v40 =	vadd.f32 v40, v49;
	v45 =	vld [tilespmem:s18+$0x170C0];
	v44 =	vadd.f32 v44, v52;
	[tilespmem:s18+$0xF120] =	vst v43  }
0x22d: {  	v42 =	vadd.f32 v42, v47;
	v47 =	vmul.f32 v46, v31;
	v43 =	vld [tilespmem:s18+$0x170B0];
	v39 =	vadd.f32 v50, v39  }
0x22e: {  	v50 =	vmul.f32 v46, v29;
	v49 =	vld [tilespmem:s18+$0x170A0];
	v41 =	vadd.f32 v41, v51;
	v51 =	vmul.f32 v46, v30;
	[tilespmem:s18+$0xF110] =	vst v44  }
0x22f: {  	v53 =	vmul.f32 v46, v28;
	v52 =	vmul.f32 v48, v20;
	v44 =	vld [tilespmem:s18+$0x17090];
	v39 =	vadd.f32 v39, v47;
	[tilespmem:s18+$0xF100] =	vst v40  }
0x230: {  	v40 =	vmul.f32 v48, v19;
	v41 =	vadd.f32 v41, v50;
	v42 =	vadd.f32 v42, v51  }
0x231: {  	v50 =	vmul.f32 v48, v18;
	v51 =	vmul.f32 v46, v27;
	v47 =	vld [tilespmem:s18+$0x17080];
	v45 =	vadd.f32 v45, v52;
	[tilespmem:s18+$0xF0F0] =	vst v39  }
0x232: {  	v39 =	vmul.f32 v48, v17;
	v52 =	vmul.f32 v46, v26;
	v40 =	vadd.f32 v43, v40;
	[tilespmem:s18+$0xF0E0] =	vst v42  }
0x233: {  	v43 =	vmul.f32 v46, v25;
	v42 =	vld [tilespmem:s18+$0x17060];
	v49 =	vadd.f32 v49, v50;
	v45 =	vadd.f32 v45, v53;
	[tilespmem:s18+$0xF0D0] =	vst v41  }
0x234: {  	v48 =	vmul.f32 v48, v16;
	v41 =	vld [tilespmem:s18+$0x17070];
	v39 =	vadd.f32 v44, v39;
	v40 =	vadd.f32 v40, v51  }
0x235: {  	v46 =	vmul.f32 v46, v24;
	v44 =	vperm.xlane v38, v10;
	v49 =	vadd.f32 v49, v52;
	[tilespmem:s18+$0xF0C0] =	vst v45  }
0x236: {  	v45 =	vperm.xlane v37, v10;
	v50 =	vld [tilespmem:s18+$0x17040];
	v47 =	vadd.f32 v47, v48;
	v39 =	vadd.f32 v39, v43;
	[tilespmem:s18+$0xF0B0] =	vst v40  }
0x237: {  	v43 =	vmul.f32 v44, v22;
	v48 =	vmul.f32 v44, v23;
	v40 =	vld [tilespmem:s18+$0x17050];
	[tilespmem:s18+$0xF0A0] =	vst v49  }
0x238: {  	v49 =	vmul.f32 v45, v30;
	v51 =	vmul.f32 v45, v31;
	v46 =	vadd.f32 v47, v46;
	[tilespmem:s18+$0xF090] =	vst v39  }
0x239: {  	v47 =	vmul.f32 v44, v21;
	v42 =	vadd.f32 v42, v43;
	v39 =	vld [tilespmem:s18+$0x17020];
	v41 =	vadd.f32 v41, v48  }
0x23a: {  	v52 =	vmul.f32 v45, v29;
	v48 =	vmul.f32 v44, v20;
	v43 =	vld [tilespmem:s18+$0x17030];
	[tilespmem:s18+$0xF080] =	vst v46  }
0x23b: {  	v46 =	vmul.f32 v45, v28;
	v42 =	vadd.f32 v42, v49;
	v41 =	vadd.f32 v41, v51  }
0x23c: {  	v51 =	vmul.f32 v44, v19;
	v48 =	vadd.f32 v50, v48;
	v49 =	vld [tilespmem:s18+$0x17000];
	v40 =	vadd.f32 v40, v47  }
0x23d: {  	v53 =	vmul.f32 v45, v27;
	v50 =	vmul.f32 v44, v18;
	v47 =	vld [tilespmem:s18+$0x17010];
	[tilespmem:s18+$0xF070] =	vst v41  }
0x23e: {  	v41 =	vmul.f32 v45, v26;
	v46 =	vadd.f32 v48, v46;
	v40 =	vadd.f32 v40, v52;
	[tilespmem:s18+$0xF060] =	vst v42  }
0x23f: {  	v42 =	vmul.f32 v44, v17;
	v39 =	vadd.f32 v39, v50;
	v43 =	vadd.f32 v43, v51  }
0x240: {  	v48 =	vmul.f32 v45, v25;
	v44 =	vmul.f32 v44, v16;
	[tilespmem:s18+$0xF050] =	vst v40  }
0x241: {  	v45 =	vmul.f32 v45, v24;
	v39 =	vadd.f32 v39, v41;
	v40 =	vld [tilespmem:s18+$0x16FF0];
	v41 =	vadd.f32 v43, v53;
	[tilespmem:s18+$0xF040] =	vst v46  }
0x242: {  	v43 =	vperm.xlane v38, v9;
	v44 =	vadd.f32 v49, v44;
	v46 =	vld [tilespmem:s18+$0x16FE0];
	v42 =	vadd.f32 v47, v42  }
0x243: {  	v49 =	vperm.xlane v37, v9;
	v47 =	vperm.xlane v38, v8;
	v50 =	vld [tilespmem:s18+$0x16FD0];
	[tilespmem:s18+$0xF030] =	vst v41  }
0x244: {  	v51 =	vmul.f32 v43, v23;
	v44 =	vadd.f32 v44, v45;
	v41 =	vld [tilespmem:s18+$0x16FC0];
	v42 =	vadd.f32 v42, v48;
	[tilespmem:s18+$0xF020] =	vst v39  }
0x245: {  	v45 =	vmul.f32 v49, v31;
	v39 =	vmul.f32 v43, v22  }
0x246: {  	v52 =	vmul.f32 v43, v21;
	v53 =	vmul.f32 v49, v30;
	v48 =	vld [tilespmem:s18+$0x16FB0];
	v40 =	vadd.f32 v40, v51;
	[tilespmem:s18+$0xF010] =	vst v42  }
0x247: {  	v54 =	vmul.f32 v49, v29;
	v51 =	vmul.f32 v43, v20;
	v42 =	vld [tilespmem:s18+$0x16FA0];
	v39 =	vadd.f32 v46, v39;
	[tilespmem:s18+$0xF000] =	vst v44  }
0x248: {  	v44 =	vmul.f32 v49, v28;
	v46 =	vadd.f32 v50, v52;
	v40 =	vadd.f32 v40, v45  }
0x249: {  	v50 =	vmul.f32 v43, v19;
	v45 =	vld [tilespmem:s18+$0x16F90];
	v41 =	vadd.f32 v41, v51;
	v39 =	vadd.f32 v39, v53  }
0x24a: {  	v52 =	vmul.f32 v43, v18;
	v53 =	vmul.f32 v49, v27;
	v51 =	vld [tilespmem:s18+$0x16F80];
	v46 =	vadd.f32 v46, v54;
	[tilespmem:s18+$0xEFF0] =	vst v40  }
0x24b: {  	v54 =	vmul.f32 v49, v26;
	v40 =	vld [tilespmem:s18+$0x16F70];
	v48 =	vadd.f32 v48, v50;
	v41 =	vadd.f32 v41, v44;
	[tilespmem:s18+$0xEFE0] =	vst v39  }
0x24c: {  	v44 =	vmul.f32 v43, v17;
	v50 =	vmul.f32 v49, v25;
	v39 =	vld [tilespmem:s18+$0x16F60];
	v42 =	vadd.f32 v42, v52;
	[tilespmem:s18+$0xEFD0] =	vst v46  }
0x24d: {  	v43 =	vmul.f32 v43, v16;
	v49 =	vmul.f32 v49, v24;
	v46 =	vld [tilespmem:s18+$0x16F50];
	v48 =	vadd.f32 v48, v53;
	[tilespmem:s18+$0xEFC0] =	vst v41  }
0x24e: {  	v41 =	vmul.f32 v47, v23;
	v44 =	vadd.f32 v45, v44;
	v42 =	vadd.f32 v42, v54  }
0x24f: {  	v52 =	vmul.f32 v47, v22;
	v45 =	vperm.xlane v37, v8;
	v43 =	vadd.f32 v51, v43;
	[tilespmem:s18+$0xEFB0] =	vst v48  }
0x250: {  	v51 =	vmul.f32 v47, v21;
	v48 =	vld [tilespmem:s18+$0x16F40];
	v40 =	vadd.f32 v40, v41;
	v41 =	vadd.f32 v44, v50;
	[tilespmem:s18+$0xEFA0] =	vst v42  }
0x251: {  	v44 =	vmul.f32 v45, v31;
	v42 =	vld [tilespmem:s18+$0x16F30];
	v39 =	vadd.f32 v39, v52;
	v43 =	vadd.f32 v43, v49  }
0x252: {  	v50 =	vmul.f32 v45, v29;
	v49 =	vld [tilespmem:s18+$0x16F20];
	v46 =	vadd.f32 v46, v51;
	v51 =	vmul.f32 v45, v30;
	[tilespmem:s18+$0xEF90] =	vst v41  }
0x253: {  	v53 =	vmul.f32 v45, v28;
	v52 =	vmul.f32 v47, v20;
	v40 =	vadd.f32 v40, v44;
	v41 =	vld [tilespmem:s18+$0x16F10];
	[tilespmem:s18+$0xEF80] =	vst v43  }
0x254: {  	v43 =	vmul.f32 v47, v19;
	v44 =	vadd.f32 v46, v50;
	v39 =	vadd.f32 v39, v51  }
0x255: {  	v50 =	vmul.f32 v47, v18;
	v51 =	vmul.f32 v45, v27;
	v46 =	vld [tilespmem:s18+$0x16F00];
	v48 =	vadd.f32 v48, v52;
	[tilespmem:s18+$0xEF70] =	vst v40  }
0x256: {  	v40 =	vmul.f32 v47, v17;
	v52 =	vmul.f32 v45, v26;
	v42 =	vadd.f32 v42, v43;
	[tilespmem:s18+$0xEF60] =	vst v39  }
0x257: {  	v43 =	vmul.f32 v45, v25;
	v39 =	vld [tilespmem:s18+$0x16EE0];
	v49 =	vadd.f32 v49, v50;
	v48 =	vadd.f32 v48, v53;
	[tilespmem:s18+$0xEF50] =	vst v44  }
0x258: {  	v47 =	vmul.f32 v47, v16;
	v44 =	vld [tilespmem:s18+$0x16EF0];
	v40 =	vadd.f32 v41, v40;
	v41 =	vadd.f32 v42, v51  }
0x259: {  	v45 =	vmul.f32 v45, v24;
	v42 =	vperm.xlane v38, v7;
	v49 =	vadd.f32 v49, v52;
	[tilespmem:s18+$0xEF40] =	vst v48  }
0x25a: {  	v48 =	vperm.xlane v37, v7;
	v50 =	vld [tilespmem:s18+$0x16EC0];
	v46 =	vadd.f32 v46, v47;
	v40 =	vadd.f32 v40, v43;
	[tilespmem:s18+$0xEF30] =	vst v41  }
0x25b: {  	v43 =	vmul.f32 v42, v22;
	v47 =	vmul.f32 v42, v23;
	v41 =	vld [tilespmem:s18+$0x16ED0];
	[tilespmem:s18+$0xEF20] =	vst v49  }
0x25c: {  	v49 =	vmul.f32 v48, v30;
	v51 =	vmul.f32 v48, v31;
	v45 =	vadd.f32 v46, v45;
	[tilespmem:s18+$0xEF10] =	vst v40  }
0x25d: {  	v46 =	vmul.f32 v42, v21;
	v39 =	vadd.f32 v39, v43;
	v40 =	vld [tilespmem:s18+$0x16EA0];
	v43 =	vadd.f32 v44, v47  }
0x25e: {  	v52 =	vmul.f32 v48, v29;
	v47 =	vmul.f32 v42, v20;
	v44 =	vld [tilespmem:s18+$0x16EB0];
	[tilespmem:s18+$0xEF00] =	vst v45  }
0x25f: {  	v45 =	vmul.f32 v48, v28;
	v39 =	vadd.f32 v39, v49;
	v43 =	vadd.f32 v43, v51  }
0x260: {  	v51 =	vmul.f32 v42, v19;
	v47 =	vadd.f32 v50, v47;
	v49 =	vld [tilespmem:s18+$0x16E80];
	v41 =	vadd.f32 v41, v46  }
0x261: {  	v53 =	vmul.f32 v48, v27;
	v50 =	vmul.f32 v42, v18;
	v46 =	vld [tilespmem:s18+$0x16E90];
	[tilespmem:s18+$0xEEF0] =	vst v43  }
0x262: {  	v43 =	vmul.f32 v48, v26;
	v45 =	vadd.f32 v47, v45;
	v41 =	vadd.f32 v41, v52;
	[tilespmem:s18+$0xEEE0] =	vst v39  }
0x263: {  	v39 =	vmul.f32 v42, v17;
	v40 =	vadd.f32 v40, v50;
	v44 =	vadd.f32 v44, v51  }
0x264: {  	v47 =	vmul.f32 v48, v25;
	v42 =	vmul.f32 v42, v16;
	[tilespmem:s18+$0xEED0] =	vst v41  }
0x265: {  	v48 =	vmul.f32 v48, v24;
	v40 =	vadd.f32 v40, v43;
	v41 =	vld [tilespmem:s18+$0x16E70];
	v43 =	vadd.f32 v44, v53;
	[tilespmem:s18+$0xEEC0] =	vst v45  }
0x266: {  	v44 =	vperm.xlane v38, v6;
	v42 =	vadd.f32 v49, v42;
	v45 =	vld [tilespmem:s18+$0x16E60];
	v39 =	vadd.f32 v46, v39  }
0x267: {  	v49 =	vperm.xlane v37, v6;
	v46 =	vperm.xlane v38, v5;
	v50 =	vld [tilespmem:s18+$0x16E50];
	[tilespmem:s18+$0xEEB0] =	vst v43  }
0x268: {  	v51 =	vmul.f32 v44, v23;
	v42 =	vadd.f32 v42, v48;
	v43 =	vld [tilespmem:s18+$0x16E40];
	v39 =	vadd.f32 v39, v47;
	[tilespmem:s18+$0xEEA0] =	vst v40  }
0x269: {  	v40 =	vmul.f32 v44, v22;
	v47 =	vmul.f32 v49, v31  }
0x26a: {  	v52 =	vmul.f32 v44, v21;
	v53 =	vmul.f32 v49, v30;
	v48 =	vld [tilespmem:s18+$0x16E30];
	v41 =	vadd.f32 v41, v51;
	[tilespmem:s18+$0xEE90] =	vst v39  }
0x26b: {  	v54 =	vmul.f32 v49, v29;
	v51 =	vmul.f32 v44, v20;
	v39 =	vld [tilespmem:s18+$0x16E20];
	v40 =	vadd.f32 v45, v40;
	[tilespmem:s18+$0xEE80] =	vst v42  }
0x26c: {  	v42 =	vmul.f32 v49, v28;
	v45 =	vadd.f32 v50, v52;
	v41 =	vadd.f32 v41, v47  }
0x26d: {  	v50 =	vmul.f32 v44, v19;
	v47 =	vld [tilespmem:s18+$0x16E10];
	v43 =	vadd.f32 v43, v51;
	v40 =	vadd.f32 v40, v53  }
0x26e: {  	v52 =	vmul.f32 v44, v18;
	v53 =	vmul.f32 v49, v27;
	v51 =	vld [tilespmem:s18+$0x16E00];
	v45 =	vadd.f32 v45, v54;
	[tilespmem:s18+$0xEE70] =	vst v41  }
0x26f: {  	v54 =	vmul.f32 v49, v26;
	v41 =	vld [tilespmem:s18+$0x16DF0];
	v48 =	vadd.f32 v48, v50;
	v42 =	vadd.f32 v43, v42;
	[tilespmem:s18+$0xEE60] =	vst v40  }
0x270: {  	v43 =	vmul.f32 v44, v17;
	v50 =	vmul.f32 v49, v25;
	v40 =	vld [tilespmem:s18+$0x16DE0];
	v39 =	vadd.f32 v39, v52;
	[tilespmem:s18+$0xEE50] =	vst v45  }
0x271: {  	v44 =	vmul.f32 v44, v16;
	v49 =	vmul.f32 v49, v24;
	v45 =	vld [tilespmem:s18+$0x16DD0];
	v48 =	vadd.f32 v48, v53;
	[tilespmem:s18+$0xEE40] =	vst v42  }
0x272: {  	v42 =	vmul.f32 v46, v23;
	v43 =	vadd.f32 v47, v43;
	v39 =	vadd.f32 v39, v54  }
0x273: {  	v52 =	vmul.f32 v46, v22;
	v47 =	vperm.xlane v37, v5;
	v44 =	vadd.f32 v51, v44;
	[tilespmem:s18+$0xEE30] =	vst v48  }
0x274: {  	v51 =	vmul.f32 v46, v21;
	v48 =	vld [tilespmem:s18+$0x16DC0];
	v41 =	vadd.f32 v41, v42;
	v42 =	vadd.f32 v43, v50;
	[tilespmem:s18+$0xEE20] =	vst v39  }
0x275: {  	v43 =	vmul.f32 v47, v31;
	v39 =	vld [tilespmem:s18+$0x16DB0];
	v40 =	vadd.f32 v40, v52;
	v44 =	vadd.f32 v44, v49  }
0x276: {  	v50 =	vmul.f32 v47, v29;
	v49 =	vld [tilespmem:s18+$0x16DA0];
	v45 =	vadd.f32 v45, v51;
	v51 =	vmul.f32 v47, v30;
	[tilespmem:s18+$0xEE10] =	vst v42  }
0x277: {  	v53 =	vmul.f32 v47, v28;
	v52 =	vmul.f32 v46, v20;
	v41 =	vadd.f32 v41, v43;
	v42 =	vld [tilespmem:s18+$0x16D90];
	[tilespmem:s18+$0xEE00] =	vst v44  }
0x278: {  	v43 =	vmul.f32 v46, v19;
	v44 =	vadd.f32 v45, v50;
	v40 =	vadd.f32 v40, v51  }
0x279: {  	v50 =	vmul.f32 v46, v18;
	v51 =	vmul.f32 v47, v27;
	v45 =	vld [tilespmem:s18+$0x16D80];
	v48 =	vadd.f32 v48, v52;
	[tilespmem:s18+$0xEDF0] =	vst v41  }
0x27a: {  	v41 =	vmul.f32 v46, v17;
	v52 =	vmul.f32 v47, v26;
	v39 =	vadd.f32 v39, v43;
	[tilespmem:s18+$0xEDE0] =	vst v40  }
0x27b: {  	v43 =	vmul.f32 v47, v25;
	v40 =	vld [tilespmem:s18+$0x16D60];
	v49 =	vadd.f32 v49, v50;
	v48 =	vadd.f32 v48, v53;
	[tilespmem:s18+$0xEDD0] =	vst v44  }
0x27c: {  	v46 =	vmul.f32 v46, v16;
	v44 =	vld [tilespmem:s18+$0x16D70];
	v41 =	vadd.f32 v42, v41;
	v39 =	vadd.f32 v39, v51  }
0x27d: {  	v47 =	vmul.f32 v47, v24;
	v42 =	vperm.xlane v38, v4;
	v49 =	vadd.f32 v49, v52;
	[tilespmem:s18+$0xEDC0] =	vst v48  }
0x27e: {  	v48 =	vperm.xlane v37, v4;
	v50 =	vld [tilespmem:s18+$0x16D40];
	v45 =	vadd.f32 v45, v46;
	v41 =	vadd.f32 v41, v43;
	[tilespmem:s18+$0xEDB0] =	vst v39  }
0x27f: {  	v43 =	vmul.f32 v42, v22;
	v46 =	vmul.f32 v42, v23;
	v39 =	vld [tilespmem:s18+$0x16D50];
	[tilespmem:s18+$0xEDA0] =	vst v49  }
0x280: {  	v49 =	vmul.f32 v48, v30;
	v51 =	vmul.f32 v48, v31;
	v45 =	vadd.f32 v45, v47;
	[tilespmem:s18+$0xED90] =	vst v41  }
0x281: {  	v47 =	vmul.f32 v42, v21;
	v40 =	vadd.f32 v40, v43;
	v41 =	vld [tilespmem:s18+$0x16D20];
	v43 =	vadd.f32 v44, v46  }
0x282: {  	v52 =	vmul.f32 v48, v29;
	v46 =	vmul.f32 v42, v20;
	v44 =	vld [tilespmem:s18+$0x16D30];
	[tilespmem:s18+$0xED80] =	vst v45  }
0x283: {  	v45 =	vmul.f32 v48, v28;
	v40 =	vadd.f32 v40, v49;
	v43 =	vadd.f32 v43, v51  }
0x284: {  	v51 =	vmul.f32 v42, v19;
	v46 =	vadd.f32 v50, v46;
	v49 =	vld [tilespmem:s18+$0x16D00];
	v39 =	vadd.f32 v39, v47  }
0x285: {  	v53 =	vmul.f32 v48, v27;
	v50 =	vmul.f32 v42, v18;
	v47 =	vld [tilespmem:s18+$0x16D10];
	[tilespmem:s18+$0xED70] =	vst v43  }
0x286: {  	v43 =	vmul.f32 v48, v26;
	v45 =	vadd.f32 v46, v45;
	v39 =	vadd.f32 v39, v52;
	[tilespmem:s18+$0xED60] =	vst v40  }
0x287: {  	v40 =	vmul.f32 v42, v17;
	v41 =	vadd.f32 v41, v50;
	v44 =	vadd.f32 v44, v51  }
0x288: {  	v46 =	vmul.f32 v48, v25;
	v42 =	vmul.f32 v42, v16;
	[tilespmem:s18+$0xED50] =	vst v39  }
0x289: {  	v48 =	vmul.f32 v48, v24;
	v41 =	vadd.f32 v41, v43;
	v39 =	vld [tilespmem:s18+$0x16CF0];
	v43 =	vadd.f32 v44, v53;
	[tilespmem:s18+$0xED40] =	vst v45  }
0x28a: {  	v44 =	vperm.xlane v38, v3;
	v42 =	vadd.f32 v49, v42;
	v45 =	vld [tilespmem:s18+$0x16CE0];
	v40 =	vadd.f32 v47, v40  }
0x28b: {  	v49 =	vperm.xlane v37, v3;
	v47 =	vperm.xlane v38, v2;
	v50 =	vld [tilespmem:s18+$0x16CD0];
	[tilespmem:s18+$0xED30] =	vst v43  }
0x28c: {  	v51 =	vmul.f32 v44, v23;
	v42 =	vadd.f32 v42, v48;
	v43 =	vld [tilespmem:s18+$0x16CC0];
	v40 =	vadd.f32 v40, v46;
	[tilespmem:s18+$0xED20] =	vst v41  }
0x28d: {  	v41 =	vmul.f32 v44, v22;
	v46 =	vmul.f32 v49, v31  }
0x28e: {  	v52 =	vmul.f32 v44, v21;
	v53 =	vmul.f32 v49, v30;
	v48 =	vld [tilespmem:s18+$0x16CB0];
	v39 =	vadd.f32 v39, v51;
	[tilespmem:s18+$0xED10] =	vst v40  }
0x28f: {  	v54 =	vmul.f32 v49, v29;
	v51 =	vmul.f32 v44, v20;
	v40 =	vld [tilespmem:s18+$0x16CA0];
	v41 =	vadd.f32 v45, v41;
	[tilespmem:s18+$0xED00] =	vst v42  }
0x290: {  	v42 =	vmul.f32 v49, v28;
	v45 =	vadd.f32 v50, v52;
	v39 =	vadd.f32 v39, v46  }
0x291: {  	v50 =	vmul.f32 v44, v19;
	v46 =	vld [tilespmem:s18+$0x16C90];
	v43 =	vadd.f32 v43, v51;
	v41 =	vadd.f32 v41, v53  }
0x292: {  	v52 =	vmul.f32 v44, v18;
	v53 =	vmul.f32 v49, v27;
	v51 =	vld [tilespmem:s18+$0x16C80];
	v45 =	vadd.f32 v45, v54;
	[tilespmem:s18+$0xECF0] =	vst v39  }
0x293: {  	v54 =	vmul.f32 v49, v26;
	v39 =	vld [tilespmem:s18+$0x16C70];
	v48 =	vadd.f32 v48, v50;
	v42 =	vadd.f32 v43, v42;
	[tilespmem:s18+$0xECE0] =	vst v41  }
0x294: {  	v43 =	vmul.f32 v44, v17;
	v50 =	vmul.f32 v49, v25;
	v41 =	vld [tilespmem:s18+$0x16C60];
	v40 =	vadd.f32 v40, v52;
	[tilespmem:s18+$0xECD0] =	vst v45  }
0x295: {  	v44 =	vmul.f32 v44, v16;
	v49 =	vmul.f32 v49, v24;
	v45 =	vld [tilespmem:s18+$0x16C50];
	v48 =	vadd.f32 v48, v53;
	[tilespmem:s18+$0xECC0] =	vst v42  }
0x296: {  	v42 =	vmul.f32 v47, v23;
	v43 =	vadd.f32 v46, v43;
	v40 =	vadd.f32 v40, v54  }
0x297: {  	v52 =	vmul.f32 v47, v22;
	v46 =	vperm.xlane v37, v2;
	v44 =	vadd.f32 v51, v44;
	[tilespmem:s18+$0xECB0] =	vst v48  }
0x298: {  	v51 =	vmul.f32 v47, v21;
	v48 =	vld [tilespmem:s18+$0x16C40];
	v39 =	vadd.f32 v39, v42;
	v42 =	vadd.f32 v43, v50;
	[tilespmem:s18+$0xECA0] =	vst v40  }
0x299: {  	v43 =	vmul.f32 v46, v31;
	v40 =	vld [tilespmem:s18+$0x16C30];
	v41 =	vadd.f32 v41, v52;
	v44 =	vadd.f32 v44, v49  }
0x29a: {  	v50 =	vmul.f32 v46, v29;
	v49 =	vld [tilespmem:s18+$0x16C20];
	v45 =	vadd.f32 v45, v51;
	v51 =	vmul.f32 v46, v30;
	[tilespmem:s18+$0xEC90] =	vst v42  }
0x29b: {  	v53 =	vmul.f32 v46, v28;
	v52 =	vmul.f32 v47, v20;
	v39 =	vadd.f32 v39, v43;
	v42 =	vld [tilespmem:s18+$0x16C10];
	[tilespmem:s18+$0xEC80] =	vst v44  }
0x29c: {  	v43 =	vmul.f32 v47, v19;
	v44 =	vadd.f32 v45, v50;
	v41 =	vadd.f32 v41, v51  }
0x29d: {  	v50 =	vmul.f32 v47, v18;
	v51 =	vmul.f32 v46, v27;
	v45 =	vld [tilespmem:s18+$0x16C00];
	v48 =	vadd.f32 v48, v52;
	[tilespmem:s18+$0xEC70] =	vst v39  }
0x29e: {  	v39 =	vmul.f32 v47, v17;
	v52 =	vmul.f32 v46, v26;
	v40 =	vadd.f32 v40, v43;
	[tilespmem:s18+$0xEC60] =	vst v41  }
0x29f: {  	v43 =	vmul.f32 v46, v25;
	v41 =	vld [tilespmem:s18+$0x16BE0];
	v49 =	vadd.f32 v49, v50;
	v48 =	vadd.f32 v48, v53;
	[tilespmem:s18+$0xEC50] =	vst v44  }
0x2a0: {  	v47 =	vmul.f32 v47, v16;
	v44 =	vld [tilespmem:s18+$0x16BF0];
	v39 =	vadd.f32 v42, v39;
	v40 =	vadd.f32 v40, v51  }
0x2a1: {  	v38 =	vperm.xlane v38, v1;
	v42 =	vmul.f32 v46, v24;
	v46 =	vadd.f32 v49, v52;
	[tilespmem:s18+$0xEC40] =	vst v48  }
0x2a2: {  	v37 =	vperm.xlane v37, v1;
	v48 =	vld [tilespmem:s18+$0x16BC0];
	v45 =	vadd.f32 v45, v47;
	v39 =	vadd.f32 v39, v43;
	[tilespmem:s18+$0xEC30] =	vst v40  }
0x2a3: {  	v43 =	vmul.f32 v38, v22;
	v47 =	vmul.f32 v38, v23;
	v40 =	vld [tilespmem:s18+$0x16BD0];
	[tilespmem:s18+$0xEC20] =	vst v46  }
0x2a4: {  	v49 =	vmul.f32 v37, v31;
	v46 =	vmul.f32 v37, v30;
	v42 =	vadd.f32 v45, v42;
	[tilespmem:s18+$0xEC10] =	vst v39  }
0x2a5: {  	v45 =	vmul.f32 v38, v21;
	v41 =	vadd.f32 v41, v43;
	v39 =	vld [tilespmem:s18+$0x16BA0];
	v43 =	vadd.f32 v44, v47  }
0x2a6: {  	v50 =	vmul.f32 v37, v29;
	v47 =	vmul.f32 v38, v20;
	v44 =	vld [tilespmem:s18+$0x16BB0];
	[tilespmem:s18+$0xEC00] =	vst v42  }
0x2a7: {  	v42 =	vmul.f32 v37, v28;
	v41 =	vadd.f32 v41, v46;
	v43 =	vadd.f32 v43, v49  }
0x2a8: {  	v49 =	vmul.f32 v38, v19;
	v47 =	vadd.f32 v48, v47;
	v46 =	vld [tilespmem:s18+$0x16B80];
	v40 =	vadd.f32 v40, v45  }
0x2a9: {  	v51 =	vmul.f32 v37, v27;
	v48 =	vmul.f32 v38, v18;
	v45 =	vld [tilespmem:s18+$0x16B90];
	[tilespmem:s18+$0xEBF0] =	vst v43  }
0x2aa: {  	v43 =	vmul.f32 v37, v26;
	v42 =	vadd.f32 v47, v42;
	v40 =	vadd.f32 v40, v50;
	[tilespmem:s18+$0xEBE0] =	vst v41  }
0x2ab: {  	v47 =	vmul.f32 v38, v17;
	v39 =	vadd.f32 v39, v48;
	v41 =	vld [tilespmem:s18+$0x16B60];
	v44 =	vadd.f32 v44, v49  }
0x2ac: {  	v38 =	vmul.f32 v38, v16;
	v49 =	vmul.f32 v37, v25;
	v48 =	vld [tilespmem:s18+$0x16B70];
	[tilespmem:s18+$0xEBD0] =	vst v40  }
0x2ad: {  	v37 =	vmul.f32 v37, v24;
	v39 =	vadd.f32 v39, v43;
	v40 =	vadd.f32 v44, v51;
	[tilespmem:s18+$0xEBC0] =	vst v42  }
0x2ae: {  	v43 =	vmul.f32 v35, v23;
	v38 =	vadd.f32 v46, v38;
	v42 =	vld [tilespmem:s18+$0x16B40];
	v44 =	vadd.f32 v45, v47  }
0x2af: {  	v46 =	vmul.f32 v35, v22;
	v47 =	vmul.f32 v36, v31;
	v45 =	vld [tilespmem:s18+$0x16B50];
	[tilespmem:s18+$0xEBB0] =	vst v40  }
0x2b0: {  	v40 =	vmul.f32 v36, v30;
	v37 =	vadd.f32 v38, v37;
	v38 =	vadd.f32 v44, v49;
	[tilespmem:s18+$0xEBA0] =	vst v39  }
0x2b1: {  	v44 =	vmul.f32 v35, v21;
	v41 =	vadd.f32 v41, v46;
	v39 =	vld [tilespmem:s18+$0x16B00];
	v43 =	vadd.f32 v48, v43  }
0x2b2: {  	v46 =	vmul.f32 v35, v20;
	v48 =	vmul.f32 v36, v29;
	[tilespmem:s18+$0xEB90] =	vst v38;
	v38 =	vld [tilespmem:s18+$0x172D0]  }
0x2b3: {  	v49 =	vmul.f32 v36, v28;
	v40 =	vadd.f32 v41, v40;
	v41 =	vadd.f32 v43, v47;
	[tilespmem:s18+$0xEB80] =	vst v37  }
0x2b4: {  	v35 =	vmul.f32 v35, v16;
	v37 =	vadd.f32 v42, v46;
	v42 =	vadd.f32 v45, v44;
	v43 =	vld [tilespmem:s18+$0x172B0]  }
0x2b5: {  	v36 =	vmul.f32 v36, v24;
	v44 =	vmul.f32 v33, v21;
	[tilespmem:s18+$0xEB70] =	vst v41;
	v41 =	vld [tilespmem:s18+$0x172C0]  }
0x2b6: {  	v37 =	vadd.f32 v37, v49;
	v42 =	vadd.f32 v42, v48;
	[tilespmem:s18+$0xEB60] =	vst v40;
	v40 =	vmul.f32 v34, v29  }
0x2b7: {  	v45 =	vmul.f32 v33, v20;
	v35 =	vadd.f32 v39, v35;
	v39 =	vld [tilespmem:s18+$0x17290];
	v38 =	vadd.f32 v38, v44  }
0x2b8: {  	v46 =	vmul.f32 v34, v28;
	v44 =	vmul.f32 v33, v19;
	[tilespmem:s18+$0xEB50] =	vst v42;
	v42 =	vld [tilespmem:s18+$0x172A0]  }
0x2b9: {  	v35 =	vadd.f32 v35, v36;
	v36 =	vmul.f32 v34, v27;
	[tilespmem:s18+$0xEB40] =	vst v37;
	v37 =	vadd.f32 v38, v40  }
0x2ba: {  	v38 =	vmul.f32 v33, v18;
	v40 =	vadd.f32 v43, v44;
	v41 =	vadd.f32 v41, v45  }
0x2bb: {  	v43 =	vmul.f32 v33, v17;
	v44 =	vmul.f32 v34, v26;
	[tilespmem:s18+$0xEB00] =	vst v35;
	v35 =	vld [tilespmem:s18+$0x17280]  }
0x2bc: {  	v45 =	vmul.f32 v34, v25;
	v36 =	vadd.f32 v40, v36;
	v40 =	vadd.f32 v41, v46;
	[tilespmem:s18+$0xF2D0] =	vst v37  }
0x2bd: {  	v33 =	vmul.f32 v33, v16;
	v37 =	vadd.f32 v39, v43;
	v38 =	vadd.f32 v42, v38  }
0x2be: {  	v34 =	vmul.f32 v34, v24;
	[tilespmem:s18+$0xF2C0] =	vst v40  }
0x2bf: {  	v37 =	vadd.f32 v37, v45;
	v38 =	vadd.f32 v38, v44;
	[tilespmem:s18+$0xF2B0] =	vst v36  }
.Ltmp4:
0x2c0: {  	v33 =	vadd.f32 v35, v33;
	(pc) =	sbr.rel @p1 .LBB2_9-.Ltmp4, $3  }
0x2c1: {  	[tilespmem:s18+$0xF2A0] =	vst v38  }
0x2c2: {  	v33 =	vadd.f32 v33, v34;
	[tilespmem:s18+$0xF290] =	vst v37;
	_ =	sdelay $0x1  }
0x2c3: {  	s16 =	sadd.s32 $0x1, s16;
	s17 =	sshll.u32 s14, $0x4;
	[tilespmem:s18+$0xF280] =	vst v33  }
0x2c4: {  	_ =	sdelay $0x3  }
0x2c5: {  	v46 =	vld.idx.msk [tilespmem:v32+s17+$0x7900 ss:$0x1], $0xffff;
	_ =	sdelay $0x1  }
0x2c6: {  	v47 =	vld.idx.msk [tilespmem:v32+s17+$0x9200 ss:$0x1], $0xffff;
	_ =	sdelay $0x1  }
0x2c7: {  	s14 =	sshll.u32 s14, $0xB  }
0x2c8: {  	v55 =	vld [tilespmem:s14+$0x172E0];
	v39 =	vperm.xlane v46, v0;
	v37 =	vperm.xlane v46, v15  }
0x2c9: {  	v33 =	vld [tilespmem:s14+$0x16B30];
	v35 =	vperm.xlane v46, v13;
	v38 =	vperm.xlane v46, v14  }
0x2ca: {  	v34 =	vld [tilespmem:s14+$0x16B20];
	v36 =	vperm.xlane v47, v15;
	v40 =	vperm.xlane v47, v0  }
0x2cb: {  	v42 =	vld [tilespmem:s14+$0x16B10];
	v41 =	vmul.f32 v37, v22;
	v43 =	vmul.f32 v39, v19  }
0x2cc: {  	v45 =	vld [tilespmem:s14+$0x17270];
	v44 =	vmul.f32 v39, v18;
	v56 =	vmul.f32 v36, v30  }
0x2cd: {  	v49 =	vld [tilespmem:s14+$0x172F0];
	v48 =	vmul.f32 v40, v26;
	v57 =	vmul.f32 v40, v27  }
0x2ce: {  	v50 =	vmul.f32 v39, v17;
	v58 =	vmul.f32 v40, v25  }
0x2cf: {  	v60 =	vmul.f32 v38, v23;
	v61 =	vmul.f32 v37, v23  }
0x2d0: {  	v59 =	vld [tilespmem:s14+$0x17260];
	v62 =	vmul.f32 v36, v31;
	v32 =	vadd.f32 v55, v41;
	v33 =	vadd.f32 v33, v43  }
0x2d1: {  	v63 =	vmul.f32 v38, v22;
	v34 =	vadd.f32 v34, v44;
	v42 =	vadd.f32 v42, v50  }
0x2d2: {  	[tilespmem:$0x1FD00] =	vst v39;
	v44 =	vperm.xlane v47, v14;
	v41 =	vadd.f32 v45, v60;
	v43 =	vadd.f32 v49, v61  }
0x2d3: {  	[tilespmem:$0x1FD20] =	vst v37;
	v55 =	vmul.f32 v38, v21;
	v53 =	vadd.f32 v32, v56;
	v37 =	vadd.f32 v34, v48;
	v34 =	vld [tilespmem:s14+$0x17250]  }
0x2d4: {  	[tilespmem:$0x1FD30] =	vst v36;
	v39 =	vadd.f32 v33, v57;
	v48 =	vld [tilespmem:s14+$0x17240];
	v49 =	vmul.f32 v44, v30;
	v36 =	vadd.f32 v42, v58  }
0x2d5: {  	v51 =	vld [tilespmem:s14+$0x17230];
	v54 =	vmul.f32 v44, v31;
	v33 =	vadd.f32 v59, v63;
	v57 =	vmul.f32 v38, v20  }
0x2d6: {  	v45 =	vld [tilespmem:s14+$0x17220];
	v58 =	vadd.f32 v43, v62;
	v59 =	vmul.f32 v44, v29;
	v62 =	vmul.f32 v44, v28  }
0x2d7: {  	v63 =	vmul.f32 v38, v19;
	v42 =	vld [tilespmem:s14+$0x17200];
	v52 =	vmul.f32 v44, v26;
	v61 =	vadd.f32 v41, v54  }
0x2d8: {  	[tilespmem:$0x1FD10] =	vst v40;
	v56 =	vmul.f32 v38, v17;
	v41 =	vld [tilespmem:s14+$0x17210];
	v40 =	vadd.f32 v33, v49;
	v34 =	vadd.f32 v34, v55  }
0x2d9: {  	v49 =	vmul.f32 v44, v27;
	v43 =	vadd.f32 v48, v57;
	v48 =	vmul.f32 v38, v18;
	v57 =	vld [tilespmem:s14+$0x171F0]  }
0x2da: {  	v33 =	vadd.f32 v51, v63;
	v34 =	vadd.f32 v34, v59;
	v59 =	vmul.f32 v38, v16  }
0x2db: {  	v60 =	vmul.f32 v44, v25;
	v44 =	vmul.f32 v44, v24;
	v38 =	vld [tilespmem:s14+$0x171E0];
	v45 =	vadd.f32 v45, v48  }
0x2dc: {  	v63 =	vld [tilespmem:s14+$0x171D0];
	v33 =	vadd.f32 v33, v49;
	v49 =	vmul.f32 v35, v23;
	v32 =	vadd.f32 v42, v59  }
0x2dd: {  	[tilespmem:$0x1FA80] =	vst v34;
	v34 =	vadd.f32 v41, v56;
	v51 =	vadd.f32 v45, v52;
	v41 =	vperm.xlane v47, v13  }
0x2de: {  	[tilespmem:$0x1FA90] =	vst v33;
	v52 =	vmul.f32 v35, v22;
	v33 =	vadd.f32 v57, v49;
	v57 =	vadd.f32 v32, v44;
	v32 =	vld [tilespmem:s14+$0x171B0]  }
0x2df: {  	v54 =	vmul.f32 v35, v21;
	v62 =	vadd.f32 v43, v62;
	v42 =	vld [tilespmem:s14+$0x171C0];
	v34 =	vadd.f32 v34, v60  }
0x2e0: {  	[tilespmem:$0x1FAA0] =	vst v51;
	v55 =	vmul.f32 v41, v30;
	v56 =	vmul.f32 v41, v31;
	v38 =	vadd.f32 v38, v52  }
0x2e1: {  	v49 =	vld [tilespmem:s14+$0x171A0];
	v60 =	vmul.f32 v41, v29;
	v51 =	vmul.f32 v35, v19;
	[tilespmem:$0x1FAB0] =	vst v34;
	v34 =	vadd.f32 v63, v54  }
0x2e2: {  	v59 =	vmul.f32 v35, v20;
	v38 =	vadd.f32 v38, v55;
	v55 =	vadd.f32 v33, v56;
	v33 =	vld [tilespmem:s14+$0x17190]  }
0x2e3: {  	v43 =	vld [tilespmem:s14+$0x17180];
	v52 =	vmul.f32 v41, v27;
	v34 =	vadd.f32 v34, v60;
	v32 =	vadd.f32 v32, v51  }
0x2e4: {  	v63 =	vmul.f32 v41, v28;
	v54 =	vmul.f32 v41, v26;
	v42 =	vadd.f32 v42, v59  }
0x2e5: {  	v44 =	vld [tilespmem:s14+$0x17140];
	v59 =	vmul.f32 v35, v17;
	[tilespmem:$0x1FAD0] =	vst v34;
	v34 =	vmul.f32 v35, v18;
	v32 =	vadd.f32 v32, v52  }
0x2e6: {  	v60 =	vmul.f32 v41, v25;
	v56 =	vadd.f32 v42, v63;
	v63 =	vld [tilespmem:s14+$0x17160];
	v35 =	vmul.f32 v35, v16  }
0x2e7: {  	v34 =	vadd.f32 v49, v34;
	v49 =	vld [tilespmem:s14+$0x17170];
	v33 =	vadd.f32 v33, v59;
	[tilespmem:$0x1FAF0] =	vst v32;
	v32 =	vperm.xlane v46, v12  }
0x2e8: {  	v41 =	vmul.f32 v41, v24;
	[tilespmem:$0x1FAC0] =	vst v38;
	v38 =	vperm.xlane v47, v12;
	v35 =	vadd.f32 v43, v35;
	v43 =	vld [tilespmem:s14+$0x17150]  }
0x2e9: {  	v34 =	vadd.f32 v34, v54;
	v33 =	vadd.f32 v33, v60;
	v52 =	vmul.f32 v32, v22  }
0x2ea: {  	[tilespmem:$0x1FAE0] =	vst v56;
	v35 =	vadd.f32 v35, v41;
	v54 =	vmul.f32 v32, v23;
	v56 =	vmul.f32 v32, v20  }
0x2eb: {  	v59 =	vmul.f32 v32, v21;
	[tilespmem:$0x1FB10] =	vst v33;
	v33 =	vmul.f32 v38, v30;
	v63 =	vadd.f32 v63, v52  }
0x2ec: {  	v51 =	vmul.f32 v38, v29;
	[tilespmem:$0x1FB20] =	vst v35;
	v35 =	vld [tilespmem:s14+$0x17120];
	v49 =	vadd.f32 v49, v54;
	v54 =	vadd.f32 v44, v56  }
0x2ed: {  	v50 =	vld [tilespmem:s14+$0x17130];
	v48 =	vmul.f32 v38, v27;
	v56 =	vadd.f32 v43, v59;
	v33 =	vadd.f32 v63, v33  }
0x2ee: {  	v60 =	vmul.f32 v38, v31;
	v41 =	vperm.xlane v47, v11  }
0x2ef: {  	v52 =	vmul.f32 v38, v28;
	v59 =	vmul.f32 v32, v18;
	v42 =	vadd.f32 v56, v51;
	[tilespmem:$0x1FB30] =	vst v33;
	v33 =	vld [tilespmem:s14+$0x17100]  }
0x2f0: {  	[tilespmem:$0x1FB00] =	vst v34;
	v34 =	vperm.xlane v46, v11;
	v43 =	vld [tilespmem:s14+$0x17110];
	v60 =	vadd.f32 v49, v60;
	v63 =	vmul.f32 v32, v19  }
0x2f1: {  	v52 =	vadd.f32 v54, v52;
	v54 =	vmul.f32 v38, v26;
	[tilespmem:$0x1FB40] =	vst v42;
	v42 =	vld [tilespmem:s14+$0x170E0];
	v35 =	vadd.f32 v35, v59  }
0x2f2: {  	v56 =	vmul.f32 v32, v17;
	v32 =	vmul.f32 v32, v16;
	v45 =	vadd.f32 v50, v63  }
0x2f3: {  	v51 =	vld [tilespmem:s14+$0x170D0];
	v50 =	vmul.f32 v38, v25;
	v38 =	vmul.f32 v38, v24;
	v35 =	vadd.f32 v35, v54  }
0x2f4: {  	v49 =	vld [tilespmem:s14+$0x170F0];
	v54 =	vadd.f32 v45, v48;
	v48 =	vmul.f32 v34, v22;
	v32 =	vadd.f32 v33, v32  }
0x2f5: {  	v44 =	vld [tilespmem:s14+$0x170C0];
	v63 =	vadd.f32 v43, v56;
	v56 =	vmul.f32 v34, v21  }
0x2f6: {  	v33 =	vadd.f32 v42, v48;
	v48 =	vmul.f32 v41, v30;
	v32 =	vadd.f32 v32, v38  }
0x2f7: {  	v59 =	vmul.f32 v34, v23;
	v45 =	vmul.f32 v41, v29;
	v63 =	vadd.f32 v63, v50;
	v42 =	vld [tilespmem:s14+$0x170A0]  }
0x2f8: {  	v43 =	vadd.f32 v51, v56;
	v50 =	vmul.f32 v34, v20;
	v33 =	vadd.f32 v33, v48;
	[tilespmem:$0x1FB60] =	vst v32;
	v32 =	vld [tilespmem:s14+$0x170B0]  }
0x2f9: {  	v51 =	vmul.f32 v41, v28;
	[tilespmem:$0x1FB50] =	vst v35;
	v35 =	vadd.f32 v49, v59;
	v59 =	vmul.f32 v41, v31;
	v49 =	vld [tilespmem:s14+$0x17090]  }
0x2fa: {  	v56 =	vmul.f32 v41, v26;
	v45 =	vadd.f32 v43, v45;
	v44 =	vadd.f32 v44, v50;
	[tilespmem:$0x1FB70] =	vst v33;
	v33 =	vld [tilespmem:s14+$0x17080]  }
0x2fb: {  	v59 =	vadd.f32 v35, v59;
	v35 =	vmul.f32 v34, v19;
	v38 =	vmul.f32 v34, v18  }
0x2fc: {  	v43 =	vmul.f32 v41, v27;
	[tilespmem:$0x1FB80] =	vst v45;
	v45 =	vmul.f32 v34, v17;
	v51 =	vadd.f32 v44, v51  }
0x2fd: {  	[tilespmem:s14+$0xF2E0] =	vst v53;
	v34 =	vmul.f32 v34, v16;
	v38 =	vadd.f32 v42, v38;
	v42 =	vld [tilespmem:s14+$0x17070];
	v32 =	vadd.f32 v32, v35  }
0x2fe: {  	[tilespmem:s14+$0xEB30] =	vst v39;
	v50 =	vmul.f32 v41, v25;
	v44 =	vadd.f32 v49, v45;
	v45 =	vperm.xlane v46, v10;
	v35 =	vld [tilespmem:s14+$0x17060]  }
0x2ff: {  	[tilespmem:$0x1FB90] =	vst v51;
	v33 =	vadd.f32 v33, v34;
	v34 =	vld [tilespmem:s14+$0x17050];
	v51 =	vadd.f32 v32, v43;
	v32 =	vmul.f32 v41, v24  }
0x300: {  	[tilespmem:s14+$0xEB20] =	vst v37;
	v50 =	vadd.f32 v44, v50;
	v44 =	vmul.f32 v45, v23;
	v41 =	vperm.xlane v47, v10;
	v43 =	vld [tilespmem:s14+$0x17040]  }
0x301: {  	[tilespmem:s14+$0xEB10] =	vst v36;
	v56 =	vadd.f32 v38, v56;
	v38 =	vmul.f32 v45, v22;
	v32 =	vadd.f32 v33, v32  }
0x302: {  	[tilespmem:s14+$0xF2F0] =	vst v58;
	v49 =	vmul.f32 v41, v31;
	v33 =	vadd.f32 v42, v44;
	v42 =	vmul.f32 v45, v21  }
0x303: {  	v48 =	vmul.f32 v41, v30;
	v35 =	vadd.f32 v35, v38;
	v38 =	vmul.f32 v45, v20;
	[tilespmem:$0x1FBA0] =	vst v32;
	v32 =	vld [tilespmem:s14+$0x17020]  }
0x304: {  	[tilespmem:s14+$0xF270] =	vst v61;
	v53 =	vmul.f32 v41, v28;
	v33 =	vadd.f32 v33, v49;
	v34 =	vadd.f32 v34, v42;
	v49 =	vld [tilespmem:s14+$0x17010]  }
0x305: {  	[tilespmem:s14+$0xF260] =	vst v40;
	v44 =	vmul.f32 v41, v29;
	v48 =	vadd.f32 v35, v48;
	v35 =	vld [tilespmem:s14+$0x17030];
	v38 =	vadd.f32 v43, v38  }
0x306: {  	v58 =	vmul.f32 v45, v16;
	[tilespmem:$0x1FBB0] =	vst v33;
	v33 =	vld [tilespmem:s14+$0x17000]  }
0x307: {  	[tilespmem:s14+$0xF240] =	vst v62;
	v34 =	vadd.f32 v34, v44;
	v53 =	vadd.f32 v38, v53;
	v38 =	vmul.f32 v45, v18  }
0x308: {  	[tilespmem:s14+$0xF200] =	vst v57;
	v42 =	vmul.f32 v45, v19;
	v44 =	vmul.f32 v45, v17  }
0x309: {  	v40 =	vld [tilespmem:s14+$0x16FE0];
	v43 =	vmul.f32 v41, v27;
	[tilespmem:$0x1FBC0] =	vst v34;
	v34 =	vmul.f32 v41, v26;
	v32 =	vadd.f32 v32, v38  }
0x30a: {  	[tilespmem:s14+$0xF1F0] =	vst v55;
	v38 =	vld [tilespmem:$0x1FA80];
	v61 =	vadd.f32 v49, v44;
	v35 =	vadd.f32 v35, v42;
	v42 =	vmul.f32 v41, v25  }
0x30b: {  	[tilespmem:s14+$0xF170] =	vst v60;
	v45 =	vld [tilespmem:s14+$0x16FF0];
	v41 =	vmul.f32 v41, v24;
	v32 =	vadd.f32 v32, v34;
	v39 =	vadd.f32 v33, v58  }
0x30c: {  	[tilespmem:s14+$0xF140] =	vst v52;
	v58 =	vadd.f32 v35, v43;
	v35 =	vadd.f32 v61, v42;
	v61 =	vld [tilespmem:$0x1FAB0]  }
0x30d: {  	[tilespmem:$0x1FBE0] =	vst v32;
	v32 =	vperm.xlane v46, v9;
	v49 =	vadd.f32 v39, v41;
	v41 =	vld [tilespmem:$0x1FA90]  }
0x30e: {  	[tilespmem:s14+$0xF130] =	vst v54;
	v44 =	vld [tilespmem:s14+$0x16FC0]  }
0x30f: {  	v42 =	vld [tilespmem:$0x1FAA0];
	[tilespmem:s14+$0xF250] =	vst v38;
	v38 =	vperm.xlane v47, v9;
	v62 =	vmul.f32 v32, v23  }
0x310: {  	v43 =	vld [tilespmem:s14+$0x16FD0];
	[tilespmem:$0x1FBD0] =	vst v58  }
0x311: {  	v39 =	vmul.f32 v38, v31;
	v34 =	vadd.f32 v45, v62;
	[tilespmem:s14+$0xF210] =	vst v61;
	v61 =	vld [tilespmem:$0x1FAC0]  }
0x312: {  	v36 =	vmul.f32 v32, v22;
	v62 =	vmul.f32 v32, v20;
	[tilespmem:s14+$0xF230] =	vst v41;
	v41 =	vld [tilespmem:s14+$0x16FB0]  }
0x313: {  	[tilespmem:$0x1FBF0] =	vst v35;
	v58 =	vmul.f32 v32, v21;
	v45 =	vld [tilespmem:s14+$0x16FA0];
	v34 =	vadd.f32 v34, v39  }
0x314: {  	v37 =	vmul.f32 v38, v30;
	[tilespmem:s14+$0xF220] =	vst v42;
	v40 =	vadd.f32 v40, v36;
	v35 =	vadd.f32 v44, v62;
	v44 =	vld [tilespmem:s14+$0x16F80]  }
0x315: {  	v57 =	vmul.f32 v32, v19;
	v36 =	vmul.f32 v38, v29;
	v42 =	vadd.f32 v43, v58;
	[tilespmem:$0x1FC00] =	vst v34;
	v34 =	vld [tilespmem:s14+$0x16F90]  }
0x316: {  	v55 =	vmul.f32 v38, v27;
	v58 =	vmul.f32 v38, v28;
	v37 =	vadd.f32 v40, v37;
	[tilespmem:s14+$0xF1E0] =	vst v61;
	v61 =	vld [tilespmem:$0x1FAE0]  }
0x317: {  	[tilespmem:s14+$0xF110] =	vst v63;
	v62 =	vmul.f32 v32, v18;
	v36 =	vadd.f32 v42, v36;
	v39 =	vadd.f32 v41, v57;
	v57 =	vld [tilespmem:$0x1FAD0]  }
0x318: {  	[tilespmem:$0x1FC10] =	vst v37;
	v37 =	vld [tilespmem:s14+$0x16F70];
	v35 =	vadd.f32 v35, v58;
	v58 =	vmul.f32 v32, v17  }
0x319: {  	[tilespmem:$0x1FC20] =	vst v36;
	v40 =	vadd.f32 v45, v62;
	v62 =	vmul.f32 v38, v26;
	v43 =	vadd.f32 v39, v55;
	v55 =	vld [tilespmem:$0x1FAF0]  }
0x31a: {  	[tilespmem:$0x1FC30] =	vst v35;
	v35 =	vadd.f32 v34, v58;
	v58 =	vld [tilespmem:$0x1FB00]  }
0x31b: {  	v36 =	vld [tilespmem:s14+$0x16F50];
	[tilespmem:s14+$0xF1C0] =	vst v61;
	v61 =	vadd.f32 v40, v62  }
0x31c: {  	v33 =	vperm.xlane v46, v8;
	v39 =	vld [tilespmem:s14+$0x16F60];
	[tilespmem:s14+$0xF1D0] =	vst v57;
	v57 =	vmul.f32 v32, v16  }
0x31d: {  	v60 =	vld [tilespmem:s14+$0x16F30];
	v41 =	vmul.f32 v38, v25;
	v38 =	vmul.f32 v38, v24;
	[tilespmem:$0x1FC50] =	vst v61  }
0x31e: {  	v62 =	vmul.f32 v33, v23;
	v32 =	vperm.xlane v47, v8;
	[tilespmem:s14+$0xF1B0] =	vst v55;
	v34 =	vadd.f32 v44, v57;
	v57 =	vld [tilespmem:$0x1FB20]  }
0x31f: {  	v35 =	vadd.f32 v35, v41;
	v61 =	vld [tilespmem:$0x1FB30];
	v55 =	vmul.f32 v33, v22;
	[tilespmem:s14+$0xF1A0] =	vst v58;
	v58 =	vmul.f32 v33, v21  }
0x320: {  	v42 =	vld [tilespmem:s14+$0x16F40];
	[tilespmem:$0x1FC40] =	vst v43;
	v45 =	vadd.f32 v37, v62;
	v34 =	vadd.f32 v34, v38  }
0x321: {  	v40 =	vld [tilespmem:s14+$0x16F10];
	[tilespmem:$0x1FC60] =	vst v35;
	v44 =	vadd.f32 v39, v55;
	v55 =	vmul.f32 v32, v29;
	v62 =	vadd.f32 v36, v58  }
0x322: {  	v35 =	vmul.f32 v32, v31;
	v39 =	vld [tilespmem:s14+$0x16F20];
	[tilespmem:$0x1FC70] =	vst v34  }
0x323: {  	[tilespmem:s14+$0xF180] =	vst v57;
	v57 =	vmul.f32 v32, v30;
	v34 =	vadd.f32 v62, v55;
	v55 =	vld [tilespmem:$0x1FB50]  }
0x324: {  	v54 =	vmul.f32 v33, v18;
	v43 =	vld [tilespmem:$0x1FB10];
	v35 =	vadd.f32 v45, v35;
	[tilespmem:s14+$0xF160] =	vst v61;
	v61 =	vmul.f32 v33, v20  }
0x325: {  	[tilespmem:s14+$0xF0F0] =	vst v59;
	v45 =	vmul.f32 v32, v28;
	v62 =	vmul.f32 v33, v19;
	v52 =	vadd.f32 v44, v57;
	v44 =	vld [tilespmem:s14+$0x16F00]  }
0x326: {  	v63 =	vld [tilespmem:s14+$0x16EC0];
	[tilespmem:$0x1FC80] =	vst v35;
	v38 =	vadd.f32 v42, v61;
	v42 =	vmul.f32 v32, v27;
	v57 =	vmul.f32 v33, v17  }
0x327: {  	v36 =	vld [tilespmem:s14+$0x16EE0];
	[tilespmem:$0x1FCA0] =	vst v34;
	v34 =	vadd.f32 v60, v62;
	v39 =	vadd.f32 v39, v54;
	v54 =	vmul.f32 v32, v25  }
0x328: {  	v33 =	vmul.f32 v33, v16;
	v35 =	vadd.f32 v40, v57;
	v40 =	vperm.xlane v46, v7;
	[tilespmem:s14+$0xF120] =	vst v55;
	v55 =	vld [tilespmem:$0x1FB60]  }
0x329: {  	[tilespmem:$0x1FC90] =	vst v52;
	v52 =	vadd.f32 v38, v45;
	v45 =	vld [tilespmem:s14+$0x16EF0];
	v34 =	vadd.f32 v34, v42;
	v42 =	vperm.xlane v47, v7  }
0x32a: {  	[tilespmem:s14+$0xF190] =	vst v43;
	v59 =	vmul.f32 v40, v22;
	v41 =	vadd.f32 v35, v54;
	v33 =	vadd.f32 v44, v33;
	v44 =	vld [tilespmem:s14+$0x16ED0]  }
0x32b: {  	[tilespmem:$0x1FCB0] =	vst v52  }
0x32c: {  	v58 =	vld [tilespmem:$0x1FB40];
	v43 =	vmul.f32 v40, v23;
	v52 =	vmul.f32 v42, v30;
	[tilespmem:$0x1FCE0] =	vst v41;
	v36 =	vadd.f32 v36, v59  }
0x32d: {  	v41 =	vmul.f32 v40, v21;
	[tilespmem:s14+$0xF100] =	vst v55;
	v55 =	vmul.f32 v40, v20  }
0x32e: {  	v57 =	vld [tilespmem:$0x1FB70];
	v35 =	vadd.f32 v45, v43;
	v43 =	vadd.f32 v36, v52  }
0x32f: {  	[tilespmem:s14+$0xF0B0] =	vst v51;
	v52 =	vmul.f32 v42, v28;
	v51 =	vadd.f32 v63, v55;
	v44 =	vadd.f32 v44, v41;
	v41 =	vld [tilespmem:$0x1FBA0]  }
0x330: {  	v63 =	vld [tilespmem:s14+$0x16E90]  }
0x331: {  	[tilespmem:s14+$0xF150] =	vst v58;
	v58 =	vmul.f32 v32, v26;
	v61 =	vadd.f32 v51, v52;
	v51 =	vld [tilespmem:$0x1FBB0]  }
0x332: {  	v38 =	vld [tilespmem:s14+$0x16E50];
	[tilespmem:$0x1FCC0] =	vst v34;
	v34 =	vmul.f32 v32, v24;
	v32 =	vmul.f32 v42, v31  }
0x333: {  	[tilespmem:s14+$0xF090] =	vst v50;
	v58 =	vadd.f32 v39, v58;
	v39 =	vld [tilespmem:$0x1FB80]  }
0x334: {  	v54 =	vld [tilespmem:$0x1FB90];
	[tilespmem:s14+$0xF0E0] =	vst v57;
	v57 =	vadd.f32 v35, v32;
	v32 =	vmul.f32 v40, v17  }
0x335: {  	v60 =	vperm.xlane v46, v6;
	[tilespmem:s14+$0xF080] =	vst v41;
	v41 =	vld [tilespmem:s14+$0x16E60]  }
0x336: {  	v59 =	vadd.f32 v33, v34;
	v34 =	vld [tilespmem:s14+$0x16EA0];
	v32 =	vadd.f32 v63, v32;
	[tilespmem:s14+$0xF070] =	vst v51;
	v51 =	vmul.f32 v42, v25  }
0x337: {  	[tilespmem:s14+$0xF0A0] =	vst v56;
	v45 =	vld [tilespmem:s14+$0x16E70]  }
0x338: {  	[tilespmem:s14+$0xF040] =	vst v53;
	v36 =	vld [tilespmem:s14+$0x16EB0];
	v53 =	vadd.f32 v32, v51;
	v51 =	vmul.f32 v60, v22  }
0x339: {  	[tilespmem:s14+$0xF060] =	vst v48;
	v50 =	vmul.f32 v40, v18;
	v35 =	vld [tilespmem:s14+$0x16E80]  }
0x33a: {  	v48 =	vmul.f32 v40, v16;
	[tilespmem:$0x1FCF0] =	vst v43;
	v43 =	vmul.f32 v40, v19;
	v40 =	vadd.f32 v41, v51;
	v51 =	vld [tilespmem:$0x1FC20]  }
0x33b: {  	[tilespmem:s14+$0xF000] =	vst v49;
	v55 =	vmul.f32 v42, v29;
	v34 =	vadd.f32 v34, v50;
	v50 =	vld [tilespmem:$0x1FBC0]  }
0x33c: {  	[tilespmem:s14+$0xF0D0] =	vst v39;
	v39 =	vld [tilespmem:s14+$0x16E40]  }
0x33d: {  	v62 =	vmul.f32 v60, v21;
	[tilespmem:$0x1FCD0] =	vst v58;
	v56 =	vadd.f32 v44, v55;
	v44 =	vld [tilespmem:$0x1FBE0]  }
0x33e: {  	v58 =	vmul.f32 v42, v26;
	[tilespmem:s14+$0xF0C0] =	vst v54;
	v52 =	vmul.f32 v42, v27;
	v36 =	vadd.f32 v36, v43;
	v43 =	vld [tilespmem:$0x1FBD0]  }
0x33f: {  	v49 =	vmul.f32 v60, v20;
	v35 =	vadd.f32 v35, v48;
	v42 =	vmul.f32 v42, v24;
	[tilespmem:s14+$0xEFD0] =	vst v51;
	v51 =	vld [tilespmem:$0x1FC40]  }
0x340: {  	v58 =	vadd.f32 v34, v58;
	v54 =	vadd.f32 v36, v52;
	v36 =	vperm.xlane v47, v6;
	[tilespmem:s14+$0xF050] =	vst v50;
	v50 =	vld [tilespmem:$0x1FBF0]  }
0x341: {  	v55 =	vadd.f32 v35, v42;
	v35 =	vadd.f32 v38, v62;
	v38 =	vld [tilespmem:s14+$0x16E10]  }
0x342: {  	v48 =	vmul.f32 v60, v23;
	v34 =	vadd.f32 v39, v49;
	v49 =	vld [tilespmem:$0x1FC30];
	v62 =	vmul.f32 v36, v28  }
0x343: {  	v39 =	vld [tilespmem:s14+$0x16DD0]  }
0x344: {  	v33 =	vadd.f32 v45, v48;
	v48 =	vld [tilespmem:$0x1FC00];
	[tilespmem:s14+$0xEFB0] =	vst v51;
	v51 =	vadd.f32 v34, v62;
	v62 =	vmul.f32 v60, v17  }
0x345: {  	[tilespmem:s14+$0xF010] =	vst v50;
	v50 =	vld [tilespmem:$0x1FC10]  }
0x346: {  	v38 =	vadd.f32 v38, v62;
	v62 =	vld [tilespmem:$0x1FC80]  }
0x347: {  	[tilespmem:s14+$0xF030] =	vst v43;
	v43 =	vld [tilespmem:s14+$0x16E30]  }
0x348: {  	v45 =	vld [tilespmem:s14+$0x16E20];
	v37 =	vmul.f32 v36, v30  }
0x349: {  	[tilespmem:s14+$0xF020] =	vst v44;
	v44 =	vld [tilespmem:$0x1FC70]  }
0x34a: {  	v42 =	vmul.f32 v60, v19;
	[tilespmem:s14+$0xEFE0] =	vst v50;
	v50 =	vadd.f32 v40, v37;
	v40 =	vld [tilespmem:s14+$0x16E00]  }
0x34b: {  	v41 =	vmul.f32 v36, v29;
	[tilespmem:s14+$0xEF70] =	vst v62;
	v62 =	vld [tilespmem:$0x1FCC0]  }
0x34c: {  	[tilespmem:s14+$0xEF00] =	vst v59;
	v42 =	vadd.f32 v43, v42;
	v43 =	vmul.f32 v36, v27;
	v37 =	vld [tilespmem:$0x1FC50]  }
0x34d: {  	v52 =	vmul.f32 v36, v31;
	v32 =	vmul.f32 v60, v18;
	[tilespmem:s14+$0xEFF0] =	vst v48;
	v48 =	vadd.f32 v35, v41;
	v41 =	vld [tilespmem:s14+$0x16DF0]  }
0x34e: {  	[tilespmem:s14+$0xEFC0] =	vst v49;
	v49 =	vadd.f32 v42, v43;
	v42 =	vld [tilespmem:$0x1FC60];
	v60 =	vmul.f32 v60, v16  }
0x34f: {  	[tilespmem:s14+$0xEEF0] =	vst v57;
	v52 =	vadd.f32 v33, v52;
	v33 =	vmul.f32 v36, v25;
	v32 =	vadd.f32 v45, v32;
	v35 =	vld [tilespmem:s14+$0x16D90]  }
0x350: {  	v45 =	vmul.f32 v36, v26;
	v36 =	vmul.f32 v36, v24;
	v40 =	vadd.f32 v40, v60;
	[tilespmem:s14+$0xEF30] =	vst v62;
	v62 =	vld [tilespmem:$0x1FCD0]  }
0x351: {  	[tilespmem:s14+$0xEFA0] =	vst v37;
	v37 =	vld [tilespmem:$0x1FC90]  }
0x352: {  	v63 =	vperm.xlane v46, v5;
	[tilespmem:s14+$0xEF80] =	vst v44;
	v44 =	vadd.f32 v32, v45;
	v36 =	vadd.f32 v40, v36;
	v40 =	vld [tilespmem:$0x1FCB0]  }
0x353: {  	[tilespmem:s14+$0xEF90] =	vst v42;
	v42 =	vadd.f32 v38, v33;
	v38 =	vld [tilespmem:$0x1FCA0]  }
0x354: {  	v45 =	vmul.f32 v63, v23;
	v43 =	vld [tilespmem:s14+$0x16DE0];
	[tilespmem:s14+$0xEE20] =	vst v44  }
0x355: {  	v59 =	vmul.f32 v63, v17;
	[tilespmem:s14+$0xEF20] =	vst v62;
	v62 =	vld [tilespmem:$0x1FCE0]  }
0x356: {  	v32 =	vperm.xlane v47, v5;
	v41 =	vadd.f32 v41, v45;
	v45 =	vmul.f32 v63, v21;
	[tilespmem:s14+$0xEF60] =	vst v37;
	v37 =	vld [tilespmem:s14+$0x16DC0]  }
0x357: {  	v44 =	vperm.xlane v46, v3;
	v60 =	vmul.f32 v63, v22;
	[tilespmem:s14+$0xEF40] =	vst v40;
	v40 =	vld [tilespmem:s14+$0x16DA0]  }
0x358: {  	v35 =	vadd.f32 v35, v59;
	v39 =	vadd.f32 v39, v45;
	v45 =	vmul.f32 v32, v29;
	[tilespmem:s14+$0xEF50] =	vst v38;
	v38 =	vld [tilespmem:s14+$0x16DB0]  }
0x359: {  	[tilespmem:s14+$0xEED0] =	vst v56;
	v59 =	vperm.xlane v46, v4;
	v43 =	vadd.f32 v43, v60;
	v60 =	vmul.f32 v32, v31  }
0x35a: {  	v34 =	vmul.f32 v63, v20;
	v39 =	vadd.f32 v39, v45;
	[tilespmem:s14+$0xEF10] =	vst v62;
	v62 =	vmul.f32 v63, v18  }
0x35b: {  	v57 =	vld [tilespmem:s14+$0x16D60];
	[tilespmem:s14+$0xEEC0] =	vst v61;
	v45 =	vmul.f32 v63, v19;
	v33 =	vmul.f32 v32, v30;
	v41 =	vadd.f32 v41, v60  }
0x35c: {  	[tilespmem:s14+$0xEEA0] =	vst v58;
	v60 =	vmul.f32 v32, v28;
	v34 =	vadd.f32 v37, v34;
	v40 =	vadd.f32 v40, v62;
	v62 =	vld [tilespmem:$0x1FCF0]  }
0x35d: {  	v56 =	vld [tilespmem:s14+$0x16D40];
	[tilespmem:s14+$0xEE30] =	vst v49;
	v49 =	vperm.xlane v47, v3;
	v37 =	vmul.f32 v32, v27;
	v38 =	vadd.f32 v38, v45  }
0x35e: {  	[tilespmem:s14+$0xEEB0] =	vst v54;
	v61 =	vmul.f32 v59, v22;
	v33 =	vadd.f32 v43, v33;
	v43 =	vld [tilespmem:s14+$0x16D80];
	v34 =	vadd.f32 v34, v60  }
0x35f: {  	[tilespmem:s14+$0xEE90] =	vst v53;
	v60 =	vmul.f32 v32, v25;
	v37 =	vadd.f32 v38, v37;
	v38 =	vperm.xlane v47, v4  }
0x360: {  	[tilespmem:s14+$0xEE60] =	vst v50;
	v54 =	vmul.f32 v59, v23;
	v57 =	vadd.f32 v57, v61;
	v61 =	vmul.f32 v59, v20  }
0x361: {  	v35 =	vadd.f32 v35, v60;
	v60 =	vmul.f32 v38, v30;
	v63 =	vmul.f32 v63, v16;
	[tilespmem:s14+$0xEEE0] =	vst v62;
	v62 =	vld [tilespmem:s14+$0x16D70]  }
0x362: {  	v50 =	vmul.f32 v59, v19;
	[tilespmem:s14+$0xEE40] =	vst v51;
	v51 =	vld [tilespmem:s14+$0x16CD0];
	v56 =	vadd.f32 v56, v61;
	v45 =	vmul.f32 v32, v26  }
0x363: {  	[tilespmem:s14+$0xEE80] =	vst v55;
	v32 =	vmul.f32 v32, v24;
	v55 =	vadd.f32 v57, v60;
	v57 =	vld [tilespmem:s14+$0x16D30];
	v43 =	vadd.f32 v43, v63  }
0x364: {  	[tilespmem:s14+$0xEE00] =	vst v36;
	v36 =	vperm.xlane v46, v2;
	v46 =	vperm.xlane v46, v1;
	v40 =	vadd.f32 v40, v45;
	v45 =	vld [tilespmem:s14+$0x16D50]  }
0x365: {  	[tilespmem:s14+$0xEDE0] =	vst v33;
	v33 =	vmul.f32 v44, v21;
	v58 =	vmul.f32 v38, v31;
	v32 =	vadd.f32 v43, v32;
	v43 =	vld [tilespmem:s14+$0x16D20]  }
0x366: {  	[tilespmem:s14+$0xEE70] =	vst v52;
	v52 =	vmul.f32 v38, v29;
	v60 =	vmul.f32 v38, v28;
	v53 =	vadd.f32 v62, v54  }
0x367: {  	[tilespmem:s14+$0xEE50] =	vst v48;
	v33 =	vadd.f32 v51, v33;
	v48 =	vmul.f32 v38, v27;
	v54 =	vmul.f32 v59, v21  }
0x368: {  	v56 =	vadd.f32 v56, v60;
	v60 =	vmul.f32 v59, v18;
	v53 =	vadd.f32 v53, v58;
	v58 =	vld [tilespmem:s14+$0x16D00]  }
0x369: {  	v61 =	vmul.f32 v38, v25;
	v63 =	vmul.f32 v59, v17;
	v45 =	vadd.f32 v45, v54;
	v54 =	vld [tilespmem:s14+$0x16D10]  }
0x36a: {  	v43 =	vadd.f32 v43, v60;
	v60 =	vadd.f32 v57, v50;
	v57 =	vld [tilespmem:s14+$0x16CF0];
	v50 =	vmul.f32 v49, v31  }
0x36b: {  	v62 =	vmul.f32 v38, v26;
	v59 =	vmul.f32 v59, v16;
	v45 =	vadd.f32 v45, v52;
	v52 =	vld [tilespmem:s14+$0x16CE0]  }
0x36c: {  	[tilespmem:s14+$0xEE10] =	vst v42;
	v42 =	vadd.f32 v60, v48;
	v48 =	vmul.f32 v44, v22;
	v60 =	vmul.f32 v49, v30  }
0x36d: {  	v38 =	vmul.f32 v38, v24;
	v43 =	vadd.f32 v43, v62;
	v58 =	vadd.f32 v58, v59  }
0x36e: {  	[tilespmem:s14+$0xED50] =	vst v45;
	v45 =	vperm.xlane v47, v2;
	v62 =	vadd.f32 v54, v63;
	v54 =	vld [tilespmem:s14+$0x16CC0];
	v59 =	vmul.f32 v44, v23  }
0x36f: {  	[tilespmem:s14+$0xEDD0] =	vst v39;
	v47 =	vperm.xlane v47, v1;
	v63 =	vmul.f32 v44, v20;
	v38 =	vadd.f32 v58, v38  }
0x370: {  	[tilespmem:s14+$0xED70] =	vst v53;
	v53 =	vmul.f32 v45, v28;
	v58 =	vld [tilespmem:s14+$0x16CB0];
	v57 =	vadd.f32 v57, v59;
	v48 =	vadd.f32 v52, v48  }
0x371: {  	v39 =	vld [tilespmem:s14+$0x16CA0];
	[tilespmem:s14+$0xEDF0] =	vst v41;
	v41 =	vadd.f32 v62, v61;
	v52 =	vmul.f32 v49, v29;
	v61 =	vmul.f32 v44, v19  }
0x372: {  	[tilespmem:s14+$0xEDC0] =	vst v34;
	v34 =	vadd.f32 v57, v50;
	v48 =	vadd.f32 v48, v60;
	v60 =	vmul.f32 v44, v18  }
0x373: {  	[tilespmem:s14+$0xED90] =	vst v35;
	v50 =	vld [tilespmem:s14+$0x16C90];
	v57 =	vmul.f32 v49, v26;
	v62 =	vadd.f32 v54, v63;
	v63 =	vmul.f32 v49, v28  }
0x374: {  	[tilespmem:s14+$0xEDA0] =	vst v40;
	v40 =	vld [tilespmem:s14+$0x16C80];
	v33 =	vadd.f32 v33, v52;
	v52 =	vmul.f32 v46, v20;
	v54 =	vmul.f32 v47, v28  }
0x375: {  	v35 =	vld [tilespmem:s14+$0x16C70];
	[tilespmem:s14+$0xEDB0] =	vst v37;
	v51 =	vadd.f32 v58, v61;
	v61 =	vmul.f32 v49, v27;
	v37 =	vadd.f32 v62, v63  }
0x376: {  	v59 =	vld [tilespmem:s14+$0x16C60];
	v62 =	vmul.f32 v44, v17;
	v63 =	vadd.f32 v39, v60;
	v60 =	vmul.f32 v49, v25  }
0x377: {  	[tilespmem:s14+$0xED60] =	vst v55;
	v44 =	vmul.f32 v44, v16;
	v49 =	vmul.f32 v49, v24;
	v51 =	vadd.f32 v51, v61;
	v61 =	vld [tilespmem:s14+$0x16C50]  }
0x378: {  	v55 =	vld [tilespmem:s14+$0x16C40];
	[tilespmem:s14+$0xED80] =	vst v32;
	v58 =	vmul.f32 v45, v31;
	v50 =	vadd.f32 v50, v62;
	v62 =	vmul.f32 v36, v23  }
0x379: {  	[tilespmem:s14+$0xED30] =	vst v42;
	v42 =	vld [tilespmem:s14+$0x16C30];
	v32 =	vadd.f32 v63, v57;
	v40 =	vadd.f32 v40, v44;
	v63 =	vmul.f32 v36, v22  }
0x37a: {  	[tilespmem:s14+$0xED20] =	vst v43;
	v43 =	vld [tilespmem:s14+$0x16C20];
	v57 =	vmul.f32 v36, v21;
	v35 =	vadd.f32 v35, v62;
	v50 =	vadd.f32 v50, v60  }
0x37b: {  	[tilespmem:s14+$0xED10] =	vst v41;
	v41 =	vld [tilespmem:s14+$0x16C10];
	v44 =	vadd.f32 v59, v63;
	v59 =	vmul.f32 v45, v29;
	v60 =	vmul.f32 v45, v30  }
0x37c: {  	[tilespmem:s14+$0xED40] =	vst v56;
	v62 =	vmul.f32 v36, v19;
	v63 =	vmul.f32 v36, v18;
	v39 =	vadd.f32 v61, v57  }
0x37d: {  	[tilespmem:s14+$0xED00] =	vst v38;
	v35 =	vadd.f32 v35, v58;
	v44 =	vadd.f32 v44, v60;
	v61 =	vmul.f32 v36, v20  }
0x37e: {  	[tilespmem:s14+$0xECF0] =	vst v34;
	v34 =	vld [tilespmem:s14+$0x16C00];
	v58 =	vmul.f32 v45, v27;
	v38 =	vadd.f32 v39, v59;
	v59 =	vmul.f32 v36, v17  }
0x37f: {  	v56 =	vld [tilespmem:s14+$0x16BF0];
	[tilespmem:s14+$0xECE0] =	vst v48;
	v60 =	vmul.f32 v45, v26;
	v57 =	vadd.f32 v55, v61;
	v39 =	vadd.f32 v42, v62  }
0x380: {  	[tilespmem:s14+$0xECD0] =	vst v33;
	v61 =	vadd.f32 v43, v63;
	v62 =	vld [tilespmem:s14+$0x16BE0];
	v63 =	vmul.f32 v45, v25;
	v55 =	vadd.f32 v41, v59  }
0x381: {  	[tilespmem:s14+$0xECC0] =	vst v37;
	v40 =	vadd.f32 v40, v49;
	v36 =	vmul.f32 v36, v16;
	v45 =	vmul.f32 v45, v24;
	v42 =	vld [tilespmem:s14+$0x16BD0]  }
0x382: {  	[tilespmem:s14+$0xECB0] =	vst v51;
	v49 =	vadd.f32 v57, v53;
	v59 =	vmul.f32 v46, v23;
	v37 =	vadd.f32 v55, v63;
	v63 =	vld [tilespmem:s14+$0x16BB0]  }
0x383: {  	[tilespmem:s14+$0xECA0] =	vst v32;
	v39 =	vadd.f32 v39, v58;
	v57 =	vld [tilespmem:s14+$0x16BC0];
	v34 =	vadd.f32 v34, v36;
	v58 =	vmul.f32 v46, v22  }
0x384: {  	[tilespmem:s14+$0xEC90] =	vst v50;
	v32 =	vadd.f32 v61, v60;
	v61 =	vmul.f32 v47, v31;
	v41 =	vadd.f32 v56, v59;
	v59 =	vld [tilespmem:s14+$0x16B90]  }
0x385: {  	[tilespmem:s14+$0xEC80] =	vst v40;
	v34 =	vadd.f32 v34, v45;
	v45 =	vld [tilespmem:s14+$0x16BA0];
	v36 =	vadd.f32 v62, v58;
	v58 =	vmul.f32 v46, v19  }
0x386: {  	[tilespmem:s14+$0xEC70] =	vst v35;
	v60 =	vmul.f32 v47, v30;
	v62 =	vmul.f32 v46, v21;
	v55 =	vadd.f32 v41, v61  }
0x387: {  	[tilespmem:s14+$0xEC60] =	vst v44;
	v53 =	vmul.f32 v47, v29;
	v56 =	vld [tilespmem:s14+$0x16B80];
	v43 =	vadd.f32 v63, v58;
	v63 =	vmul.f32 v46, v17  }
0x388: {  	v33 =	vadd.f32 v57, v52;
	v57 =	vmul.f32 v46, v18;
	v35 =	vadd.f32 v42, v62;
	[tilespmem:s14+$0xEBF0] =	vst v55;
	v55 =	vld [tilespmem:$0x1FD00]  }
0x389: {  	v61 =	vmul.f32 v47, v26;
	[tilespmem:s14+$0xEC10] =	vst v37;
	v36 =	vadd.f32 v36, v60;
	v37 =	vadd.f32 v59, v63;
	v59 =	vld [tilespmem:$0x1FD10]  }
0x38a: {  	[tilespmem:s14+$0xEC20] =	vst v32;
	v62 =	vmul.f32 v46, v16;
	v41 =	vadd.f32 v45, v57;
	v32 =	vadd.f32 v35, v53;
	v35 =	vld [tilespmem:s14+$0x16B60]  }
0x38b: {  	[tilespmem:s14+$0xEC50] =	vst v38;
	v60 =	vmul.f32 v47, v27;
	v52 =	vmul.f32 v47, v25;
	v33 =	vadd.f32 v33, v54;
	v45 =	vld [tilespmem:s14+$0x16B70]  }
0x38c: {  	[tilespmem:s14+$0xEC30] =	vst v39;
	v53 =	vmul.f32 v47, v24;
	v40 =	vadd.f32 v56, v62;
	v57 =	vld [tilespmem:s14+$0x16B50];
	v39 =	vadd.f32 v41, v61  }
0x38d: {  	[tilespmem:s14+$0xEC40] =	vst v49;
	v54 =	vadd.f32 v43, v60;
	v43 =	vld [tilespmem:s14+$0x16B40];
	v56 =	vmul.f32 v55, v23;
	v58 =	vmul.f32 v55, v22  }
0x38e: {  	[tilespmem:s14+$0xEC00] =	vst v34;
	v34 =	vadd.f32 v40, v53;
	v63 =	vld [tilespmem:s14+$0x16B00];
	v50 =	vmul.f32 v55, v20;
	v60 =	vmul.f32 v59, v31  }
0x38f: {  	[tilespmem:s14+$0xEBE0] =	vst v36;
	v62 =	vadd.f32 v37, v52;
	v61 =	vmul.f32 v59, v30;
	v52 =	vmul.f32 v59, v29  }
0x390: {  	[tilespmem:s14+$0xEBB0] =	vst v54;
	v35 =	vadd.f32 v35, v58;
	v54 =	vmul.f32 v59, v28;
	v58 =	vmul.f32 v59, v24;
	v59 =	vld [tilespmem:$0x1FD20]  }
0x391: {  	[tilespmem:s14+$0xEBD0] =	vst v32;
	v53 =	vld [tilespmem:s14+$0x172D0];
	v51 =	vmul.f32 v55, v21;
	v55 =	vmul.f32 v55, v16;
	v38 =	vadd.f32 v45, v56  }
0x392: {  	[tilespmem:s14+$0xEBC0] =	vst v33;
	v40 =	vadd.f32 v43, v50;
	v35 =	vadd.f32 v35, v61;
	v61 =	vld [tilespmem:$0x1FD30]  }
0x393: {  	[tilespmem:s14+$0xEBA0] =	vst v39;
	v33 =	vadd.f32 v57, v51;
	v56 =	vld [tilespmem:s14+$0x172C0];
	v37 =	vadd.f32 v63, v55  }
0x394: {  	[tilespmem:s14+$0xEB80] =	vst v34;
	v57 =	vld [tilespmem:s14+$0x172B0];
	v36 =	vadd.f32 v38, v60;
	v40 =	vadd.f32 v40, v54  }
0x395: {  	[tilespmem:s14+$0xEB90] =	vst v62;
	v63 =	vld [tilespmem:s14+$0x172A0];
	v33 =	vadd.f32 v33, v52;
	v60 =	vmul.f32 v59, v21;
	v49 =	vmul.f32 v59, v20  }
0x396: {  	v48 =	vld [tilespmem:s14+$0x17290];
	v37 =	vadd.f32 v37, v58;
	[tilespmem:s14+$0xEB70] =	vst v36;
	v50 =	vmul.f32 v59, v19;
	v55 =	vmul.f32 v59, v18  }
0x397: {  	[tilespmem:s14+$0xEB60] =	vst v35;
	v58 =	vmul.f32 v59, v16;
	v62 =	vmul.f32 v61, v29;
	v43 =	vadd.f32 v53, v60;
	v53 =	vld [tilespmem:s14+$0x17280]  }
0x398: {  	[tilespmem:s14+$0xEB50] =	vst v33;
	v51 =	vmul.f32 v61, v28;
	v52 =	vmul.f32 v61, v27;
	v39 =	vadd.f32 v56, v49  }
0x399: {  	[tilespmem:s14+$0xEB40] =	vst v40;
	v32 =	vadd.f32 v57, v50;
	v56 =	vmul.f32 v59, v17;
	v54 =	vadd.f32 v43, v62  }
0x39a: {  	[tilespmem:s14+$0xEB00] =	vst v37;
	v57 =	vmul.f32 v61, v26;
	v34 =	vadd.f32 v63, v55;
	v35 =	vadd.f32 v39, v51  }
0x39b: {  	s31 =	sadd.s32 $0x1, s31;
	v59 =	vmul.f32 v61, v25;
	v32 =	vadd.f32 v32, v52;
	v60 =	vadd.f32 v48, v56;
	[tilespmem:s14+$0xF2D0] =	vst v54  }
0x39c: {  	p1 =	sne.s32 s31, $0x19;
	v61 =	vmul.f32 v61, v24;
	v34 =	vadd.f32 v34, v57;
	[tilespmem:s14+$0xF2C0] =	vst v35;
	v62 =	vadd.f32 v53, v58  }
.Ltmp5:
0x39d: {  	v33 =	vadd.f32 v60, v59;
	[tilespmem:s14+$0xF2B0] =	vst v32;
	(pc) =	sbr.rel @p1 .LBB2_2-.Ltmp5, $4  }
0x39e: {  	s0 =	sadd.s32 s4, s0;
	[tilespmem:s14+$0xF2A0] =	vst v34;
	v63 =	vadd.f32 v62, v61  }
0x39f: {  	s0 =	sshll.u32 s0, $0x4;
	[tilespmem:s14+$0xF290] =	vst v33  }
0x3a0: {  	s0 =	sadd.s32 s1, s0;
	[tilespmem:s14+$0xF280] =	vst v63  }
0x3a1: {  	[hbm4b:s0+s3] =	stream.linear.scatter [tilespmem:s28], [sflag:$0x4], $0x4000, $0x38;
	[tilespmem:$0x1AC00] =	vst v63  }
0x3a2: {  	s30 =	sadd.s32 $0x1, s30  }
0x3a3: {  	_ =	swait.ge [sflag:s29], $0x4000;
	p1 =	sne.s32 s30, s12  }
.Ltmp6:
0x3a4: {  	[sflag:s29] =	ssyncset.done $0x0;
	(pc) =	sbr.rel @p1 .LBB2_1-.Ltmp6, $4  }
0x3a5: {  	[sflag:s29] =	ssyncadd.s32 $0xFFFFC000  }
0x3a6: {  	_ =	swait.ge [sflag:s26], $0x4000  }
0x3a7: {  	[sflag:s26] =	ssyncset.done $0x0  }
0x3a8: {  	[sflag:s26] =	ssyncadd.s32 $0xFFFFC000  }
0x3a9: {  	_ =	sfence.sel $0x180000  }
0x3aa: {  	[bflag:$0x0] =	sbarrier.arrive $0xFFFF  }
0x3ab: {  	_ =	strace $0x90000047  }
0x3ac: {  	[bflag:$0x2] =	sbarrier.arrive $0xFFFF  }
0x3ad: {  	s0 =	rddreg [dreg:$0x3]  }
0x3ae: {  	s0 =	sadd.s32 @!p0 $0x100000, s0  }
0x3af: {  	[sflag:s0] =	ssyncadd.tile.s32 @!p0 $0x1;
	_ =	shalt  }
.Lfunc_end2:
_tile_overlayer_lowered:
.L_overlay_start_2:
0x3b0: {  	(tag) =	ssettag $0x2  }
0x3b1: {  	s0 =	rddreg [dreg:$0x0];
	s2 =	stileid.u32  }
0x3b2: {  	s1 =	rddreg [dreg:$0x1];
	p0 =	sne.s32 s2, $0x0  }
0x3b3: {  	s3 =	rddreg [dreg:$0x2];
	[bflag:$0x3] =	sbarrier.arrive $0xFFFF;
	s2 =	simm.s32 @!p0 $0x1C05  }
0x3b4: {  	[timem:s3], [sflag:s2] =	dma.local @!p0 [hbm:s0], s1  }
0x3b5: {  	s0 =	simm.s32 @!p0 $0x5  }
0x3b6: {  	_ =	swait.ge @!p0 [sflag:s0], s1  }
0x3b7: {  	s1 =	ssub.s32 @!p0 $0x0, s1;
	[sflag:s0] =	ssyncset.done @!p0 $0x0  }
0x3b8: {  	[sflag:s0] =	ssyncadd.s32 @!p0 s1  }
0x3b9: {  	[bflag:$0x3] =	sbarrier.arrive $0xFFFF  }
0x3ba: {  	_ =	shalt  }

</sc_bundles>
